<compile_context>
chip_gen: v7x
topology: tpu7x:2x2x1
jax: 0.10.2.dev20260603
libtpu: 0.0.44.dev20260713+nightly
codegen_flags: <defaults>
</compile_context>

<pallas_src>
import functools
import math

import jax
import jax.numpy as jnp
from jax import lax
from jax.experimental import pallas as pl
from jax.experimental.pallas import tpu as pltpu
from jax.experimental.pallas import tpu_sc as plsc

F32 = jnp.float32

_NB = 10
_MIN_R = 0.0
_MAX_R = 2.0
_INV_SQRT_NEIGH = 1.0 / math.sqrt(32.0)
_INV_SQRT_POOL = 1.0 / math.sqrt(1000.0)
_NUM_GRAPHS = 10
_LAYERS = 3

_NC = 2
_NS = 16
_NW = _NC * _NS
_CHUNK = 128
_BT = 2048
_BN = 400
_D = 128


def _edge_gates_kernel(f8_ref, uf_ref, m1_ref, m2_ref, gref):
    f8 = f8_ref[...]
    x = f8[0:1]
    y = f8[1:2]
    z = f8[2:3]
    n = jnp.sqrt(x * x + y * y + z * z)
    inv = 1.0 / jnp.maximum(n, 1e-12)
    ux = x * inv
    uy = y * inv
    uz = z * inv
    s3 = math.sqrt(3.0)
    s5 = math.sqrt(5.0)
    s15 = math.sqrt(15.0)
    one = jnp.ones_like(ux)
    sh = jnp.concatenate(
        [one, s3 * ux, s3 * uy, s3 * uz, s15 * ux * uy, s15 * uy * uz,
         (s5 / 2.0) * (3.0 * uz * uz - 1.0), s15 * ux * uz,
         (s15 / 2.0) * (ux * ux - uy * uy)], axis=0)
    ea13 = jnp.concatenate([f8[3:7], sh], axis=0)

    step = (_MAX_R - _MIN_R) / (_NB + 1)
    vals = ((lax.broadcasted_iota(jnp.int32, (_NB, 1), 0) + 1).astype(F32)
            * step + _MIN_R)
    diff = (n - vals) / step
    emb = (jnp.cos((math.pi / 2.0) * diff)
           * ((diff > -1.0) & (diff < 1.0)).astype(F32)
           * math.sqrt(float(_NB)))

    pre = lax.dot_general(emb, m1_ref[...], (((0,), (0,)), ((), ())),
                          preferred_element_type=F32)
    hid = pre * (1.0 / (1.0 + jnp.exp(-pre)))
    radial = jnp.dot(hid, m2_ref[...], preferred_element_type=F32)
    f = lax.dot_general(ea13, uf_ref[...], (((0,), (0,)), ((), ())),
                        preferred_element_type=F32)
    gref[...] = f * radial


def _xw_first_kernel(ni_ref, na_ref, wh_ref, x_ref, xw_ref):
    xb = ni_ref[...] * na_ref[...]
    x_ref[...] = xb
    xw_ref[...] = jnp.dot(xb, wh_ref[...], preferred_element_type=F32)


def _xw_mid_kernel(x_ref, agg_ref, wout_ref, wh_ref, xn_ref, xw_ref):
    a = (agg_ref[0] + agg_ref[1]) * _INV_SQRT_NEIGH
    xn = x_ref[...] + jnp.dot(a, wout_ref[...], preferred_element_type=F32)
    xn_ref[...] = xn
    xw_ref[...] = jnp.dot(xn, wh_ref[...], preferred_element_type=F32)


def _pool_kernel(x_ref, agg_ref, wout_ref, b_ref, out_ref):
    i = pl.program_id(0)
    a = (agg_ref[0] + agg_ref[1]) * _INV_SQRT_NEIGH
    xn = x_ref[...] + jnp.dot(a, wout_ref[...], preferred_element_type=F32)
    bcol = b_ref[...]
    onehot = (bcol == lax.broadcasted_iota(jnp.int32, (_BN, 16), 1)).astype(F32)
    ph = lax.dot_general(onehot, xn, (((0,), (0,)), ((), ())),
                         preferred_element_type=F32)

    @pl.when(i == 0)
    def _():
        out_ref[...] = jnp.zeros_like(out_ref)

    out_ref[...] = out_ref[...] + ph * _INV_SQRT_POOL


def _sc_agg_body(npad, kchunks, xw_hbm, src_hbm, dst_hbm, g_hbm, zeros_hbm,
                 out_hbm, sv0, sv1, dv0, dv1, rows0, rows1, g_v, agg_sh,
                 sem0, sem1, isem0, isem1, dsem0, dsem1, sem2):
    c = lax.axis_index("c")
    s = lax.axis_index("s")
    wid = c * _NS + s
    rps = npad // _NS

    pltpu.sync_copy(zeros_hbm.at[pl.ds(s * rps, rps)],
                    agg_sh.at[pl.ds(s * rps, rps)])
    plsc.subcore_barrier()

    rows = (rows0, rows1)
    sv = (sv0, sv1)
    dv = (dv0, dv1)
    sem = (sem0, sem1)
    isem = (isem0, isem1)
    dsem = (dsem0, dsem1)

    def base_of(k):
        return (wid * kchunks + k) * _CHUNK

    def body(k, b, has1, has2):
        d2 = pltpu.async_copy(g_hbm.at[pl.ds(base_of(k), _CHUNK)], g_v, sem2)
        if has1:
            pltpu.make_async_copy(src_hbm.at[pl.ds(base_of(k + 1), _CHUNK)],
                                  sv[1 - b], isem[1 - b]).wait()
            pltpu.async_copy(xw_hbm.at[sv[1 - b]], rows[1 - b], sem[1 - b])
        pltpu.make_async_copy(xw_hbm.at[sv[b]], rows[b], sem[b]).wait()
        if has2:
            pltpu.async_copy(src_hbm.at[pl.ds(base_of(k + 2), _CHUNK)],
                             sv[b], isem[b])
        pltpu.make_async_copy(dst_hbm.at[pl.ds(base_of(k), _CHUNK)],
                              dv[b], dsem[b]).wait()
        if has1:
            pltpu.async_copy(dst_hbm.at[pl.ds(base_of(k + 1), _CHUNK)],
                             dv[1 - b], dsem[1 - b])
        d2.wait()

        @plsc.parallel_loop(0, _CHUNK, unroll=2)
        def _(e):
            for j in range(_D // 16):
                sl = pl.ds(j * 16, 16)
                rows[b][e, sl] = rows[b][e, sl] * g_v[e, sl]

        pltpu.sync_copy(rows[b], agg_sh.at[dv[b]], add=True)

    pltpu.sync_copy(src_hbm.at[pl.ds(base_of(0), _CHUNK)], sv[0])
    pltpu.async_copy(xw_hbm.at[sv[0]], rows[0], sem[0])
    pltpu.async_copy(src_hbm.at[pl.ds(base_of(1), _CHUNK)], sv[1], isem[1])
    pltpu.async_copy(dst_hbm.at[pl.ds(base_of(0), _CHUNK)], dv[0], dsem[0])

    def outer(ko, carry):
        body(2 * ko, 0, True, True)
        body(2 * ko + 1, 1, True, True)
        return carry

    lax.fori_loop(0, kchunks // 2 - 1, outer, 0)
    body(kchunks - 2, 0, True, False)
    body(kchunks - 1, 1, False, False)
    plsc.subcore_barrier()
    pltpu.sync_copy(agg_sh.at[pl.ds(s * rps, rps)],
                    out_hbm.at[pl.ds(c * npad + s * rps, rps)])


def _make_sc_agg(n_nodes, npad, kchunks):
    mesh = plsc.VectorSubcoreMesh(core_axis_name="c", subcore_axis_name="s",
                                  num_cores=_NC, num_subcores=_NS)
    return pl.kernel(
        functools.partial(_sc_agg_body, npad, kchunks),
        out_type=jax.ShapeDtypeStruct((_NC * npad, _D), F32),
        mesh=mesh,
        scratch_types=[
            pltpu.VMEM((_CHUNK,), jnp.int32),
            pltpu.VMEM((_CHUNK,), jnp.int32),
            pltpu.VMEM((_CHUNK,), jnp.int32),
            pltpu.VMEM((_CHUNK,), jnp.int32),
            pltpu.VMEM((_CHUNK, _D), F32),
            pltpu.VMEM((_CHUNK, _D), F32),
            pltpu.VMEM((_CHUNK, _D), F32),
            pltpu.VMEM_SHARED((npad, _D), F32),
            pltpu.SemaphoreType.DMA,
            pltpu.SemaphoreType.DMA,
            pltpu.SemaphoreType.DMA,
            pltpu.SemaphoreType.DMA,
            pltpu.SemaphoreType.DMA,
            pltpu.SemaphoreType.DMA,
            pltpu.SemaphoreType.DMA,
        ],
    )


@jax.jit
def _impl(node_input, node_attr, edge_index, edge_vec, edge_attr, batch,
          Wh, Uf, M1, M2, Wout):
    n_nodes = node_input.shape[0]
    e = edge_index.shape[1]

    src = edge_index[1].astype(jnp.int32)
    dst = edge_index[0].astype(jnp.int32)

    grain = _NW * _CHUNK * 2
    epad = ((e + grain - 1) // grain) * grain
    pe = epad - e
    src_p = jnp.concatenate([src, jnp.zeros((pe,), jnp.int32)])
    dst_p = jnp.concatenate([dst, jnp.full((pe,), n_nodes, jnp.int32)])

    f8 = jnp.concatenate(
        [edge_vec.T, edge_attr.T, jnp.zeros((1, e), F32)], axis=0)
    f8 = jnp.pad(f8, ((0, 0), (0, pe)))

    align = _NS * 8
    npad = ((n_nodes + 1 + align - 1) // align) * align
    kchunks = epad // (_NW * _CHUNK)
    nbn = n_nodes // _BN

    def make_gates(l):
        return pl.pallas_call(
            _edge_gates_kernel,
            grid=(epad // _BT,),
            in_specs=[
                pl.BlockSpec((8, _BT), lambda i: (0, i)),
                pl.BlockSpec(Uf.shape[1:], lambda i: (0, 0)),
                pl.BlockSpec(M1.shape[1:], lambda i: (0, 0)),
                pl.BlockSpec(M2.shape[1:], lambda i: (0, 0)),
            ],
            out_specs=pl.BlockSpec((_BT, _D), lambda i: (i, 0)),
            out_shape=jax.ShapeDtypeStruct((epad, _D), F32),
        )(f8, Uf[l], M1[l], M2[l])

    zeros_agg = jnp.zeros((npad, _D), F32)
    sc_agg = _make_sc_agg(n_nodes, npad, kchunks)

    x, xw = pl.pallas_call(
        _xw_first_kernel,
        grid=(nbn,),
        in_specs=[
            pl.BlockSpec((_BN, _D), lambda i: (i, 0)),
            pl.BlockSpec((_BN, 1), lambda i: (i, 0)),
            pl.BlockSpec((_D, _D), lambda i: (0, 0)),
        ],
        out_specs=[pl.BlockSpec((_BN, _D), lambda i: (i, 0))] * 2,
        out_shape=[jax.ShapeDtypeStruct((n_nodes, _D), F32)] * 2,
    )(node_input, node_attr, Wh[0])

    batch_col = batch.astype(jnp.int32).reshape(n_nodes, 1)

    gate_l = make_gates(0)
    for l in range(_LAYERS):
        agg = sc_agg(xw, src_p, dst_p, gate_l, zeros_agg)
        if l + 1 < _LAYERS:
            gate_l = make_gates(l + 1)
        agg = agg.reshape(_NC, npad, _D)
        if l + 1 < _LAYERS:
            x, xw = pl.pallas_call(
                _xw_mid_kernel,
                grid=(nbn,),
                in_specs=[
                    pl.BlockSpec((_BN, _D), lambda i: (i, 0)),
                    pl.BlockSpec((_NC, _BN, _D), lambda i: (0, i, 0)),
                    pl.BlockSpec((_D, _D), lambda i: (0, 0)),
                    pl.BlockSpec((_D, _D), lambda i: (0, 0)),
                ],
                out_specs=[pl.BlockSpec((_BN, _D), lambda i: (i, 0))] * 2,
                out_shape=[jax.ShapeDtypeStruct((n_nodes, _D), F32)] * 2,
            )(x, agg, Wout[l], Wh[l + 1])
        else:
            out16 = pl.pallas_call(
                _pool_kernel,
                grid=(nbn,),
                in_specs=[
                    pl.BlockSpec((_BN, _D), lambda i: (i, 0)),
                    pl.BlockSpec((_NC, _BN, _D), lambda i: (0, i, 0)),
                    pl.BlockSpec((_D, _D), lambda i: (0, 0)),
                    pl.BlockSpec((_BN, 1), lambda i: (i, 0)),
                ],
                out_specs=pl.BlockSpec((16, _D), lambda i: (0, 0)),
                out_shape=jax.ShapeDtypeStruct((16, _D), F32),
            )(x, agg, Wout[l], batch_col)

    return out16[:_NUM_GRAPHS]


def kernel(node_input, node_attr, edge_index, edge_vec, edge_attr, batch,
           Wh, Uf, M1, M2, Wout):
    return _impl(node_input, node_attr, edge_index, edge_vec, edge_attr,
                 batch, Wh, Uf, M1, M2, Wout)

# --- scband reference (transcript-rebuilt; emitter-appended) ---
"""Pipeline reference for scband-network-for-agraph-with-attributes-periodic-6571299963039 (READ-ONLY COPY).

The authoritative reference and input builder live on the scoring server;
editing this copy changes nothing except your own understanding.
"""

import jax, jax.numpy as jnp
import numpy as np
import math

LMAX = 2
NB = 10
MAX_R = 2.0
MIN_R = 0.0
NUM_NEIGHBORS = 32.0
NUM_NODES = 1000
NUM_GRAPHS = 10
LAYERS = 3


def spherical_harmonics(vec):
    # real spherical harmonics l=0..2, normalize=True, component normalization (e3nn-style)
    n = jnp.linalg.norm(vec, axis=-1, keepdims=True)
    u = vec / jnp.maximum(n, 1e-12)
    x, y, z = u[..., 0], u[..., 1], u[..., 2]
    s3 = math.sqrt(3.0); s5 = math.sqrt(5.0); s15 = math.sqrt(15.0)
    sh = [jnp.ones_like(x),
          s3 * x, s3 * y, s3 * z,
          s15 * x * y, s15 * y * z, (s5 / 2.0) * (3.0 * z * z - 1.0),
          s15 * x * z, (s15 / 2.0) * (x * x - y * y)]
    return jnp.stack(sh, axis=-1)


def soft_one_hot_cosine(x, start, end, number):
    # e3nn soft_one_hot_linspace(basis='cosine', cutoff=True)
    values = jnp.linspace(start, end, number + 2)
    step = values[1] - values[0]
    values = values[1:-1]
    diff = (x[..., None] - values) / step
    return jnp.cos(math.pi / 2.0 * diff) * ((diff > -1.0) & (diff < 1.0)).astype(x.dtype)


def setup_inputs(seed: int = 0):
    key = jax.random.key(seed)
    ks = jax.random.split(key, 12)
    N, E, D, DE, H, FC = 10000, 320000, 128, 4, 128, 100
    d_edge_tot = DE + 9  # edge_attr + spherical harmonics (lmax=2 -> 9)
    node_input = jax.random.normal(ks[0], (N, D), jnp.float32)
    node_attr = jnp.ones((N, 1), jnp.float32)
    edge_index = jax.random.randint(ks[1], (2, E), 0, N, dtype=jnp.int32).astype(jnp.int64)
    edge_vec = jax.random.normal(ks[2], (E, 3), jnp.float32)
    edge_attr = jax.random.normal(ks[3], (E, DE), jnp.float32)
    batch = jnp.sort(jax.random.randint(ks[4], (N,), 0, NUM_GRAPHS, dtype=jnp.int32)).astype(jnp.int64)
    Wh = jax.random.normal(ks[5], (LAYERS, D, H), jnp.float32) / math.sqrt(D)
    Uf = jax.random.normal(ks[6], (LAYERS, d_edge_tot, H), jnp.float32) / math.sqrt(d_edge_tot)
    M1 = jax.random.normal(ks[7], (LAYERS, NB, FC), jnp.float32) / math.sqrt(NB)
    M2 = jax.random.normal(ks[8], (LAYERS, FC, H), jnp.float32) / math.sqrt(FC)
    Wout = jax.random.normal(ks[9], (LAYERS, H, D), jnp.float32) / math.sqrt(H)
    return {"node_input": node_input, "node_attr": node_attr, "edge_index": edge_index,
            "edge_vec": edge_vec, "edge_attr": edge_attr, "batch": batch,
            "Wh": Wh, "Uf": Uf, "M1": M1, "M2": M2, "Wout": Wout}


def reference(node_input, node_attr, edge_index, edge_vec, edge_attr, batch, Wh, Uf, M1, M2, Wout):
    edge_src = edge_index[1]
    edge_dst = edge_index[0]
    sh = spherical_harmonics(edge_vec)
    edge_attr_full = jnp.concatenate([edge_attr, sh], axis=1)
    edge_length = jnp.linalg.norm(edge_vec, axis=1)
    emb = soft_one_hot_cosine(edge_length, MIN_R, MAX_R, NB) * math.sqrt(NB)
    x = node_input * node_attr
    N = x.shape[0]
    for l in range(LAYERS):
        radial = jax.nn.silu(emb @ M1[l]) @ M2[l]          # edge-wise radial gating (fc_neurons=[10,100])
        h = jnp.take(x @ Wh[l], edge_src, axis=0)            # node linear then gather by src
        f = edge_attr_full @ Uf[l]                           # edge-attr (incl. SH) projection
        m = h * f * radial                                   # tensor-product-style message
        agg = jax.ops.segment_sum(m, edge_dst, num_segments=N) / math.sqrt(NUM_NEIGHBORS)
        x = x + agg @ Wout[l]
    pooled = jax.ops.segment_sum(x, batch, num_segments=NUM_GRAPHS) / math.sqrt(NUM_NODES)
    return pooled

if __name__ == "__main__":
    import jax
    _d = setup_inputs()
    print(jax.jit(kernel)(*tuple(_d.values())))

</pallas_src>

<mosaic_0001>
#map = affine_map<(d0, d1) -> (0, 0)>
#map1 = affine_map<(d0, d1) -> (0)>
module attributes {stable_mosaic.version = 14 : i64} {
  func.func @_sc_agg_body(%arg0: i32, %arg1: i32, %arg2: memref<10000x128xf32, #tpu.memory_space<hbm>>, %arg3: memref<327680xi32, #tpu.memory_space<hbm>>, %arg4: memref<327680xi32, #tpu.memory_space<hbm>>, %arg5: memref<327680x128xf32, #tpu.memory_space<hbm>>, %arg6: memref<10112x128xf32, #tpu.memory_space<hbm>>, %arg7: memref<20224x128xf32, #tpu.memory_space<hbm>>, %arg8: memref<128xi32, #tpu.memory_space<vmem>>, %arg9: memref<128xi32, #tpu.memory_space<vmem>>, %arg10: memref<128xi32, #tpu.memory_space<vmem>>, %arg11: memref<128xi32, #tpu.memory_space<vmem>>, %arg12: memref<128x128xf32, #tpu.memory_space<vmem>>, %arg13: memref<128x128xf32, #tpu.memory_space<vmem>>, %arg14: memref<128x128xf32, #tpu.memory_space<vmem>>, %arg15: memref<10112x128xf32, #tpu.memory_space<vmem_shared>>, %arg16: memref<!tpu.dma_semaphore, #tpu.memory_space<semaphore_mem>>, %arg17: memref<!tpu.dma_semaphore, #tpu.memory_space<semaphore_mem>>, %arg18: memref<!tpu.dma_semaphore, #tpu.memory_space<semaphore_mem>>, %arg19: memref<!tpu.dma_semaphore, #tpu.memory_space<semaphore_mem>>, %arg20: memref<!tpu.dma_semaphore, #tpu.memory_space<semaphore_mem>>, %arg21: memref<!tpu.dma_semaphore, #tpu.memory_space<semaphore_mem>>, %arg22: memref<!tpu.dma_semaphore, #tpu.memory_space<semaphore_mem>>) attributes {dimension_semantics = [#tpu.dimension_semantics<core_parallel>, #tpu.dimension_semantics<subcore_parallel>], iteration_bounds = array<i64: 2, 16>, scalar_prefetch = 0 : i64, scratch_operands = 15 : i64, tpu.core_type = #tpu.core_type<sc_vector_subcore>, window_params = [{transform_indices = #map}, {transform_indices = #map1}, {transform_indices = #map1}, {transform_indices = #map}, {transform_indices = #map}, {transform_indices = #map}]} {
    %mul3A = arith.constant 16 : i32
    %mul3A_0 = arith.muli %arg0, %mul3A : i32
    %add3A = arith.addi %mul3A_0, %arg1 : i32
    %mul3A_1 = arith.constant 632 : i32
    %mul3A_2 = arith.muli %arg1, %mul3A_1 : i32
    %mul3A_3 = arith.constant 632 : i32
    %mul3A_4 = arith.muli %arg1, %mul3A_3 : i32
    "tpu.region"() ({
      %run_scoped3A = tpu.sem_alloc : memref<!tpu.dma_semaphore, #tpu.memory_space<semaphore_mem>>
      %dma_start3A_115 = arith.constant 0 : i32
      %dma_start3A_116 = tpu.memref_slice %arg15[%mul3A_4, %dma_start3A_115] : memref<10112x128xf32, #tpu.memory_space<vmem_shared>> -> memref<632x128xf32, #tpu.memory_space<vmem_shared>>
      %dma_start3A_117 = arith.constant 0 : i32
      %dma_start3A_118 = tpu.memref_slice %arg6[%mul3A_2, %dma_start3A_117] : memref<10112x128xf32, #tpu.memory_space<hbm>> -> memref<632x128xf32, #tpu.memory_space<hbm>>
      tpu.enqueue_dma source(%dma_start3A_118 : memref<632x128xf32, #tpu.memory_space<hbm>>) target(%dma_start3A_116 : memref<632x128xf32, #tpu.memory_space<vmem_shared>>) target_semaphore(%run_scoped3A : memref<!tpu.dma_semaphore, #tpu.memory_space<semaphore_mem>>)
      %dma_wait3A_119 = arith.constant 0 : i32
      %dma_wait3A_120 = tpu.memref_slice %arg15[%mul3A_4, %dma_wait3A_119] : memref<10112x128xf32, #tpu.memory_space<vmem_shared>> -> memref<632x128xf32, #tpu.memory_space<vmem_shared>>
      %dma_wait3A_121 = arith.constant 0 : i32
      %dma_wait3A_122 = tpu.memref_slice %arg6[%mul3A_2, %dma_wait3A_121] : memref<10112x128xf32, #tpu.memory_space<hbm>> -> memref<632x128xf32, #tpu.memory_space<hbm>>
      tpu.wait_dma2 semaphore(%run_scoped3A : memref<!tpu.dma_semaphore, #tpu.memory_space<semaphore_mem>>) src(%dma_wait3A_122 : memref<632x128xf32, #tpu.memory_space<hbm>>) dst(%dma_wait3A_120 : memref<632x128xf32, #tpu.memory_space<vmem_shared>>)
      tpu.yield
    }) : () -> ()
    %barrier3A = arith.constant 0 : index
    tpu.barrier barrier_id(%barrier3A)
    %mul3A_5 = arith.constant 80 : i32
    %mul3A_6 = arith.muli %add3A, %mul3A_5 : i32
    %add3A_7 = arith.constant 0 : i32
    %add3A_8 = arith.addi %mul3A_6, %add3A_7 : i32
    %mul3A_9 = arith.constant 128 : i32
    %mul3A_10 = arith.muli %add3A_8, %mul3A_9 : i32
    "tpu.region"() ({
      %run_scoped3A = tpu.sem_alloc : memref<!tpu.dma_semaphore, #tpu.memory_space<semaphore_mem>>
      %dma_start3A_115 = tpu.memref_slice %arg3[%mul3A_10] : memref<327680xi32, #tpu.memory_space<hbm>> -> memref<128xi32, #tpu.memory_space<hbm>>
      %dma_start3A_116 = tpu.memref_slice %arg3[%mul3A_10] : memref<327680xi32, #tpu.memory_space<hbm>> -> memref<128xi32, #tpu.memory_space<hbm>>
      tpu.enqueue_dma source(%dma_start3A_116 : memref<128xi32, #tpu.memory_space<hbm>>) target(%arg8 : memref<128xi32, #tpu.memory_space<vmem>>) target_semaphore(%run_scoped3A : memref<!tpu.dma_semaphore, #tpu.memory_space<semaphore_mem>>)
      %dma_wait3A_117 = tpu.memref_slice %arg3[%mul3A_10] : memref<327680xi32, #tpu.memory_space<hbm>> -> memref<128xi32, #tpu.memory_space<hbm>>
      %dma_wait3A_118 = tpu.memref_slice %arg3[%mul3A_10] : memref<327680xi32, #tpu.memory_space<hbm>> -> memref<128xi32, #tpu.memory_space<hbm>>
      tpu.wait_dma2 semaphore(%run_scoped3A : memref<!tpu.dma_semaphore, #tpu.memory_space<semaphore_mem>>) src(%dma_wait3A_118 : memref<128xi32, #tpu.memory_space<hbm>>) dst(%arg8 : memref<128xi32, #tpu.memory_space<vmem>>)
      tpu.yield
    }) : () -> ()
    %dma_start3A = arith.constant 0 : i32
    %dma_start3A_11 = arith.constant 0 : i32
    %dma_start3A_12 = tpu.memref_slice %arg2[%dma_start3A, %dma_start3A_11] : memref<10000x128xf32, #tpu.memory_space<hbm>> -> memref<10000x128xf32, #tpu.memory_space<hbm>>
    tpu.enqueue_indirect_dma source(%dma_start3A_12 : memref<10000x128xf32, #tpu.memory_space<hbm>>) target(%arg12 : memref<128x128xf32, #tpu.memory_space<vmem>>) offsets(%arg8 : memref<128xi32, #tpu.memory_space<vmem>>) semaphore(%arg16 : memref<!tpu.dma_semaphore, #tpu.memory_space<semaphore_mem>>)
    %mul3A_13 = arith.constant 80 : i32
    %mul3A_14 = arith.muli %add3A, %mul3A_13 : i32
    %add3A_15 = arith.constant 1 : i32
    %add3A_16 = arith.addi %mul3A_14, %add3A_15 : i32
    %mul3A_17 = arith.constant 128 : i32
    %mul3A_18 = arith.muli %add3A_16, %mul3A_17 : i32
    %dma_start3A_19 = tpu.memref_slice %arg3[%mul3A_18] : memref<327680xi32, #tpu.memory_space<hbm>> -> memref<128xi32, #tpu.memory_space<hbm>>
    %dma_start3A_20 = tpu.memref_slice %arg3[%mul3A_18] : memref<327680xi32, #tpu.memory_space<hbm>> -> memref<128xi32, #tpu.memory_space<hbm>>
    tpu.enqueue_dma source(%dma_start3A_20 : memref<128xi32, #tpu.memory_space<hbm>>) target(%arg9 : memref<128xi32, #tpu.memory_space<vmem>>) target_semaphore(%arg19 : memref<!tpu.dma_semaphore, #tpu.memory_space<semaphore_mem>>)
    %mul3A_21 = arith.constant 80 : i32
    %mul3A_22 = arith.muli %add3A, %mul3A_21 : i32
    %add3A_23 = arith.constant 0 : i32
    %add3A_24 = arith.addi %mul3A_22, %add3A_23 : i32
    %mul3A_25 = arith.constant 128 : i32
    %mul3A_26 = arith.muli %add3A_24, %mul3A_25 : i32
    %dma_start3A_27 = tpu.memref_slice %arg4[%mul3A_26] : memref<327680xi32, #tpu.memory_space<hbm>> -> memref<128xi32, #tpu.memory_space<hbm>>
    %dma_start3A_28 = tpu.memref_slice %arg4[%mul3A_26] : memref<327680xi32, #tpu.memory_space<hbm>> -> memref<128xi32, #tpu.memory_space<hbm>>
    tpu.enqueue_dma source(%dma_start3A_28 : memref<128xi32, #tpu.memory_space<hbm>>) target(%arg10 : memref<128xi32, #tpu.memory_space<vmem>>) target_semaphore(%arg20 : memref<!tpu.dma_semaphore, #tpu.memory_space<semaphore_mem>>)
    %scan3A = arith.constant 0 : i32
    %scan3A_29 = arith.constant 0 : i32
    %scan3A_30 = arith.constant 39 : i32
    %scan3A_31 = arith.addi %scan3A_29, %scan3A_30 : i32
    %scan3A_32 = arith.constant 1 : i32
    scf.for %scan3A_115 = %scan3A_29 to %scan3A_31 step %scan3A_32  : i32 {
      %mul3A_116 = arith.constant 2 : i32
      %mul3A_117 = arith.muli %mul3A_116, %scan3A_115 : i32
      %mul3A_118 = arith.constant 80 : i32
      %mul3A_119 = arith.muli %add3A, %mul3A_118 : i32
      %add3A_120 = arith.addi %mul3A_119, %mul3A_117 : i32
      %mul3A_121 = arith.constant 128 : i32
      %mul3A_122 = arith.muli %add3A_120, %mul3A_121 : i32
      %dma_start3A_123 = arith.constant 0 : i32
      %dma_start3A_124 = tpu.memref_slice %arg5[%mul3A_122, %dma_start3A_123] : memref<327680x128xf32, #tpu.memory_space<hbm>> -> memref<128x128xf32, #tpu.memory_space<hbm>>
      %dma_start3A_125 = arith.constant 0 : i32
      %dma_start3A_126 = tpu.memref_slice %arg5[%mul3A_122, %dma_start3A_125] : memref<327680x128xf32, #tpu.memory_space<hbm>> -> memref<128x128xf32, #tpu.memory_space<hbm>>
      tpu.enqueue_dma source(%dma_start3A_126 : memref<128x128xf32, #tpu.memory_space<hbm>>) target(%arg14 : memref<128x128xf32, #tpu.memory_space<vmem>>) target_semaphore(%arg22 : memref<!tpu.dma_semaphore, #tpu.memory_space<semaphore_mem>>)
      %add3A_127 = arith.constant 1 : i32
      %add3A_128 = arith.addi %mul3A_117, %add3A_127 : i32
      %mul3A_129 = arith.constant 80 : i32
      %mul3A_130 = arith.muli %add3A, %mul3A_129 : i32
      %add3A_131 = arith.addi %mul3A_130, %add3A_128 : i32
      %mul3A_132 = arith.constant 128 : i32
      %mul3A_133 = arith.muli %add3A_131, %mul3A_132 : i32
      %dma_wait3A_134 = tpu.memref_slice %arg3[%mul3A_133] : memref<327680xi32, #tpu.memory_space<hbm>> -> memref<128xi32, #tpu.memory_space<hbm>>
      %dma_wait3A_135 = tpu.memref_slice %arg3[%mul3A_133] : memref<327680xi32, #tpu.memory_space<hbm>> -> memref<128xi32, #tpu.memory_space<hbm>>
      tpu.wait_dma2 semaphore(%arg19 : memref<!tpu.dma_semaphore, #tpu.memory_space<semaphore_mem>>) src(%dma_wait3A_135 : memref<128xi32, #tpu.memory_space<hbm>>) dst(%arg9 : memref<128xi32, #tpu.memory_space<vmem>>)
      %dma_start3A_136 = arith.constant 0 : i32
      %dma_start3A_137 = arith.constant 0 : i32
      %dma_start3A_138 = tpu.memref_slice %arg2[%dma_start3A_136, %dma_start3A_137] : memref<10000x128xf32, #tpu.memory_space<hbm>> -> memref<10000x128xf32, #tpu.memory_space<hbm>>
      tpu.enqueue_indirect_dma source(%dma_start3A_138 : memref<10000x128xf32, #tpu.memory_space<hbm>>) target(%arg13 : memref<128x128xf32, #tpu.memory_space<vmem>>) offsets(%arg9 : memref<128xi32, #tpu.memory_space<vmem>>) semaphore(%arg17 : memref<!tpu.dma_semaphore, #tpu.memory_space<semaphore_mem>>)
      %dma_wait3A_139 = arith.constant 0 : i32
      %dma_wait3A_140 = arith.constant 0 : i32
      %dma_wait3A_141 = tpu.memref_slice %arg2[%dma_wait3A_139, %dma_wait3A_140] : memref<10000x128xf32, #tpu.memory_space<hbm>> -> memref<10000x128xf32, #tpu.memory_space<hbm>>
      tpu.wait_indirect_dma semaphore(%arg16 : memref<!tpu.dma_semaphore, #tpu.memory_space<semaphore_mem>>) src(%dma_wait3A_141 : memref<10000x128xf32, #tpu.memory_space<hbm>>) dst(%arg12 : memref<128x128xf32, #tpu.memory_space<vmem>>)
      %add3A_142 = arith.constant 2 : i32
      %add3A_143 = arith.addi %mul3A_117, %add3A_142 : i32
      %mul3A_144 = arith.constant 80 : i32
      %mul3A_145 = arith.muli %add3A, %mul3A_144 : i32
      %add3A_146 = arith.addi %mul3A_145, %add3A_143 : i32
      %mul3A_147 = arith.constant 128 : i32
      %mul3A_148 = arith.muli %add3A_146, %mul3A_147 : i32
      %dma_start3A_149 = tpu.memref_slice %arg3[%mul3A_148] : memref<327680xi32, #tpu.memory_space<hbm>> -> memref<128xi32, #tpu.memory_space<hbm>>
      %dma_start3A_150 = tpu.memref_slice %arg3[%mul3A_148] : memref<327680xi32, #tpu.memory_space<hbm>> -> memref<128xi32, #tpu.memory_space<hbm>>
      tpu.enqueue_dma source(%dma_start3A_150 : memref<128xi32, #tpu.memory_space<hbm>>) target(%arg8 : memref<128xi32, #tpu.memory_space<vmem>>) target_semaphore(%arg18 : memref<!tpu.dma_semaphore, #tpu.memory_space<semaphore_mem>>)
      %mul3A_151 = arith.constant 80 : i32
      %mul3A_152 = arith.muli %add3A, %mul3A_151 : i32
      %add3A_153 = arith.addi %mul3A_152, %mul3A_117 : i32
      %mul3A_154 = arith.constant 128 : i32
      %mul3A_155 = arith.muli %add3A_153, %mul3A_154 : i32
      %dma_wait3A_156 = tpu.memref_slice %arg4[%mul3A_155] : memref<327680xi32, #tpu.memory_space<hbm>> -> memref<128xi32, #tpu.memory_space<hbm>>
      %dma_wait3A_157 = tpu.memref_slice %arg4[%mul3A_155] : memref<327680xi32, #tpu.memory_space<hbm>> -> memref<128xi32, #tpu.memory_space<hbm>>
      tpu.wait_dma2 semaphore(%arg20 : memref<!tpu.dma_semaphore, #tpu.memory_space<semaphore_mem>>) src(%dma_wait3A_157 : memref<128xi32, #tpu.memory_space<hbm>>) dst(%arg10 : memref<128xi32, #tpu.memory_space<vmem>>)
      %add3A_158 = arith.constant 1 : i32
      %add3A_159 = arith.addi %mul3A_117, %add3A_158 : i32
      %mul3A_160 = arith.constant 80 : i32
      %mul3A_161 = arith.muli %add3A, %mul3A_160 : i32
      %add3A_162 = arith.addi %mul3A_161, %add3A_159 : i32
      %mul3A_163 = arith.constant 128 : i32
      %mul3A_164 = arith.muli %add3A_162, %mul3A_163 : i32
      %dma_start3A_165 = tpu.memref_slice %arg4[%mul3A_164] : memref<327680xi32, #tpu.memory_space<hbm>> -> memref<128xi32, #tpu.memory_space<hbm>>
      %dma_start3A_166 = tpu.memref_slice %arg4[%mul3A_164] : memref<327680xi32, #tpu.memory_space<hbm>> -> memref<128xi32, #tpu.memory_space<hbm>>
      tpu.enqueue_dma source(%dma_start3A_166 : memref<128xi32, #tpu.memory_space<hbm>>) target(%arg11 : memref<128xi32, #tpu.memory_space<vmem>>) target_semaphore(%arg21 : memref<!tpu.dma_semaphore, #tpu.memory_space<semaphore_mem>>)
      %dma_wait3A_167 = arith.constant 0 : i32
      %dma_wait3A_168 = tpu.memref_slice %arg5[%mul3A_122, %dma_wait3A_167] : memref<327680x128xf32, #tpu.memory_space<hbm>> -> memref<128x128xf32, #tpu.memory_space<hbm>>
      %dma_wait3A_169 = arith.constant 0 : i32
      %dma_wait3A_170 = tpu.memref_slice %arg5[%mul3A_122, %dma_wait3A_169] : memref<327680x128xf32, #tpu.memory_space<hbm>> -> memref<128x128xf32, #tpu.memory_space<hbm>>
      tpu.wait_dma2 semaphore(%arg22 : memref<!tpu.dma_semaphore, #tpu.memory_space<semaphore_mem>>) src(%dma_wait3A_170 : memref<128x128xf32, #tpu.memory_space<hbm>>) dst(%arg14 : memref<128x128xf32, #tpu.memory_space<vmem>>)
      %parallel_loop3A_171 = arith.constant 0 : i32
      %parallel_loop3A_172 = arith.constant 128 : i32
      %parallel_loop3A_173 = arith.constant 1 : i32
      scf.for %parallel_loop3A_234 = %parallel_loop3A_171 to %parallel_loop3A_172 step %parallel_loop3A_173  : i32 {
        %parallel_loop3A_235 = arith.index_cast %parallel_loop3A_234 : i32 to index
        %parallel_loop3A_236 = arith.constant 0 : index
        %parallel_loop3A_237 = tpu.vector_load %arg12[%parallel_loop3A_235, %parallel_loop3A_236] {strides = array<i32>} : memref<128x128xf32, #tpu.memory_space<vmem>>, vector<1x16xf32>,
        %parallel_loop3A_238 = vector.shape_cast %parallel_loop3A_237 : vector<1x16xf32> to vector<16xf32>
        %parallel_loop3A_239 = arith.index_cast %parallel_loop3A_234 : i32 to index
        %parallel_loop3A_240 = arith.constant 0 : index
        %parallel_loop3A_241 = tpu.vector_load %arg14[%parallel_loop3A_239, %parallel_loop3A_240] {strides = array<i32>} : memref<128x128xf32, #tpu.memory_space<vmem>>, vector<1x16xf32>,
        %parallel_loop3A_242 = vector.shape_cast %parallel_loop3A_241 : vector<1x16xf32> to vector<16xf32>
        %parallel_loop3A_243 = arith.mulf %parallel_loop3A_238, %parallel_loop3A_242 : vector<16xf32>
        %parallel_loop3A_244 = arith.index_cast %parallel_loop3A_234 : i32 to index
        %parallel_loop3A_245 = arith.constant 0 : index
        %parallel_loop3A_246 = tpu.vector_load %arg12[%parallel_loop3A_244, %parallel_loop3A_245] {strides = array<i32>} : memref<128x128xf32, #tpu.memory_space<vmem>>, vector<1x16xf32>,
        %parallel_loop3A_247 = vector.shape_cast %parallel_loop3A_246 : vector<1x16xf32> to vector<16xf32>
        %parallel_loop3A_248 = vector.shape_cast %parallel_loop3A_243 : vector<16xf32> to vector<1x16xf32>
        tpu.vector_store %arg12[%parallel_loop3A_244, %parallel_loop3A_245], %parallel_loop3A_248 {strides = array<i32>} : memref<128x128xf32, #tpu.memory_space<vmem>>, vector<1x16xf32>,
        %parallel_loop3A_249 = arith.index_cast %parallel_loop3A_234 : i32 to index
        %parallel_loop3A_250 = arith.constant 16 : index
        %parallel_loop3A_251 = tpu.vector_load %arg12[%parallel_loop3A_249, %parallel_loop3A_250] {strides = array<i32>} : memref<128x128xf32, #tpu.memory_space<vmem>>, vector<1x16xf32>,
        %parallel_loop3A_252 = vector.shape_cast %parallel_loop3A_251 : vector<1x16xf32> to vector<16xf32>
        %parallel_loop3A_253 = arith.index_cast %parallel_loop3A_234 : i32 to index
        %parallel_loop3A_254 = arith.constant 16 : index
        %parallel_loop3A_255 = tpu.vector_load %arg14[%parallel_loop3A_253, %parallel_loop3A_254] {strides = array<i32>} : memref<128x128xf32, #tpu.memory_space<vmem>>, vector<1x16xf32>,
        %parallel_loop3A_256 = vector.shape_cast %parallel_loop3A_255 : vector<1x16xf32> to vector<16xf32>
        %parallel_loop3A_257 = arith.mulf %parallel_loop3A_252, %parallel_loop3A_256 : vector<16xf32>
        %parallel_loop3A_258 = arith.index_cast %parallel_loop3A_234 : i32 to index
        %parallel_loop3A_259 = arith.constant 16 : index
        %parallel_loop3A_260 = tpu.vector_load %arg12[%parallel_loop3A_258, %parallel_loop3A_259] {strides = array<i32>} : memref<128x128xf32, #tpu.memory_space<vmem>>, vector<1x16xf32>,
        %parallel_loop3A_261 = vector.shape_cast %parallel_loop3A_260 : vector<1x16xf32> to vector<16xf32>
        %parallel_loop3A_262 = vector.shape_cast %parallel_loop3A_257 : vector<16xf32> to vector<1x16xf32>
        tpu.vector_store %arg12[%parallel_loop3A_258, %parallel_loop3A_259], %parallel_loop3A_262 {strides = array<i32>} : memref<128x128xf32, #tpu.memory_space<vmem>>, vector<1x16xf32>,
        %parallel_loop3A_263 = arith.index_cast %parallel_loop3A_234 : i32 to index
        %parallel_loop3A_264 = arith.constant 32 : index
        %parallel_loop3A_265 = tpu.vector_load %arg12[%parallel_loop3A_263, %parallel_loop3A_264] {strides = array<i32>} : memref<128x128xf32, #tpu.memory_space<vmem>>, vector<1x16xf32>,
        %parallel_loop3A_266 = vector.shape_cast %parallel_loop3A_265 : vector<1x16xf32> to vector<16xf32>
        %parallel_loop3A_267 = arith.index_cast %parallel_loop3A_234 : i32 to index
        %parallel_loop3A_268 = arith.constant 32 : index
        %parallel_loop3A_269 = tpu.vector_load %arg14[%parallel_loop3A_267, %parallel_loop3A_268] {strides = array<i32>} : memref<128x128xf32, #tpu.memory_space<vmem>>, vector<1x16xf32>,
        %parallel_loop3A_270 = vector.shape_cast %parallel_loop3A_269 : vector<1x16xf32> to vector<16xf32>
        %parallel_loop3A_271 = arith.mulf %parallel_loop3A_266, %parallel_loop3A_270 : vector<16xf32>
        %parallel_loop3A_272 = arith.index_cast %parallel_loop3A_234 : i32 to index
        %parallel_loop3A_273 = arith.constant 32 : index
        %parallel_loop3A_274 = tpu.vector_load %arg12[%parallel_loop3A_272, %parallel_loop3A_273] {strides = array<i32>} : memref<128x128xf32, #tpu.memory_space<vmem>>, vector<1x16xf32>,
        %parallel_loop3A_275 = vector.shape_cast %parallel_loop3A_274 : vector<1x16xf32> to vector<16xf32>
        %parallel_loop3A_276 = vector.shape_cast %parallel_loop3A_271 : vector<16xf32> to vector<1x16xf32>
        tpu.vector_store %arg12[%parallel_loop3A_272, %parallel_loop3A_273], %parallel_loop3A_276 {strides = array<i32>} : memref<128x128xf32, #tpu.memory_space<vmem>>, vector<1x16xf32>,
        %parallel_loop3A_277 = arith.index_cast %parallel_loop3A_234 : i32 to index
        %parallel_loop3A_278 = arith.constant 48 : index
        %parallel_loop3A_279 = tpu.vector_load %arg12[%parallel_loop3A_277, %parallel_loop3A_278] {strides = array<i32>} : memref<128x128xf32, #tpu.memory_space<vmem>>, vector<1x16xf32>,
        %parallel_loop3A_280 = vector.shape_cast %parallel_loop3A_279 : vector<1x16xf32> to vector<16xf32>
        %parallel_loop3A_281 = arith.index_cast %parallel_loop3A_234 : i32 to index
        %parallel_loop3A_282 = arith.constant 48 : index
        %parallel_loop3A_283 = tpu.vector_load %arg14[%parallel_loop3A_281, %parallel_loop3A_282] {strides = array<i32>} : memref<128x128xf32, #tpu.memory_space<vmem>>, vector<1x16xf32>,
        %parallel_loop3A_284 = vector.shape_cast %parallel_loop3A_283 : vector<1x16xf32> to vector<16xf32>
        %parallel_loop3A_285 = arith.mulf %parallel_loop3A_280, %parallel_loop3A_284 : vector<16xf32>
        %parallel_loop3A_286 = arith.index_cast %parallel_loop3A_234 : i32 to index
        %parallel_loop3A_287 = arith.constant 48 : index
        %parallel_loop3A_288 = tpu.vector_load %arg12[%parallel_loop3A_286, %parallel_loop3A_287] {strides = array<i32>} : memref<128x128xf32, #tpu.memory_space<vmem>>, vector<1x16xf32>,
        %parallel_loop3A_289 = vector.shape_cast %parallel_loop3A_288 : vector<1x16xf32> to vector<16xf32>
        %parallel_loop3A_290 = vector.shape_cast %parallel_loop3A_285 : vector<16xf32> to vector<1x16xf32>
        tpu.vector_store %arg12[%parallel_loop3A_286, %parallel_loop3A_287], %parallel_loop3A_290 {strides = array<i32>} : memref<128x128xf32, #tpu.memory_space<vmem>>, vector<1x16xf32>,
        %parallel_loop3A_291 = arith.index_cast %parallel_loop3A_234 : i32 to index
        %parallel_loop3A_292 = arith.constant 64 : index
        %parallel_loop3A_293 = tpu.vector_load %arg12[%parallel_loop3A_291, %parallel_loop3A_292] {strides = array<i32>} : memref<128x128xf32, #tpu.memory_space<vmem>>, vector<1x16xf32>,
        %parallel_loop3A_294 = vector.shape_cast %parallel_loop3A_293 : vector<1x16xf32> to vector<16xf32>
        %parallel_loop3A_295 = arith.index_cast %parallel_loop3A_234 : i32 to index
        %parallel_loop3A_296 = arith.constant 64 : index
        %parallel_loop3A_297 = tpu.vector_load %arg14[%parallel_loop3A_295, %parallel_loop3A_296] {strides = array<i32>} : memref<128x128xf32, #tpu.memory_space<vmem>>, vector<1x16xf32>,
        %parallel_loop3A_298 = vector.shape_cast %parallel_loop3A_297 : vector<1x16xf32> to vector<16xf32>
        %parallel_loop3A_299 = arith.mulf %parallel_loop3A_294, %parallel_loop3A_298 : vector<16xf32>
        %parallel_loop3A_300 = arith.index_cast %parallel_loop3A_234 : i32 to index
        %parallel_loop3A_301 = arith.constant 64 : index
        %parallel_loop3A_302 = tpu.vector_load %arg12[%parallel_loop3A_300, %parallel_loop3A_301] {strides = array<i32>} : memref<128x128xf32, #tpu.memory_space<vmem>>, vector<1x16xf32>,
        %parallel_loop3A_303 = vector.shape_cast %parallel_loop3A_302 : vector<1x16xf32> to vector<16xf32>
        %parallel_loop3A_304 = vector.shape_cast %parallel_loop3A_299 : vector<16xf32> to vector<1x16xf32>
        tpu.vector_store %arg12[%parallel_loop3A_300, %parallel_loop3A_301], %parallel_loop3A_304 {strides = array<i32>} : memref<128x128xf32, #tpu.memory_space<vmem>>, vector<1x16xf32>,
        %parallel_loop3A_305 = arith.index_cast %parallel_loop3A_234 : i32 to index
        %parallel_loop3A_306 = arith.constant 80 : index
        %parallel_loop3A_307 = tpu.vector_load %arg12[%parallel_loop3A_305, %parallel_loop3A_306] {strides = array<i32>} : memref<128x128xf32, #tpu.memory_space<vmem>>, vector<1x16xf32>,
        %parallel_loop3A_308 = vector.shape_cast %parallel_loop3A_307 : vector<1x16xf32> to vector<16xf32>
        %parallel_loop3A_309 = arith.index_cast %parallel_loop3A_234 : i32 to index
        %parallel_loop3A_310 = arith.constant 80 : index
        %parallel_loop3A_311 = tpu.vector_load %arg14[%parallel_loop3A_309, %parallel_loop3A_310] {strides = array<i32>} : memref<128x128xf32, #tpu.memory_space<vmem>>, vector<1x16xf32>,
        %parallel_loop3A_312 = vector.shape_cast %parallel_loop3A_311 : vector<1x16xf32> to vector<16xf32>
        %parallel_loop3A_313 = arith.mulf %parallel_loop3A_308, %parallel_loop3A_312 : vector<16xf32>
        %parallel_loop3A_314 = arith.index_cast %parallel_loop3A_234 : i32 to index
        %parallel_loop3A_315 = arith.constant 80 : index
        %parallel_loop3A_316 = tpu.vector_load %arg12[%parallel_loop3A_314, %parallel_loop3A_315] {strides = array<i32>} : memref<128x128xf32, #tpu.memory_space<vmem>>, vector<1x16xf32>,
        %parallel_loop3A_317 = vector.shape_cast %parallel_loop3A_316 : vector<1x16xf32> to vector<16xf32>
        %parallel_loop3A_318 = vector.shape_cast %parallel_loop3A_313 : vector<16xf32> to vector<1x16xf32>
        tpu.vector_store %arg12[%parallel_loop3A_314, %parallel_loop3A_315], %parallel_loop3A_318 {strides = array<i32>} : memref<128x128xf32, #tpu.memory_space<vmem>>, vector<1x16xf32>,
        %parallel_loop3A_319 = arith.index_cast %parallel_loop3A_234 : i32 to index
        %parallel_loop3A_320 = arith.constant 96 : index
        %parallel_loop3A_321 = tpu.vector_load %arg12[%parallel_loop3A_319, %parallel_loop3A_320] {strides = array<i32>} : memref<128x128xf32, #tpu.memory_space<vmem>>, vector<1x16xf32>,
        %parallel_loop3A_322 = vector.shape_cast %parallel_loop3A_321 : vector<1x16xf32> to vector<16xf32>
        %parallel_loop3A_323 = arith.index_cast %parallel_loop3A_234 : i32 to index
        %parallel_loop3A_324 = arith.constant 96 : index
        %parallel_loop3A_325 = tpu.vector_load %arg14[%parallel_loop3A_323, %parallel_loop3A_324] {strides = array<i32>} : memref<128x128xf32, #tpu.memory_space<vmem>>, vector<1x16xf32>,
        %parallel_loop3A_326 = vector.shape_cast %parallel_loop3A_325 : vector<1x16xf32> to vector<16xf32>
        %parallel_loop3A_327 = arith.mulf %parallel_loop3A_322, %parallel_loop3A_326 : vector<16xf32>
        %parallel_loop3A_328 = arith.index_cast %parallel_loop3A_234 : i32 to index
        %parallel_loop3A_329 = arith.constant 96 : index
        %parallel_loop3A_330 = tpu.vector_load %arg12[%parallel_loop3A_328, %parallel_loop3A_329] {strides = array<i32>} : memref<128x128xf32, #tpu.memory_space<vmem>>, vector<1x16xf32>,
        %parallel_loop3A_331 = vector.shape_cast %parallel_loop3A_330 : vector<1x16xf32> to vector<16xf32>
        %parallel_loop3A_332 = vector.shape_cast %parallel_loop3A_327 : vector<16xf32> to vector<1x16xf32>
        tpu.vector_store %arg12[%parallel_loop3A_328, %parallel_loop3A_329], %parallel_loop3A_332 {strides = array<i32>} : memref<128x128xf32, #tpu.memory_space<vmem>>, vector<1x16xf32>,
        %parallel_loop3A_333 = arith.index_cast %parallel_loop3A_234 : i32 to index
        %parallel_loop3A_334 = arith.constant 112 : index
        %parallel_loop3A_335 = tpu.vector_load %arg12[%parallel_loop3A_333, %parallel_loop3A_334] {strides = array<i32>} : memref<128x128xf32, #tpu.memory_space<vmem>>, vector<1x16xf32>,
        %parallel_loop3A_336 = vector.shape_cast %parallel_loop3A_335 : vector<1x16xf32> to vector<16xf32>
        %parallel_loop3A_337 = arith.index_cast %parallel_loop3A_234 : i32 to index
        %parallel_loop3A_338 = arith.constant 112 : index
        %parallel_loop3A_339 = tpu.vector_load %arg14[%parallel_loop3A_337, %parallel_loop3A_338] {strides = array<i32>} : memref<128x128xf32, #tpu.memory_space<vmem>>, vector<1x16xf32>,
        %parallel_loop3A_340 = vector.shape_cast %parallel_loop3A_339 : vector<1x16xf32> to vector<16xf32>
        %parallel_loop3A_341 = arith.mulf %parallel_loop3A_336, %parallel_loop3A_340 : vector<16xf32>
        %parallel_loop3A_342 = arith.index_cast %parallel_loop3A_234 : i32 to index
        %parallel_loop3A_343 = arith.constant 112 : index
        %parallel_loop3A_344 = tpu.vector_load %arg12[%parallel_loop3A_342, %parallel_loop3A_343] {strides = array<i32>} : memref<128x128xf32, #tpu.memory_space<vmem>>, vector<1x16xf32>,
        %parallel_loop3A_345 = vector.shape_cast %parallel_loop3A_344 : vector<1x16xf32> to vector<16xf32>
        %parallel_loop3A_346 = vector.shape_cast %parallel_loop3A_341 : vector<16xf32> to vector<1x16xf32>
        tpu.vector_store %arg12[%parallel_loop3A_342, %parallel_loop3A_343], %parallel_loop3A_346 {strides = array<i32>} : memref<128x128xf32, #tpu.memory_space<vmem>>, vector<1x16xf32>,
      } {sc.loop_unroll_factor = 2 : i64, sc.parallel_access}
      "tpu.region"() ({
        %run_scoped3A = tpu.sem_alloc : memref<!tpu.dma_semaphore, #tpu.memory_space<semaphore_mem>>
        %dma_start3A_234 = arith.constant 0 : i32
        %dma_start3A_235 = arith.constant 0 : i32
        %dma_start3A_236 = tpu.memref_slice %arg15[%dma_start3A_234, %dma_start3A_235] : memref<10112x128xf32, #tpu.memory_space<vmem_shared>> -> memref<10112x128xf32, #tpu.memory_space<vmem_shared>>
        tpu.enqueue_indirect_dma source(%arg12 : memref<128x128xf32, #tpu.memory_space<vmem>>) target(%dma_start3A_236 : memref<10112x128xf32, #tpu.memory_space<vmem_shared>>) offsets(%arg10 : memref<128xi32, #tpu.memory_space<vmem>>) semaphore(%run_scoped3A : memref<!tpu.dma_semaphore, #tpu.memory_space<semaphore_mem>>) {add = true}
        %dma_wait3A_237 = arith.constant 0 : i32
        %dma_wait3A_238 = arith.constant 0 : i32
        %dma_wait3A_239 = tpu.memref_slice %arg15[%dma_wait3A_237, %dma_wait3A_238] : memref<10112x128xf32, #tpu.memory_space<vmem_shared>> -> memref<10112x128xf32, #tpu.memory_space<vmem_shared>>
        tpu.wait_indirect_dma semaphore(%run_scoped3A : memref<!tpu.dma_semaphore, #tpu.memory_space<semaphore_mem>>) src(%arg12 : memref<128x128xf32, #tpu.memory_space<vmem>>) dst(%dma_wait3A_239 : memref<10112x128xf32, #tpu.memory_space<vmem_shared>>)
        tpu.yield
      }) : () -> ()
      %mul3A_174 = arith.constant 2 : i32
      %mul3A_175 = arith.muli %mul3A_174, %scan3A_115 : i32
      %add3A_176 = arith.constant 1 : i32
      %add3A_177 = arith.addi %mul3A_175, %add3A_176 : i32
      %mul3A_178 = arith.constant 80 : i32
      %mul3A_179 = arith.muli %add3A, %mul3A_178 : i32
      %add3A_180 = arith.addi %mul3A_179, %add3A_177 : i32
      %mul3A_181 = arith.constant 128 : i32
      %mul3A_182 = arith.muli %add3A_180, %mul3A_181 : i32
      %dma_start3A_183 = arith.constant 0 : i32
      %dma_start3A_184 = tpu.memref_slice %arg5[%mul3A_182, %dma_start3A_183] : memref<327680x128xf32, #tpu.memory_space<hbm>> -> memref<128x128xf32, #tpu.memory_space<hbm>>
      %dma_start3A_185 = arith.constant 0 : i32
      %dma_start3A_186 = tpu.memref_slice %arg5[%mul3A_182, %dma_start3A_185] : memref<327680x128xf32, #tpu.memory_space<hbm>> -> memref<128x128xf32, #tpu.memory_space<hbm>>
      tpu.enqueue_dma source(%dma_start3A_186 : memref<128x128xf32, #tpu.memory_space<hbm>>) target(%arg14 : memref<128x128xf32, #tpu.memory_space<vmem>>) target_semaphore(%arg22 : memref<!tpu.dma_semaphore, #tpu.memory_space<semaphore_mem>>)
      %add3A_187 = arith.constant 1 : i32
      %add3A_188 = arith.addi %add3A_177, %add3A_187 : i32
      %mul3A_189 = arith.constant 80 : i32
      %mul3A_190 = arith.muli %add3A, %mul3A_189 : i32
      %add3A_191 = arith.addi %mul3A_190, %add3A_188 : i32
      %mul3A_192 = arith.constant 128 : i32
      %mul3A_193 = arith.muli %add3A_191, %mul3A_192 : i32
      %dma_wait3A_194 = tpu.memref_slice %arg3[%mul3A_193] : memref<327680xi32, #tpu.memory_space<hbm>> -> memref<128xi32, #tpu.memory_space<hbm>>
      %dma_wait3A_195 = tpu.memref_slice %arg3[%mul3A_193] : memref<327680xi32, #tpu.memory_space<hbm>> -> memref<128xi32, #tpu.memory_space<hbm>>
      tpu.wait_dma2 semaphore(%arg18 : memref<!tpu.dma_semaphore, #tpu.memory_space<semaphore_mem>>) src(%dma_wait3A_195 : memref<128xi32, #tpu.memory_space<hbm>>) dst(%arg8 : memref<128xi32, #tpu.memory_space<vmem>>)
      %dma_start3A_196 = arith.constant 0 : i32
      %dma_start3A_197 = arith.constant 0 : i32
      %dma_start3A_198 = tpu.memref_slice %arg2[%dma_start3A_196, %dma_start3A_197] : memref<10000x128xf32, #tpu.memory_space<hbm>> -> memref<10000x128xf32, #tpu.memory_space<hbm>>
      tpu.enqueue_indirect_dma source(%dma_start3A_198 : memref<10000x128xf32, #tpu.memory_space<hbm>>) target(%arg12 : memref<128x128xf32, #tpu.memory_space<vmem>>) offsets(%arg8 : memref<128xi32, #tpu.memory_space<vmem>>) semaphore(%arg16 : memref<!tpu.dma_semaphore, #tpu.memory_space<semaphore_mem>>)
      %dma_wait3A_199 = arith.constant 0 : i32
      %dma_wait3A_200 = arith.constant 0 : i32
      %dma_wait3A_201 = tpu.memref_slice %arg2[%dma_wait3A_199, %dma_wait3A_200] : memref<10000x128xf32, #tpu.memory_space<hbm>> -> memref<10000x128xf32, #tpu.memory_space<hbm>>
      tpu.wait_indirect_dma semaphore(%arg17 : memref<!tpu.dma_semaphore, #tpu.memory_space<semaphore_mem>>) src(%dma_wait3A_201 : memref<10000x128xf32, #tpu.memory_space<hbm>>) dst(%arg13 : memref<128x128xf32, #tpu.memory_space<vmem>>)
      %add3A_202 = arith.constant 2 : i32
      %add3A_203 = arith.addi %add3A_177, %add3A_202 : i32
      %mul3A_204 = arith.constant 80 : i32
      %mul3A_205 = arith.muli %add3A, %mul3A_204 : i32
      %add3A_206 = arith.addi %mul3A_205, %add3A_203 : i32
      %mul3A_207 = arith.constant 128 : i32
      %mul3A_208 = arith.muli %add3A_206, %mul3A_207 : i32
      %dma_start3A_209 = tpu.memref_slice %arg3[%mul3A_208] : memref<327680xi32, #tpu.memory_space<hbm>> -> memref<128xi32, #tpu.memory_space<hbm>>
      %dma_start3A_210 = tpu.memref_slice %arg3[%mul3A_208] : memref<327680xi32, #tpu.memory_space<hbm>> -> memref<128xi32, #tpu.memory_space<hbm>>
      tpu.enqueue_dma source(%dma_start3A_210 : memref<128xi32, #tpu.memory_space<hbm>>) target(%arg9 : memref<128xi32, #tpu.memory_space<vmem>>) target_semaphore(%arg19 : memref<!tpu.dma_semaphore, #tpu.memory_space<semaphore_mem>>)
      %mul3A_211 = arith.constant 80 : i32
      %mul3A_212 = arith.muli %add3A, %mul3A_211 : i32
      %add3A_213 = arith.addi %mul3A_212, %add3A_177 : i32
      %mul3A_214 = arith.constant 128 : i32
      %mul3A_215 = arith.muli %add3A_213, %mul3A_214 : i32
      %dma_wait3A_216 = tpu.memref_slice %arg4[%mul3A_215] : memref<327680xi32, #tpu.memory_space<hbm>> -> memref<128xi32, #tpu.memory_space<hbm>>
      %dma_wait3A_217 = tpu.memref_slice %arg4[%mul3A_215] : memref<327680xi32, #tpu.memory_space<hbm>> -> memref<128xi32, #tpu.memory_space<hbm>>
      tpu.wait_dma2 semaphore(%arg21 : memref<!tpu.dma_semaphore, #tpu.memory_space<semaphore_mem>>) src(%dma_wait3A_217 : memref<128xi32, #tpu.memory_space<hbm>>) dst(%arg11 : memref<128xi32, #tpu.memory_space<vmem>>)
      %add3A_218 = arith.constant 1 : i32
      %add3A_219 = arith.addi %add3A_177, %add3A_218 : i32
      %mul3A_220 = arith.constant 80 : i32
      %mul3A_221 = arith.muli %add3A, %mul3A_220 : i32
      %add3A_222 = arith.addi %mul3A_221, %add3A_219 : i32
      %mul3A_223 = arith.constant 128 : i32
      %mul3A_224 = arith.muli %add3A_222, %mul3A_223 : i32
      %dma_start3A_225 = tpu.memref_slice %arg4[%mul3A_224] : memref<327680xi32, #tpu.memory_space<hbm>> -> memref<128xi32, #tpu.memory_space<hbm>>
      %dma_start3A_226 = tpu.memref_slice %arg4[%mul3A_224] : memref<327680xi32, #tpu.memory_space<hbm>> -> memref<128xi32, #tpu.memory_space<hbm>>
      tpu.enqueue_dma source(%dma_start3A_226 : memref<128xi32, #tpu.memory_space<hbm>>) target(%arg10 : memref<128xi32, #tpu.memory_space<vmem>>) target_semaphore(%arg20 : memref<!tpu.dma_semaphore, #tpu.memory_space<semaphore_mem>>)
      %dma_wait3A_227 = arith.constant 0 : i32
      %dma_wait3A_228 = tpu.memref_slice %arg5[%mul3A_182, %dma_wait3A_227] : memref<327680x128xf32, #tpu.memory_space<hbm>> -> memref<128x128xf32, #tpu.memory_space<hbm>>
      %dma_wait3A_229 = arith.constant 0 : i32
      %dma_wait3A_230 = tpu.memref_slice %arg5[%mul3A_182, %dma_wait3A_229] : memref<327680x128xf32, #tpu.memory_space<hbm>> -> memref<128x128xf32, #tpu.memory_space<hbm>>
      tpu.wait_dma2 semaphore(%arg22 : memref<!tpu.dma_semaphore, #tpu.memory_space<semaphore_mem>>) src(%dma_wait3A_230 : memref<128x128xf32, #tpu.memory_space<hbm>>) dst(%arg14 : memref<128x128xf32, #tpu.memory_space<vmem>>)
      %parallel_loop3A_231 = arith.constant 0 : i32
      %parallel_loop3A_232 = arith.constant 128 : i32
      %parallel_loop3A_233 = arith.constant 1 : i32
      scf.for %parallel_loop3A_234 = %parallel_loop3A_231 to %parallel_loop3A_232 step %parallel_loop3A_233  : i32 {
        %parallel_loop3A_235 = arith.index_cast %parallel_loop3A_234 : i32 to index
        %parallel_loop3A_236 = arith.constant 0 : index
        %parallel_loop3A_237 = tpu.vector_load %arg13[%parallel_loop3A_235, %parallel_loop3A_236] {strides = array<i32>} : memref<128x128xf32, #tpu.memory_space<vmem>>, vector<1x16xf32>,
        %parallel_loop3A_238 = vector.shape_cast %parallel_loop3A_237 : vector<1x16xf32> to vector<16xf32>
        %parallel_loop3A_239 = arith.index_cast %parallel_loop3A_234 : i32 to index
        %parallel_loop3A_240 = arith.constant 0 : index
        %parallel_loop3A_241 = tpu.vector_load %arg14[%parallel_loop3A_239, %parallel_loop3A_240] {strides = array<i32>} : memref<128x128xf32, #tpu.memory_space<vmem>>, vector<1x16xf32>,
        %parallel_loop3A_242 = vector.shape_cast %parallel_loop3A_241 : vector<1x16xf32> to vector<16xf32>
        %parallel_loop3A_243 = arith.mulf %parallel_loop3A_238, %parallel_loop3A_242 : vector<16xf32>
        %parallel_loop3A_244 = arith.index_cast %parallel_loop3A_234 : i32 to index
        %parallel_loop3A_245 = arith.constant 0 : index
        %parallel_loop3A_246 = tpu.vector_load %arg13[%parallel_loop3A_244, %parallel_loop3A_245] {strides = array<i32>} : memref<128x128xf32, #tpu.memory_space<vmem>>, vector<1x16xf32>,
        %parallel_loop3A_247 = vector.shape_cast %parallel_loop3A_246 : vector<1x16xf32> to vector<16xf32>
        %parallel_loop3A_248 = vector.shape_cast %parallel_loop3A_243 : vector<16xf32> to vector<1x16xf32>
        tpu.vector_store %arg13[%parallel_loop3A_244, %parallel_loop3A_245], %parallel_loop3A_248 {strides = array<i32>} : memref<128x128xf32, #tpu.memory_space<vmem>>, vector<1x16xf32>,
        %parallel_loop3A_249 = arith.index_cast %parallel_loop3A_234 : i32 to index
        %parallel_loop3A_250 = arith.constant 16 : index
        %parallel_loop3A_251 = tpu.vector_load %arg13[%parallel_loop3A_249, %parallel_loop3A_250] {strides = array<i32>} : memref<128x128xf32, #tpu.memory_space<vmem>>, vector<1x16xf32>,
        %parallel_loop3A_252 = vector.shape_cast %parallel_loop3A_251 : vector<1x16xf32> to vector<16xf32>
        %parallel_loop3A_253 = arith.index_cast %parallel_loop3A_234 : i32 to index
        %parallel_loop3A_254 = arith.constant 16 : index
        %parallel_loop3A_255 = tpu.vector_load %arg14[%parallel_loop3A_253, %parallel_loop3A_254] {strides = array<i32>} : memref<128x128xf32, #tpu.memory_space<vmem>>, vector<1x16xf32>,
        %parallel_loop3A_256 = vector.shape_cast %parallel_loop3A_255 : vector<1x16xf32> to vector<16xf32>
        %parallel_loop3A_257 = arith.mulf %parallel_loop3A_252, %parallel_loop3A_256 : vector<16xf32>
        %parallel_loop3A_258 = arith.index_cast %parallel_loop3A_234 : i32 to index
        %parallel_loop3A_259 = arith.constant 16 : index
        %parallel_loop3A_260 = tpu.vector_load %arg13[%parallel_loop3A_258, %parallel_loop3A_259] {strides = array<i32>} : memref<128x128xf32, #tpu.memory_space<vmem>>, vector<1x16xf32>,
        %parallel_loop3A_261 = vector.shape_cast %parallel_loop3A_260 : vector<1x16xf32> to vector<16xf32>
        %parallel_loop3A_262 = vector.shape_cast %parallel_loop3A_257 : vector<16xf32> to vector<1x16xf32>
        tpu.vector_store %arg13[%parallel_loop3A_258, %parallel_loop3A_259], %parallel_loop3A_262 {strides = array<i32>} : memref<128x128xf32, #tpu.memory_space<vmem>>, vector<1x16xf32>,
        %parallel_loop3A_263 = arith.index_cast %parallel_loop3A_234 : i32 to index
        %parallel_loop3A_264 = arith.constant 32 : index
        %parallel_loop3A_265 = tpu.vector_load %arg13[%parallel_loop3A_263, %parallel_loop3A_264] {strides = array<i32>} : memref<128x128xf32, #tpu.memory_space<vmem>>, vector<1x16xf32>,
        %parallel_loop3A_266 = vector.shape_cast %parallel_loop3A_265 : vector<1x16xf32> to vector<16xf32>
        %parallel_loop3A_267 = arith.index_cast %parallel_loop3A_234 : i32 to index
        %parallel_loop3A_268 = arith.constant 32 : index
        %parallel_loop3A_269 = tpu.vector_load %arg14[%parallel_loop3A_267, %parallel_loop3A_268] {strides = array<i32>} : memref<128x128xf32, #tpu.memory_space<vmem>>, vector<1x16xf32>,
        %parallel_loop3A_270 = vector.shape_cast %parallel_loop3A_269 : vector<1x16xf32> to vector<16xf32>
        %parallel_loop3A_271 = arith.mulf %parallel_loop3A_266, %parallel_loop3A_270 : vector<16xf32>
        %parallel_loop3A_272 = arith.index_cast %parallel_loop3A_234 : i32 to index
        %parallel_loop3A_273 = arith.constant 32 : index
        %parallel_loop3A_274 = tpu.vector_load %arg13[%parallel_loop3A_272, %parallel_loop3A_273] {strides = array<i32>} : memref<128x128xf32, #tpu.memory_space<vmem>>, vector<1x16xf32>,
        %parallel_loop3A_275 = vector.shape_cast %parallel_loop3A_274 : vector<1x16xf32> to vector<16xf32>
        %parallel_loop3A_276 = vector.shape_cast %parallel_loop3A_271 : vector<16xf32> to vector<1x16xf32>
        tpu.vector_store %arg13[%parallel_loop3A_272, %parallel_loop3A_273], %parallel_loop3A_276 {strides = array<i32>} : memref<128x128xf32, #tpu.memory_space<vmem>>, vector<1x16xf32>,
        %parallel_loop3A_277 = arith.index_cast %parallel_loop3A_234 : i32 to index
        %parallel_loop3A_278 = arith.constant 48 : index
        %parallel_loop3A_279 = tpu.vector_load %arg13[%parallel_loop3A_277, %parallel_loop3A_278] {strides = array<i32>} : memref<128x128xf32, #tpu.memory_space<vmem>>, vector<1x16xf32>,
        %parallel_loop3A_280 = vector.shape_cast %parallel_loop3A_279 : vector<1x16xf32> to vector<16xf32>
        %parallel_loop3A_281 = arith.index_cast %parallel_loop3A_234 : i32 to index
        %parallel_loop3A_282 = arith.constant 48 : index
        %parallel_loop3A_283 = tpu.vector_load %arg14[%parallel_loop3A_281, %parallel_loop3A_282] {strides = array<i32>} : memref<128x128xf32, #tpu.memory_space<vmem>>, vector<1x16xf32>,
        %parallel_loop3A_284 = vector.shape_cast %parallel_loop3A_283 : vector<1x16xf32> to vector<16xf32>
        %parallel_loop3A_285 = arith.mulf %parallel_loop3A_280, %parallel_loop3A_284 : vector<16xf32>
        %parallel_loop3A_286 = arith.index_cast %parallel_loop3A_234 : i32 to index
        %parallel_loop3A_287 = arith.constant 48 : index
        %parallel_loop3A_288 = tpu.vector_load %arg13[%parallel_loop3A_286, %parallel_loop3A_287] {strides = array<i32>} : memref<128x128xf32, #tpu.memory_space<vmem>>, vector<1x16xf32>,
        %parallel_loop3A_289 = vector.shape_cast %parallel_loop3A_288 : vector<1x16xf32> to vector<16xf32>
        %parallel_loop3A_290 = vector.shape_cast %parallel_loop3A_285 : vector<16xf32> to vector<1x16xf32>
        tpu.vector_store %arg13[%parallel_loop3A_286, %parallel_loop3A_287], %parallel_loop3A_290 {strides = array<i32>} : memref<128x128xf32, #tpu.memory_space<vmem>>, vector<1x16xf32>,
        %parallel_loop3A_291 = arith.index_cast %parallel_loop3A_234 : i32 to index
        %parallel_loop3A_292 = arith.constant 64 : index
        %parallel_loop3A_293 = tpu.vector_load %arg13[%parallel_loop3A_291, %parallel_loop3A_292] {strides = array<i32>} : memref<128x128xf32, #tpu.memory_space<vmem>>, vector<1x16xf32>,
        %parallel_loop3A_294 = vector.shape_cast %parallel_loop3A_293 : vector<1x16xf32> to vector<16xf32>
        %parallel_loop3A_295 = arith.index_cast %parallel_loop3A_234 : i32 to index
        %parallel_loop3A_296 = arith.constant 64 : index
        %parallel_loop3A_297 = tpu.vector_load %arg14[%parallel_loop3A_295, %parallel_loop3A_296] {strides = array<i32>} : memref<128x128xf32, #tpu.memory_space<vmem>>, vector<1x16xf32>,
        %parallel_loop3A_298 = vector.shape_cast %parallel_loop3A_297 : vector<1x16xf32> to vector<16xf32>
        %parallel_loop3A_299 = arith.mulf %parallel_loop3A_294, %parallel_loop3A_298 : vector<16xf32>
        %parallel_loop3A_300 = arith.index_cast %parallel_loop3A_234 : i32 to index
        %parallel_loop3A_301 = arith.constant 64 : index
        %parallel_loop3A_302 = tpu.vector_load %arg13[%parallel_loop3A_300, %parallel_loop3A_301] {strides = array<i32>} : memref<128x128xf32, #tpu.memory_space<vmem>>, vector<1x16xf32>,
        %parallel_loop3A_303 = vector.shape_cast %parallel_loop3A_302 : vector<1x16xf32> to vector<16xf32>
        %parallel_loop3A_304 = vector.shape_cast %parallel_loop3A_299 : vector<16xf32> to vector<1x16xf32>
        tpu.vector_store %arg13[%parallel_loop3A_300, %parallel_loop3A_301], %parallel_loop3A_304 {strides = array<i32>} : memref<128x128xf32, #tpu.memory_space<vmem>>, vector<1x16xf32>,
        %parallel_loop3A_305 = arith.index_cast %parallel_loop3A_234 : i32 to index
        %parallel_loop3A_306 = arith.constant 80 : index
        %parallel_loop3A_307 = tpu.vector_load %arg13[%parallel_loop3A_305, %parallel_loop3A_306] {strides = array<i32>} : memref<128x128xf32, #tpu.memory_space<vmem>>, vector<1x16xf32>,
        %parallel_loop3A_308 = vector.shape_cast %parallel_loop3A_307 : vector<1x16xf32> to vector<16xf32>
        %parallel_loop3A_309 = arith.index_cast %parallel_loop3A_234 : i32 to index
        %parallel_loop3A_310 = arith.constant 80 : index
        %parallel_loop3A_311 = tpu.vector_load %arg14[%parallel_loop3A_309, %parallel_loop3A_310] {strides = array<i32>} : memref<128x128xf32, #tpu.memory_space<vmem>>, vector<1x16xf32>,
        %parallel_loop3A_312 = vector.shape_cast %parallel_loop3A_311 : vector<1x16xf32> to vector<16xf32>
        %parallel_loop3A_313 = arith.mulf %parallel_loop3A_308, %parallel_loop3A_312 : vector<16xf32>
        %parallel_loop3A_314 = arith.index_cast %parallel_loop3A_234 : i32 to index
        %parallel_loop3A_315 = arith.constant 80 : index
        %parallel_loop3A_316 = tpu.vector_load %arg13[%parallel_loop3A_314, %parallel_loop3A_315] {strides = array<i32>} : memref<128x128xf32, #tpu.memory_space<vmem>>, vector<1x16xf32>,
        %parallel_loop3A_317 = vector.shape_cast %parallel_loop3A_316 : vector<1x16xf32> to vector<16xf32>
        %parallel_loop3A_318 = vector.shape_cast %parallel_loop3A_313 : vector<16xf32> to vector<1x16xf32>
        tpu.vector_store %arg13[%parallel_loop3A_314, %parallel_loop3A_315], %parallel_loop3A_318 {strides = array<i32>} : memref<128x128xf32, #tpu.memory_space<vmem>>, vector<1x16xf32>,
        %parallel_loop3A_319 = arith.index_cast %parallel_loop3A_234 : i32 to index
        %parallel_loop3A_320 = arith.constant 96 : index
        %parallel_loop3A_321 = tpu.vector_load %arg13[%parallel_loop3A_319, %parallel_loop3A_320] {strides = array<i32>} : memref<128x128xf32, #tpu.memory_space<vmem>>, vector<1x16xf32>,
        %parallel_loop3A_322 = vector.shape_cast %parallel_loop3A_321 : vector<1x16xf32> to vector<16xf32>
        %parallel_loop3A_323 = arith.index_cast %parallel_loop3A_234 : i32 to index
        %parallel_loop3A_324 = arith.constant 96 : index
        %parallel_loop3A_325 = tpu.vector_load %arg14[%parallel_loop3A_323, %parallel_loop3A_324] {strides = array<i32>} : memref<128x128xf32, #tpu.memory_space<vmem>>, vector<1x16xf32>,
        %parallel_loop3A_326 = vector.shape_cast %parallel_loop3A_325 : vector<1x16xf32> to vector<16xf32>
        %parallel_loop3A_327 = arith.mulf %parallel_loop3A_322, %parallel_loop3A_326 : vector<16xf32>
        %parallel_loop3A_328 = arith.index_cast %parallel_loop3A_234 : i32 to index
        %parallel_loop3A_329 = arith.constant 96 : index
        %parallel_loop3A_330 = tpu.vector_load %arg13[%parallel_loop3A_328, %parallel_loop3A_329] {strides = array<i32>} : memref<128x128xf32, #tpu.memory_space<vmem>>, vector<1x16xf32>,
        %parallel_loop3A_331 = vector.shape_cast %parallel_loop3A_330 : vector<1x16xf32> to vector<16xf32>
        %parallel_loop3A_332 = vector.shape_cast %parallel_loop3A_327 : vector<16xf32> to vector<1x16xf32>
        tpu.vector_store %arg13[%parallel_loop3A_328, %parallel_loop3A_329], %parallel_loop3A_332 {strides = array<i32>} : memref<128x128xf32, #tpu.memory_space<vmem>>, vector<1x16xf32>,
        %parallel_loop3A_333 = arith.index_cast %parallel_loop3A_234 : i32 to index
        %parallel_loop3A_334 = arith.constant 112 : index
        %parallel_loop3A_335 = tpu.vector_load %arg13[%parallel_loop3A_333, %parallel_loop3A_334] {strides = array<i32>} : memref<128x128xf32, #tpu.memory_space<vmem>>, vector<1x16xf32>,
        %parallel_loop3A_336 = vector.shape_cast %parallel_loop3A_335 : vector<1x16xf32> to vector<16xf32>
        %parallel_loop3A_337 = arith.index_cast %parallel_loop3A_234 : i32 to index
        %parallel_loop3A_338 = arith.constant 112 : index
        %parallel_loop3A_339 = tpu.vector_load %arg14[%parallel_loop3A_337, %parallel_loop3A_338] {strides = array<i32>} : memref<128x128xf32, #tpu.memory_space<vmem>>, vector<1x16xf32>,
        %parallel_loop3A_340 = vector.shape_cast %parallel_loop3A_339 : vector<1x16xf32> to vector<16xf32>
        %parallel_loop3A_341 = arith.mulf %parallel_loop3A_336, %parallel_loop3A_340 : vector<16xf32>
        %parallel_loop3A_342 = arith.index_cast %parallel_loop3A_234 : i32 to index
        %parallel_loop3A_343 = arith.constant 112 : index
        %parallel_loop3A_344 = tpu.vector_load %arg13[%parallel_loop3A_342, %parallel_loop3A_343] {strides = array<i32>} : memref<128x128xf32, #tpu.memory_space<vmem>>, vector<1x16xf32>,
        %parallel_loop3A_345 = vector.shape_cast %parallel_loop3A_344 : vector<1x16xf32> to vector<16xf32>
        %parallel_loop3A_346 = vector.shape_cast %parallel_loop3A_341 : vector<16xf32> to vector<1x16xf32>
        tpu.vector_store %arg13[%parallel_loop3A_342, %parallel_loop3A_343], %parallel_loop3A_346 {strides = array<i32>} : memref<128x128xf32, #tpu.memory_space<vmem>>, vector<1x16xf32>,
      } {sc.loop_unroll_factor = 2 : i64, sc.parallel_access}
      "tpu.region"() ({
        %run_scoped3A = tpu.sem_alloc : memref<!tpu.dma_semaphore, #tpu.memory_space<semaphore_mem>>
        %dma_start3A_234 = arith.constant 0 : i32
        %dma_start3A_235 = arith.constant 0 : i32
        %dma_start3A_236 = tpu.memref_slice %arg15[%dma_start3A_234, %dma_start3A_235] : memref<10112x128xf32, #tpu.memory_space<vmem_shared>> -> memref<10112x128xf32, #tpu.memory_space<vmem_shared>>
        tpu.enqueue_indirect_dma source(%arg13 : memref<128x128xf32, #tpu.memory_space<vmem>>) target(%dma_start3A_236 : memref<10112x128xf32, #tpu.memory_space<vmem_shared>>) offsets(%arg11 : memref<128xi32, #tpu.memory_space<vmem>>) semaphore(%run_scoped3A : memref<!tpu.dma_semaphore, #tpu.memory_space<semaphore_mem>>) {add = true}
        %dma_wait3A_237 = arith.constant 0 : i32
        %dma_wait3A_238 = arith.constant 0 : i32
        %dma_wait3A_239 = tpu.memref_slice %arg15[%dma_wait3A_237, %dma_wait3A_238] : memref<10112x128xf32, #tpu.memory_space<vmem_shared>> -> memref<10112x128xf32, #tpu.memory_space<vmem_shared>>
        tpu.wait_indirect_dma semaphore(%run_scoped3A : memref<!tpu.dma_semaphore, #tpu.memory_space<semaphore_mem>>) src(%arg13 : memref<128x128xf32, #tpu.memory_space<vmem>>) dst(%dma_wait3A_239 : memref<10112x128xf32, #tpu.memory_space<vmem_shared>>)
        tpu.yield
      }) : () -> ()
    }
    %scan3A_33 = arith.constant 39 : i32
    %mul3A_34 = arith.constant 80 : i32
    %mul3A_35 = arith.muli %add3A, %mul3A_34 : i32
    %add3A_36 = arith.constant 78 : i32
    %add3A_37 = arith.addi %mul3A_35, %add3A_36 : i32
    %mul3A_38 = arith.constant 128 : i32
    %mul3A_39 = arith.muli %add3A_37, %mul3A_38 : i32
    %dma_start3A_40 = arith.constant 0 : i32
    %dma_start3A_41 = tpu.memref_slice %arg5[%mul3A_39, %dma_start3A_40] : memref<327680x128xf32, #tpu.memory_space<hbm>> -> memref<128x128xf32, #tpu.memory_space<hbm>>
    %dma_start3A_42 = arith.constant 0 : i32
    %dma_start3A_43 = tpu.memref_slice %arg5[%mul3A_39, %dma_start3A_42] : memref<327680x128xf32, #tpu.memory_space<hbm>> -> memref<128x128xf32, #tpu.memory_space<hbm>>
    tpu.enqueue_dma source(%dma_start3A_43 : memref<128x128xf32, #tpu.memory_space<hbm>>) target(%arg14 : memref<128x128xf32, #tpu.memory_space<vmem>>) target_semaphore(%arg22 : memref<!tpu.dma_semaphore, #tpu.memory_space<semaphore_mem>>)
    %mul3A_44 = arith.constant 80 : i32
    %mul3A_45 = arith.muli %add3A, %mul3A_44 : i32
    %add3A_46 = arith.constant 79 : i32
    %add3A_47 = arith.addi %mul3A_45, %add3A_46 : i32
    %mul3A_48 = arith.constant 128 : i32
    %mul3A_49 = arith.muli %add3A_47, %mul3A_48 : i32
    %dma_wait3A = tpu.memref_slice %arg3[%mul3A_49] : memref<327680xi32, #tpu.memory_space<hbm>> -> memref<128xi32, #tpu.memory_space<hbm>>
    %dma_wait3A_50 = tpu.memref_slice %arg3[%mul3A_49] : memref<327680xi32, #tpu.memory_space<hbm>> -> memref<128xi32, #tpu.memory_space<hbm>>
    tpu.wait_dma2 semaphore(%arg19 : memref<!tpu.dma_semaphore, #tpu.memory_space<semaphore_mem>>) src(%dma_wait3A_50 : memref<128xi32, #tpu.memory_space<hbm>>) dst(%arg9 : memref<128xi32, #tpu.memory_space<vmem>>)
    %dma_start3A_51 = arith.constant 0 : i32
    %dma_start3A_52 = arith.constant 0 : i32
    %dma_start3A_53 = tpu.memref_slice %arg2[%dma_start3A_51, %dma_start3A_52] : memref<10000x128xf32, #tpu.memory_space<hbm>> -> memref<10000x128xf32, #tpu.memory_space<hbm>>
    tpu.enqueue_indirect_dma source(%dma_start3A_53 : memref<10000x128xf32, #tpu.memory_space<hbm>>) target(%arg13 : memref<128x128xf32, #tpu.memory_space<vmem>>) offsets(%arg9 : memref<128xi32, #tpu.memory_space<vmem>>) semaphore(%arg17 : memref<!tpu.dma_semaphore, #tpu.memory_space<semaphore_mem>>)
    %dma_wait3A_54 = arith.constant 0 : i32
    %dma_wait3A_55 = arith.constant 0 : i32
    %dma_wait3A_56 = tpu.memref_slice %arg2[%dma_wait3A_54, %dma_wait3A_55] : memref<10000x128xf32, #tpu.memory_space<hbm>> -> memref<10000x128xf32, #tpu.memory_space<hbm>>
    tpu.wait_indirect_dma semaphore(%arg16 : memref<!tpu.dma_semaphore, #tpu.memory_space<semaphore_mem>>) src(%dma_wait3A_56 : memref<10000x128xf32, #tpu.memory_space<hbm>>) dst(%arg12 : memref<128x128xf32, #tpu.memory_space<vmem>>)
    %mul3A_57 = arith.constant 80 : i32
    %mul3A_58 = arith.muli %add3A, %mul3A_57 : i32
    %add3A_59 = arith.constant 78 : i32
    %add3A_60 = arith.addi %mul3A_58, %add3A_59 : i32
    %mul3A_61 = arith.constant 128 : i32
    %mul3A_62 = arith.muli %add3A_60, %mul3A_61 : i32
    %dma_wait3A_63 = tpu.memref_slice %arg4[%mul3A_62] : memref<327680xi32, #tpu.memory_space<hbm>> -> memref<128xi32, #tpu.memory_space<hbm>>
    %dma_wait3A_64 = tpu.memref_slice %arg4[%mul3A_62] : memref<327680xi32, #tpu.memory_space<hbm>> -> memref<128xi32, #tpu.memory_space<hbm>>
    tpu.wait_dma2 semaphore(%arg20 : memref<!tpu.dma_semaphore, #tpu.memory_space<semaphore_mem>>) src(%dma_wait3A_64 : memref<128xi32, #tpu.memory_space<hbm>>) dst(%arg10 : memref<128xi32, #tpu.memory_space<vmem>>)
    %mul3A_65 = arith.constant 80 : i32
    %mul3A_66 = arith.muli %add3A, %mul3A_65 : i32
    %add3A_67 = arith.constant 79 : i32
    %add3A_68 = arith.addi %mul3A_66, %add3A_67 : i32
    %mul3A_69 = arith.constant 128 : i32
    %mul3A_70 = arith.muli %add3A_68, %mul3A_69 : i32
    %dma_start3A_71 = tpu.memref_slice %arg4[%mul3A_70] : memref<327680xi32, #tpu.memory_space<hbm>> -> memref<128xi32, #tpu.memory_space<hbm>>
    %dma_start3A_72 = tpu.memref_slice %arg4[%mul3A_70] : memref<327680xi32, #tpu.memory_space<hbm>> -> memref<128xi32, #tpu.memory_space<hbm>>
    tpu.enqueue_dma source(%dma_start3A_72 : memref<128xi32, #tpu.memory_space<hbm>>) target(%arg11 : memref<128xi32, #tpu.memory_space<vmem>>) target_semaphore(%arg21 : memref<!tpu.dma_semaphore, #tpu.memory_space<semaphore_mem>>)
    %dma_wait3A_73 = arith.constant 0 : i32
    %dma_wait3A_74 = tpu.memref_slice %arg5[%mul3A_39, %dma_wait3A_73] : memref<327680x128xf32, #tpu.memory_space<hbm>> -> memref<128x128xf32, #tpu.memory_space<hbm>>
    %dma_wait3A_75 = arith.constant 0 : i32
    %dma_wait3A_76 = tpu.memref_slice %arg5[%mul3A_39, %dma_wait3A_75] : memref<327680x128xf32, #tpu.memory_space<hbm>> -> memref<128x128xf32, #tpu.memory_space<hbm>>
    tpu.wait_dma2 semaphore(%arg22 : memref<!tpu.dma_semaphore, #tpu.memory_space<semaphore_mem>>) src(%dma_wait3A_76 : memref<128x128xf32, #tpu.memory_space<hbm>>) dst(%arg14 : memref<128x128xf32, #tpu.memory_space<vmem>>)
    %parallel_loop3A = arith.constant 0 : i32
    %parallel_loop3A_77 = arith.constant 128 : i32
    %parallel_loop3A_78 = arith.constant 1 : i32
    scf.for %parallel_loop3A_115 = %parallel_loop3A to %parallel_loop3A_77 step %parallel_loop3A_78  : i32 {
      %parallel_loop3A_116 = arith.index_cast %parallel_loop3A_115 : i32 to index
      %parallel_loop3A_117 = arith.constant 0 : index
      %parallel_loop3A_118 = tpu.vector_load %arg12[%parallel_loop3A_116, %parallel_loop3A_117] {strides = array<i32>} : memref<128x128xf32, #tpu.memory_space<vmem>>, vector<1x16xf32>,
      %parallel_loop3A_119 = vector.shape_cast %parallel_loop3A_118 : vector<1x16xf32> to vector<16xf32>
      %parallel_loop3A_120 = arith.index_cast %parallel_loop3A_115 : i32 to index
      %parallel_loop3A_121 = arith.constant 0 : index
      %parallel_loop3A_122 = tpu.vector_load %arg14[%parallel_loop3A_120, %parallel_loop3A_121] {strides = array<i32>} : memref<128x128xf32, #tpu.memory_space<vmem>>, vector<1x16xf32>,
      %parallel_loop3A_123 = vector.shape_cast %parallel_loop3A_122 : vector<1x16xf32> to vector<16xf32>
      %parallel_loop3A_124 = arith.mulf %parallel_loop3A_119, %parallel_loop3A_123 : vector<16xf32>
      %parallel_loop3A_125 = arith.index_cast %parallel_loop3A_115 : i32 to index
      %parallel_loop3A_126 = arith.constant 0 : index
      %parallel_loop3A_127 = tpu.vector_load %arg12[%parallel_loop3A_125, %parallel_loop3A_126] {strides = array<i32>} : memref<128x128xf32, #tpu.memory_space<vmem>>, vector<1x16xf32>,
      %parallel_loop3A_128 = vector.shape_cast %parallel_loop3A_127 : vector<1x16xf32> to vector<16xf32>
      %parallel_loop3A_129 = vector.shape_cast %parallel_loop3A_124 : vector<16xf32> to vector<1x16xf32>
      tpu.vector_store %arg12[%parallel_loop3A_125, %parallel_loop3A_126], %parallel_loop3A_129 {strides = array<i32>} : memref<128x128xf32, #tpu.memory_space<vmem>>, vector<1x16xf32>,
      %parallel_loop3A_130 = arith.index_cast %parallel_loop3A_115 : i32 to index
      %parallel_loop3A_131 = arith.constant 16 : index
      %parallel_loop3A_132 = tpu.vector_load %arg12[%parallel_loop3A_130, %parallel_loop3A_131] {strides = array<i32>} : memref<128x128xf32, #tpu.memory_space<vmem>>, vector<1x16xf32>,
      %parallel_loop3A_133 = vector.shape_cast %parallel_loop3A_132 : vector<1x16xf32> to vector<16xf32>
      %parallel_loop3A_134 = arith.index_cast %parallel_loop3A_115 : i32 to index
      %parallel_loop3A_135 = arith.constant 16 : index
      %parallel_loop3A_136 = tpu.vector_load %arg14[%parallel_loop3A_134, %parallel_loop3A_135] {strides = array<i32>} : memref<128x128xf32, #tpu.memory_space<vmem>>, vector<1x16xf32>,
      %parallel_loop3A_137 = vector.shape_cast %parallel_loop3A_136 : vector<1x16xf32> to vector<16xf32>
      %parallel_loop3A_138 = arith.mulf %parallel_loop3A_133, %parallel_loop3A_137 : vector<16xf32>
      %parallel_loop3A_139 = arith.index_cast %parallel_loop3A_115 : i32 to index
      %parallel_loop3A_140 = arith.constant 16 : index
      %parallel_loop3A_141 = tpu.vector_load %arg12[%parallel_loop3A_139, %parallel_loop3A_140] {strides = array<i32>} : memref<128x128xf32, #tpu.memory_space<vmem>>, vector<1x16xf32>,
      %parallel_loop3A_142 = vector.shape_cast %parallel_loop3A_141 : vector<1x16xf32> to vector<16xf32>
      %parallel_loop3A_143 = vector.shape_cast %parallel_loop3A_138 : vector<16xf32> to vector<1x16xf32>
      tpu.vector_store %arg12[%parallel_loop3A_139, %parallel_loop3A_140], %parallel_loop3A_143 {strides = array<i32>} : memref<128x128xf32, #tpu.memory_space<vmem>>, vector<1x16xf32>,
      %parallel_loop3A_144 = arith.index_cast %parallel_loop3A_115 : i32 to index
      %parallel_loop3A_145 = arith.constant 32 : index
      %parallel_loop3A_146 = tpu.vector_load %arg12[%parallel_loop3A_144, %parallel_loop3A_145] {strides = array<i32>} : memref<128x128xf32, #tpu.memory_space<vmem>>, vector<1x16xf32>,
      %parallel_loop3A_147 = vector.shape_cast %parallel_loop3A_146 : vector<1x16xf32> to vector<16xf32>
      %parallel_loop3A_148 = arith.index_cast %parallel_loop3A_115 : i32 to index
      %parallel_loop3A_149 = arith.constant 32 : index
      %parallel_loop3A_150 = tpu.vector_load %arg14[%parallel_loop3A_148, %parallel_loop3A_149] {strides = array<i32>} : memref<128x128xf32, #tpu.memory_space<vmem>>, vector<1x16xf32>,
      %parallel_loop3A_151 = vector.shape_cast %parallel_loop3A_150 : vector<1x16xf32> to vector<16xf32>
      %parallel_loop3A_152 = arith.mulf %parallel_loop3A_147, %parallel_loop3A_151 : vector<16xf32>
      %parallel_loop3A_153 = arith.index_cast %parallel_loop3A_115 : i32 to index
      %parallel_loop3A_154 = arith.constant 32 : index
      %parallel_loop3A_155 = tpu.vector_load %arg12[%parallel_loop3A_153, %parallel_loop3A_154] {strides = array<i32>} : memref<128x128xf32, #tpu.memory_space<vmem>>, vector<1x16xf32>,
      %parallel_loop3A_156 = vector.shape_cast %parallel_loop3A_155 : vector<1x16xf32> to vector<16xf32>
      %parallel_loop3A_157 = vector.shape_cast %parallel_loop3A_152 : vector<16xf32> to vector<1x16xf32>
      tpu.vector_store %arg12[%parallel_loop3A_153, %parallel_loop3A_154], %parallel_loop3A_157 {strides = array<i32>} : memref<128x128xf32, #tpu.memory_space<vmem>>, vector<1x16xf32>,
      %parallel_loop3A_158 = arith.index_cast %parallel_loop3A_115 : i32 to index
      %parallel_loop3A_159 = arith.constant 48 : index
      %parallel_loop3A_160 = tpu.vector_load %arg12[%parallel_loop3A_158, %parallel_loop3A_159] {strides = array<i32>} : memref<128x128xf32, #tpu.memory_space<vmem>>, vector<1x16xf32>,
      %parallel_loop3A_161 = vector.shape_cast %parallel_loop3A_160 : vector<1x16xf32> to vector<16xf32>
      %parallel_loop3A_162 = arith.index_cast %parallel_loop3A_115 : i32 to index
      %parallel_loop3A_163 = arith.constant 48 : index
      %parallel_loop3A_164 = tpu.vector_load %arg14[%parallel_loop3A_162, %parallel_loop3A_163] {strides = array<i32>} : memref<128x128xf32, #tpu.memory_space<vmem>>, vector<1x16xf32>,
      %parallel_loop3A_165 = vector.shape_cast %parallel_loop3A_164 : vector<1x16xf32> to vector<16xf32>
      %parallel_loop3A_166 = arith.mulf %parallel_loop3A_161, %parallel_loop3A_165 : vector<16xf32>
      %parallel_loop3A_167 = arith.index_cast %parallel_loop3A_115 : i32 to index
      %parallel_loop3A_168 = arith.constant 48 : index
      %parallel_loop3A_169 = tpu.vector_load %arg12[%parallel_loop3A_167, %parallel_loop3A_168] {strides = array<i32>} : memref<128x128xf32, #tpu.memory_space<vmem>>, vector<1x16xf32>,
      %parallel_loop3A_170 = vector.shape_cast %parallel_loop3A_169 : vector<1x16xf32> to vector<16xf32>
      %parallel_loop3A_171 = vector.shape_cast %parallel_loop3A_166 : vector<16xf32> to vector<1x16xf32>
      tpu.vector_store %arg12[%parallel_loop3A_167, %parallel_loop3A_168], %parallel_loop3A_171 {strides = array<i32>} : memref<128x128xf32, #tpu.memory_space<vmem>>, vector<1x16xf32>,
      %parallel_loop3A_172 = arith.index_cast %parallel_loop3A_115 : i32 to index
      %parallel_loop3A_173 = arith.constant 64 : index
      %parallel_loop3A_174 = tpu.vector_load %arg12[%parallel_loop3A_172, %parallel_loop3A_173] {strides = array<i32>} : memref<128x128xf32, #tpu.memory_space<vmem>>, vector<1x16xf32>,
      %parallel_loop3A_175 = vector.shape_cast %parallel_loop3A_174 : vector<1x16xf32> to vector<16xf32>
      %parallel_loop3A_176 = arith.index_cast %parallel_loop3A_115 : i32 to index
      %parallel_loop3A_177 = arith.constant 64 : index
      %parallel_loop3A_178 = tpu.vector_load %arg14[%parallel_loop3A_176, %parallel_loop3A_177] {strides = array<i32>} : memref<128x128xf32, #tpu.memory_space<vmem>>, vector<1x16xf32>,
      %parallel_loop3A_179 = vector.shape_cast %parallel_loop3A_178 : vector<1x16xf32> to vector<16xf32>
      %parallel_loop3A_180 = arith.mulf %parallel_loop3A_175, %parallel_loop3A_179 : vector<16xf32>
      %parallel_loop3A_181 = arith.index_cast %parallel_loop3A_115 : i32 to index
      %parallel_loop3A_182 = arith.constant 64 : index
      %parallel_loop3A_183 = tpu.vector_load %arg12[%parallel_loop3A_181, %parallel_loop3A_182] {strides = array<i32>} : memref<128x128xf32, #tpu.memory_space<vmem>>, vector<1x16xf32>,
      %parallel_loop3A_184 = vector.shape_cast %parallel_loop3A_183 : vector<1x16xf32> to vector<16xf32>
      %parallel_loop3A_185 = vector.shape_cast %parallel_loop3A_180 : vector<16xf32> to vector<1x16xf32>
      tpu.vector_store %arg12[%parallel_loop3A_181, %parallel_loop3A_182], %parallel_loop3A_185 {strides = array<i32>} : memref<128x128xf32, #tpu.memory_space<vmem>>, vector<1x16xf32>,
      %parallel_loop3A_186 = arith.index_cast %parallel_loop3A_115 : i32 to index
      %parallel_loop3A_187 = arith.constant 80 : index
      %parallel_loop3A_188 = tpu.vector_load %arg12[%parallel_loop3A_186, %parallel_loop3A_187] {strides = array<i32>} : memref<128x128xf32, #tpu.memory_space<vmem>>, vector<1x16xf32>,
      %parallel_loop3A_189 = vector.shape_cast %parallel_loop3A_188 : vector<1x16xf32> to vector<16xf32>
      %parallel_loop3A_190 = arith.index_cast %parallel_loop3A_115 : i32 to index
      %parallel_loop3A_191 = arith.constant 80 : index
      %parallel_loop3A_192 = tpu.vector_load %arg14[%parallel_loop3A_190, %parallel_loop3A_191] {strides = array<i32>} : memref<128x128xf32, #tpu.memory_space<vmem>>, vector<1x16xf32>,
      %parallel_loop3A_193 = vector.shape_cast %parallel_loop3A_192 : vector<1x16xf32> to vector<16xf32>
      %parallel_loop3A_194 = arith.mulf %parallel_loop3A_189, %parallel_loop3A_193 : vector<16xf32>
      %parallel_loop3A_195 = arith.index_cast %parallel_loop3A_115 : i32 to index
      %parallel_loop3A_196 = arith.constant 80 : index
      %parallel_loop3A_197 = tpu.vector_load %arg12[%parallel_loop3A_195, %parallel_loop3A_196] {strides = array<i32>} : memref<128x128xf32, #tpu.memory_space<vmem>>, vector<1x16xf32>,
      %parallel_loop3A_198 = vector.shape_cast %parallel_loop3A_197 : vector<1x16xf32> to vector<16xf32>
      %parallel_loop3A_199 = vector.shape_cast %parallel_loop3A_194 : vector<16xf32> to vector<1x16xf32>
      tpu.vector_store %arg12[%parallel_loop3A_195, %parallel_loop3A_196], %parallel_loop3A_199 {strides = array<i32>} : memref<128x128xf32, #tpu.memory_space<vmem>>, vector<1x16xf32>,
      %parallel_loop3A_200 = arith.index_cast %parallel_loop3A_115 : i32 to index
      %parallel_loop3A_201 = arith.constant 96 : index
      %parallel_loop3A_202 = tpu.vector_load %arg12[%parallel_loop3A_200, %parallel_loop3A_201] {strides = array<i32>} : memref<128x128xf32, #tpu.memory_space<vmem>>, vector<1x16xf32>,
      %parallel_loop3A_203 = vector.shape_cast %parallel_loop3A_202 : vector<1x16xf32> to vector<16xf32>
      %parallel_loop3A_204 = arith.index_cast %parallel_loop3A_115 : i32 to index
      %parallel_loop3A_205 = arith.constant 96 : index
      %parallel_loop3A_206 = tpu.vector_load %arg14[%parallel_loop3A_204, %parallel_loop3A_205] {strides = array<i32>} : memref<128x128xf32, #tpu.memory_space<vmem>>, vector<1x16xf32>,
      %parallel_loop3A_207 = vector.shape_cast %parallel_loop3A_206 : vector<1x16xf32> to vector<16xf32>
      %parallel_loop3A_208 = arith.mulf %parallel_loop3A_203, %parallel_loop3A_207 : vector<16xf32>
      %parallel_loop3A_209 = arith.index_cast %parallel_loop3A_115 : i32 to index
      %parallel_loop3A_210 = arith.constant 96 : index
      %parallel_loop3A_211 = tpu.vector_load %arg12[%parallel_loop3A_209, %parallel_loop3A_210] {strides = array<i32>} : memref<128x128xf32, #tpu.memory_space<vmem>>, vector<1x16xf32>,
      %parallel_loop3A_212 = vector.shape_cast %parallel_loop3A_211 : vector<1x16xf32> to vector<16xf32>
      %parallel_loop3A_213 = vector.shape_cast %parallel_loop3A_208 : vector<16xf32> to vector<1x16xf32>
      tpu.vector_store %arg12[%parallel_loop3A_209, %parallel_loop3A_210], %parallel_loop3A_213 {strides = array<i32>} : memref<128x128xf32, #tpu.memory_space<vmem>>, vector<1x16xf32>,
      %parallel_loop3A_214 = arith.index_cast %parallel_loop3A_115 : i32 to index
      %parallel_loop3A_215 = arith.constant 112 : index
      %parallel_loop3A_216 = tpu.vector_load %arg12[%parallel_loop3A_214, %parallel_loop3A_215] {strides = array<i32>} : memref<128x128xf32, #tpu.memory_space<vmem>>, vector<1x16xf32>,
      %parallel_loop3A_217 = vector.shape_cast %parallel_loop3A_216 : vector<1x16xf32> to vector<16xf32>
      %parallel_loop3A_218 = arith.index_cast %parallel_loop3A_115 : i32 to index
      %parallel_loop3A_219 = arith.constant 112 : index
      %parallel_loop3A_220 = tpu.vector_load %arg14[%parallel_loop3A_218, %parallel_loop3A_219] {strides = array<i32>} : memref<128x128xf32, #tpu.memory_space<vmem>>, vector<1x16xf32>,
      %parallel_loop3A_221 = vector.shape_cast %parallel_loop3A_220 : vector<1x16xf32> to vector<16xf32>
      %parallel_loop3A_222 = arith.mulf %parallel_loop3A_217, %parallel_loop3A_221 : vector<16xf32>
      %parallel_loop3A_223 = arith.index_cast %parallel_loop3A_115 : i32 to index
      %parallel_loop3A_224 = arith.constant 112 : index
      %parallel_loop3A_225 = tpu.vector_load %arg12[%parallel_loop3A_223, %parallel_loop3A_224] {strides = array<i32>} : memref<128x128xf32, #tpu.memory_space<vmem>>, vector<1x16xf32>,
      %parallel_loop3A_226 = vector.shape_cast %parallel_loop3A_225 : vector<1x16xf32> to vector<16xf32>
      %parallel_loop3A_227 = vector.shape_cast %parallel_loop3A_222 : vector<16xf32> to vector<1x16xf32>
      tpu.vector_store %arg12[%parallel_loop3A_223, %parallel_loop3A_224], %parallel_loop3A_227 {strides = array<i32>} : memref<128x128xf32, #tpu.memory_space<vmem>>, vector<1x16xf32>,
    } {sc.loop_unroll_factor = 2 : i64, sc.parallel_access}
    "tpu.region"() ({
      %run_scoped3A = tpu.sem_alloc : memref<!tpu.dma_semaphore, #tpu.memory_space<semaphore_mem>>
      %dma_start3A_115 = arith.constant 0 : i32
      %dma_start3A_116 = arith.constant 0 : i32
      %dma_start3A_117 = tpu.memref_slice %arg15[%dma_start3A_115, %dma_start3A_116] : memref<10112x128xf32, #tpu.memory_space<vmem_shared>> -> memref<10112x128xf32, #tpu.memory_space<vmem_shared>>
      tpu.enqueue_indirect_dma source(%arg12 : memref<128x128xf32, #tpu.memory_space<vmem>>) target(%dma_start3A_117 : memref<10112x128xf32, #tpu.memory_space<vmem_shared>>) offsets(%arg10 : memref<128xi32, #tpu.memory_space<vmem>>) semaphore(%run_scoped3A : memref<!tpu.dma_semaphore, #tpu.memory_space<semaphore_mem>>) {add = true}
      %dma_wait3A_118 = arith.constant 0 : i32
      %dma_wait3A_119 = arith.constant 0 : i32
      %dma_wait3A_120 = tpu.memref_slice %arg15[%dma_wait3A_118, %dma_wait3A_119] : memref<10112x128xf32, #tpu.memory_space<vmem_shared>> -> memref<10112x128xf32, #tpu.memory_space<vmem_shared>>
      tpu.wait_indirect_dma semaphore(%run_scoped3A : memref<!tpu.dma_semaphore, #tpu.memory_space<semaphore_mem>>) src(%arg12 : memref<128x128xf32, #tpu.memory_space<vmem>>) dst(%dma_wait3A_120 : memref<10112x128xf32, #tpu.memory_space<vmem_shared>>)
      tpu.yield
    }) : () -> ()
    %mul3A_79 = arith.constant 80 : i32
    %mul3A_80 = arith.muli %add3A, %mul3A_79 : i32
    %add3A_81 = arith.constant 79 : i32
    %add3A_82 = arith.addi %mul3A_80, %add3A_81 : i32
    %mul3A_83 = arith.constant 128 : i32
    %mul3A_84 = arith.muli %add3A_82, %mul3A_83 : i32
    %dma_start3A_85 = arith.constant 0 : i32
    %dma_start3A_86 = tpu.memref_slice %arg5[%mul3A_84, %dma_start3A_85] : memref<327680x128xf32, #tpu.memory_space<hbm>> -> memref<128x128xf32, #tpu.memory_space<hbm>>
    %dma_start3A_87 = arith.constant 0 : i32
    %dma_start3A_88 = tpu.memref_slice %arg5[%mul3A_84, %dma_start3A_87] : memref<327680x128xf32, #tpu.memory_space<hbm>> -> memref<128x128xf32, #tpu.memory_space<hbm>>
    tpu.enqueue_dma source(%dma_start3A_88 : memref<128x128xf32, #tpu.memory_space<hbm>>) target(%arg14 : memref<128x128xf32, #tpu.memory_space<vmem>>) target_semaphore(%arg22 : memref<!tpu.dma_semaphore, #tpu.memory_space<semaphore_mem>>)
    %dma_wait3A_89 = arith.constant 0 : i32
    %dma_wait3A_90 = arith.constant 0 : i32
    %dma_wait3A_91 = tpu.memref_slice %arg2[%dma_wait3A_89, %dma_wait3A_90] : memref<10000x128xf32, #tpu.memory_space<hbm>> -> memref<10000x128xf32, #tpu.memory_space<hbm>>
    tpu.wait_indirect_dma semaphore(%arg17 : memref<!tpu.dma_semaphore, #tpu.memory_space<semaphore_mem>>) src(%dma_wait3A_91 : memref<10000x128xf32, #tpu.memory_space<hbm>>) dst(%arg13 : memref<128x128xf32, #tpu.memory_space<vmem>>)
    %mul3A_92 = arith.constant 80 : i32
    %mul3A_93 = arith.muli %add3A, %mul3A_92 : i32
    %add3A_94 = arith.constant 79 : i32
    %add3A_95 = arith.addi %mul3A_93, %add3A_94 : i32
    %mul3A_96 = arith.constant 128 : i32
    %mul3A_97 = arith.muli %add3A_95, %mul3A_96 : i32
    %dma_wait3A_98 = tpu.memref_slice %arg4[%mul3A_97] : memref<327680xi32, #tpu.memory_space<hbm>> -> memref<128xi32, #tpu.memory_space<hbm>>
    %dma_wait3A_99 = tpu.memref_slice %arg4[%mul3A_97] : memref<327680xi32, #tpu.memory_space<hbm>> -> memref<128xi32, #tpu.memory_space<hbm>>
    tpu.wait_dma2 semaphore(%arg21 : memref<!tpu.dma_semaphore, #tpu.memory_space<semaphore_mem>>) src(%dma_wait3A_99 : memref<128xi32, #tpu.memory_space<hbm>>) dst(%arg11 : memref<128xi32, #tpu.memory_space<vmem>>)
    %dma_wait3A_100 = arith.constant 0 : i32
    %dma_wait3A_101 = tpu.memref_slice %arg5[%mul3A_84, %dma_wait3A_100] : memref<327680x128xf32, #tpu.memory_space<hbm>> -> memref<128x128xf32, #tpu.memory_space<hbm>>
    %dma_wait3A_102 = arith.constant 0 : i32
    %dma_wait3A_103 = tpu.memref_slice %arg5[%mul3A_84, %dma_wait3A_102] : memref<327680x128xf32, #tpu.memory_space<hbm>> -> memref<128x128xf32, #tpu.memory_space<hbm>>
    tpu.wait_dma2 semaphore(%arg22 : memref<!tpu.dma_semaphore, #tpu.memory_space<semaphore_mem>>) src(%dma_wait3A_103 : memref<128x128xf32, #tpu.memory_space<hbm>>) dst(%arg14 : memref<128x128xf32, #tpu.memory_space<vmem>>)
    %parallel_loop3A_104 = arith.constant 0 : i32
    %parallel_loop3A_105 = arith.constant 128 : i32
    %parallel_loop3A_106 = arith.constant 1 : i32
    scf.for %parallel_loop3A_115 = %parallel_loop3A_104 to %parallel_loop3A_105 step %parallel_loop3A_106  : i32 {
      %parallel_loop3A_116 = arith.index_cast %parallel_loop3A_115 : i32 to index
      %parallel_loop3A_117 = arith.constant 0 : index
      %parallel_loop3A_118 = tpu.vector_load %arg13[%parallel_loop3A_116, %parallel_loop3A_117] {strides = array<i32>} : memref<128x128xf32, #tpu.memory_space<vmem>>, vector<1x16xf32>,
      %parallel_loop3A_119 = vector.shape_cast %parallel_loop3A_118 : vector<1x16xf32> to vector<16xf32>
      %parallel_loop3A_120 = arith.index_cast %parallel_loop3A_115 : i32 to index
      %parallel_loop3A_121 = arith.constant 0 : index
      %parallel_loop3A_122 = tpu.vector_load %arg14[%parallel_loop3A_120, %parallel_loop3A_121] {strides = array<i32>} : memref<128x128xf32, #tpu.memory_space<vmem>>, vector<1x16xf32>,
      %parallel_loop3A_123 = vector.shape_cast %parallel_loop3A_122 : vector<1x16xf32> to vector<16xf32>
      %parallel_loop3A_124 = arith.mulf %parallel_loop3A_119, %parallel_loop3A_123 : vector<16xf32>
      %parallel_loop3A_125 = arith.index_cast %parallel_loop3A_115 : i32 to index
      %parallel_loop3A_126 = arith.constant 0 : index
      %parallel_loop3A_127 = tpu.vector_load %arg13[%parallel_loop3A_125, %parallel_loop3A_126] {strides = array<i32>} : memref<128x128xf32, #tpu.memory_space<vmem>>, vector<1x16xf32>,
      %parallel_loop3A_128 = vector.shape_cast %parallel_loop3A_127 : vector<1x16xf32> to vector<16xf32>
      %parallel_loop3A_129 = vector.shape_cast %parallel_loop3A_124 : vector<16xf32> to vector<1x16xf32>
      tpu.vector_store %arg13[%parallel_loop3A_125, %parallel_loop3A_126], %parallel_loop3A_129 {strides = array<i32>} : memref<128x128xf32, #tpu.memory_space<vmem>>, vector<1x16xf32>,
      %parallel_loop3A_130 = arith.index_cast %parallel_loop3A_115 : i32 to index
      %parallel_loop3A_131 = arith.constant 16 : index
      %parallel_loop3A_132 = tpu.vector_load %arg13[%parallel_loop3A_130, %parallel_loop3A_131] {strides = array<i32>} : memref<128x128xf32, #tpu.memory_space<vmem>>, vector<1x16xf32>,
      %parallel_loop3A_133 = vector.shape_cast %parallel_loop3A_132 : vector<1x16xf32> to vector<16xf32>
      %parallel_loop3A_134 = arith.index_cast %parallel_loop3A_115 : i32 to index
      %parallel_loop3A_135 = arith.constant 16 : index
      %parallel_loop3A_136 = tpu.vector_load %arg14[%parallel_loop3A_134, %parallel_loop3A_135] {strides = array<i32>} : memref<128x128xf32, #tpu.memory_space<vmem>>, vector<1x16xf32>,
      %parallel_loop3A_137 = vector.shape_cast %parallel_loop3A_136 : vector<1x16xf32> to vector<16xf32>
      %parallel_loop3A_138 = arith.mulf %parallel_loop3A_133, %parallel_loop3A_137 : vector<16xf32>
      %parallel_loop3A_139 = arith.index_cast %parallel_loop3A_115 : i32 to index
      %parallel_loop3A_140 = arith.constant 16 : index
      %parallel_loop3A_141 = tpu.vector_load %arg13[%parallel_loop3A_139, %parallel_loop3A_140] {strides = array<i32>} : memref<128x128xf32, #tpu.memory_space<vmem>>, vector<1x16xf32>,
      %parallel_loop3A_142 = vector.shape_cast %parallel_loop3A_141 : vector<1x16xf32> to vector<16xf32>
      %parallel_loop3A_143 = vector.shape_cast %parallel_loop3A_138 : vector<16xf32> to vector<1x16xf32>
      tpu.vector_store %arg13[%parallel_loop3A_139, %parallel_loop3A_140], %parallel_loop3A_143 {strides = array<i32>} : memref<128x128xf32, #tpu.memory_space<vmem>>, vector<1x16xf32>,
      %parallel_loop3A_144 = arith.index_cast %parallel_loop3A_115 : i32 to index
      %parallel_loop3A_145 = arith.constant 32 : index
      %parallel_loop3A_146 = tpu.vector_load %arg13[%parallel_loop3A_144, %parallel_loop3A_145] {strides = array<i32>} : memref<128x128xf32, #tpu.memory_space<vmem>>, vector<1x16xf32>,
      %parallel_loop3A_147 = vector.shape_cast %parallel_loop3A_146 : vector<1x16xf32> to vector<16xf32>
      %parallel_loop3A_148 = arith.index_cast %parallel_loop3A_115 : i32 to index
      %parallel_loop3A_149 = arith.constant 32 : index
      %parallel_loop3A_150 = tpu.vector_load %arg14[%parallel_loop3A_148, %parallel_loop3A_149] {strides = array<i32>} : memref<128x128xf32, #tpu.memory_space<vmem>>, vector<1x16xf32>,
      %parallel_loop3A_151 = vector.shape_cast %parallel_loop3A_150 : vector<1x16xf32> to vector<16xf32>
      %parallel_loop3A_152 = arith.mulf %parallel_loop3A_147, %parallel_loop3A_151 : vector<16xf32>
      %parallel_loop3A_153 = arith.index_cast %parallel_loop3A_115 : i32 to index
      %parallel_loop3A_154 = arith.constant 32 : index
      %parallel_loop3A_155 = tpu.vector_load %arg13[%parallel_loop3A_153, %parallel_loop3A_154] {strides = array<i32>} : memref<128x128xf32, #tpu.memory_space<vmem>>, vector<1x16xf32>,
      %parallel_loop3A_156 = vector.shape_cast %parallel_loop3A_155 : vector<1x16xf32> to vector<16xf32>
      %parallel_loop3A_157 = vector.shape_cast %parallel_loop3A_152 : vector<16xf32> to vector<1x16xf32>
      tpu.vector_store %arg13[%parallel_loop3A_153, %parallel_loop3A_154], %parallel_loop3A_157 {strides = array<i32>} : memref<128x128xf32, #tpu.memory_space<vmem>>, vector<1x16xf32>,
      %parallel_loop3A_158 = arith.index_cast %parallel_loop3A_115 : i32 to index
      %parallel_loop3A_159 = arith.constant 48 : index
      %parallel_loop3A_160 = tpu.vector_load %arg13[%parallel_loop3A_158, %parallel_loop3A_159] {strides = array<i32>} : memref<128x128xf32, #tpu.memory_space<vmem>>, vector<1x16xf32>,
      %parallel_loop3A_161 = vector.shape_cast %parallel_loop3A_160 : vector<1x16xf32> to vector<16xf32>
      %parallel_loop3A_162 = arith.index_cast %parallel_loop3A_115 : i32 to index
      %parallel_loop3A_163 = arith.constant 48 : index
      %parallel_loop3A_164 = tpu.vector_load %arg14[%parallel_loop3A_162, %parallel_loop3A_163] {strides = array<i32>} : memref<128x128xf32, #tpu.memory_space<vmem>>, vector<1x16xf32>,
      %parallel_loop3A_165 = vector.shape_cast %parallel_loop3A_164 : vector<1x16xf32> to vector<16xf32>
      %parallel_loop3A_166 = arith.mulf %parallel_loop3A_161, %parallel_loop3A_165 : vector<16xf32>
      %parallel_loop3A_167 = arith.index_cast %parallel_loop3A_115 : i32 to index
      %parallel_loop3A_168 = arith.constant 48 : index
      %parallel_loop3A_169 = tpu.vector_load %arg13[%parallel_loop3A_167, %parallel_loop3A_168] {strides = array<i32>} : memref<128x128xf32, #tpu.memory_space<vmem>>, vector<1x16xf32>,
      %parallel_loop3A_170 = vector.shape_cast %parallel_loop3A_169 : vector<1x16xf32> to vector<16xf32>
      %parallel_loop3A_171 = vector.shape_cast %parallel_loop3A_166 : vector<16xf32> to vector<1x16xf32>
      tpu.vector_store %arg13[%parallel_loop3A_167, %parallel_loop3A_168], %parallel_loop3A_171 {strides = array<i32>} : memref<128x128xf32, #tpu.memory_space<vmem>>, vector<1x16xf32>,
      %parallel_loop3A_172 = arith.index_cast %parallel_loop3A_115 : i32 to index
      %parallel_loop3A_173 = arith.constant 64 : index
      %parallel_loop3A_174 = tpu.vector_load %arg13[%parallel_loop3A_172, %parallel_loop3A_173] {strides = array<i32>} : memref<128x128xf32, #tpu.memory_space<vmem>>, vector<1x16xf32>,
      %parallel_loop3A_175 = vector.shape_cast %parallel_loop3A_174 : vector<1x16xf32> to vector<16xf32>
      %parallel_loop3A_176 = arith.index_cast %parallel_loop3A_115 : i32 to index
      %parallel_loop3A_177 = arith.constant 64 : index
      %parallel_loop3A_178 = tpu.vector_load %arg14[%parallel_loop3A_176, %parallel_loop3A_177] {strides = array<i32>} : memref<128x128xf32, #tpu.memory_space<vmem>>, vector<1x16xf32>,
      %parallel_loop3A_179 = vector.shape_cast %parallel_loop3A_178 : vector<1x16xf32> to vector<16xf32>
      %parallel_loop3A_180 = arith.mulf %parallel_loop3A_175, %parallel_loop3A_179 : vector<16xf32>
      %parallel_loop3A_181 = arith.index_cast %parallel_loop3A_115 : i32 to index
      %parallel_loop3A_182 = arith.constant 64 : index
      %parallel_loop3A_183 = tpu.vector_load %arg13[%parallel_loop3A_181, %parallel_loop3A_182] {strides = array<i32>} : memref<128x128xf32, #tpu.memory_space<vmem>>, vector<1x16xf32>,
      %parallel_loop3A_184 = vector.shape_cast %parallel_loop3A_183 : vector<1x16xf32> to vector<16xf32>
      %parallel_loop3A_185 = vector.shape_cast %parallel_loop3A_180 : vector<16xf32> to vector<1x16xf32>
      tpu.vector_store %arg13[%parallel_loop3A_181, %parallel_loop3A_182], %parallel_loop3A_185 {strides = array<i32>} : memref<128x128xf32, #tpu.memory_space<vmem>>, vector<1x16xf32>,
      %parallel_loop3A_186 = arith.index_cast %parallel_loop3A_115 : i32 to index
      %parallel_loop3A_187 = arith.constant 80 : index
      %parallel_loop3A_188 = tpu.vector_load %arg13[%parallel_loop3A_186, %parallel_loop3A_187] {strides = array<i32>} : memref<128x128xf32, #tpu.memory_space<vmem>>, vector<1x16xf32>,
      %parallel_loop3A_189 = vector.shape_cast %parallel_loop3A_188 : vector<1x16xf32> to vector<16xf32>
      %parallel_loop3A_190 = arith.index_cast %parallel_loop3A_115 : i32 to index
      %parallel_loop3A_191 = arith.constant 80 : index
      %parallel_loop3A_192 = tpu.vector_load %arg14[%parallel_loop3A_190, %parallel_loop3A_191] {strides = array<i32>} : memref<128x128xf32, #tpu.memory_space<vmem>>, vector<1x16xf32>,
      %parallel_loop3A_193 = vector.shape_cast %parallel_loop3A_192 : vector<1x16xf32> to vector<16xf32>
      %parallel_loop3A_194 = arith.mulf %parallel_loop3A_189, %parallel_loop3A_193 : vector<16xf32>
      %parallel_loop3A_195 = arith.index_cast %parallel_loop3A_115 : i32 to index
      %parallel_loop3A_196 = arith.constant 80 : index
      %parallel_loop3A_197 = tpu.vector_load %arg13[%parallel_loop3A_195, %parallel_loop3A_196] {strides = array<i32>} : memref<128x128xf32, #tpu.memory_space<vmem>>, vector<1x16xf32>,
      %parallel_loop3A_198 = vector.shape_cast %parallel_loop3A_197 : vector<1x16xf32> to vector<16xf32>
      %parallel_loop3A_199 = vector.shape_cast %parallel_loop3A_194 : vector<16xf32> to vector<1x16xf32>
      tpu.vector_store %arg13[%parallel_loop3A_195, %parallel_loop3A_196], %parallel_loop3A_199 {strides = array<i32>} : memref<128x128xf32, #tpu.memory_space<vmem>>, vector<1x16xf32>,
      %parallel_loop3A_200 = arith.index_cast %parallel_loop3A_115 : i32 to index
      %parallel_loop3A_201 = arith.constant 96 : index
      %parallel_loop3A_202 = tpu.vector_load %arg13[%parallel_loop3A_200, %parallel_loop3A_201] {strides = array<i32>} : memref<128x128xf32, #tpu.memory_space<vmem>>, vector<1x16xf32>,
      %parallel_loop3A_203 = vector.shape_cast %parallel_loop3A_202 : vector<1x16xf32> to vector<16xf32>
      %parallel_loop3A_204 = arith.index_cast %parallel_loop3A_115 : i32 to index
      %parallel_loop3A_205 = arith.constant 96 : index
      %parallel_loop3A_206 = tpu.vector_load %arg14[%parallel_loop3A_204, %parallel_loop3A_205] {strides = array<i32>} : memref<128x128xf32, #tpu.memory_space<vmem>>, vector<1x16xf32>,
      %parallel_loop3A_207 = vector.shape_cast %parallel_loop3A_206 : vector<1x16xf32> to vector<16xf32>
      %parallel_loop3A_208 = arith.mulf %parallel_loop3A_203, %parallel_loop3A_207 : vector<16xf32>
      %parallel_loop3A_209 = arith.index_cast %parallel_loop3A_115 : i32 to index
      %parallel_loop3A_210 = arith.constant 96 : index
      %parallel_loop3A_211 = tpu.vector_load %arg13[%parallel_loop3A_209, %parallel_loop3A_210] {strides = array<i32>} : memref<128x128xf32, #tpu.memory_space<vmem>>, vector<1x16xf32>,
      %parallel_loop3A_212 = vector.shape_cast %parallel_loop3A_211 : vector<1x16xf32> to vector<16xf32>
      %parallel_loop3A_213 = vector.shape_cast %parallel_loop3A_208 : vector<16xf32> to vector<1x16xf32>
      tpu.vector_store %arg13[%parallel_loop3A_209, %parallel_loop3A_210], %parallel_loop3A_213 {strides = array<i32>} : memref<128x128xf32, #tpu.memory_space<vmem>>, vector<1x16xf32>,
      %parallel_loop3A_214 = arith.index_cast %parallel_loop3A_115 : i32 to index
      %parallel_loop3A_215 = arith.constant 112 : index
      %parallel_loop3A_216 = tpu.vector_load %arg13[%parallel_loop3A_214, %parallel_loop3A_215] {strides = array<i32>} : memref<128x128xf32, #tpu.memory_space<vmem>>, vector<1x16xf32>,
      %parallel_loop3A_217 = vector.shape_cast %parallel_loop3A_216 : vector<1x16xf32> to vector<16xf32>
      %parallel_loop3A_218 = arith.index_cast %parallel_loop3A_115 : i32 to index
      %parallel_loop3A_219 = arith.constant 112 : index
      %parallel_loop3A_220 = tpu.vector_load %arg14[%parallel_loop3A_218, %parallel_loop3A_219] {strides = array<i32>} : memref<128x128xf32, #tpu.memory_space<vmem>>, vector<1x16xf32>,
      %parallel_loop3A_221 = vector.shape_cast %parallel_loop3A_220 : vector<1x16xf32> to vector<16xf32>
      %parallel_loop3A_222 = arith.mulf %parallel_loop3A_217, %parallel_loop3A_221 : vector<16xf32>
      %parallel_loop3A_223 = arith.index_cast %parallel_loop3A_115 : i32 to index
      %parallel_loop3A_224 = arith.constant 112 : index
      %parallel_loop3A_225 = tpu.vector_load %arg13[%parallel_loop3A_223, %parallel_loop3A_224] {strides = array<i32>} : memref<128x128xf32, #tpu.memory_space<vmem>>, vector<1x16xf32>,
      %parallel_loop3A_226 = vector.shape_cast %parallel_loop3A_225 : vector<1x16xf32> to vector<16xf32>
      %parallel_loop3A_227 = vector.shape_cast %parallel_loop3A_222 : vector<16xf32> to vector<1x16xf32>
      tpu.vector_store %arg13[%parallel_loop3A_223, %parallel_loop3A_224], %parallel_loop3A_227 {strides = array<i32>} : memref<128x128xf32, #tpu.memory_space<vmem>>, vector<1x16xf32>,
    } {sc.loop_unroll_factor = 2 : i64, sc.parallel_access}
    "tpu.region"() ({
      %run_scoped3A = tpu.sem_alloc : memref<!tpu.dma_semaphore, #tpu.memory_space<semaphore_mem>>
      %dma_start3A_115 = arith.constant 0 : i32
      %dma_start3A_116 = arith.constant 0 : i32
      %dma_start3A_117 = tpu.memref_slice %arg15[%dma_start3A_115, %dma_start3A_116] : memref<10112x128xf32, #tpu.memory_space<vmem_shared>> -> memref<10112x128xf32, #tpu.memory_space<vmem_shared>>
      tpu.enqueue_indirect_dma source(%arg13 : memref<128x128xf32, #tpu.memory_space<vmem>>) target(%dma_start3A_117 : memref<10112x128xf32, #tpu.memory_space<vmem_shared>>) offsets(%arg11 : memref<128xi32, #tpu.memory_space<vmem>>) semaphore(%run_scoped3A : memref<!tpu.dma_semaphore, #tpu.memory_space<semaphore_mem>>) {add = true}
      %dma_wait3A_118 = arith.constant 0 : i32
      %dma_wait3A_119 = arith.constant 0 : i32
      %dma_wait3A_120 = tpu.memref_slice %arg15[%dma_wait3A_118, %dma_wait3A_119] : memref<10112x128xf32, #tpu.memory_space<vmem_shared>> -> memref<10112x128xf32, #tpu.memory_space<vmem_shared>>
      tpu.wait_indirect_dma semaphore(%run_scoped3A : memref<!tpu.dma_semaphore, #tpu.memory_space<semaphore_mem>>) src(%arg13 : memref<128x128xf32, #tpu.memory_space<vmem>>) dst(%dma_wait3A_120 : memref<10112x128xf32, #tpu.memory_space<vmem_shared>>)
      tpu.yield
    }) : () -> ()
    %barrier3A_107 = arith.constant 0 : index
    tpu.barrier barrier_id(%barrier3A_107)
    %mul3A_108 = arith.constant 632 : i32
    %mul3A_109 = arith.muli %arg1, %mul3A_108 : i32
    %mul3A_110 = arith.constant 10112 : i32
    %mul3A_111 = arith.muli %arg0, %mul3A_110 : i32
    %mul3A_112 = arith.constant 632 : i32
    %mul3A_113 = arith.muli %arg1, %mul3A_112 : i32
    %add3A_114 = arith.addi %mul3A_111, %mul3A_113 : i32
    "tpu.region"() ({
      %run_scoped3A = tpu.sem_alloc : memref<!tpu.dma_semaphore, #tpu.memory_space<semaphore_mem>>
      %dma_start3A_115 = arith.constant 0 : i32
      %dma_start3A_116 = tpu.memref_slice %arg7[%add3A_114, %dma_start3A_115] : memref<20224x128xf32, #tpu.memory_space<hbm>> -> memref<632x128xf32, #tpu.memory_space<hbm>>
      %dma_start3A_117 = arith.constant 0 : i32
      %dma_start3A_118 = tpu.memref_slice %arg15[%mul3A_109, %dma_start3A_117] : memref<10112x128xf32, #tpu.memory_space<vmem_shared>> -> memref<632x128xf32, #tpu.memory_space<vmem_shared>>
      tpu.enqueue_dma source(%dma_start3A_118 : memref<632x128xf32, #tpu.memory_space<vmem_shared>>) target(%dma_start3A_116 : memref<632x128xf32, #tpu.memory_space<hbm>>) target_semaphore(%run_scoped3A : memref<!tpu.dma_semaphore, #tpu.memory_space<semaphore_mem>>)
      %dma_wait3A_119 = arith.constant 0 : i32
      %dma_wait3A_120 = tpu.memref_slice %arg7[%add3A_114, %dma_wait3A_119] : memref<20224x128xf32, #tpu.memory_space<hbm>> -> memref<632x128xf32, #tpu.memory_space<hbm>>
      %dma_wait3A_121 = arith.constant 0 : i32
      %dma_wait3A_122 = tpu.memref_slice %arg15[%mul3A_109, %dma_wait3A_121] : memref<10112x128xf32, #tpu.memory_space<vmem_shared>> -> memref<632x128xf32, #tpu.memory_space<vmem_shared>>
      tpu.wait_dma2 semaphore(%run_scoped3A : memref<!tpu.dma_semaphore, #tpu.memory_space<semaphore_mem>>) src(%dma_wait3A_122 : memref<632x128xf32, #tpu.memory_space<vmem_shared>>) dst(%dma_wait3A_120 : memref<632x128xf32, #tpu.memory_space<hbm>>)
      tpu.yield
    }) : () -> ()
    return
  }
}

#map = affine_map<(d0, d1) -> (0, 0)>
#map1 = affine_map<(d0, d1) -> (0)>
module attributes {stable_mosaic.version = 14 : i64} {
  func.func @_sc_agg_body(%arg0: i32, %arg1: i32, %arg2: memref<10000x128xf32, #tpu.memory_space<hbm>>, %arg3: memref<327680xi32, #tpu.memory_space<hbm>>, %arg4: memref<327680xi32, #tpu.memory_space<hbm>>, %arg5: memref<327680x128xf32, #tpu.memory_space<hbm>>, %arg6: memref<10112x128xf32, #tpu.memory_space<hbm>>, %arg7: memref<20224x128xf32, #tpu.memory_space<hbm>>, %arg8: memref<128xi32, #tpu.memory_space<vmem>>, %arg9: memref<128xi32, #tpu.memory_space<vmem>>, %arg10: memref<128xi32, #tpu.memory_space<vmem>>, %arg11: memref<128xi32, #tpu.memory_space<vmem>>, %arg12: memref<128x128xf32, #tpu.memory_space<vmem>>, %arg13: memref<128x128xf32, #tpu.memory_space<vmem>>, %arg14: memref<128x128xf32, #tpu.memory_space<vmem>>, %arg15: memref<10112x128xf32, #tpu.memory_space<vmem_shared>>, %arg16: memref<!tpu.dma_semaphore, #tpu.memory_space<semaphore_mem>>, %arg17: memref<!tpu.dma_semaphore, #tpu.memory_space<semaphore_mem>>, %arg18: memref<!tpu.dma_semaphore, #tpu.memory_space<semaphore_mem>>, %arg19: memref<!tpu.dma_semaphore, #tpu.memory_space<semaphore_mem>>, %arg20: memref<!tpu.dma_semaphore, #tpu.memory_space<semaphore_mem>>, %arg21: memref<!tpu.dma_semaphore, #tpu.memory_space<semaphore_mem>>, %arg22: memref<!tpu.dma_semaphore, #tpu.memory_space<semaphore_mem>>) attributes {dimension_semantics = [#tpu.dimension_semantics<core_parallel>, #tpu.dimension_semantics<subcore_parallel>], iteration_bounds = array<i64: 2, 16>, scalar_prefetch = 0 : i64, scratch_operands = 15 : i64, tpu.core_type = #tpu.core_type<sc_vector_subcore>, window_params = [{transform_indices = #map}, {transform_indices = #map1}, {transform_indices = #map1}, {transform_indices = #map}, {transform_indices = #map}, {transform_indices = #map}]} {
    %mul3A = arith.constant 16 : i32
    %mul3A_0 = arith.muli %arg0, %mul3A : i32
    %add3A = arith.addi %mul3A_0, %arg1 : i32
    %mul3A_1 = arith.constant 632 : i32
    %mul3A_2 = arith.muli %arg1, %mul3A_1 : i32
    %mul3A_3 = arith.constant 632 : i32
    %mul3A_4 = arith.muli %arg1, %mul3A_3 : i32
    "tpu.region"() ({
      %run_scoped3A = tpu.sem_alloc : memref<!tpu.dma_semaphore, #tpu.memory_space<semaphore_mem>>
      %dma_start3A_115 = arith.constant 0 : i32
      %dma_start3A_116 = tpu.memref_slice %arg15[%mul3A_4, %dma_start3A_115] : memref<10112x128xf32, #tpu.memory_space<vmem_shared>> -> memref<632x128xf32, #tpu.memory_space<vmem_shared>>
      %dma_start3A_117 = arith.constant 0 : i32
      %dma_start3A_118 = tpu.memref_slice %arg6[%mul3A_2, %dma_start3A_117] : memref<10112x128xf32, #tpu.memory_space<hbm>> -> memref<632x128xf32, #tpu.memory_space<hbm>>
      tpu.enqueue_dma source(%dma_start3A_118 : memref<632x128xf32, #tpu.memory_space<hbm>>) target(%dma_start3A_116 : memref<632x128xf32, #tpu.memory_space<vmem_shared>>) target_semaphore(%run_scoped3A : memref<!tpu.dma_semaphore, #tpu.memory_space<semaphore_mem>>)
      %dma_wait3A_119 = arith.constant 0 : i32
      %dma_wait3A_120 = tpu.memref_slice %arg15[%mul3A_4, %dma_wait3A_119] : memref<10112x128xf32, #tpu.memory_space<vmem_shared>> -> memref<632x128xf32, #tpu.memory_space<vmem_shared>>
      %dma_wait3A_121 = arith.constant 0 : i32
      %dma_wait3A_122 = tpu.memref_slice %arg6[%mul3A_2, %dma_wait3A_121] : memref<10112x128xf32, #tpu.memory_space<hbm>> -> memref<632x128xf32, #tpu.memory_space<hbm>>
      tpu.wait_dma2 semaphore(%run_scoped3A : memref<!tpu.dma_semaphore, #tpu.memory_space<semaphore_mem>>) src(%dma_wait3A_122 : memref<632x128xf32, #tpu.memory_space<hbm>>) dst(%dma_wait3A_120 : memref<632x128xf32, #tpu.memory_space<vmem_shared>>)
      tpu.yield
    }) : () -> ()
    %barrier3A = arith.constant 0 : index
    tpu.barrier barrier_id(%barrier3A)
    %mul3A_5 = arith.constant 80 : i32
    %mul3A_6 = arith.muli %add3A, %mul3A_5 : i32
    %add3A_7 = arith.constant 0 : i32
    %add3A_8 = arith.addi %mul3A_6, %add3A_7 : i32
    %mul3A_9 = arith.constant 128 : i32
    %mul3A_10 = arith.muli %add3A_8, %mul3A_9 : i32
    "tpu.region"() ({
      %run_scoped3A = tpu.sem_alloc : memref<!tpu.dma_semaphore, #tpu.memory_space<semaphore_mem>>
      %dma_start3A_115 = tpu.memref_slice %arg3[%mul3A_10] : memref<327680xi32, #tpu.memory_space<hbm>> -> memref<128xi32, #tpu.memory_space<hbm>>
      %dma_start3A_116 = tpu.memref_slice %arg3[%mul3A_10] : memref<327680xi32, #tpu.memory_space<hbm>> -> memref<128xi32, #tpu.memory_space<hbm>>
      tpu.enqueue_dma source(%dma_start3A_116 : memref<128xi32, #tpu.memory_space<hbm>>) target(%arg8 : memref<128xi32, #tpu.memory_space<vmem>>) target_semaphore(%run_scoped3A : memref<!tpu.dma_semaphore, #tpu.memory_space<semaphore_mem>>)
      %dma_wait3A_117 = tpu.memref_slice %arg3[%mul3A_10] : memref<327680xi32, #tpu.memory_space<hbm>> -> memref<128xi32, #tpu.memory_space<hbm>>
      %dma_wait3A_118 = tpu.memref_slice %arg3[%mul3A_10] : memref<327680xi32, #tpu.memory_space<hbm>> -> memref<128xi32, #tpu.memory_space<hbm>>
      tpu.wait_dma2 semaphore(%run_scoped3A : memref<!tpu.dma_semaphore, #tpu.memory_space<semaphore_mem>>) src(%dma_wait3A_118 : memref<128xi32, #tpu.memory_space<hbm>>) dst(%arg8 : memref<128xi32, #tpu.memory_space<vmem>>)
      tpu.yield
    }) : () -> ()
    %dma_start3A = arith.constant 0 : i32
    %dma_start3A_11 = arith.constant 0 : i32
    %dma_start3A_12 = tpu.memref_slice %arg2[%dma_start3A, %dma_start3A_11] : memref<10000x128xf32, #tpu.memory_space<hbm>> -> memref<10000x128xf32, #tpu.memory_space<hbm>>
    tpu.enqueue_indirect_dma source(%dma_start3A_12 : memref<10000x128xf32, #tpu.memory_space<hbm>>) target(%arg12 : memref<128x128xf32, #tpu.memory_space<vmem>>) offsets(%arg8 : memref<128xi32, #tpu.memory_space<vmem>>) semaphore(%arg16 : memref<!tpu.dma_semaphore, #tpu.memory_space<semaphore_mem>>)
    %mul3A_13 = arith.constant 80 : i32
    %mul3A_14 = arith.muli %add3A, %mul3A_13 : i32
    %add3A_15 = arith.constant 1 : i32
    %add3A_16 = arith.addi %mul3A_14, %add3A_15 : i32
    %mul3A_17 = arith.constant 128 : i32
    %mul3A_18 = arith.muli %add3A_16, %mul3A_17 : i32
    %dma_start3A_19 = tpu.memref_slice %arg3[%mul3A_18] : memref<327680xi32, #tpu.memory_space<hbm>> -> memref<128xi32, #tpu.memory_space<hbm>>
    %dma_start3A_20 = tpu.memref_slice %arg3[%mul3A_18] : memref<327680xi32, #tpu.memory_space<hbm>> -> memref<128xi32, #tpu.memory_space<hbm>>
    tpu.enqueue_dma source(%dma_start3A_20 : memref<128xi32, #tpu.memory_space<hbm>>) target(%arg9 : memref<128xi32, #tpu.memory_space<vmem>>) target_semaphore(%arg19 : memref<!tpu.dma_semaphore, #tpu.memory_space<semaphore_mem>>)
    %mul3A_21 = arith.constant 80 : i32
    %mul3A_22 = arith.muli %add3A, %mul3A_21 : i32
    %add3A_23 = arith.constant 0 : i32
    %add3A_24 = arith.addi %mul3A_22, %add3A_23 : i32
    %mul3A_25 = arith.constant 128 : i32
    %mul3A_26 = arith.muli %add3A_24, %mul3A_25 : i32
    %dma_start3A_27 = tpu.memref_slice %arg4[%mul3A_26] : memref<327680xi32, #tpu.memory_space<hbm>> -> memref<128xi32, #tpu.memory_space<hbm>>
    %dma_start3A_28 = tpu.memref_slice %arg4[%mul3A_26] : memref<327680xi32, #tpu.memory_space<hbm>> -> memref<128xi32, #tpu.memory_space<hbm>>
    tpu.enqueue_dma source(%dma_start3A_28 : memref<128xi32, #tpu.memory_space<hbm>>) target(%arg10 : memref<128xi32, #tpu.memory_space<vmem>>) target_semaphore(%arg20 : memref<!tpu.dma_semaphore, #tpu.memory_space<semaphore_mem>>)
    %scan3A = arith.constant 0 : i32
    %scan3A_29 = arith.constant 0 : i32
    %scan3A_30 = arith.constant 39 : i32
    %scan3A_31 = arith.addi %scan3A_29, %scan3A_30 : i32
    %scan3A_32 = arith.constant 1 : i32
    scf.for %scan3A_115 = %scan3A_29 to %scan3A_31 step %scan3A_32  : i32 {
      %mul3A_116 = arith.constant 2 : i32
      %mul3A_117 = arith.muli %mul3A_116, %scan3A_115 : i32
      %mul3A_118 = arith.constant 80 : i32
      %mul3A_119 = arith.muli %add3A, %mul3A_118 : i32
      %add3A_120 = arith.addi %mul3A_119, %mul3A_117 : i32
      %mul3A_121 = arith.constant 128 : i32
      %mul3A_122 = arith.muli %add3A_120, %mul3A_121 : i32
      %dma_start3A_123 = arith.constant 0 : i32
      %dma_start3A_124 = tpu.memref_slice %arg5[%mul3A_122, %dma_start3A_123] : memref<327680x128xf32, #tpu.memory_space<hbm>> -> memref<128x128xf32, #tpu.memory_space<hbm>>
      %dma_start3A_125 = arith.constant 0 : i32
      %dma_start3A_126 = tpu.memref_slice %arg5[%mul3A_122, %dma_start3A_125] : memref<327680x128xf32, #tpu.memory_space<hbm>> -> memref<128x128xf32, #tpu.memory_space<hbm>>
      tpu.enqueue_dma source(%dma_start3A_126 : memref<128x128xf32, #tpu.memory_space<hbm>>) target(%arg14 : memref<128x128xf32, #tpu.memory_space<vmem>>) target_semaphore(%arg22 : memref<!tpu.dma_semaphore, #tpu.memory_space<semaphore_mem>>)
      %add3A_127 = arith.constant 1 : i32
      %add3A_128 = arith.addi %mul3A_117, %add3A_127 : i32
      %mul3A_129 = arith.constant 80 : i32
      %mul3A_130 = arith.muli %add3A, %mul3A_129 : i32
      %add3A_131 = arith.addi %mul3A_130, %add3A_128 : i32
      %mul3A_132 = arith.constant 128 : i32
      %mul3A_133 = arith.muli %add3A_131, %mul3A_132 : i32
      %dma_wait3A_134 = tpu.memref_slice %arg3[%mul3A_133] : memref<327680xi32, #tpu.memory_space<hbm>> -> memref<128xi32, #tpu.memory_space<hbm>>
      %dma_wait3A_135 = tpu.memref_slice %arg3[%mul3A_133] : memref<327680xi32, #tpu.memory_space<hbm>> -> memref<128xi32, #tpu.memory_space<hbm>>
      tpu.wait_dma2 semaphore(%arg19 : memref<!tpu.dma_semaphore, #tpu.memory_space<semaphore_mem>>) src(%dma_wait3A_135 : memref<128xi32, #tpu.memory_space<hbm>>) dst(%arg9 : memref<128xi32, #tpu.memory_space<vmem>>)
      %dma_start3A_136 = arith.constant 0 : i32
      %dma_start3A_137 = arith.constant 0 : i32
      %dma_start3A_138 = tpu.memref_slice %arg2[%dma_start3A_136, %dma_start3A_137] : memref<10000x128xf32, #tpu.memory_space<hbm>> -> memref<10000x128xf32, #tpu.memory_space<hbm>>
      tpu.enqueue_indirect_dma source(%dma_start3A_138 : memref<10000x128xf32, #tpu.memory_space<hbm>>) target(%arg13 : memref<128x128xf32, #tpu.memory_space<vmem>>) offsets(%arg9 : memref<128xi32, #tpu.memory_space<vmem>>) semaphore(%arg17 : memref<!tpu.dma_semaphore, #tpu.memory_space<semaphore_mem>>)
      %dma_wait3A_139 = arith.constant 0 : i32
      %dma_wait3A_140 = arith.constant 0 : i32
      %dma_wait3A_141 = tpu.memref_slice %arg2[%dma_wait3A_139, %dma_wait3A_140] : memref<10000x128xf32, #tpu.memory_space<hbm>> -> memref<10000x128xf32, #tpu.memory_space<hbm>>
      tpu.wait_indirect_dma semaphore(%arg16 : memref<!tpu.dma_semaphore, #tpu.memory_space<semaphore_mem>>) src(%dma_wait3A_141 : memref<10000x128xf32, #tpu.memory_space<hbm>>) dst(%arg12 : memref<128x128xf32, #tpu.memory_space<vmem>>)
      %add3A_142 = arith.constant 2 : i32
      %add3A_143 = arith.addi %mul3A_117, %add3A_142 : i32
      %mul3A_144 = arith.constant 80 : i32
      %mul3A_145 = arith.muli %add3A, %mul3A_144 : i32
      %add3A_146 = arith.addi %mul3A_145, %add3A_143 : i32
      %mul3A_147 = arith.constant 128 : i32
      %mul3A_148 = arith.muli %add3A_146, %mul3A_147 : i32
      %dma_start3A_149 = tpu.memref_slice %arg3[%mul3A_148] : memref<327680xi32, #tpu.memory_space<hbm>> -> memref<128xi32, #tpu.memory_space<hbm>>
      %dma_start3A_150 = tpu.memref_slice %arg3[%mul3A_148] : memref<327680xi32, #tpu.memory_space<hbm>> -> memref<128xi32, #tpu.memory_space<hbm>>
      tpu.enqueue_dma source(%dma_start3A_150 : memref<128xi32, #tpu.memory_space<hbm>>) target(%arg8 : memref<128xi32, #tpu.memory_space<vmem>>) target_semaphore(%arg18 : memref<!tpu.dma_semaphore, #tpu.memory_space<semaphore_mem>>)
      %mul3A_151 = arith.constant 80 : i32
      %mul3A_152 = arith.muli %add3A, %mul3A_151 : i32
      %add3A_153 = arith.addi %mul3A_152, %mul3A_117 : i32
      %mul3A_154 = arith.constant 128 : i32
      %mul3A_155 = arith.muli %add3A_153, %mul3A_154 : i32
      %dma_wait3A_156 = tpu.memref_slice %arg4[%mul3A_155] : memref<327680xi32, #tpu.memory_space<hbm>> -> memref<128xi32, #tpu.memory_space<hbm>>
      %dma_wait3A_157 = tpu.memref_slice %arg4[%mul3A_155] : memref<327680xi32, #tpu.memory_space<hbm>> -> memref<128xi32, #tpu.memory_space<hbm>>
      tpu.wait_dma2 semaphore(%arg20 : memref<!tpu.dma_semaphore, #tpu.memory_space<semaphore_mem>>) src(%dma_wait3A_157 : memref<128xi32, #tpu.memory_space<hbm>>) dst(%arg10 : memref<128xi32, #tpu.memory_space<vmem>>)
      %add3A_158 = arith.constant 1 : i32
      %add3A_159 = arith.addi %mul3A_117, %add3A_158 : i32
      %mul3A_160 = arith.constant 80 : i32
      %mul3A_161 = arith.muli %add3A, %mul3A_160 : i32
      %add3A_162 = arith.addi %mul3A_161, %add3A_159 : i32
      %mul3A_163 = arith.constant 128 : i32
      %mul3A_164 = arith.muli %add3A_162, %mul3A_163 : i32
      %dma_start3A_165 = tpu.memref_slice %arg4[%mul3A_164] : memref<327680xi32, #tpu.memory_space<hbm>> -> memref<128xi32, #tpu.memory_space<hbm>>
      %dma_start3A_166 = tpu.memref_slice %arg4[%mul3A_164] : memref<327680xi32, #tpu.memory_space<hbm>> -> memref<128xi32, #tpu.memory_space<hbm>>
      tpu.enqueue_dma source(%dma_start3A_166 : memref<128xi32, #tpu.memory_space<hbm>>) target(%arg11 : memref<128xi32, #tpu.memory_space<vmem>>) target_semaphore(%arg21 : memref<!tpu.dma_semaphore, #tpu.memory_space<semaphore_mem>>)
      %dma_wait3A_167 = arith.constant 0 : i32
      %dma_wait3A_168 = tpu.memref_slice %arg5[%mul3A_122, %dma_wait3A_167] : memref<327680x128xf32, #tpu.memory_space<hbm>> -> memref<128x128xf32, #tpu.memory_space<hbm>>
      %dma_wait3A_169 = arith.constant 0 : i32
      %dma_wait3A_170 = tpu.memref_slice %arg5[%mul3A_122, %dma_wait3A_169] : memref<327680x128xf32, #tpu.memory_space<hbm>> -> memref<128x128xf32, #tpu.memory_space<hbm>>
      tpu.wait_dma2 semaphore(%arg22 : memref<!tpu.dma_semaphore, #tpu.memory_space<semaphore_mem>>) src(%dma_wait3A_170 : memref<128x128xf32, #tpu.memory_space<hbm>>) dst(%arg14 : memref<128x128xf32, #tpu.memory_space<vmem>>)
      %parallel_loop3A_171 = arith.constant 0 : i32
      %parallel_loop3A_172 = arith.constant 128 : i32
      %parallel_loop3A_173 = arith.constant 1 : i32
      scf.for %parallel_loop3A_234 = %parallel_loop3A_171 to %parallel_loop3A_172 step %parallel_loop3A_173  : i32 {
        %parallel_loop3A_235 = arith.index_cast %parallel_loop3A_234 : i32 to index
        %parallel_loop3A_236 = arith.constant 0 : index
        %parallel_loop3A_237 = tpu.vector_load %arg12[%parallel_loop3A_235, %parallel_loop3A_236] {strides = array<i32>} : memref<128x128xf32, #tpu.memory_space<vmem>>, vector<1x16xf32>,
        %parallel_loop3A_238 = vector.shape_cast %parallel_loop3A_237 : vector<1x16xf32> to vector<16xf32>
        %parallel_loop3A_239 = arith.index_cast %parallel_loop3A_234 : i32 to index
        %parallel_loop3A_240 = arith.constant 0 : index
        %parallel_loop3A_241 = tpu.vector_load %arg14[%parallel_loop3A_239, %parallel_loop3A_240] {strides = array<i32>} : memref<128x128xf32, #tpu.memory_space<vmem>>, vector<1x16xf32>,
        %parallel_loop3A_242 = vector.shape_cast %parallel_loop3A_241 : vector<1x16xf32> to vector<16xf32>
        %parallel_loop3A_243 = arith.mulf %parallel_loop3A_238, %parallel_loop3A_242 : vector<16xf32>
        %parallel_loop3A_244 = arith.index_cast %parallel_loop3A_234 : i32 to index
        %parallel_loop3A_245 = arith.constant 0 : index
        %parallel_loop3A_246 = tpu.vector_load %arg12[%parallel_loop3A_244, %parallel_loop3A_245] {strides = array<i32>} : memref<128x128xf32, #tpu.memory_space<vmem>>, vector<1x16xf32>,
        %parallel_loop3A_247 = vector.shape_cast %parallel_loop3A_246 : vector<1x16xf32> to vector<16xf32>
        %parallel_loop3A_248 = vector.shape_cast %parallel_loop3A_243 : vector<16xf32> to vector<1x16xf32>
        tpu.vector_store %arg12[%parallel_loop3A_244, %parallel_loop3A_245], %parallel_loop3A_248 {strides = array<i32>} : memref<128x128xf32, #tpu.memory_space<vmem>>, vector<1x16xf32>,
        %parallel_loop3A_249 = arith.index_cast %parallel_loop3A_234 : i32 to index
        %parallel_loop3A_250 = arith.constant 16 : index
        %parallel_loop3A_251 = tpu.vector_load %arg12[%parallel_loop3A_249, %parallel_loop3A_250] {strides = array<i32>} : memref<128x128xf32, #tpu.memory_space<vmem>>, vector<1x16xf32>,
        %parallel_loop3A_252 = vector.shape_cast %parallel_loop3A_251 : vector<1x16xf32> to vector<16xf32>
        %parallel_loop3A_253 = arith.index_cast %parallel_loop3A_234 : i32 to index
        %parallel_loop3A_254 = arith.constant 16 : index
        %parallel_loop3A_255 = tpu.vector_load %arg14[%parallel_loop3A_253, %parallel_loop3A_254] {strides = array<i32>} : memref<128x128xf32, #tpu.memory_space<vmem>>, vector<1x16xf32>,
        %parallel_loop3A_256 = vector.shape_cast %parallel_loop3A_255 : vector<1x16xf32> to vector<16xf32>
        %parallel_loop3A_257 = arith.mulf %parallel_loop3A_252, %parallel_loop3A_256 : vector<16xf32>
        %parallel_loop3A_258 = arith.index_cast %parallel_loop3A_234 : i32 to index
        %parallel_loop3A_259 = arith.constant 16 : index
        %parallel_loop3A_260 = tpu.vector_load %arg12[%parallel_loop3A_258, %parallel_loop3A_259] {strides = array<i32>} : memref<128x128xf32, #tpu.memory_space<vmem>>, vector<1x16xf32>,
        %parallel_loop3A_261 = vector.shape_cast %parallel_loop3A_260 : vector<1x16xf32> to vector<16xf32>
        %parallel_loop3A_262 = vector.shape_cast %parallel_loop3A_257 : vector<16xf32> to vector<1x16xf32>
        tpu.vector_store %arg12[%parallel_loop3A_258, %parallel_loop3A_259], %parallel_loop3A_262 {strides = array<i32>} : memref<128x128xf32, #tpu.memory_space<vmem>>, vector<1x16xf32>,
        %parallel_loop3A_263 = arith.index_cast %parallel_loop3A_234 : i32 to index
        %parallel_loop3A_264 = arith.constant 32 : index
        %parallel_loop3A_265 = tpu.vector_load %arg12[%parallel_loop3A_263, %parallel_loop3A_264] {strides = array<i32>} : memref<128x128xf32, #tpu.memory_space<vmem>>, vector<1x16xf32>,
        %parallel_loop3A_266 = vector.shape_cast %parallel_loop3A_265 : vector<1x16xf32> to vector<16xf32>
        %parallel_loop3A_267 = arith.index_cast %parallel_loop3A_234 : i32 to index
        %parallel_loop3A_268 = arith.constant 32 : index
        %parallel_loop3A_269 = tpu.vector_load %arg14[%parallel_loop3A_267, %parallel_loop3A_268] {strides = array<i32>} : memref<128x128xf32, #tpu.memory_space<vmem>>, vector<1x16xf32>,
        %parallel_loop3A_270 = vector.shape_cast %parallel_loop3A_269 : vector<1x16xf32> to vector<16xf32>
        %parallel_loop3A_271 = arith.mulf %parallel_loop3A_266, %parallel_loop3A_270 : vector<16xf32>
        %parallel_loop3A_272 = arith.index_cast %parallel_loop3A_234 : i32 to index
        %parallel_loop3A_273 = arith.constant 32 : index
        %parallel_loop3A_274 = tpu.vector_load %arg12[%parallel_loop3A_272, %parallel_loop3A_273] {strides = array<i32>} : memref<128x128xf32, #tpu.memory_space<vmem>>, vector<1x16xf32>,
        %parallel_loop3A_275 = vector.shape_cast %parallel_loop3A_274 : vector<1x16xf32> to vector<16xf32>
        %parallel_loop3A_276 = vector.shape_cast %parallel_loop3A_271 : vector<16xf32> to vector<1x16xf32>
        tpu.vector_store %arg12[%parallel_loop3A_272, %parallel_loop3A_273], %parallel_loop3A_276 {strides = array<i32>} : memref<128x128xf32, #tpu.memory_space<vmem>>, vector<1x16xf32>,
        %parallel_loop3A_277 = arith.index_cast %parallel_loop3A_234 : i32 to index
        %parallel_loop3A_278 = arith.constant 48 : index
        %parallel_loop3A_279 = tpu.vector_load %arg12[%parallel_loop3A_277, %parallel_loop3A_278] {strides = array<i32>} : memref<128x128xf32, #tpu.memory_space<vmem>>, vector<1x16xf32>,
        %parallel_loop3A_280 = vector.shape_cast %parallel_loop3A_279 : vector<1x16xf32> to vector<16xf32>
        %parallel_loop3A_281 = arith.index_cast %parallel_loop3A_234 : i32 to index
        %parallel_loop3A_282 = arith.constant 48 : index
        %parallel_loop3A_283 = tpu.vector_load %arg14[%parallel_loop3A_281, %parallel_loop3A_282] {strides = array<i32>} : memref<128x128xf32, #tpu.memory_space<vmem>>, vector<1x16xf32>,
        %parallel_loop3A_284 = vector.shape_cast %parallel_loop3A_283 : vector<1x16xf32> to vector<16xf32>
        %parallel_loop3A_285 = arith.mulf %parallel_loop3A_280, %parallel_loop3A_284 : vector<16xf32>
        %parallel_loop3A_286 = arith.index_cast %parallel_loop3A_234 : i32 to index
        %parallel_loop3A_287 = arith.constant 48 : index
        %parallel_loop3A_288 = tpu.vector_load %arg12[%parallel_loop3A_286, %parallel_loop3A_287] {strides = array<i32>} : memref<128x128xf32, #tpu.memory_space<vmem>>, vector<1x16xf32>,
        %parallel_loop3A_289 = vector.shape_cast %parallel_loop3A_288 : vector<1x16xf32> to vector<16xf32>
        %parallel_loop3A_290 = vector.shape_cast %parallel_loop3A_285 : vector<16xf32> to vector<1x16xf32>
        tpu.vector_store %arg12[%parallel_loop3A_286, %parallel_loop3A_287], %parallel_loop3A_290 {strides = array<i32>} : memref<128x128xf32, #tpu.memory_space<vmem>>, vector<1x16xf32>,
        %parallel_loop3A_291 = arith.index_cast %parallel_loop3A_234 : i32 to index
        %parallel_loop3A_292 = arith.constant 64 : index
        %parallel_loop3A_293 = tpu.vector_load %arg12[%parallel_loop3A_291, %parallel_loop3A_292] {strides = array<i32>} : memref<128x128xf32, #tpu.memory_space<vmem>>, vector<1x16xf32>,
        %parallel_loop3A_294 = vector.shape_cast %parallel_loop3A_293 : vector<1x16xf32> to vector<16xf32>
        %parallel_loop3A_295 = arith.index_cast %parallel_loop3A_234 : i32 to index
        %parallel_loop3A_296 = arith.constant 64 : index
        %parallel_loop3A_297 = tpu.vector_load %arg14[%parallel_loop3A_295, %parallel_loop3A_296] {strides = array<i32>} : memref<128x128xf32, #tpu.memory_space<vmem>>, vector<1x16xf32>,
        %parallel_loop3A_298 = vector.shape_cast %parallel_loop3A_297 : vector<1x16xf32> to vector<16xf32>
        %parallel_loop3A_299 = arith.mulf %parallel_loop3A_294, %parallel_loop3A_298 : vector<16xf32>
        %parallel_loop3A_300 = arith.index_cast %parallel_loop3A_234 : i32 to index
        %parallel_loop3A_301 = arith.constant 64 : index
        %parallel_loop3A_302 = tpu.vector_load %arg12[%parallel_loop3A_300, %parallel_loop3A_301] {strides = array<i32>} : memref<128x128xf32, #tpu.memory_space<vmem>>, vector<1x16xf32>,
        %parallel_loop3A_303 = vector.shape_cast %parallel_loop3A_302 : vector<1x16xf32> to vector<16xf32>
        %parallel_loop3A_304 = vector.shape_cast %parallel_loop3A_299 : vector<16xf32> to vector<1x16xf32>
        tpu.vector_store %arg12[%parallel_loop3A_300, %parallel_loop3A_301], %parallel_loop3A_304 {strides = array<i32>} : memref<128x128xf32, #tpu.memory_space<vmem>>, vector<1x16xf32>,
        %parallel_loop3A_305 = arith.index_cast %parallel_loop3A_234 : i32 to index
        %parallel_loop3A_306 = arith.constant 80 : index
        %parallel_loop3A_307 = tpu.vector_load %arg12[%parallel_loop3A_305, %parallel_loop3A_306] {strides = array<i32>} : memref<128x128xf32, #tpu.memory_space<vmem>>, vector<1x16xf32>,
        %parallel_loop3A_308 = vector.shape_cast %parallel_loop3A_307 : vector<1x16xf32> to vector<16xf32>
        %parallel_loop3A_309 = arith.index_cast %parallel_loop3A_234 : i32 to index
        %parallel_loop3A_310 = arith.constant 80 : index
        %parallel_loop3A_311 = tpu.vector_load %arg14[%parallel_loop3A_309, %parallel_loop3A_310] {strides = array<i32>} : memref<128x128xf32, #tpu.memory_space<vmem>>, vector<1x16xf32>,
        %parallel_loop3A_312 = vector.shape_cast %parallel_loop3A_311 : vector<1x16xf32> to vector<16xf32>
        %parallel_loop3A_313 = arith.mulf %parallel_loop3A_308, %parallel_loop3A_312 : vector<16xf32>
        %parallel_loop3A_314 = arith.index_cast %parallel_loop3A_234 : i32 to index
        %parallel_loop3A_315 = arith.constant 80 : index
        %parallel_loop3A_316 = tpu.vector_load %arg12[%parallel_loop3A_314, %parallel_loop3A_315] {strides = array<i32>} : memref<128x128xf32, #tpu.memory_space<vmem>>, vector<1x16xf32>,
        %parallel_loop3A_317 = vector.shape_cast %parallel_loop3A_316 : vector<1x16xf32> to vector<16xf32>
        %parallel_loop3A_318 = vector.shape_cast %parallel_loop3A_313 : vector<16xf32> to vector<1x16xf32>
        tpu.vector_store %arg12[%parallel_loop3A_314, %parallel_loop3A_315], %parallel_loop3A_318 {strides = array<i32>} : memref<128x128xf32, #tpu.memory_space<vmem>>, vector<1x16xf32>,
        %parallel_loop3A_319 = arith.index_cast %parallel_loop3A_234 : i32 to index
        %parallel_loop3A_320 = arith.constant 96 : index
        %parallel_loop3A_321 = tpu.vector_load %arg12[%parallel_loop3A_319, %parallel_loop3A_320] {strides = array<i32>} : memref<128x128xf32, #tpu.memory_space<vmem>>, vector<1x16xf32>,
        %parallel_loop3A_322 = vector.shape_cast %parallel_loop3A_321 : vector<1x16xf32> to vector<16xf32>
        %parallel_loop3A_323 = arith.index_cast %parallel_loop3A_234 : i32 to index
        %parallel_loop3A_324 = arith.constant 96 : index
        %parallel_loop3A_325 = tpu.vector_load %arg14[%parallel_loop3A_323, %parallel_loop3A_324] {strides = array<i32>} : memref<128x128xf32, #tpu.memory_space<vmem>>, vector<1x16xf32>,
        %parallel_loop3A_326 = vector.shape_cast %parallel_loop3A_325 : vector<1x16xf32> to vector<16xf32>
        %parallel_loop3A_327 = arith.mulf %parallel_loop3A_322, %parallel_loop3A_326 : vector<16xf32>
        %parallel_loop3A_328 = arith.index_cast %parallel_loop3A_234 : i32 to index
        %parallel_loop3A_329 = arith.constant 96 : index
        %parallel_loop3A_330 = tpu.vector_load %arg12[%parallel_loop3A_328, %parallel_loop3A_329] {strides = array<i32>} : memref<128x128xf32, #tpu.memory_space<vmem>>, vector<1x16xf32>,
        %parallel_loop3A_331 = vector.shape_cast %parallel_loop3A_330 : vector<1x16xf32> to vector<16xf32>
        %parallel_loop3A_332 = vector.shape_cast %parallel_loop3A_327 : vector<16xf32> to vector<1x16xf32>
        tpu.vector_store %arg12[%parallel_loop3A_328, %parallel_loop3A_329], %parallel_loop3A_332 {strides = array<i32>} : memref<128x128xf32, #tpu.memory_space<vmem>>, vector<1x16xf32>,
        %parallel_loop3A_333 = arith.index_cast %parallel_loop3A_234 : i32 to index
        %parallel_loop3A_334 = arith.constant 112 : index
        %parallel_loop3A_335 = tpu.vector_load %arg12[%parallel_loop3A_333, %parallel_loop3A_334] {strides = array<i32>} : memref<128x128xf32, #tpu.memory_space<vmem>>, vector<1x16xf32>,
        %parallel_loop3A_336 = vector.shape_cast %parallel_loop3A_335 : vector<1x16xf32> to vector<16xf32>
        %parallel_loop3A_337 = arith.index_cast %parallel_loop3A_234 : i32 to index
        %parallel_loop3A_338 = arith.constant 112 : index
        %parallel_loop3A_339 = tpu.vector_load %arg14[%parallel_loop3A_337, %parallel_loop3A_338] {strides = array<i32>} : memref<128x128xf32, #tpu.memory_space<vmem>>, vector<1x16xf32>,
        %parallel_loop3A_340 = vector.shape_cast %parallel_loop3A_339 : vector<1x16xf32> to vector<16xf32>
        %parallel_loop3A_341 = arith.mulf %parallel_loop3A_336, %parallel_loop3A_340 : vector<16xf32>
        %parallel_loop3A_342 = arith.index_cast %parallel_loop3A_234 : i32 to index
        %parallel_loop3A_343 = arith.constant 112 : index
        %parallel_loop3A_344 = tpu.vector_load %arg12[%parallel_loop3A_342, %parallel_loop3A_343] {strides = array<i32>} : memref<128x128xf32, #tpu.memory_space<vmem>>, vector<1x16xf32>,
        %parallel_loop3A_345 = vector.shape_cast %parallel_loop3A_344 : vector<1x16xf32> to vector<16xf32>
        %parallel_loop3A_346 = vector.shape_cast %parallel_loop3A_341 : vector<16xf32> to vector<1x16xf32>
        tpu.vector_store %arg12[%parallel_loop3A_342, %parallel_loop3A_343], %parallel_loop3A_346 {strides = array<i32>} : memref<128x128xf32, #tpu.memory_space<vmem>>, vector<1x16xf32>,
      } {sc.loop_unroll_factor = 2 : i64, sc.parallel_access}
      "tpu.region"() ({
        %run_scoped3A = tpu.sem_alloc : memref<!tpu.dma_semaphore, #tpu.memory_space<semaphore_mem>>
        %dma_start3A_234 = arith.constant 0 : i32
        %dma_start3A_235 = arith.constant 0 : i32
        %dma_start3A_236 = tpu.memref_slice %arg15[%dma_start3A_234, %dma_start3A_235] : memref<10112x128xf32, #tpu.memory_space<vmem_shared>> -> memref<10112x128xf32, #tpu.memory_space<vmem_shared>>
        tpu.enqueue_indirect_dma source(%arg12 : memref<128x128xf32, #tpu.memory_space<vmem>>) target(%dma_start3A_236 : memref<10112x128xf32, #tpu.memory_space<vmem_shared>>) offsets(%arg10 : memref<128xi32, #tpu.memory_space<vmem>>) semaphore(%run_scoped3A : memref<!tpu.dma_semaphore, #tpu.memory_space<semaphore_mem>>) {add = true}
        %dma_wait3A_237 = arith.constant 0 : i32
        %dma_wait3A_238 = arith.constant 0 : i32
        %dma_wait3A_239 = tpu.memref_slice %arg15[%dma_wait3A_237, %dma_wait3A_238] : memref<10112x128xf32, #tpu.memory_space<vmem_shared>> -> memref<10112x128xf32, #tpu.memory_space<vmem_shared>>
        tpu.wait_indirect_dma semaphore(%run_scoped3A : memref<!tpu.dma_semaphore, #tpu.memory_space<semaphore_mem>>) src(%arg12 : memref<128x128xf32, #tpu.memory_space<vmem>>) dst(%dma_wait3A_239 : memref<10112x128xf32, #tpu.memory_space<vmem_shared>>)
        tpu.yield
      }) : () -> ()
      %mul3A_174 = arith.constant 2 : i32
      %mul3A_175 = arith.muli %mul3A_174, %scan3A_115 : i32
      %add3A_176 = arith.constant 1 : i32
      %add3A_177 = arith.addi %mul3A_175, %add3A_176 : i32
      %mul3A_178 = arith.constant 80 : i32
      %mul3A_179 = arith.muli %add3A, %mul3A_178 : i32
      %add3A_180 = arith.addi %mul3A_179, %add3A_177 : i32
      %mul3A_181 = arith.constant 128 : i32
      %mul3A_182 = arith.muli %add3A_180, %mul3A_181 : i32
      %dma_start3A_183 = arith.constant 0 : i32
      %dma_start3A_184 = tpu.memref_slice %arg5[%mul3A_182, %dma_start3A_183] : memref<327680x128xf32, #tpu.memory_space<hbm>> -> memref<128x128xf32, #tpu.memory_space<hbm>>
      %dma_start3A_185 = arith.constant 0 : i32
      %dma_start3A_186 = tpu.memref_slice %arg5[%mul3A_182, %dma_start3A_185] : memref<327680x128xf32, #tpu.memory_space<hbm>> -> memref<128x128xf32, #tpu.memory_space<hbm>>
      tpu.enqueue_dma source(%dma_start3A_186 : memref<128x128xf32, #tpu.memory_space<hbm>>) target(%arg14 : memref<128x128xf32, #tpu.memory_space<vmem>>) target_semaphore(%arg22 : memref<!tpu.dma_semaphore, #tpu.memory_space<semaphore_mem>>)
      %add3A_187 = arith.constant 1 : i32
      %add3A_188 = arith.addi %add3A_177, %add3A_187 : i32
      %mul3A_189 = arith.constant 80 : i32
      %mul3A_190 = arith.muli %add3A, %mul3A_189 : i32
      %add3A_191 = arith.addi %mul3A_190, %add3A_188 : i32
      %mul3A_192 = arith.constant 128 : i32
      %mul3A_193 = arith.muli %add3A_191, %mul3A_192 : i32
      %dma_wait3A_194 = tpu.memref_slice %arg3[%mul3A_193] : memref<327680xi32, #tpu.memory_space<hbm>> -> memref<128xi32, #tpu.memory_space<hbm>>
      %dma_wait3A_195 = tpu.memref_slice %arg3[%mul3A_193] : memref<327680xi32, #tpu.memory_space<hbm>> -> memref<128xi32, #tpu.memory_space<hbm>>
      tpu.wait_dma2 semaphore(%arg18 : memref<!tpu.dma_semaphore, #tpu.memory_space<semaphore_mem>>) src(%dma_wait3A_195 : memref<128xi32, #tpu.memory_space<hbm>>) dst(%arg8 : memref<128xi32, #tpu.memory_space<vmem>>)
      %dma_start3A_196 = arith.constant 0 : i32
      %dma_start3A_197 = arith.constant 0 : i32
      %dma_start3A_198 = tpu.memref_slice %arg2[%dma_start3A_196, %dma_start3A_197] : memref<10000x128xf32, #tpu.memory_space<hbm>> -> memref<10000x128xf32, #tpu.memory_space<hbm>>
      tpu.enqueue_indirect_dma source(%dma_start3A_198 : memref<10000x128xf32, #tpu.memory_space<hbm>>) target(%arg12 : memref<128x128xf32, #tpu.memory_space<vmem>>) offsets(%arg8 : memref<128xi32, #tpu.memory_space<vmem>>) semaphore(%arg16 : memref<!tpu.dma_semaphore, #tpu.memory_space<semaphore_mem>>)
      %dma_wait3A_199 = arith.constant 0 : i32
      %dma_wait3A_200 = arith.constant 0 : i32
      %dma_wait3A_201 = tpu.memref_slice %arg2[%dma_wait3A_199, %dma_wait3A_200] : memref<10000x128xf32, #tpu.memory_space<hbm>> -> memref<10000x128xf32, #tpu.memory_space<hbm>>
      tpu.wait_indirect_dma semaphore(%arg17 : memref<!tpu.dma_semaphore, #tpu.memory_space<semaphore_mem>>) src(%dma_wait3A_201 : memref<10000x128xf32, #tpu.memory_space<hbm>>) dst(%arg13 : memref<128x128xf32, #tpu.memory_space<vmem>>)
      %add3A_202 = arith.constant 2 : i32
      %add3A_203 = arith.addi %add3A_177, %add3A_202 : i32
      %mul3A_204 = arith.constant 80 : i32
      %mul3A_205 = arith.muli %add3A, %mul3A_204 : i32
      %add3A_206 = arith.addi %mul3A_205, %add3A_203 : i32
      %mul3A_207 = arith.constant 128 : i32
      %mul3A_208 = arith.muli %add3A_206, %mul3A_207 : i32
      %dma_start3A_209 = tpu.memref_slice %arg3[%mul3A_208] : memref<327680xi32, #tpu.memory_space<hbm>> -> memref<128xi32, #tpu.memory_space<hbm>>
      %dma_start3A_210 = tpu.memref_slice %arg3[%mul3A_208] : memref<327680xi32, #tpu.memory_space<hbm>> -> memref<128xi32, #tpu.memory_space<hbm>>
      tpu.enqueue_dma source(%dma_start3A_210 : memref<128xi32, #tpu.memory_space<hbm>>) target(%arg9 : memref<128xi32, #tpu.memory_space<vmem>>) target_semaphore(%arg19 : memref<!tpu.dma_semaphore, #tpu.memory_space<semaphore_mem>>)
      %mul3A_211 = arith.constant 80 : i32
      %mul3A_212 = arith.muli %add3A, %mul3A_211 : i32
      %add3A_213 = arith.addi %mul3A_212, %add3A_177 : i32
      %mul3A_214 = arith.constant 128 : i32
      %mul3A_215 = arith.muli %add3A_213, %mul3A_214 : i32
      %dma_wait3A_216 = tpu.memref_slice %arg4[%mul3A_215] : memref<327680xi32, #tpu.memory_space<hbm>> -> memref<128xi32, #tpu.memory_space<hbm>>
      %dma_wait3A_217 = tpu.memref_slice %arg4[%mul3A_215] : memref<327680xi32, #tpu.memory_space<hbm>> -> memref<128xi32, #tpu.memory_space<hbm>>
      tpu.wait_dma2 semaphore(%arg21 : memref<!tpu.dma_semaphore, #tpu.memory_space<semaphore_mem>>) src(%dma_wait3A_217 : memref<128xi32, #tpu.memory_space<hbm>>) dst(%arg11 : memref<128xi32, #tpu.memory_space<vmem>>)
      %add3A_218 = arith.constant 1 : i32
      %add3A_219 = arith.addi %add3A_177, %add3A_218 : i32
      %mul3A_220 = arith.constant 80 : i32
      %mul3A_221 = arith.muli %add3A, %mul3A_220 : i32
      %add3A_222 = arith.addi %mul3A_221, %add3A_219 : i32
      %mul3A_223 = arith.constant 128 : i32
      %mul3A_224 = arith.muli %add3A_222, %mul3A_223 : i32
      %dma_start3A_225 = tpu.memref_slice %arg4[%mul3A_224] : memref<327680xi32, #tpu.memory_space<hbm>> -> memref<128xi32, #tpu.memory_space<hbm>>
      %dma_start3A_226 = tpu.memref_slice %arg4[%mul3A_224] : memref<327680xi32, #tpu.memory_space<hbm>> -> memref<128xi32, #tpu.memory_space<hbm>>
      tpu.enqueue_dma source(%dma_start3A_226 : memref<128xi32, #tpu.memory_space<hbm>>) target(%arg10 : memref<128xi32, #tpu.memory_space<vmem>>) target_semaphore(%arg20 : memref<!tpu.dma_semaphore, #tpu.memory_space<semaphore_mem>>)
      %dma_wait3A_227 = arith.constant 0 : i32
      %dma_wait3A_228 = tpu.memref_slice %arg5[%mul3A_182, %dma_wait3A_227] : memref<327680x128xf32, #tpu.memory_space<hbm>> -> memref<128x128xf32, #tpu.memory_space<hbm>>
      %dma_wait3A_229 = arith.constant 0 : i32
      %dma_wait3A_230 = tpu.memref_slice %arg5[%mul3A_182, %dma_wait3A_229] : memref<327680x128xf32, #tpu.memory_space<hbm>> -> memref<128x128xf32, #tpu.memory_space<hbm>>
      tpu.wait_dma2 semaphore(%arg22 : memref<!tpu.dma_semaphore, #tpu.memory_space<semaphore_mem>>) src(%dma_wait3A_230 : memref<128x128xf32, #tpu.memory_space<hbm>>) dst(%arg14 : memref<128x128xf32, #tpu.memory_space<vmem>>)
      %parallel_loop3A_231 = arith.constant 0 : i32
      %parallel_loop3A_232 = arith.constant 128 : i32
      %parallel_loop3A_233 = arith.constant 1 : i32
      scf.for %parallel_loop3A_234 = %parallel_loop3A_231 to %parallel_loop3A_232 step %parallel_loop3A_233  : i32 {
        %parallel_loop3A_235 = arith.index_cast %parallel_loop3A_234 : i32 to index
        %parallel_loop3A_236 = arith.constant 0 : index
        %parallel_loop3A_237 = tpu.vector_load %arg13[%parallel_loop3A_235, %parallel_loop3A_236] {strides = array<i32>} : memref<128x128xf32, #tpu.memory_space<vmem>>, vector<1x16xf32>,
        %parallel_loop3A_238 = vector.shape_cast %parallel_loop3A_237 : vector<1x16xf32> to vector<16xf32>
        %parallel_loop3A_239 = arith.index_cast %parallel_loop3A_234 : i32 to index
        %parallel_loop3A_240 = arith.constant 0 : index
        %parallel_loop3A_241 = tpu.vector_load %arg14[%parallel_loop3A_239, %parallel_loop3A_240] {strides = array<i32>} : memref<128x128xf32, #tpu.memory_space<vmem>>, vector<1x16xf32>,
        %parallel_loop3A_242 = vector.shape_cast %parallel_loop3A_241 : vector<1x16xf32> to vector<16xf32>
        %parallel_loop3A_243 = arith.mulf %parallel_loop3A_238, %parallel_loop3A_242 : vector<16xf32>
        %parallel_loop3A_244 = arith.index_cast %parallel_loop3A_234 : i32 to index
        %parallel_loop3A_245 = arith.constant 0 : index
        %parallel_loop3A_246 = tpu.vector_load %arg13[%parallel_loop3A_244, %parallel_loop3A_245] {strides = array<i32>} : memref<128x128xf32, #tpu.memory_space<vmem>>, vector<1x16xf32>,
        %parallel_loop3A_247 = vector.shape_cast %parallel_loop3A_246 : vector<1x16xf32> to vector<16xf32>
        %parallel_loop3A_248 = vector.shape_cast %parallel_loop3A_243 : vector<16xf32> to vector<1x16xf32>
        tpu.vector_store %arg13[%parallel_loop3A_244, %parallel_loop3A_245], %parallel_loop3A_248 {strides = array<i32>} : memref<128x128xf32, #tpu.memory_space<vmem>>, vector<1x16xf32>,
        %parallel_loop3A_249 = arith.index_cast %parallel_loop3A_234 : i32 to index
        %parallel_loop3A_250 = arith.constant 16 : index
        %parallel_loop3A_251 = tpu.vector_load %arg13[%parallel_loop3A_249, %parallel_loop3A_250] {strides = array<i32>} : memref<128x128xf32, #tpu.memory_space<vmem>>, vector<1x16xf32>,
        %parallel_loop3A_252 = vector.shape_cast %parallel_loop3A_251 : vector<1x16xf32> to vector<16xf32>
        %parallel_loop3A_253 = arith.index_cast %parallel_loop3A_234 : i32 to index
        %parallel_loop3A_254 = arith.constant 16 : index
        %parallel_loop3A_255 = tpu.vector_load %arg14[%parallel_loop3A_253, %parallel_loop3A_254] {strides = array<i32>} : memref<128x128xf32, #tpu.memory_space<vmem>>, vector<1x16xf32>,
        %parallel_loop3A_256 = vector.shape_cast %parallel_loop3A_255 : vector<1x16xf32> to vector<16xf32>
        %parallel_loop3A_257 = arith.mulf %parallel_loop3A_252, %parallel_loop3A_256 : vector<16xf32>
        %parallel_loop3A_258 = arith.index_cast %parallel_loop3A_234 : i32 to index
        %parallel_loop3A_259 = arith.constant 16 : index
        %parallel_loop3A_260 = tpu.vector_load %arg13[%parallel_loop3A_258, %parallel_loop3A_259] {strides = array<i32>} : memref<128x128xf32, #tpu.memory_space<vmem>>, vector<1x16xf32>,
        %parallel_loop3A_261 = vector.shape_cast %parallel_loop3A_260 : vector<1x16xf32> to vector<16xf32>
        %parallel_loop3A_262 = vector.shape_cast %parallel_loop3A_257 : vector<16xf32> to vector<1x16xf32>
        tpu.vector_store %arg13[%parallel_loop3A_258, %parallel_loop3A_259], %parallel_loop3A_262 {strides = array<i32>} : memref<128x128xf32, #tpu.memory_space<vmem>>, vector<1x16xf32>,
        %parallel_loop3A_263 = arith.index_cast %parallel_loop3A_234 : i32 to index
        %parallel_loop3A_264 = arith.constant 32 : index
        %parallel_loop3A_265 = tpu.vector_load %arg13[%parallel_loop3A_263, %parallel_loop3A_264] {strides = array<i32>} : memref<128x128xf32, #tpu.memory_space<vmem>>, vector<1x16xf32>,
        %parallel_loop3A_266 = vector.shape_cast %parallel_loop3A_265 : vector<1x16xf32> to vector<16xf32>
        %parallel_loop3A_267 = arith.index_cast %parallel_loop3A_234 : i32 to index
        %parallel_loop3A_268 = arith.constant 32 : index
        %parallel_loop3A_269 = tpu.vector_load %arg14[%parallel_loop3A_267, %parallel_loop3A_268] {strides = array<i32>} : memref<128x128xf32, #tpu.memory_space<vmem>>, vector<1x16xf32>,
        %parallel_loop3A_270 = vector.shape_cast %parallel_loop3A_269 : vector<1x16xf32> to vector<16xf32>
        %parallel_loop3A_271 = arith.mulf %parallel_loop3A_266, %parallel_loop3A_270 : vector<16xf32>
        %parallel_loop3A_272 = arith.index_cast %parallel_loop3A_234 : i32 to index
        %parallel_loop3A_273 = arith.constant 32 : index
        %parallel_loop3A_274 = tpu.vector_load %arg13[%parallel_loop3A_272, %parallel_loop3A_273] {strides = array<i32>} : memref<128x128xf32, #tpu.memory_space<vmem>>, vector<1x16xf32>,
        %parallel_loop3A_275 = vector.shape_cast %parallel_loop3A_274 : vector<1x16xf32> to vector<16xf32>
        %parallel_loop3A_276 = vector.shape_cast %parallel_loop3A_271 : vector<16xf32> to vector<1x16xf32>
        tpu.vector_store %arg13[%parallel_loop3A_272, %parallel_loop3A_273], %parallel_loop3A_276 {strides = array<i32>} : memref<128x128xf32, #tpu.memory_space<vmem>>, vector<1x16xf32>,
        %parallel_loop3A_277 = arith.index_cast %parallel_loop3A_234 : i32 to index
        %parallel_loop3A_278 = arith.constant 48 : index
        %parallel_loop3A_279 = tpu.vector_load %arg13[%parallel_loop3A_277, %parallel_loop3A_278] {strides = array<i32>} : memref<128x128xf32, #tpu.memory_space<vmem>>, vector<1x16xf32>,
        %parallel_loop3A_280 = vector.shape_cast %parallel_loop3A_279 : vector<1x16xf32> to vector<16xf32>
        %parallel_loop3A_281 = arith.index_cast %parallel_loop3A_234 : i32 to index
        %parallel_loop3A_282 = arith.constant 48 : index
        %parallel_loop3A_283 = tpu.vector_load %arg14[%parallel_loop3A_281, %parallel_loop3A_282] {strides = array<i32>} : memref<128x128xf32, #tpu.memory_space<vmem>>, vector<1x16xf32>,
        %parallel_loop3A_284 = vector.shape_cast %parallel_loop3A_283 : vector<1x16xf32> to vector<16xf32>
        %parallel_loop3A_285 = arith.mulf %parallel_loop3A_280, %parallel_loop3A_284 : vector<16xf32>
        %parallel_loop3A_286 = arith.index_cast %parallel_loop3A_234 : i32 to index
        %parallel_loop3A_287 = arith.constant 48 : index
        %parallel_loop3A_288 = tpu.vector_load %arg13[%parallel_loop3A_286, %parallel_loop3A_287] {strides = array<i32>} : memref<128x128xf32, #tpu.memory_space<vmem>>, vector<1x16xf32>,
        %parallel_loop3A_289 = vector.shape_cast %parallel_loop3A_288 : vector<1x16xf32> to vector<16xf32>
        %parallel_loop3A_290 = vector.shape_cast %parallel_loop3A_285 : vector<16xf32> to vector<1x16xf32>
        tpu.vector_store %arg13[%parallel_loop3A_286, %parallel_loop3A_287], %parallel_loop3A_290 {strides = array<i32>} : memref<128x128xf32, #tpu.memory_space<vmem>>, vector<1x16xf32>,
        %parallel_loop3A_291 = arith.index_cast %parallel_loop3A_234 : i32 to index
        %parallel_loop3A_292 = arith.constant 64 : index
        %parallel_loop3A_293 = tpu.vector_load %arg13[%parallel_loop3A_291, %parallel_loop3A_292] {strides = array<i32>} : memref<128x128xf32, #tpu.memory_space<vmem>>, vector<1x16xf32>,
        %parallel_loop3A_294 = vector.shape_cast %parallel_loop3A_293 : vector<1x16xf32> to vector<16xf32>
        %parallel_loop3A_295 = arith.index_cast %parallel_loop3A_234 : i32 to index
        %parallel_loop3A_296 = arith.constant 64 : index
        %parallel_loop3A_297 = tpu.vector_load %arg14[%parallel_loop3A_295, %parallel_loop3A_296] {strides = array<i32>} : memref<128x128xf32, #tpu.memory_space<vmem>>, vector<1x16xf32>,
        %parallel_loop3A_298 = vector.shape_cast %parallel_loop3A_297 : vector<1x16xf32> to vector<16xf32>
        %parallel_loop3A_299 = arith.mulf %parallel_loop3A_294, %parallel_loop3A_298 : vector<16xf32>
        %parallel_loop3A_300 = arith.index_cast %parallel_loop3A_234 : i32 to index
        %parallel_loop3A_301 = arith.constant 64 : index
        %parallel_loop3A_302 = tpu.vector_load %arg13[%parallel_loop3A_300, %parallel_loop3A_301] {strides = array<i32>} : memref<128x128xf32, #tpu.memory_space<vmem>>, vector<1x16xf32>,
        %parallel_loop3A_303 = vector.shape_cast %parallel_loop3A_302 : vector<1x16xf32> to vector<16xf32>
        %parallel_loop3A_304 = vector.shape_cast %parallel_loop3A_299 : vector<16xf32> to vector<1x16xf32>
        tpu.vector_store %arg13[%parallel_loop3A_300, %parallel_loop3A_301], %parallel_loop3A_304 {strides = array<i32>} : memref<128x128xf32, #tpu.memory_space<vmem>>, vector<1x16xf32>,
        %parallel_loop3A_305 = arith.index_cast %parallel_loop3A_234 : i32 to index
        %parallel_loop3A_306 = arith.constant 80 : index
        %parallel_loop3A_307 = tpu.vector_load %arg13[%parallel_loop3A_305, %parallel_loop3A_306] {strides = array<i32>} : memref<128x128xf32, #tpu.memory_space<vmem>>, vector<1x16xf32>,
        %parallel_loop3A_308 = vector.shape_cast %parallel_loop3A_307 : vector<1x16xf32> to vector<16xf32>
        %parallel_loop3A_309 = arith.index_cast %parallel_loop3A_234 : i32 to index
        %parallel_loop3A_310 = arith.constant 80 : index
        %parallel_loop3A_311 = tpu.vector_load %arg14[%parallel_loop3A_309, %parallel_loop3A_310] {strides = array<i32>} : memref<128x128xf32, #tpu.memory_space<vmem>>, vector<1x16xf32>,
        %parallel_loop3A_312 = vector.shape_cast %parallel_loop3A_311 : vector<1x16xf32> to vector<16xf32>
        %parallel_loop3A_313 = arith.mulf %parallel_loop3A_308, %parallel_loop3A_312 : vector<16xf32>
        %parallel_loop3A_314 = arith.index_cast %parallel_loop3A_234 : i32 to index
        %parallel_loop3A_315 = arith.constant 80 : index
        %parallel_loop3A_316 = tpu.vector_load %arg13[%parallel_loop3A_314, %parallel_loop3A_315] {strides = array<i32>} : memref<128x128xf32, #tpu.memory_space<vmem>>, vector<1x16xf32>,
        %parallel_loop3A_317 = vector.shape_cast %parallel_loop3A_316 : vector<1x16xf32> to vector<16xf32>
        %parallel_loop3A_318 = vector.shape_cast %parallel_loop3A_313 : vector<16xf32> to vector<1x16xf32>
        tpu.vector_store %arg13[%parallel_loop3A_314, %parallel_loop3A_315], %parallel_loop3A_318 {strides = array<i32>} : memref<128x128xf32, #tpu.memory_space<vmem>>, vector<1x16xf32>,
        %parallel_loop3A_319 = arith.index_cast %parallel_loop3A_234 : i32 to index
        %parallel_loop3A_320 = arith.constant 96 : index
        %parallel_loop3A_321 = tpu.vector_load %arg13[%parallel_loop3A_319, %parallel_loop3A_320] {strides = array<i32>} : memref<128x128xf32, #tpu.memory_space<vmem>>, vector<1x16xf32>,
        %parallel_loop3A_322 = vector.shape_cast %parallel_loop3A_321 : vector<1x16xf32> to vector<16xf32>
        %parallel_loop3A_323 = arith.index_cast %parallel_loop3A_234 : i32 to index
        %parallel_loop3A_324 = arith.constant 96 : index
        %parallel_loop3A_325 = tpu.vector_load %arg14[%parallel_loop3A_323, %parallel_loop3A_324] {strides = array<i32>} : memref<128x128xf32, #tpu.memory_space<vmem>>, vector<1x16xf32>,
        %parallel_loop3A_326 = vector.shape_cast %parallel_loop3A_325 : vector<1x16xf32> to vector<16xf32>
        %parallel_loop3A_327 = arith.mulf %parallel_loop3A_322, %parallel_loop3A_326 : vector<16xf32>
        %parallel_loop3A_328 = arith.index_cast %parallel_loop3A_234 : i32 to index
        %parallel_loop3A_329 = arith.constant 96 : index
        %parallel_loop3A_330 = tpu.vector_load %arg13[%parallel_loop3A_328, %parallel_loop3A_329] {strides = array<i32>} : memref<128x128xf32, #tpu.memory_space<vmem>>, vector<1x16xf32>,
        %parallel_loop3A_331 = vector.shape_cast %parallel_loop3A_330 : vector<1x16xf32> to vector<16xf32>
        %parallel_loop3A_332 = vector.shape_cast %parallel_loop3A_327 : vector<16xf32> to vector<1x16xf32>
        tpu.vector_store %arg13[%parallel_loop3A_328, %parallel_loop3A_329], %parallel_loop3A_332 {strides = array<i32>} : memref<128x128xf32, #tpu.memory_space<vmem>>, vector<1x16xf32>,
        %parallel_loop3A_333 = arith.index_cast %parallel_loop3A_234 : i32 to index
        %parallel_loop3A_334 = arith.constant 112 : index
        %parallel_loop3A_335 = tpu.vector_load %arg13[%parallel_loop3A_333, %parallel_loop3A_334] {strides = array<i32>} : memref<128x128xf32, #tpu.memory_space<vmem>>, vector<1x16xf32>,
        %parallel_loop3A_336 = vector.shape_cast %parallel_loop3A_335 : vector<1x16xf32> to vector<16xf32>
        %parallel_loop3A_337 = arith.index_cast %parallel_loop3A_234 : i32 to index
        %parallel_loop3A_338 = arith.constant 112 : index
        %parallel_loop3A_339 = tpu.vector_load %arg14[%parallel_loop3A_337, %parallel_loop3A_338] {strides = array<i32>} : memref<128x128xf32, #tpu.memory_space<vmem>>, vector<1x16xf32>,
        %parallel_loop3A_340 = vector.shape_cast %parallel_loop3A_339 : vector<1x16xf32> to vector<16xf32>
        %parallel_loop3A_341 = arith.mulf %parallel_loop3A_336, %parallel_loop3A_340 : vector<16xf32>
        %parallel_loop3A_342 = arith.index_cast %parallel_loop3A_234 : i32 to index
        %parallel_loop3A_343 = arith.constant 112 : index
        %parallel_loop3A_344 = tpu.vector_load %arg13[%parallel_loop3A_342, %parallel_loop3A_343] {strides = array<i32>} : memref<128x128xf32, #tpu.memory_space<vmem>>, vector<1x16xf32>,
        %parallel_loop3A_345 = vector.shape_cast %parallel_loop3A_344 : vector<1x16xf32> to vector<16xf32>
        %parallel_loop3A_346 = vector.shape_cast %parallel_loop3A_341 : vector<16xf32> to vector<1x16xf32>
        tpu.vector_store %arg13[%parallel_loop3A_342, %parallel_loop3A_343], %parallel_loop3A_346 {strides = array<i32>} : memref<128x128xf32, #tpu.memory_space<vmem>>, vector<1x16xf32>,
      } {sc.loop_unroll_factor = 2 : i64, sc.parallel_access}
      "tpu.region"() ({
        %run_scoped3A = tpu.sem_alloc : memref<!tpu.dma_semaphore, #tpu.memory_space<semaphore_mem>>
        %dma_start3A_234 = arith.constant 0 : i32
        %dma_start3A_235 = arith.constant 0 : i32
        %dma_start3A_236 = tpu.memref_slice %arg15[%dma_start3A_234, %dma_start3A_235] : memref<10112x128xf32, #tpu.memory_space<vmem_shared>> -> memref<10112x128xf32, #tpu.memory_space<vmem_shared>>
        tpu.enqueue_indirect_dma source(%arg13 : memref<128x128xf32, #tpu.memory_space<vmem>>) target(%dma_start3A_236 : memref<10112x128xf32, #tpu.memory_space<vmem_shared>>) offsets(%arg11 : memref<128xi32, #tpu.memory_space<vmem>>) semaphore(%run_scoped3A : memref<!tpu.dma_semaphore, #tpu.memory_space<semaphore_mem>>) {add = true}
        %dma_wait3A_237 = arith.constant 0 : i32
        %dma_wait3A_238 = arith.constant 0 : i32
        %dma_wait3A_239 = tpu.memref_slice %arg15[%dma_wait3A_237, %dma_wait3A_238] : memref<10112x128xf32, #tpu.memory_space<vmem_shared>> -> memref<10112x128xf32, #tpu.memory_space<vmem_shared>>
        tpu.wait_indirect_dma semaphore(%run_scoped3A : memref<!tpu.dma_semaphore, #tpu.memory_space<semaphore_mem>>) src(%arg13 : memref<128x128xf32, #tpu.memory_space<vmem>>) dst(%dma_wait3A_239 : memref<10112x128xf32, #tpu.memory_space<vmem_shared>>)
        tpu.yield
      }) : () -> ()
    }
    %scan3A_33 = arith.constant 39 : i32
    %mul3A_34 = arith.constant 80 : i32
    %mul3A_35 = arith.muli %add3A, %mul3A_34 : i32
    %add3A_36 = arith.constant 78 : i32
    %add3A_37 = arith.addi %mul3A_35, %add3A_36 : i32
    %mul3A_38 = arith.constant 128 : i32
    %mul3A_39 = arith.muli %add3A_37, %mul3A_38 : i32
    %dma_start3A_40 = arith.constant 0 : i32
    %dma_start3A_41 = tpu.memref_slice %arg5[%mul3A_39, %dma_start3A_40] : memref<327680x128xf32, #tpu.memory_space<hbm>> -> memref<128x128xf32, #tpu.memory_space<hbm>>
    %dma_start3A_42 = arith.constant 0 : i32
    %dma_start3A_43 = tpu.memref_slice %arg5[%mul3A_39, %dma_start3A_42] : memref<327680x128xf32, #tpu.memory_space<hbm>> -> memref<128x128xf32, #tpu.memory_space<hbm>>
    tpu.enqueue_dma source(%dma_start3A_43 : memref<128x128xf32, #tpu.memory_space<hbm>>) target(%arg14 : memref<128x128xf32, #tpu.memory_space<vmem>>) target_semaphore(%arg22 : memref<!tpu.dma_semaphore, #tpu.memory_space<semaphore_mem>>)
    %mul3A_44 = arith.constant 80 : i32
    %mul3A_45 = arith.muli %add3A, %mul3A_44 : i32
    %add3A_46 = arith.constant 79 : i32
    %add3A_47 = arith.addi %mul3A_45, %add3A_46 : i32
    %mul3A_48 = arith.constant 128 : i32
    %mul3A_49 = arith.muli %add3A_47, %mul3A_48 : i32
    %dma_wait3A = tpu.memref_slice %arg3[%mul3A_49] : memref<327680xi32, #tpu.memory_space<hbm>> -> memref<128xi32, #tpu.memory_space<hbm>>
    %dma_wait3A_50 = tpu.memref_slice %arg3[%mul3A_49] : memref<327680xi32, #tpu.memory_space<hbm>> -> memref<128xi32, #tpu.memory_space<hbm>>
    tpu.wait_dma2 semaphore(%arg19 : memref<!tpu.dma_semaphore, #tpu.memory_space<semaphore_mem>>) src(%dma_wait3A_50 : memref<128xi32, #tpu.memory_space<hbm>>) dst(%arg9 : memref<128xi32, #tpu.memory_space<vmem>>)
    %dma_start3A_51 = arith.constant 0 : i32
    %dma_start3A_52 = arith.constant 0 : i32
    %dma_start3A_53 = tpu.memref_slice %arg2[%dma_start3A_51, %dma_start3A_52] : memref<10000x128xf32, #tpu.memory_space<hbm>> -> memref<10000x128xf32, #tpu.memory_space<hbm>>
    tpu.enqueue_indirect_dma source(%dma_start3A_53 : memref<10000x128xf32, #tpu.memory_space<hbm>>) target(%arg13 : memref<128x128xf32, #tpu.memory_space<vmem>>) offsets(%arg9 : memref<128xi32, #tpu.memory_space<vmem>>) semaphore(%arg17 : memref<!tpu.dma_semaphore, #tpu.memory_space<semaphore_mem>>)
    %dma_wait3A_54 = arith.constant 0 : i32
    %dma_wait3A_55 = arith.constant 0 : i32
    %dma_wait3A_56 = tpu.memref_slice %arg2[%dma_wait3A_54, %dma_wait3A_55] : memref<10000x128xf32, #tpu.memory_space<hbm>> -> memref<10000x128xf32, #tpu.memory_space<hbm>>
    tpu.wait_indirect_dma semaphore(%arg16 : memref<!tpu.dma_semaphore, #tpu.memory_space<semaphore_mem>>) src(%dma_wait3A_56 : memref<10000x128xf32, #tpu.memory_space<hbm>>) dst(%arg12 : memref<128x128xf32, #tpu.memory_space<vmem>>)
    %mul3A_57 = arith.constant 80 : i32
    %mul3A_58 = arith.muli %add3A, %mul3A_57 : i32
    %add3A_59 = arith.constant 78 : i32
    %add3A_60 = arith.addi %mul3A_58, %add3A_59 : i32
    %mul3A_61 = arith.constant 128 : i32
    %mul3A_62 = arith.muli %add3A_60, %mul3A_61 : i32
    %dma_wait3A_63 = tpu.memref_slice %arg4[%mul3A_62] : memref<327680xi32, #tpu.memory_space<hbm>> -> memref<128xi32, #tpu.memory_space<hbm>>
    %dma_wait3A_64 = tpu.memref_slice %arg4[%mul3A_62] : memref<327680xi32, #tpu.memory_space<hbm>> -> memref<128xi32, #tpu.memory_space<hbm>>
    tpu.wait_dma2 semaphore(%arg20 : memref<!tpu.dma_semaphore, #tpu.memory_space<semaphore_mem>>) src(%dma_wait3A_64 : memref<128xi32, #tpu.memory_space<hbm>>) dst(%arg10 : memref<128xi32, #tpu.memory_space<vmem>>)
    %mul3A_65 = arith.constant 80 : i32
    %mul3A_66 = arith.muli %add3A, %mul3A_65 : i32
    %add3A_67 = arith.constant 79 : i32
    %add3A_68 = arith.addi %mul3A_66, %add3A_67 : i32
    %mul3A_69 = arith.constant 128 : i32
    %mul3A_70 = arith.muli %add3A_68, %mul3A_69 : i32
    %dma_start3A_71 = tpu.memref_slice %arg4[%mul3A_70] : memref<327680xi32, #tpu.memory_space<hbm>> -> memref<128xi32, #tpu.memory_space<hbm>>
    %dma_start3A_72 = tpu.memref_slice %arg4[%mul3A_70] : memref<327680xi32, #tpu.memory_space<hbm>> -> memref<128xi32, #tpu.memory_space<hbm>>
    tpu.enqueue_dma source(%dma_start3A_72 : memref<128xi32, #tpu.memory_space<hbm>>) target(%arg11 : memref<128xi32, #tpu.memory_space<vmem>>) target_semaphore(%arg21 : memref<!tpu.dma_semaphore, #tpu.memory_space<semaphore_mem>>)
    %dma_wait3A_73 = arith.constant 0 : i32
    %dma_wait3A_74 = tpu.memref_slice %arg5[%mul3A_39, %dma_wait3A_73] : memref<327680x128xf32, #tpu.memory_space<hbm>> -> memref<128x128xf32, #tpu.memory_space<hbm>>
    %dma_wait3A_75 = arith.constant 0 : i32
    %dma_wait3A_76 = tpu.memref_slice %arg5[%mul3A_39, %dma_wait3A_75] : memref<327680x128xf32, #tpu.memory_space<hbm>> -> memref<128x128xf32, #tpu.memory_space<hbm>>
    tpu.wait_dma2 semaphore(%arg22 : memref<!tpu.dma_semaphore, #tpu.memory_space<semaphore_mem>>) src(%dma_wait3A_76 : memref<128x128xf32, #tpu.memory_space<hbm>>) dst(%arg14 : memref<128x128xf32, #tpu.memory_space<vmem>>)
    %parallel_loop3A = arith.constant 0 : i32
    %parallel_loop3A_77 = arith.constant 128 : i32
    %parallel_loop3A_78 = arith.constant 1 : i32
    scf.for %parallel_loop3A_115 = %parallel_loop3A to %parallel_loop3A_77 step %parallel_loop3A_78  : i32 {
      %parallel_loop3A_116 = arith.index_cast %parallel_loop3A_115 : i32 to index
      %parallel_loop3A_117 = arith.constant 0 : index
      %parallel_loop3A_118 = tpu.vector_load %arg12[%parallel_loop3A_116, %parallel_loop3A_117] {strides = array<i32>} : memref<128x128xf32, #tpu.memory_space<vmem>>, vector<1x16xf32>,
      %parallel_loop3A_119 = vector.shape_cast %parallel_loop3A_118 : vector<1x16xf32> to vector<16xf32>
      %parallel_loop3A_120 = arith.index_cast %parallel_loop3A_115 : i32 to index
      %parallel_loop3A_121 = arith.constant 0 : index
      %parallel_loop3A_122 = tpu.vector_load %arg14[%parallel_loop3A_120, %parallel_loop3A_121] {strides = array<i32>} : memref<128x128xf32, #tpu.memory_space<vmem>>, vector<1x16xf32>,
      %parallel_loop3A_123 = vector.shape_cast %parallel_loop3A_122 : vector<1x16xf32> to vector<16xf32>
      %parallel_loop3A_124 = arith.mulf %parallel_loop3A_119, %parallel_loop3A_123 : vector<16xf32>
      %parallel_loop3A_125 = arith.index_cast %parallel_loop3A_115 : i32 to index
      %parallel_loop3A_126 = arith.constant 0 : index
      %parallel_loop3A_127 = tpu.vector_load %arg12[%parallel_loop3A_125, %parallel_loop3A_126] {strides = array<i32>} : memref<128x128xf32, #tpu.memory_space<vmem>>, vector<1x16xf32>,
      %parallel_loop3A_128 = vector.shape_cast %parallel_loop3A_127 : vector<1x16xf32> to vector<16xf32>
      %parallel_loop3A_129 = vector.shape_cast %parallel_loop3A_124 : vector<16xf32> to vector<1x16xf32>
      tpu.vector_store %arg12[%parallel_loop3A_125, %parallel_loop3A_126], %parallel_loop3A_129 {strides = array<i32>} : memref<128x128xf32, #tpu.memory_space<vmem>>, vector<1x16xf32>,
      %parallel_loop3A_130 = arith.index_cast %parallel_loop3A_115 : i32 to index
      %parallel_loop3A_131 = arith.constant 16 : index
      %parallel_loop3A_132 = tpu.vector_load %arg12[%parallel_loop3A_130, %parallel_loop3A_131] {strides = array<i32>} : memref<128x128xf32, #tpu.memory_space<vmem>>, vector<1x16xf32>,
      %parallel_loop3A_133 = vector.shape_cast %parallel_loop3A_132 : vector<1x16xf32> to vector<16xf32>
      %parallel_loop3A_134 = arith.index_cast %parallel_loop3A_115 : i32 to index
      %parallel_loop3A_135 = arith.constant 16 : index
      %parallel_loop3A_136 = tpu.vector_load %arg14[%parallel_loop3A_134, %parallel_loop3A_135] {strides = array<i32>} : memref<128x128xf32, #tpu.memory_space<vmem>>, vector<1x16xf32>,
      %parallel_loop3A_137 = vector.shape_cast %parallel_loop3A_136 : vector<1x16xf32> to vector<16xf32>
      %parallel_loop3A_138 = arith.mulf %parallel_loop3A_133, %parallel_loop3A_137 : vector<16xf32>
      %parallel_loop3A_139 = arith.index_cast %parallel_loop3A_115 : i32 to index
      %parallel_loop3A_140 = arith.constant 16 : index
      %parallel_loop3A_141 = tpu.vector_load %arg12[%parallel_loop3A_139, %parallel_loop3A_140] {strides = array<i32>} : memref<128x128xf32, #tpu.memory_space<vmem>>, vector<1x16xf32>,
      %parallel_loop3A_142 = vector.shape_cast %parallel_loop3A_141 : vector<1x16xf32> to vector<16xf32>
      %parallel_loop3A_143 = vector.shape_cast %parallel_loop3A_138 : vector<16xf32> to vector<1x16xf32>
      tpu.vector_store %arg12[%parallel_loop3A_139, %parallel_loop3A_140], %parallel_loop3A_143 {strides = array<i32>} : memref<128x128xf32, #tpu.memory_space<vmem>>, vector<1x16xf32>,
      %parallel_loop3A_144 = arith.index_cast %parallel_loop3A_115 : i32 to index
      %parallel_loop3A_145 = arith.constant 32 : index
      %parallel_loop3A_146 = tpu.vector_load %arg12[%parallel_loop3A_144, %parallel_loop3A_145] {strides = array<i32>} : memref<128x128xf32, #tpu.memory_space<vmem>>, vector<1x16xf32>,
      %parallel_loop3A_147 = vector.shape_cast %parallel_loop3A_146 : vector<1x16xf32> to vector<16xf32>
      %parallel_loop3A_148 = arith.index_cast %parallel_loop3A_115 : i32 to index
      %parallel_loop3A_149 = arith.constant 32 : index
      %parallel_loop3A_150 = tpu.vector_load %arg14[%parallel_loop3A_148, %parallel_loop3A_149] {strides = array<i32>} : memref<128x128xf32, #tpu.memory_space<vmem>>, vector<1x16xf32>,
      %parallel_loop3A_151 = vector.shape_cast %parallel_loop3A_150 : vector<1x16xf32> to vector<16xf32>
      %parallel_loop3A_152 = arith.mulf %parallel_loop3A_147, %parallel_loop3A_151 : vector<16xf32>
      %parallel_loop3A_153 = arith.index_cast %parallel_loop3A_115 : i32 to index
      %parallel_loop3A_154 = arith.constant 32 : index
      %parallel_loop3A_155 = tpu.vector_load %arg12[%parallel_loop3A_153, %parallel_loop3A_154] {strides = array<i32>} : memref<128x128xf32, #tpu.memory_space<vmem>>, vector<1x16xf32>,
      %parallel_loop3A_156 = vector.shape_cast %parallel_loop3A_155 : vector<1x16xf32> to vector<16xf32>
      %parallel_loop3A_157 = vector.shape_cast %parallel_loop3A_152 : vector<16xf32> to vector<1x16xf32>
      tpu.vector_store %arg12[%parallel_loop3A_153, %parallel_loop3A_154], %parallel_loop3A_157 {strides = array<i32>} : memref<128x128xf32, #tpu.memory_space<vmem>>, vector<1x16xf32>,
      %parallel_loop3A_158 = arith.index_cast %parallel_loop3A_115 : i32 to index
      %parallel_loop3A_159 = arith.constant 48 : index
      %parallel_loop3A_160 = tpu.vector_load %arg12[%parallel_loop3A_158, %parallel_loop3A_159] {strides = array<i32>} : memref<128x128xf32, #tpu.memory_space<vmem>>, vector<1x16xf32>,
      %parallel_loop3A_161 = vector.shape_cast %parallel_loop3A_160 : vector<1x16xf32> to vector<16xf32>
      %parallel_loop3A_162 = arith.index_cast %parallel_loop3A_115 : i32 to index
      %parallel_loop3A_163 = arith.constant 48 : index
      %parallel_loop3A_164 = tpu.vector_load %arg14[%parallel_loop3A_162, %parallel_loop3A_163] {strides = array<i32>} : memref<128x128xf32, #tpu.memory_space<vmem>>, vector<1x16xf32>,
      %parallel_loop3A_165 = vector.shape_cast %parallel_loop3A_164 : vector<1x16xf32> to vector<16xf32>
      %parallel_loop3A_166 = arith.mulf %parallel_loop3A_161, %parallel_loop3A_165 : vector<16xf32>
      %parallel_loop3A_167 = arith.index_cast %parallel_loop3A_115 : i32 to index
      %parallel_loop3A_168 = arith.constant 48 : index
      %parallel_loop3A_169 = tpu.vector_load %arg12[%parallel_loop3A_167, %parallel_loop3A_168] {strides = array<i32>} : memref<128x128xf32, #tpu.memory_space<vmem>>, vector<1x16xf32>,
      %parallel_loop3A_170 = vector.shape_cast %parallel_loop3A_169 : vector<1x16xf32> to vector<16xf32>
      %parallel_loop3A_171 = vector.shape_cast %parallel_loop3A_166 : vector<16xf32> to vector<1x16xf32>
      tpu.vector_store %arg12[%parallel_loop3A_167, %parallel_loop3A_168], %parallel_loop3A_171 {strides = array<i32>} : memref<128x128xf32, #tpu.memory_space<vmem>>, vector<1x16xf32>,
      %parallel_loop3A_172 = arith.index_cast %parallel_loop3A_115 : i32 to index
      %parallel_loop3A_173 = arith.constant 64 : index
      %parallel_loop3A_174 = tpu.vector_load %arg12[%parallel_loop3A_172, %parallel_loop3A_173] {strides = array<i32>} : memref<128x128xf32, #tpu.memory_space<vmem>>, vector<1x16xf32>,
      %parallel_loop3A_175 = vector.shape_cast %parallel_loop3A_174 : vector<1x16xf32> to vector<16xf32>
      %parallel_loop3A_176 = arith.index_cast %parallel_loop3A_115 : i32 to index
      %parallel_loop3A_177 = arith.constant 64 : index
      %parallel_loop3A_178 = tpu.vector_load %arg14[%parallel_loop3A_176, %parallel_loop3A_177] {strides = array<i32>} : memref<128x128xf32, #tpu.memory_space<vmem>>, vector<1x16xf32>,
      %parallel_loop3A_179 = vector.shape_cast %parallel_loop3A_178 : vector<1x16xf32> to vector<16xf32>
      %parallel_loop3A_180 = arith.mulf %parallel_loop3A_175, %parallel_loop3A_179 : vector<16xf32>
      %parallel_loop3A_181 = arith.index_cast %parallel_loop3A_115 : i32 to index
      %parallel_loop3A_182 = arith.constant 64 : index
      %parallel_loop3A_183 = tpu.vector_load %arg12[%parallel_loop3A_181, %parallel_loop3A_182] {strides = array<i32>} : memref<128x128xf32, #tpu.memory_space<vmem>>, vector<1x16xf32>,
      %parallel_loop3A_184 = vector.shape_cast %parallel_loop3A_183 : vector<1x16xf32> to vector<16xf32>
      %parallel_loop3A_185 = vector.shape_cast %parallel_loop3A_180 : vector<16xf32> to vector<1x16xf32>
      tpu.vector_store %arg12[%parallel_loop3A_181, %parallel_loop3A_182], %parallel_loop3A_185 {strides = array<i32>} : memref<128x128xf32, #tpu.memory_space<vmem>>, vector<1x16xf32>,
      %parallel_loop3A_186 = arith.index_cast %parallel_loop3A_115 : i32 to index
      %parallel_loop3A_187 = arith.constant 80 : index
      %parallel_loop3A_188 = tpu.vector_load %arg12[%parallel_loop3A_186, %parallel_loop3A_187] {strides = array<i32>} : memref<128x128xf32, #tpu.memory_space<vmem>>, vector<1x16xf32>,
      %parallel_loop3A_189 = vector.shape_cast %parallel_loop3A_188 : vector<1x16xf32> to vector<16xf32>
      %parallel_loop3A_190 = arith.index_cast %parallel_loop3A_115 : i32 to index
      %parallel_loop3A_191 = arith.constant 80 : index
      %parallel_loop3A_192 = tpu.vector_load %arg14[%parallel_loop3A_190, %parallel_loop3A_191] {strides = array<i32>} : memref<128x128xf32, #tpu.memory_space<vmem>>, vector<1x16xf32>,
      %parallel_loop3A_193 = vector.shape_cast %parallel_loop3A_192 : vector<1x16xf32> to vector<16xf32>
      %parallel_loop3A_194 = arith.mulf %parallel_loop3A_189, %parallel_loop3A_193 : vector<16xf32>
      %parallel_loop3A_195 = arith.index_cast %parallel_loop3A_115 : i32 to index
      %parallel_loop3A_196 = arith.constant 80 : index
      %parallel_loop3A_197 = tpu.vector_load %arg12[%parallel_loop3A_195, %parallel_loop3A_196] {strides = array<i32>} : memref<128x128xf32, #tpu.memory_space<vmem>>, vector<1x16xf32>,
      %parallel_loop3A_198 = vector.shape_cast %parallel_loop3A_197 : vector<1x16xf32> to vector<16xf32>
      %parallel_loop3A_199 = vector.shape_cast %parallel_loop3A_194 : vector<16xf32> to vector<1x16xf32>
      tpu.vector_store %arg12[%parallel_loop3A_195, %parallel_loop3A_196], %parallel_loop3A_199 {strides = array<i32>} : memref<128x128xf32, #tpu.memory_space<vmem>>, vector<1x16xf32>,
      %parallel_loop3A_200 = arith.index_cast %parallel_loop3A_115 : i32 to index
      %parallel_loop3A_201 = arith.constant 96 : index
      %parallel_loop3A_202 = tpu.vector_load %arg12[%parallel_loop3A_200, %parallel_loop3A_201] {strides = array<i32>} : memref<128x128xf32, #tpu.memory_space<vmem>>, vector<1x16xf32>,
      %parallel_loop3A_203 = vector.shape_cast %parallel_loop3A_202 : vector<1x16xf32> to vector<16xf32>
      %parallel_loop3A_204 = arith.index_cast %parallel_loop3A_115 : i32 to index
      %parallel_loop3A_205 = arith.constant 96 : index
      %parallel_loop3A_206 = tpu.vector_load %arg14[%parallel_loop3A_204, %parallel_loop3A_205] {strides = array<i32>} : memref<128x128xf32, #tpu.memory_space<vmem>>, vector<1x16xf32>,
      %parallel_loop3A_207 = vector.shape_cast %parallel_loop3A_206 : vector<1x16xf32> to vector<16xf32>
      %parallel_loop3A_208 = arith.mulf %parallel_loop3A_203, %parallel_loop3A_207 : vector<16xf32>
      %parallel_loop3A_209 = arith.index_cast %parallel_loop3A_115 : i32 to index
      %parallel_loop3A_210 = arith.constant 96 : index
      %parallel_loop3A_211 = tpu.vector_load %arg12[%parallel_loop3A_209, %parallel_loop3A_210] {strides = array<i32>} : memref<128x128xf32, #tpu.memory_space<vmem>>, vector<1x16xf32>,
      %parallel_loop3A_212 = vector.shape_cast %parallel_loop3A_211 : vector<1x16xf32> to vector<16xf32>
      %parallel_loop3A_213 = vector.shape_cast %parallel_loop3A_208 : vector<16xf32> to vector<1x16xf32>
      tpu.vector_store %arg12[%parallel_loop3A_209, %parallel_loop3A_210], %parallel_loop3A_213 {strides = array<i32>} : memref<128x128xf32, #tpu.memory_space<vmem>>, vector<1x16xf32>,
      %parallel_loop3A_214 = arith.index_cast %parallel_loop3A_115 : i32 to index
      %parallel_loop3A_215 = arith.constant 112 : index
      %parallel_loop3A_216 = tpu.vector_load %arg12[%parallel_loop3A_214, %parallel_loop3A_215] {strides = array<i32>} : memref<128x128xf32, #tpu.memory_space<vmem>>, vector<1x16xf32>,
      %parallel_loop3A_217 = vector.shape_cast %parallel_loop3A_216 : vector<1x16xf32> to vector<16xf32>
      %parallel_loop3A_218 = arith.index_cast %parallel_loop3A_115 : i32 to index
      %parallel_loop3A_219 = arith.constant 112 : index
      %parallel_loop3A_220 = tpu.vector_load %arg14[%parallel_loop3A_218, %parallel_loop3A_219] {strides = array<i32>} : memref<128x128xf32, #tpu.memory_space<vmem>>, vector<1x16xf32>,
      %parallel_loop3A_221 = vector.shape_cast %parallel_loop3A_220 : vector<1x16xf32> to vector<16xf32>
      %parallel_loop3A_222 = arith.mulf %parallel_loop3A_217, %parallel_loop3A_221 : vector<16xf32>
      %parallel_loop3A_223 = arith.index_cast %parallel_loop3A_115 : i32 to index
      %parallel_loop3A_224 = arith.constant 112 : index
      %parallel_loop3A_225 = tpu.vector_load %arg12[%parallel_loop3A_223, %parallel_loop3A_224] {strides = array<i32>} : memref<128x128xf32, #tpu.memory_space<vmem>>, vector<1x16xf32>,
      %parallel_loop3A_226 = vector.shape_cast %parallel_loop3A_225 : vector<1x16xf32> to vector<16xf32>
      %parallel_loop3A_227 = vector.shape_cast %parallel_loop3A_222 : vector<16xf32> to vector<1x16xf32>
      tpu.vector_store %arg12[%parallel_loop3A_223, %parallel_loop3A_224], %parallel_loop3A_227 {strides = array<i32>} : memref<128x128xf32, #tpu.memory_space<vmem>>, vector<1x16xf32>,
    } {sc.loop_unroll_factor = 2 : i64, sc.parallel_access}
    "tpu.region"() ({
      %run_scoped3A = tpu.sem_alloc : memref<!tpu.dma_semaphore, #tpu.memory_space<semaphore_mem>>
      %dma_start3A_115 = arith.constant 0 : i32
      %dma_start3A_116 = arith.constant 0 : i32
      %dma_start3A_117 = tpu.memref_slice %arg15[%dma_start3A_115, %dma_start3A_116] : memref<10112x128xf32, #tpu.memory_space<vmem_shared>> -> memref<10112x128xf32, #tpu.memory_space<vmem_shared>>
      tpu.enqueue_indirect_dma source(%arg12 : memref<128x128xf32, #tpu.memory_space<vmem>>) target(%dma_start3A_117 : memref<10112x128xf32, #tpu.memory_space<vmem_shared>>) offsets(%arg10 : memref<128xi32, #tpu.memory_space<vmem>>) semaphore(%run_scoped3A : memref<!tpu.dma_semaphore, #tpu.memory_space<semaphore_mem>>) {add = true}
      %dma_wait3A_118 = arith.constant 0 : i32
      %dma_wait3A_119 = arith.constant 0 : i32
      %dma_wait3A_120 = tpu.memref_slice %arg15[%dma_wait3A_118, %dma_wait3A_119] : memref<10112x128xf32, #tpu.memory_space<vmem_shared>> -> memref<10112x128xf32, #tpu.memory_space<vmem_shared>>
      tpu.wait_indirect_dma semaphore(%run_scoped3A : memref<!tpu.dma_semaphore, #tpu.memory_space<semaphore_mem>>) src(%arg12 : memref<128x128xf32, #tpu.memory_space<vmem>>) dst(%dma_wait3A_120 : memref<10112x128xf32, #tpu.memory_space<vmem_shared>>)
      tpu.yield
    }) : () -> ()
    %mul3A_79 = arith.constant 80 : i32
    %mul3A_80 = arith.muli %add3A, %mul3A_79 : i32
    %add3A_81 = arith.constant 79 : i32
    %add3A_82 = arith.addi %mul3A_80, %add3A_81 : i32
    %mul3A_83 = arith.constant 128 : i32
    %mul3A_84 = arith.muli %add3A_82, %mul3A_83 : i32
    %dma_start3A_85 = arith.constant 0 : i32
    %dma_start3A_86 = tpu.memref_slice %arg5[%mul3A_84, %dma_start3A_85] : memref<327680x128xf32, #tpu.memory_space<hbm>> -> memref<128x128xf32, #tpu.memory_space<hbm>>
    %dma_start3A_87 = arith.constant 0 : i32
    %dma_start3A_88 = tpu.memref_slice %arg5[%mul3A_84, %dma_start3A_87] : memref<327680x128xf32, #tpu.memory_space<hbm>> -> memref<128x128xf32, #tpu.memory_space<hbm>>
    tpu.enqueue_dma source(%dma_start3A_88 : memref<128x128xf32, #tpu.memory_space<hbm>>) target(%arg14 : memref<128x128xf32, #tpu.memory_space<vmem>>) target_semaphore(%arg22 : memref<!tpu.dma_semaphore, #tpu.memory_space<semaphore_mem>>)
    %dma_wait3A_89 = arith.constant 0 : i32
    %dma_wait3A_90 = arith.constant 0 : i32
    %dma_wait3A_91 = tpu.memref_slice %arg2[%dma_wait3A_89, %dma_wait3A_90] : memref<10000x128xf32, #tpu.memory_space<hbm>> -> memref<10000x128xf32, #tpu.memory_space<hbm>>
    tpu.wait_indirect_dma semaphore(%arg17 : memref<!tpu.dma_semaphore, #tpu.memory_space<semaphore_mem>>) src(%dma_wait3A_91 : memref<10000x128xf32, #tpu.memory_space<hbm>>) dst(%arg13 : memref<128x128xf32, #tpu.memory_space<vmem>>)
    %mul3A_92 = arith.constant 80 : i32
    %mul3A_93 = arith.muli %add3A, %mul3A_92 : i32
    %add3A_94 = arith.constant 79 : i32
    %add3A_95 = arith.addi %mul3A_93, %add3A_94 : i32
    %mul3A_96 = arith.constant 128 : i32
    %mul3A_97 = arith.muli %add3A_95, %mul3A_96 : i32
    %dma_wait3A_98 = tpu.memref_slice %arg4[%mul3A_97] : memref<327680xi32, #tpu.memory_space<hbm>> -> memref<128xi32, #tpu.memory_space<hbm>>
    %dma_wait3A_99 = tpu.memref_slice %arg4[%mul3A_97] : memref<327680xi32, #tpu.memory_space<hbm>> -> memref<128xi32, #tpu.memory_space<hbm>>
    tpu.wait_dma2 semaphore(%arg21 : memref<!tpu.dma_semaphore, #tpu.memory_space<semaphore_mem>>) src(%dma_wait3A_99 : memref<128xi32, #tpu.memory_space<hbm>>) dst(%arg11 : memref<128xi32, #tpu.memory_space<vmem>>)
    %dma_wait3A_100 = arith.constant 0 : i32
    %dma_wait3A_101 = tpu.memref_slice %arg5[%mul3A_84, %dma_wait3A_100] : memref<327680x128xf32, #tpu.memory_space<hbm>> -> memref<128x128xf32, #tpu.memory_space<hbm>>
    %dma_wait3A_102 = arith.constant 0 : i32
    %dma_wait3A_103 = tpu.memref_slice %arg5[%mul3A_84, %dma_wait3A_102] : memref<327680x128xf32, #tpu.memory_space<hbm>> -> memref<128x128xf32, #tpu.memory_space<hbm>>
    tpu.wait_dma2 semaphore(%arg22 : memref<!tpu.dma_semaphore, #tpu.memory_space<semaphore_mem>>) src(%dma_wait3A_103 : memref<128x128xf32, #tpu.memory_space<hbm>>) dst(%arg14 : memref<128x128xf32, #tpu.memory_space<vmem>>)
    %parallel_loop3A_104 = arith.constant 0 : i32
    %parallel_loop3A_105 = arith.constant 128 : i32
    %parallel_loop3A_106 = arith.constant 1 : i32
    scf.for %parallel_loop3A_115 = %parallel_loop3A_104 to %parallel_loop3A_105 step %parallel_loop3A_106  : i32 {
      %parallel_loop3A_116 = arith.index_cast %parallel_loop3A_115 : i32 to index
      %parallel_loop3A_117 = arith.constant 0 : index
      %parallel_loop3A_118 = tpu.vector_load %arg13[%parallel_loop3A_116, %parallel_loop3A_117] {strides = array<i32>} : memref<128x128xf32, #tpu.memory_space<vmem>>, vector<1x16xf32>,
      %parallel_loop3A_119 = vector.shape_cast %parallel_loop3A_118 : vector<1x16xf32> to vector<16xf32>
      %parallel_loop3A_120 = arith.index_cast %parallel_loop3A_115 : i32 to index
      %parallel_loop3A_121 = arith.constant 0 : index
      %parallel_loop3A_122 = tpu.vector_load %arg14[%parallel_loop3A_120, %parallel_loop3A_121] {strides = array<i32>} : memref<128x128xf32, #tpu.memory_space<vmem>>, vector<1x16xf32>,
      %parallel_loop3A_123 = vector.shape_cast %parallel_loop3A_122 : vector<1x16xf32> to vector<16xf32>
      %parallel_loop3A_124 = arith.mulf %parallel_loop3A_119, %parallel_loop3A_123 : vector<16xf32>
      %parallel_loop3A_125 = arith.index_cast %parallel_loop3A_115 : i32 to index
      %parallel_loop3A_126 = arith.constant 0 : index
      %parallel_loop3A_127 = tpu.vector_load %arg13[%parallel_loop3A_125, %parallel_loop3A_126] {strides = array<i32>} : memref<128x128xf32, #tpu.memory_space<vmem>>, vector<1x16xf32>,
      %parallel_loop3A_128 = vector.shape_cast %parallel_loop3A_127 : vector<1x16xf32> to vector<16xf32>
      %parallel_loop3A_129 = vector.shape_cast %parallel_loop3A_124 : vector<16xf32> to vector<1x16xf32>
      tpu.vector_store %arg13[%parallel_loop3A_125, %parallel_loop3A_126], %parallel_loop3A_129 {strides = array<i32>} : memref<128x128xf32, #tpu.memory_space<vmem>>, vector<1x16xf32>,
      %parallel_loop3A_130 = arith.index_cast %parallel_loop3A_115 : i32 to index
      %parallel_loop3A_131 = arith.constant 16 : index
      %parallel_loop3A_132 = tpu.vector_load %arg13[%parallel_loop3A_130, %parallel_loop3A_131] {strides = array<i32>} : memref<128x128xf32, #tpu.memory_space<vmem>>, vector<1x16xf32>,
      %parallel_loop3A_133 = vector.shape_cast %parallel_loop3A_132 : vector<1x16xf32> to vector<16xf32>
      %parallel_loop3A_134 = arith.index_cast %parallel_loop3A_115 : i32 to index
      %parallel_loop3A_135 = arith.constant 16 : index
      %parallel_loop3A_136 = tpu.vector_load %arg14[%parallel_loop3A_134, %parallel_loop3A_135] {strides = array<i32>} : memref<128x128xf32, #tpu.memory_space<vmem>>, vector<1x16xf32>,
      %parallel_loop3A_137 = vector.shape_cast %parallel_loop3A_136 : vector<1x16xf32> to vector<16xf32>
      %parallel_loop3A_138 = arith.mulf %parallel_loop3A_133, %parallel_loop3A_137 : vector<16xf32>
      %parallel_loop3A_139 = arith.index_cast %parallel_loop3A_115 : i32 to index
      %parallel_loop3A_140 = arith.constant 16 : index
      %parallel_loop3A_141 = tpu.vector_load %arg13[%parallel_loop3A_139, %parallel_loop3A_140] {strides = array<i32>} : memref<128x128xf32, #tpu.memory_space<vmem>>, vector<1x16xf32>,
      %parallel_loop3A_142 = vector.shape_cast %parallel_loop3A_141 : vector<1x16xf32> to vector<16xf32>
      %parallel_loop3A_143 = vector.shape_cast %parallel_loop3A_138 : vector<16xf32> to vector<1x16xf32>
      tpu.vector_store %arg13[%parallel_loop3A_139, %parallel_loop3A_140], %parallel_loop3A_143 {strides = array<i32>} : memref<128x128xf32, #tpu.memory_space<vmem>>, vector<1x16xf32>,
      %parallel_loop3A_144 = arith.index_cast %parallel_loop3A_115 : i32 to index
      %parallel_loop3A_145 = arith.constant 32 : index
      %parallel_loop3A_146 = tpu.vector_load %arg13[%parallel_loop3A_144, %parallel_loop3A_145] {strides = array<i32>} : memref<128x128xf32, #tpu.memory_space<vmem>>, vector<1x16xf32>,
      %parallel_loop3A_147 = vector.shape_cast %parallel_loop3A_146 : vector<1x16xf32> to vector<16xf32>
      %parallel_loop3A_148 = arith.index_cast %parallel_loop3A_115 : i32 to index
      %parallel_loop3A_149 = arith.constant 32 : index
      %parallel_loop3A_150 = tpu.vector_load %arg14[%parallel_loop3A_148, %parallel_loop3A_149] {strides = array<i32>} : memref<128x128xf32, #tpu.memory_space<vmem>>, vector<1x16xf32>,
      %parallel_loop3A_151 = vector.shape_cast %parallel_loop3A_150 : vector<1x16xf32> to vector<16xf32>
      %parallel_loop3A_152 = arith.mulf %parallel_loop3A_147, %parallel_loop3A_151 : vector<16xf32>
      %parallel_loop3A_153 = arith.index_cast %parallel_loop3A_115 : i32 to index
      %parallel_loop3A_154 = arith.constant 32 : index
      %parallel_loop3A_155 = tpu.vector_load %arg13[%parallel_loop3A_153, %parallel_loop3A_154] {strides = array<i32>} : memref<128x128xf32, #tpu.memory_space<vmem>>, vector<1x16xf32>,
      %parallel_loop3A_156 = vector.shape_cast %parallel_loop3A_155 : vector<1x16xf32> to vector<16xf32>
      %parallel_loop3A_157 = vector.shape_cast %parallel_loop3A_152 : vector<16xf32> to vector<1x16xf32>
      tpu.vector_store %arg13[%parallel_loop3A_153, %parallel_loop3A_154], %parallel_loop3A_157 {strides = array<i32>} : memref<128x128xf32, #tpu.memory_space<vmem>>, vector<1x16xf32>,
      %parallel_loop3A_158 = arith.index_cast %parallel_loop3A_115 : i32 to index
      %parallel_loop3A_159 = arith.constant 48 : index
      %parallel_loop3A_160 = tpu.vector_load %arg13[%parallel_loop3A_158, %parallel_loop3A_159] {strides = array<i32>} : memref<128x128xf32, #tpu.memory_space<vmem>>, vector<1x16xf32>,
      %parallel_loop3A_161 = vector.shape_cast %parallel_loop3A_160 : vector<1x16xf32> to vector<16xf32>
      %parallel_loop3A_162 = arith.index_cast %parallel_loop3A_115 : i32 to index
      %parallel_loop3A_163 = arith.constant 48 : index
      %parallel_loop3A_164 = tpu.vector_load %arg14[%parallel_loop3A_162, %parallel_loop3A_163] {strides = array<i32>} : memref<128x128xf32, #tpu.memory_space<vmem>>, vector<1x16xf32>,
      %parallel_loop3A_165 = vector.shape_cast %parallel_loop3A_164 : vector<1x16xf32> to vector<16xf32>
      %parallel_loop3A_166 = arith.mulf %parallel_loop3A_161, %parallel_loop3A_165 : vector<16xf32>
      %parallel_loop3A_167 = arith.index_cast %parallel_loop3A_115 : i32 to index
      %parallel_loop3A_168 = arith.constant 48 : index
      %parallel_loop3A_169 = tpu.vector_load %arg13[%parallel_loop3A_167, %parallel_loop3A_168] {strides = array<i32>} : memref<128x128xf32, #tpu.memory_space<vmem>>, vector<1x16xf32>,
      %parallel_loop3A_170 = vector.shape_cast %parallel_loop3A_169 : vector<1x16xf32> to vector<16xf32>
      %parallel_loop3A_171 = vector.shape_cast %parallel_loop3A_166 : vector<16xf32> to vector<1x16xf32>
      tpu.vector_store %arg13[%parallel_loop3A_167, %parallel_loop3A_168], %parallel_loop3A_171 {strides = array<i32>} : memref<128x128xf32, #tpu.memory_space<vmem>>, vector<1x16xf32>,
      %parallel_loop3A_172 = arith.index_cast %parallel_loop3A_115 : i32 to index
      %parallel_loop3A_173 = arith.constant 64 : index
      %parallel_loop3A_174 = tpu.vector_load %arg13[%parallel_loop3A_172, %parallel_loop3A_173] {strides = array<i32>} : memref<128x128xf32, #tpu.memory_space<vmem>>, vector<1x16xf32>,
      %parallel_loop3A_175 = vector.shape_cast %parallel_loop3A_174 : vector<1x16xf32> to vector<16xf32>
      %parallel_loop3A_176 = arith.index_cast %parallel_loop3A_115 : i32 to index
      %parallel_loop3A_177 = arith.constant 64 : index
      %parallel_loop3A_178 = tpu.vector_load %arg14[%parallel_loop3A_176, %parallel_loop3A_177] {strides = array<i32>} : memref<128x128xf32, #tpu.memory_space<vmem>>, vector<1x16xf32>,
      %parallel_loop3A_179 = vector.shape_cast %parallel_loop3A_178 : vector<1x16xf32> to vector<16xf32>
      %parallel_loop3A_180 = arith.mulf %parallel_loop3A_175, %parallel_loop3A_179 : vector<16xf32>
      %parallel_loop3A_181 = arith.index_cast %parallel_loop3A_115 : i32 to index
      %parallel_loop3A_182 = arith.constant 64 : index
      %parallel_loop3A_183 = tpu.vector_load %arg13[%parallel_loop3A_181, %parallel_loop3A_182] {strides = array<i32>} : memref<128x128xf32, #tpu.memory_space<vmem>>, vector<1x16xf32>,
      %parallel_loop3A_184 = vector.shape_cast %parallel_loop3A_183 : vector<1x16xf32> to vector<16xf32>
      %parallel_loop3A_185 = vector.shape_cast %parallel_loop3A_180 : vector<16xf32> to vector<1x16xf32>
      tpu.vector_store %arg13[%parallel_loop3A_181, %parallel_loop3A_182], %parallel_loop3A_185 {strides = array<i32>} : memref<128x128xf32, #tpu.memory_space<vmem>>, vector<1x16xf32>,
      %parallel_loop3A_186 = arith.index_cast %parallel_loop3A_115 : i32 to index
      %parallel_loop3A_187 = arith.constant 80 : index
      %parallel_loop3A_188 = tpu.vector_load %arg13[%parallel_loop3A_186, %parallel_loop3A_187] {strides = array<i32>} : memref<128x128xf32, #tpu.memory_space<vmem>>, vector<1x16xf32>,
      %parallel_loop3A_189 = vector.shape_cast %parallel_loop3A_188 : vector<1x16xf32> to vector<16xf32>
      %parallel_loop3A_190 = arith.index_cast %parallel_loop3A_115 : i32 to index
      %parallel_loop3A_191 = arith.constant 80 : index
      %parallel_loop3A_192 = tpu.vector_load %arg14[%parallel_loop3A_190, %parallel_loop3A_191] {strides = array<i32>} : memref<128x128xf32, #tpu.memory_space<vmem>>, vector<1x16xf32>,
      %parallel_loop3A_193 = vector.shape_cast %parallel_loop3A_192 : vector<1x16xf32> to vector<16xf32>
      %parallel_loop3A_194 = arith.mulf %parallel_loop3A_189, %parallel_loop3A_193 : vector<16xf32>
      %parallel_loop3A_195 = arith.index_cast %parallel_loop3A_115 : i32 to index
      %parallel_loop3A_196 = arith.constant 80 : index
      %parallel_loop3A_197 = tpu.vector_load %arg13[%parallel_loop3A_195, %parallel_loop3A_196] {strides = array<i32>} : memref<128x128xf32, #tpu.memory_space<vmem>>, vector<1x16xf32>,
      %parallel_loop3A_198 = vector.shape_cast %parallel_loop3A_197 : vector<1x16xf32> to vector<16xf32>
      %parallel_loop3A_199 = vector.shape_cast %parallel_loop3A_194 : vector<16xf32> to vector<1x16xf32>
      tpu.vector_store %arg13[%parallel_loop3A_195, %parallel_loop3A_196], %parallel_loop3A_199 {strides = array<i32>} : memref<128x128xf32, #tpu.memory_space<vmem>>, vector<1x16xf32>,
      %parallel_loop3A_200 = arith.index_cast %parallel_loop3A_115 : i32 to index
      %parallel_loop3A_201 = arith.constant 96 : index
      %parallel_loop3A_202 = tpu.vector_load %arg13[%parallel_loop3A_200, %parallel_loop3A_201] {strides = array<i32>} : memref<128x128xf32, #tpu.memory_space<vmem>>, vector<1x16xf32>,
      %parallel_loop3A_203 = vector.shape_cast %parallel_loop3A_202 : vector<1x16xf32> to vector<16xf32>
      %parallel_loop3A_204 = arith.index_cast %parallel_loop3A_115 : i32 to index
      %parallel_loop3A_205 = arith.constant 96 : index
      %parallel_loop3A_206 = tpu.vector_load %arg14[%parallel_loop3A_204, %parallel_loop3A_205] {strides = array<i32>} : memref<128x128xf32, #tpu.memory_space<vmem>>, vector<1x16xf32>,
      %parallel_loop3A_207 = vector.shape_cast %parallel_loop3A_206 : vector<1x16xf32> to vector<16xf32>
      %parallel_loop3A_208 = arith.mulf %parallel_loop3A_203, %parallel_loop3A_207 : vector<16xf32>
      %parallel_loop3A_209 = arith.index_cast %parallel_loop3A_115 : i32 to index
      %parallel_loop3A_210 = arith.constant 96 : index
      %parallel_loop3A_211 = tpu.vector_load %arg13[%parallel_loop3A_209, %parallel_loop3A_210] {strides = array<i32>} : memref<128x128xf32, #tpu.memory_space<vmem>>, vector<1x16xf32>,
      %parallel_loop3A_212 = vector.shape_cast %parallel_loop3A_211 : vector<1x16xf32> to vector<16xf32>
      %parallel_loop3A_213 = vector.shape_cast %parallel_loop3A_208 : vector<16xf32> to vector<1x16xf32>
      tpu.vector_store %arg13[%parallel_loop3A_209, %parallel_loop3A_210], %parallel_loop3A_213 {strides = array<i32>} : memref<128x128xf32, #tpu.memory_space<vmem>>, vector<1x16xf32>,
      %parallel_loop3A_214 = arith.index_cast %parallel_loop3A_115 : i32 to index
      %parallel_loop3A_215 = arith.constant 112 : index
      %parallel_loop3A_216 = tpu.vector_load %arg13[%parallel_loop3A_214, %parallel_loop3A_215] {strides = array<i32>} : memref<128x128xf32, #tpu.memory_space<vmem>>, vector<1x16xf32>,
      %parallel_loop3A_217 = vector.shape_cast %parallel_loop3A_216 : vector<1x16xf32> to vector<16xf32>
      %parallel_loop3A_218 = arith.index_cast %parallel_loop3A_115 : i32 to index
      %parallel_loop3A_219 = arith.constant 112 : index
      %parallel_loop3A_220 = tpu.vector_load %arg14[%parallel_loop3A_218, %parallel_loop3A_219] {strides = array<i32>} : memref<128x128xf32, #tpu.memory_space<vmem>>, vector<1x16xf32>,
      %parallel_loop3A_221 = vector.shape_cast %parallel_loop3A_220 : vector<1x16xf32> to vector<16xf32>
      %parallel_loop3A_222 = arith.mulf %parallel_loop3A_217, %parallel_loop3A_221 : vector<16xf32>
      %parallel_loop3A_223 = arith.index_cast %parallel_loop3A_115 : i32 to index
      %parallel_loop3A_224 = arith.constant 112 : index
      %parallel_loop3A_225 = tpu.vector_load %arg13[%parallel_loop3A_223, %parallel_loop3A_224] {strides = array<i32>} : memref<128x128xf32, #tpu.memory_space<vmem>>, vector<1x16xf32>,
      %parallel_loop3A_226 = vector.shape_cast %parallel_loop3A_225 : vector<1x16xf32> to vector<16xf32>
      %parallel_loop3A_227 = vector.shape_cast %parallel_loop3A_222 : vector<16xf32> to vector<1x16xf32>
      tpu.vector_store %arg13[%parallel_loop3A_223, %parallel_loop3A_224], %parallel_loop3A_227 {strides = array<i32>} : memref<128x128xf32, #tpu.memory_space<vmem>>, vector<1x16xf32>,
    } {sc.loop_unroll_factor = 2 : i64, sc.parallel_access}
    "tpu.region"() ({
      %run_scoped3A = tpu.sem_alloc : memref<!tpu.dma_semaphore, #tpu.memory_space<semaphore_mem>>
      %dma_start3A_115 = arith.constant 0 : i32
      %dma_start3A_116 = arith.constant 0 : i32
      %dma_start3A_117 = tpu.memref_slice %arg15[%dma_start3A_115, %dma_start3A_116] : memref<10112x128xf32, #tpu.memory_space<vmem_shared>> -> memref<10112x128xf32, #tpu.memory_space<vmem_shared>>
      tpu.enqueue_indirect_dma source(%arg13 : memref<128x128xf32, #tpu.memory_space<vmem>>) target(%dma_start3A_117 : memref<10112x128xf32, #tpu.memory_space<vmem_shared>>) offsets(%arg11 : memref<128xi32, #tpu.memory_space<vmem>>) semaphore(%run_scoped3A : memref<!tpu.dma_semaphore, #tpu.memory_space<semaphore_mem>>) {add = true}
      %dma_wait3A_118 = arith.constant 0 : i32
      %dma_wait3A_119 = arith.constant 0 : i32
      %dma_wait3A_120 = tpu.memref_slice %arg15[%dma_wait3A_118, %dma_wait3A_119] : memref<10112x128xf32, #tpu.memory_space<vmem_shared>> -> memref<10112x128xf32, #tpu.memory_space<vmem_shared>>
      tpu.wait_indirect_dma semaphore(%run_scoped3A : memref<!tpu.dma_semaphore, #tpu.memory_space<semaphore_mem>>) src(%arg13 : memref<128x128xf32, #tpu.memory_space<vmem>>) dst(%dma_wait3A_120 : memref<10112x128xf32, #tpu.memory_space<vmem_shared>>)
      tpu.yield
    }) : () -> ()
    %barrier3A_107 = arith.constant 0 : index
    tpu.barrier barrier_id(%barrier3A_107)
    %mul3A_108 = arith.constant 632 : i32
    %mul3A_109 = arith.muli %arg1, %mul3A_108 : i32
    %mul3A_110 = arith.constant 10112 : i32
    %mul3A_111 = arith.muli %arg0, %mul3A_110 : i32
    %mul3A_112 = arith.constant 632 : i32
    %mul3A_113 = arith.muli %arg1, %mul3A_112 : i32
    %add3A_114 = arith.addi %mul3A_111, %mul3A_113 : i32
    "tpu.region"() ({
      %run_scoped3A = tpu.sem_alloc : memref<!tpu.dma_semaphore, #tpu.memory_space<semaphore_mem>>
      %dma_start3A_115 = arith.constant 0 : i32
      %dma_start3A_116 = tpu.memref_slice %arg7[%add3A_114, %dma_start3A_115] : memref<20224x128xf32, #tpu.memory_space<hbm>> -> memref<632x128xf32, #tpu.memory_space<hbm>>
      %dma_start3A_117 = arith.constant 0 : i32
      %dma_start3A_118 = tpu.memref_slice %arg15[%mul3A_109, %dma_start3A_117] : memref<10112x128xf32, #tpu.memory_space<vmem_shared>> -> memref<632x128xf32, #tpu.memory_space<vmem_shared>>
      tpu.enqueue_dma source(%dma_start3A_118 : memref<632x128xf32, #tpu.memory_space<vmem_shared>>) target(%dma_start3A_116 : memref<632x128xf32, #tpu.memory_space<hbm>>) target_semaphore(%run_scoped3A : memref<!tpu.dma_semaphore, #tpu.memory_space<semaphore_mem>>)
      %dma_wait3A_119 = arith.constant 0 : i32
      %dma_wait3A_120 = tpu.memref_slice %arg7[%add3A_114, %dma_wait3A_119] : memref<20224x128xf32, #tpu.memory_space<hbm>> -> memref<632x128xf32, #tpu.memory_space<hbm>>
      %dma_wait3A_121 = arith.constant 0 : i32
      %dma_wait3A_122 = tpu.memref_slice %arg15[%mul3A_109, %dma_wait3A_121] : memref<10112x128xf32, #tpu.memory_space<vmem_shared>> -> memref<632x128xf32, #tpu.memory_space<vmem_shared>>
      tpu.wait_dma2 semaphore(%run_scoped3A : memref<!tpu.dma_semaphore, #tpu.memory_space<semaphore_mem>>) src(%dma_wait3A_122 : memref<632x128xf32, #tpu.memory_space<vmem_shared>>) dst(%dma_wait3A_120 : memref<632x128xf32, #tpu.memory_space<hbm>>)
      tpu.yield
    }) : () -> ()
    return
  }
}

#map = affine_map<(d0, d1) -> (0, 0)>
#map1 = affine_map<(d0, d1) -> (0)>
module attributes {stable_mosaic.version = 14 : i64} {
  func.func @_sc_agg_body(%arg0: i32, %arg1: i32, %arg2: memref<10000x128xf32, #tpu.memory_space<hbm>>, %arg3: memref<327680xi32, #tpu.memory_space<hbm>>, %arg4: memref<327680xi32, #tpu.memory_space<hbm>>, %arg5: memref<327680x128xf32, #tpu.memory_space<hbm>>, %arg6: memref<10112x128xf32, #tpu.memory_space<hbm>>, %arg7: memref<20224x128xf32, #tpu.memory_space<hbm>>, %arg8: memref<128xi32, #tpu.memory_space<vmem>>, %arg9: memref<128xi32, #tpu.memory_space<vmem>>, %arg10: memref<128xi32, #tpu.memory_space<vmem>>, %arg11: memref<128xi32, #tpu.memory_space<vmem>>, %arg12: memref<128x128xf32, #tpu.memory_space<vmem>>, %arg13: memref<128x128xf32, #tpu.memory_space<vmem>>, %arg14: memref<128x128xf32, #tpu.memory_space<vmem>>, %arg15: memref<10112x128xf32, #tpu.memory_space<vmem_shared>>, %arg16: memref<!tpu.dma_semaphore, #tpu.memory_space<semaphore_mem>>, %arg17: memref<!tpu.dma_semaphore, #tpu.memory_space<semaphore_mem>>, %arg18: memref<!tpu.dma_semaphore, #tpu.memory_space<semaphore_mem>>, %arg19: memref<!tpu.dma_semaphore, #tpu.memory_space<semaphore_mem>>, %arg20: memref<!tpu.dma_semaphore, #tpu.memory_space<semaphore_mem>>, %arg21: memref<!tpu.dma_semaphore, #tpu.memory_space<semaphore_mem>>, %arg22: memref<!tpu.dma_semaphore, #tpu.memory_space<semaphore_mem>>) attributes {dimension_semantics = [#tpu.dimension_semantics<core_parallel>, #tpu.dimension_semantics<subcore_parallel>], iteration_bounds = array<i64: 2, 16>, scalar_prefetch = 0 : i64, scratch_operands = 15 : i64, tpu.core_type = #tpu.core_type<sc_vector_subcore>, window_params = [{transform_indices = #map}, {transform_indices = #map1}, {transform_indices = #map1}, {transform_indices = #map}, {transform_indices = #map}, {transform_indices = #map}]} {
    %mul3A = arith.constant 16 : i32
    %mul3A_0 = arith.muli %arg0, %mul3A : i32
    %add3A = arith.addi %mul3A_0, %arg1 : i32
    %mul3A_1 = arith.constant 632 : i32
    %mul3A_2 = arith.muli %arg1, %mul3A_1 : i32
    %mul3A_3 = arith.constant 632 : i32
    %mul3A_4 = arith.muli %arg1, %mul3A_3 : i32
    "tpu.region"() ({
      %run_scoped3A = tpu.sem_alloc : memref<!tpu.dma_semaphore, #tpu.memory_space<semaphore_mem>>
      %dma_start3A_115 = arith.constant 0 : i32
      %dma_start3A_116 = tpu.memref_slice %arg15[%mul3A_4, %dma_start3A_115] : memref<10112x128xf32, #tpu.memory_space<vmem_shared>> -> memref<632x128xf32, #tpu.memory_space<vmem_shared>>
      %dma_start3A_117 = arith.constant 0 : i32
      %dma_start3A_118 = tpu.memref_slice %arg6[%mul3A_2, %dma_start3A_117] : memref<10112x128xf32, #tpu.memory_space<hbm>> -> memref<632x128xf32, #tpu.memory_space<hbm>>
      tpu.enqueue_dma source(%dma_start3A_118 : memref<632x128xf32, #tpu.memory_space<hbm>>) target(%dma_start3A_116 : memref<632x128xf32, #tpu.memory_space<vmem_shared>>) target_semaphore(%run_scoped3A : memref<!tpu.dma_semaphore, #tpu.memory_space<semaphore_mem>>)
      %dma_wait3A_119 = arith.constant 0 : i32
      %dma_wait3A_120 = tpu.memref_slice %arg15[%mul3A_4, %dma_wait3A_119] : memref<10112x128xf32, #tpu.memory_space<vmem_shared>> -> memref<632x128xf32, #tpu.memory_space<vmem_shared>>
      %dma_wait3A_121 = arith.constant 0 : i32
      %dma_wait3A_122 = tpu.memref_slice %arg6[%mul3A_2, %dma_wait3A_121] : memref<10112x128xf32, #tpu.memory_space<hbm>> -> memref<632x128xf32, #tpu.memory_space<hbm>>
      tpu.wait_dma2 semaphore(%run_scoped3A : memref<!tpu.dma_semaphore, #tpu.memory_space<semaphore_mem>>) src(%dma_wait3A_122 : memref<632x128xf32, #tpu.memory_space<hbm>>) dst(%dma_wait3A_120 : memref<632x128xf32, #tpu.memory_space<vmem_shared>>)
      tpu.yield
    }) : () -> ()
    %barrier3A = arith.constant 0 : index
    tpu.barrier barrier_id(%barrier3A)
    %mul3A_5 = arith.constant 80 : i32
    %mul3A_6 = arith.muli %add3A, %mul3A_5 : i32
    %add3A_7 = arith.constant 0 : i32
    %add3A_8 = arith.addi %mul3A_6, %add3A_7 : i32
    %mul3A_9 = arith.constant 128 : i32
    %mul3A_10 = arith.muli %add3A_8, %mul3A_9 : i32
    "tpu.region"() ({
      %run_scoped3A = tpu.sem_alloc : memref<!tpu.dma_semaphore, #tpu.memory_space<semaphore_mem>>
      %dma_start3A_115 = tpu.memref_slice %arg3[%mul3A_10] : memref<327680xi32, #tpu.memory_space<hbm>> -> memref<128xi32, #tpu.memory_space<hbm>>
      %dma_start3A_116 = tpu.memref_slice %arg3[%mul3A_10] : memref<327680xi32, #tpu.memory_space<hbm>> -> memref<128xi32, #tpu.memory_space<hbm>>
      tpu.enqueue_dma source(%dma_start3A_116 : memref<128xi32, #tpu.memory_space<hbm>>) target(%arg8 : memref<128xi32, #tpu.memory_space<vmem>>) target_semaphore(%run_scoped3A : memref<!tpu.dma_semaphore, #tpu.memory_space<semaphore_mem>>)
      %dma_wait3A_117 = tpu.memref_slice %arg3[%mul3A_10] : memref<327680xi32, #tpu.memory_space<hbm>> -> memref<128xi32, #tpu.memory_space<hbm>>
      %dma_wait3A_118 = tpu.memref_slice %arg3[%mul3A_10] : memref<327680xi32, #tpu.memory_space<hbm>> -> memref<128xi32, #tpu.memory_space<hbm>>
      tpu.wait_dma2 semaphore(%run_scoped3A : memref<!tpu.dma_semaphore, #tpu.memory_space<semaphore_mem>>) src(%dma_wait3A_118 : memref<128xi32, #tpu.memory_space<hbm>>) dst(%arg8 : memref<128xi32, #tpu.memory_space<vmem>>)
      tpu.yield
    }) : () -> ()
    %dma_start3A = arith.constant 0 : i32
    %dma_start3A_11 = arith.constant 0 : i32
    %dma_start3A_12 = tpu.memref_slice %arg2[%dma_start3A, %dma_start3A_11] : memref<10000x128xf32, #tpu.memory_space<hbm>> -> memref<10000x128xf32, #tpu.memory_space<hbm>>
    tpu.enqueue_indirect_dma source(%dma_start3A_12 : memref<10000x128xf32, #tpu.memory_space<hbm>>) target(%arg12 : memref<128x128xf32, #tpu.memory_space<vmem>>) offsets(%arg8 : memref<128xi32, #tpu.memory_space<vmem>>) semaphore(%arg16 : memref<!tpu.dma_semaphore, #tpu.memory_space<semaphore_mem>>)
    %mul3A_13 = arith.constant 80 : i32
    %mul3A_14 = arith.muli %add3A, %mul3A_13 : i32
    %add3A_15 = arith.constant 1 : i32
    %add3A_16 = arith.addi %mul3A_14, %add3A_15 : i32
    %mul3A_17 = arith.constant 128 : i32
    %mul3A_18 = arith.muli %add3A_16, %mul3A_17 : i32
    %dma_start3A_19 = tpu.memref_slice %arg3[%mul3A_18] : memref<327680xi32, #tpu.memory_space<hbm>> -> memref<128xi32, #tpu.memory_space<hbm>>
    %dma_start3A_20 = tpu.memref_slice %arg3[%mul3A_18] : memref<327680xi32, #tpu.memory_space<hbm>> -> memref<128xi32, #tpu.memory_space<hbm>>
    tpu.enqueue_dma source(%dma_start3A_20 : memref<128xi32, #tpu.memory_space<hbm>>) target(%arg9 : memref<128xi32, #tpu.memory_space<vmem>>) target_semaphore(%arg19 : memref<!tpu.dma_semaphore, #tpu.memory_space<semaphore_mem>>)
    %mul3A_21 = arith.constant 80 : i32
    %mul3A_22 = arith.muli %add3A, %mul3A_21 : i32
    %add3A_23 = arith.constant 0 : i32
    %add3A_24 = arith.addi %mul3A_22, %add3A_23 : i32
    %mul3A_25 = arith.constant 128 : i32
    %mul3A_26 = arith.muli %add3A_24, %mul3A_25 : i32
    %dma_start3A_27 = tpu.memref_slice %arg4[%mul3A_26] : memref<327680xi32, #tpu.memory_space<hbm>> -> memref<128xi32, #tpu.memory_space<hbm>>
    %dma_start3A_28 = tpu.memref_slice %arg4[%mul3A_26] : memref<327680xi32, #tpu.memory_space<hbm>> -> memref<128xi32, #tpu.memory_space<hbm>>
    tpu.enqueue_dma source(%dma_start3A_28 : memref<128xi32, #tpu.memory_space<hbm>>) target(%arg10 : memref<128xi32, #tpu.memory_space<vmem>>) target_semaphore(%arg20 : memref<!tpu.dma_semaphore, #tpu.memory_space<semaphore_mem>>)
    %scan3A = arith.constant 0 : i32
    %scan3A_29 = arith.constant 0 : i32
    %scan3A_30 = arith.constant 39 : i32
    %scan3A_31 = arith.addi %scan3A_29, %scan3A_30 : i32
    %scan3A_32 = arith.constant 1 : i32
    scf.for %scan3A_115 = %scan3A_29 to %scan3A_31 step %scan3A_32  : i32 {
      %mul3A_116 = arith.constant 2 : i32
      %mul3A_117 = arith.muli %mul3A_116, %scan3A_115 : i32
      %mul3A_118 = arith.constant 80 : i32
      %mul3A_119 = arith.muli %add3A, %mul3A_118 : i32
      %add3A_120 = arith.addi %mul3A_119, %mul3A_117 : i32
      %mul3A_121 = arith.constant 128 : i32
      %mul3A_122 = arith.muli %add3A_120, %mul3A_121 : i32
      %dma_start3A_123 = arith.constant 0 : i32
      %dma_start3A_124 = tpu.memref_slice %arg5[%mul3A_122, %dma_start3A_123] : memref<327680x128xf32, #tpu.memory_space<hbm>> -> memref<128x128xf32, #tpu.memory_space<hbm>>
      %dma_start3A_125 = arith.constant 0 : i32
      %dma_start3A_126 = tpu.memref_slice %arg5[%mul3A_122, %dma_start3A_125] : memref<327680x128xf32, #tpu.memory_space<hbm>> -> memref<128x128xf32, #tpu.memory_space<hbm>>
      tpu.enqueue_dma source(%dma_start3A_126 : memref<128x128xf32, #tpu.memory_space<hbm>>) target(%arg14 : memref<128x128xf32, #tpu.memory_space<vmem>>) target_semaphore(%arg22 : memref<!tpu.dma_semaphore, #tpu.memory_space<semaphore_mem>>)
      %add3A_127 = arith.constant 1 : i32
      %add3A_128 = arith.addi %mul3A_117, %add3A_127 : i32
      %mul3A_129 = arith.constant 80 : i32
      %mul3A_130 = arith.muli %add3A, %mul3A_129 : i32
      %add3A_131 = arith.addi %mul3A_130, %add3A_128 : i32
      %mul3A_132 = arith.constant 128 : i32
      %mul3A_133 = arith.muli %add3A_131, %mul3A_132 : i32
      %dma_wait3A_134 = tpu.memref_slice %arg3[%mul3A_133] : memref<327680xi32, #tpu.memory_space<hbm>> -> memref<128xi32, #tpu.memory_space<hbm>>
      %dma_wait3A_135 = tpu.memref_slice %arg3[%mul3A_133] : memref<327680xi32, #tpu.memory_space<hbm>> -> memref<128xi32, #tpu.memory_space<hbm>>
      tpu.wait_dma2 semaphore(%arg19 : memref<!tpu.dma_semaphore, #tpu.memory_space<semaphore_mem>>) src(%dma_wait3A_135 : memref<128xi32, #tpu.memory_space<hbm>>) dst(%arg9 : memref<128xi32, #tpu.memory_space<vmem>>)
      %dma_start3A_136 = arith.constant 0 : i32
      %dma_start3A_137 = arith.constant 0 : i32
      %dma_start3A_138 = tpu.memref_slice %arg2[%dma_start3A_136, %dma_start3A_137] : memref<10000x128xf32, #tpu.memory_space<hbm>> -> memref<10000x128xf32, #tpu.memory_space<hbm>>
      tpu.enqueue_indirect_dma source(%dma_start3A_138 : memref<10000x128xf32, #tpu.memory_space<hbm>>) target(%arg13 : memref<128x128xf32, #tpu.memory_space<vmem>>) offsets(%arg9 : memref<128xi32, #tpu.memory_space<vmem>>) semaphore(%arg17 : memref<!tpu.dma_semaphore, #tpu.memory_space<semaphore_mem>>)
      %dma_wait3A_139 = arith.constant 0 : i32
      %dma_wait3A_140 = arith.constant 0 : i32
      %dma_wait3A_141 = tpu.memref_slice %arg2[%dma_wait3A_139, %dma_wait3A_140] : memref<10000x128xf32, #tpu.memory_space<hbm>> -> memref<10000x128xf32, #tpu.memory_space<hbm>>
      tpu.wait_indirect_dma semaphore(%arg16 : memref<!tpu.dma_semaphore, #tpu.memory_space<semaphore_mem>>) src(%dma_wait3A_141 : memref<10000x128xf32, #tpu.memory_space<hbm>>) dst(%arg12 : memref<128x128xf32, #tpu.memory_space<vmem>>)
      %add3A_142 = arith.constant 2 : i32
      %add3A_143 = arith.addi %mul3A_117, %add3A_142 : i32
      %mul3A_144 = arith.constant 80 : i32
      %mul3A_145 = arith.muli %add3A, %mul3A_144 : i32
      %add3A_146 = arith.addi %mul3A_145, %add3A_143 : i32
      %mul3A_147 = arith.constant 128 : i32
      %mul3A_148 = arith.muli %add3A_146, %mul3A_147 : i32
      %dma_start3A_149 = tpu.memref_slice %arg3[%mul3A_148] : memref<327680xi32, #tpu.memory_space<hbm>> -> memref<128xi32, #tpu.memory_space<hbm>>
      %dma_start3A_150 = tpu.memref_slice %arg3[%mul3A_148] : memref<327680xi32, #tpu.memory_space<hbm>> -> memref<128xi32, #tpu.memory_space<hbm>>
      tpu.enqueue_dma source(%dma_start3A_150 : memref<128xi32, #tpu.memory_space<hbm>>) target(%arg8 : memref<128xi32, #tpu.memory_space<vmem>>) target_semaphore(%arg18 : memref<!tpu.dma_semaphore, #tpu.memory_space<semaphore_mem>>)
      %mul3A_151 = arith.constant 80 : i32
      %mul3A_152 = arith.muli %add3A, %mul3A_151 : i32
      %add3A_153 = arith.addi %mul3A_152, %mul3A_117 : i32
      %mul3A_154 = arith.constant 128 : i32
      %mul3A_155 = arith.muli %add3A_153, %mul3A_154 : i32
      %dma_wait3A_156 = tpu.memref_slice %arg4[%mul3A_155] : memref<327680xi32, #tpu.memory_space<hbm>> -> memref<128xi32, #tpu.memory_space<hbm>>
      %dma_wait3A_157 = tpu.memref_slice %arg4[%mul3A_155] : memref<327680xi32, #tpu.memory_space<hbm>> -> memref<128xi32, #tpu.memory_space<hbm>>
      tpu.wait_dma2 semaphore(%arg20 : memref<!tpu.dma_semaphore, #tpu.memory_space<semaphore_mem>>) src(%dma_wait3A_157 : memref<128xi32, #tpu.memory_space<hbm>>) dst(%arg10 : memref<128xi32, #tpu.memory_space<vmem>>)
      %add3A_158 = arith.constant 1 : i32
      %add3A_159 = arith.addi %mul3A_117, %add3A_158 : i32
      %mul3A_160 = arith.constant 80 : i32
      %mul3A_161 = arith.muli %add3A, %mul3A_160 : i32
      %add3A_162 = arith.addi %mul3A_161, %add3A_159 : i32
      %mul3A_163 = arith.constant 128 : i32
      %mul3A_164 = arith.muli %add3A_162, %mul3A_163 : i32
      %dma_start3A_165 = tpu.memref_slice %arg4[%mul3A_164] : memref<327680xi32, #tpu.memory_space<hbm>> -> memref<128xi32, #tpu.memory_space<hbm>>
      %dma_start3A_166 = tpu.memref_slice %arg4[%mul3A_164] : memref<327680xi32, #tpu.memory_space<hbm>> -> memref<128xi32, #tpu.memory_space<hbm>>
      tpu.enqueue_dma source(%dma_start3A_166 : memref<128xi32, #tpu.memory_space<hbm>>) target(%arg11 : memref<128xi32, #tpu.memory_space<vmem>>) target_semaphore(%arg21 : memref<!tpu.dma_semaphore, #tpu.memory_space<semaphore_mem>>)
      %dma_wait3A_167 = arith.constant 0 : i32
      %dma_wait3A_168 = tpu.memref_slice %arg5[%mul3A_122, %dma_wait3A_167] : memref<327680x128xf32, #tpu.memory_space<hbm>> -> memref<128x128xf32, #tpu.memory_space<hbm>>
      %dma_wait3A_169 = arith.constant 0 : i32
      %dma_wait3A_170 = tpu.memref_slice %arg5[%mul3A_122, %dma_wait3A_169] : memref<327680x128xf32, #tpu.memory_space<hbm>> -> memref<128x128xf32, #tpu.memory_space<hbm>>
      tpu.wait_dma2 semaphore(%arg22 : memref<!tpu.dma_semaphore, #tpu.memory_space<semaphore_mem>>) src(%dma_wait3A_170 : memref<128x128xf32, #tpu.memory_space<hbm>>) dst(%arg14 : memref<128x128xf32, #tpu.memory_space<vmem>>)
      %parallel_loop3A_171 = arith.constant 0 : i32
      %parallel_loop3A_172 = arith.constant 128 : i32
      %parallel_loop3A_173 = arith.constant 1 : i32
      scf.for %parallel_loop3A_234 = %parallel_loop3A_171 to %parallel_loop3A_172 step %parallel_loop3A_173  : i32 {
        %parallel_loop3A_235 = arith.index_cast %parallel_loop3A_234 : i32 to index
        %parallel_loop3A_236 = arith.constant 0 : index
        %parallel_loop3A_237 = tpu.vector_load %arg12[%parallel_loop3A_235, %parallel_loop3A_236] {strides = array<i32>} : memref<128x128xf32, #tpu.memory_space<vmem>>, vector<1x16xf32>,
        %parallel_loop3A_238 = vector.shape_cast %parallel_loop3A_237 : vector<1x16xf32> to vector<16xf32>
        %parallel_loop3A_239 = arith.index_cast %parallel_loop3A_234 : i32 to index
        %parallel_loop3A_240 = arith.constant 0 : index
        %parallel_loop3A_241 = tpu.vector_load %arg14[%parallel_loop3A_239, %parallel_loop3A_240] {strides = array<i32>} : memref<128x128xf32, #tpu.memory_space<vmem>>, vector<1x16xf32>,
        %parallel_loop3A_242 = vector.shape_cast %parallel_loop3A_241 : vector<1x16xf32> to vector<16xf32>
        %parallel_loop3A_243 = arith.mulf %parallel_loop3A_238, %parallel_loop3A_242 : vector<16xf32>
        %parallel_loop3A_244 = arith.index_cast %parallel_loop3A_234 : i32 to index
        %parallel_loop3A_245 = arith.constant 0 : index
        %parallel_loop3A_246 = tpu.vector_load %arg12[%parallel_loop3A_244, %parallel_loop3A_245] {strides = array<i32>} : memref<128x128xf32, #tpu.memory_space<vmem>>, vector<1x16xf32>,
        %parallel_loop3A_247 = vector.shape_cast %parallel_loop3A_246 : vector<1x16xf32> to vector<16xf32>
        %parallel_loop3A_248 = vector.shape_cast %parallel_loop3A_243 : vector<16xf32> to vector<1x16xf32>
        tpu.vector_store %arg12[%parallel_loop3A_244, %parallel_loop3A_245], %parallel_loop3A_248 {strides = array<i32>} : memref<128x128xf32, #tpu.memory_space<vmem>>, vector<1x16xf32>,
        %parallel_loop3A_249 = arith.index_cast %parallel_loop3A_234 : i32 to index
        %parallel_loop3A_250 = arith.constant 16 : index
        %parallel_loop3A_251 = tpu.vector_load %arg12[%parallel_loop3A_249, %parallel_loop3A_250] {strides = array<i32>} : memref<128x128xf32, #tpu.memory_space<vmem>>, vector<1x16xf32>,
        %parallel_loop3A_252 = vector.shape_cast %parallel_loop3A_251 : vector<1x16xf32> to vector<16xf32>
        %parallel_loop3A_253 = arith.index_cast %parallel_loop3A_234 : i32 to index
        %parallel_loop3A_254 = arith.constant 16 : index
        %parallel_loop3A_255 = tpu.vector_load %arg14[%parallel_loop3A_253, %parallel_loop3A_254] {strides = array<i32>} : memref<128x128xf32, #tpu.memory_space<vmem>>, vector<1x16xf32>,
        %parallel_loop3A_256 = vector.shape_cast %parallel_loop3A_255 : vector<1x16xf32> to vector<16xf32>
        %parallel_loop3A_257 = arith.mulf %parallel_loop3A_252, %parallel_loop3A_256 : vector<16xf32>
        %parallel_loop3A_258 = arith.index_cast %parallel_loop3A_234 : i32 to index
        %parallel_loop3A_259 = arith.constant 16 : index
        %parallel_loop3A_260 = tpu.vector_load %arg12[%parallel_loop3A_258, %parallel_loop3A_259] {strides = array<i32>} : memref<128x128xf32, #tpu.memory_space<vmem>>, vector<1x16xf32>,
        %parallel_loop3A_261 = vector.shape_cast %parallel_loop3A_260 : vector<1x16xf32> to vector<16xf32>
        %parallel_loop3A_262 = vector.shape_cast %parallel_loop3A_257 : vector<16xf32> to vector<1x16xf32>
        tpu.vector_store %arg12[%parallel_loop3A_258, %parallel_loop3A_259], %parallel_loop3A_262 {strides = array<i32>} : memref<128x128xf32, #tpu.memory_space<vmem>>, vector<1x16xf32>,
        %parallel_loop3A_263 = arith.index_cast %parallel_loop3A_234 : i32 to index
        %parallel_loop3A_264 = arith.constant 32 : index
        %parallel_loop3A_265 = tpu.vector_load %arg12[%parallel_loop3A_263, %parallel_loop3A_264] {strides = array<i32>} : memref<128x128xf32, #tpu.memory_space<vmem>>, vector<1x16xf32>,
        %parallel_loop3A_266 = vector.shape_cast %parallel_loop3A_265 : vector<1x16xf32> to vector<16xf32>
        %parallel_loop3A_267 = arith.index_cast %parallel_loop3A_234 : i32 to index
        %parallel_loop3A_268 = arith.constant 32 : index
        %parallel_loop3A_269 = tpu.vector_load %arg14[%parallel_loop3A_267, %parallel_loop3A_268] {strides = array<i32>} : memref<128x128xf32, #tpu.memory_space<vmem>>, vector<1x16xf32>,
        %parallel_loop3A_270 = vector.shape_cast %parallel_loop3A_269 : vector<1x16xf32> to vector<16xf32>
        %parallel_loop3A_271 = arith.mulf %parallel_loop3A_266, %parallel_loop3A_270 : vector<16xf32>
        %parallel_loop3A_272 = arith.index_cast %parallel_loop3A_234 : i32 to index
        %parallel_loop3A_273 = arith.constant 32 : index
        %parallel_loop3A_274 = tpu.vector_load %arg12[%parallel_loop3A_272, %parallel_loop3A_273] {strides = array<i32>} : memref<128x128xf32, #tpu.memory_space<vmem>>, vector<1x16xf32>,
        %parallel_loop3A_275 = vector.shape_cast %parallel_loop3A_274 : vector<1x16xf32> to vector<16xf32>
        %parallel_loop3A_276 = vector.shape_cast %parallel_loop3A_271 : vector<16xf32> to vector<1x16xf32>
        tpu.vector_store %arg12[%parallel_loop3A_272, %parallel_loop3A_273], %parallel_loop3A_276 {strides = array<i32>} : memref<128x128xf32, #tpu.memory_space<vmem>>, vector<1x16xf32>,
        %parallel_loop3A_277 = arith.index_cast %parallel_loop3A_234 : i32 to index
        %parallel_loop3A_278 = arith.constant 48 : index
        %parallel_loop3A_279 = tpu.vector_load %arg12[%parallel_loop3A_277, %parallel_loop3A_278] {strides = array<i32>} : memref<128x128xf32, #tpu.memory_space<vmem>>, vector<1x16xf32>,
        %parallel_loop3A_280 = vector.shape_cast %parallel_loop3A_279 : vector<1x16xf32> to vector<16xf32>
        %parallel_loop3A_281 = arith.index_cast %parallel_loop3A_234 : i32 to index
        %parallel_loop3A_282 = arith.constant 48 : index
        %parallel_loop3A_283 = tpu.vector_load %arg14[%parallel_loop3A_281, %parallel_loop3A_282] {strides = array<i32>} : memref<128x128xf32, #tpu.memory_space<vmem>>, vector<1x16xf32>,
        %parallel_loop3A_284 = vector.shape_cast %parallel_loop3A_283 : vector<1x16xf32> to vector<16xf32>
        %parallel_loop3A_285 = arith.mulf %parallel_loop3A_280, %parallel_loop3A_284 : vector<16xf32>
        %parallel_loop3A_286 = arith.index_cast %parallel_loop3A_234 : i32 to index
        %parallel_loop3A_287 = arith.constant 48 : index
        %parallel_loop3A_288 = tpu.vector_load %arg12[%parallel_loop3A_286, %parallel_loop3A_287] {strides = array<i32>} : memref<128x128xf32, #tpu.memory_space<vmem>>, vector<1x16xf32>,
        %parallel_loop3A_289 = vector.shape_cast %parallel_loop3A_288 : vector<1x16xf32> to vector<16xf32>
        %parallel_loop3A_290 = vector.shape_cast %parallel_loop3A_285 : vector<16xf32> to vector<1x16xf32>
        tpu.vector_store %arg12[%parallel_loop3A_286, %parallel_loop3A_287], %parallel_loop3A_290 {strides = array<i32>} : memref<128x128xf32, #tpu.memory_space<vmem>>, vector<1x16xf32>,
        %parallel_loop3A_291 = arith.index_cast %parallel_loop3A_234 : i32 to index
        %parallel_loop3A_292 = arith.constant 64 : index
        %parallel_loop3A_293 = tpu.vector_load %arg12[%parallel_loop3A_291, %parallel_loop3A_292] {strides = array<i32>} : memref<128x128xf32, #tpu.memory_space<vmem>>, vector<1x16xf32>,
        %parallel_loop3A_294 = vector.shape_cast %parallel_loop3A_293 : vector<1x16xf32> to vector<16xf32>
        %parallel_loop3A_295 = arith.index_cast %parallel_loop3A_234 : i32 to index
        %parallel_loop3A_296 = arith.constant 64 : index
        %parallel_loop3A_297 = tpu.vector_load %arg14[%parallel_loop3A_295, %parallel_loop3A_296] {strides = array<i32>} : memref<128x128xf32, #tpu.memory_space<vmem>>, vector<1x16xf32>,
        %parallel_loop3A_298 = vector.shape_cast %parallel_loop3A_297 : vector<1x16xf32> to vector<16xf32>
        %parallel_loop3A_299 = arith.mulf %parallel_loop3A_294, %parallel_loop3A_298 : vector<16xf32>
        %parallel_loop3A_300 = arith.index_cast %parallel_loop3A_234 : i32 to index
        %parallel_loop3A_301 = arith.constant 64 : index
        %parallel_loop3A_302 = tpu.vector_load %arg12[%parallel_loop3A_300, %parallel_loop3A_301] {strides = array<i32>} : memref<128x128xf32, #tpu.memory_space<vmem>>, vector<1x16xf32>,
        %parallel_loop3A_303 = vector.shape_cast %parallel_loop3A_302 : vector<1x16xf32> to vector<16xf32>
        %parallel_loop3A_304 = vector.shape_cast %parallel_loop3A_299 : vector<16xf32> to vector<1x16xf32>
        tpu.vector_store %arg12[%parallel_loop3A_300, %parallel_loop3A_301], %parallel_loop3A_304 {strides = array<i32>} : memref<128x128xf32, #tpu.memory_space<vmem>>, vector<1x16xf32>,
        %parallel_loop3A_305 = arith.index_cast %parallel_loop3A_234 : i32 to index
        %parallel_loop3A_306 = arith.constant 80 : index
        %parallel_loop3A_307 = tpu.vector_load %arg12[%parallel_loop3A_305, %parallel_loop3A_306] {strides = array<i32>} : memref<128x128xf32, #tpu.memory_space<vmem>>, vector<1x16xf32>,
        %parallel_loop3A_308 = vector.shape_cast %parallel_loop3A_307 : vector<1x16xf32> to vector<16xf32>
        %parallel_loop3A_309 = arith.index_cast %parallel_loop3A_234 : i32 to index
        %parallel_loop3A_310 = arith.constant 80 : index
        %parallel_loop3A_311 = tpu.vector_load %arg14[%parallel_loop3A_309, %parallel_loop3A_310] {strides = array<i32>} : memref<128x128xf32, #tpu.memory_space<vmem>>, vector<1x16xf32>,
        %parallel_loop3A_312 = vector.shape_cast %parallel_loop3A_311 : vector<1x16xf32> to vector<16xf32>
        %parallel_loop3A_313 = arith.mulf %parallel_loop3A_308, %parallel_loop3A_312 : vector<16xf32>
        %parallel_loop3A_314 = arith.index_cast %parallel_loop3A_234 : i32 to index
        %parallel_loop3A_315 = arith.constant 80 : index
        %parallel_loop3A_316 = tpu.vector_load %arg12[%parallel_loop3A_314, %parallel_loop3A_315] {strides = array<i32>} : memref<128x128xf32, #tpu.memory_space<vmem>>, vector<1x16xf32>,
        %parallel_loop3A_317 = vector.shape_cast %parallel_loop3A_316 : vector<1x16xf32> to vector<16xf32>
        %parallel_loop3A_318 = vector.shape_cast %parallel_loop3A_313 : vector<16xf32> to vector<1x16xf32>
        tpu.vector_store %arg12[%parallel_loop3A_314, %parallel_loop3A_315], %parallel_loop3A_318 {strides = array<i32>} : memref<128x128xf32, #tpu.memory_space<vmem>>, vector<1x16xf32>,
        %parallel_loop3A_319 = arith.index_cast %parallel_loop3A_234 : i32 to index
        %parallel_loop3A_320 = arith.constant 96 : index
        %parallel_loop3A_321 = tpu.vector_load %arg12[%parallel_loop3A_319, %parallel_loop3A_320] {strides = array<i32>} : memref<128x128xf32, #tpu.memory_space<vmem>>, vector<1x16xf32>,
        %parallel_loop3A_322 = vector.shape_cast %parallel_loop3A_321 : vector<1x16xf32> to vector<16xf32>
        %parallel_loop3A_323 = arith.index_cast %parallel_loop3A_234 : i32 to index
        %parallel_loop3A_324 = arith.constant 96 : index
        %parallel_loop3A_325 = tpu.vector_load %arg14[%parallel_loop3A_323, %parallel_loop3A_324] {strides = array<i32>} : memref<128x128xf32, #tpu.memory_space<vmem>>, vector<1x16xf32>,
        %parallel_loop3A_326 = vector.shape_cast %parallel_loop3A_325 : vector<1x16xf32> to vector<16xf32>
        %parallel_loop3A_327 = arith.mulf %parallel_loop3A_322, %parallel_loop3A_326 : vector<16xf32>
        %parallel_loop3A_328 = arith.index_cast %parallel_loop3A_234 : i32 to index
        %parallel_loop3A_329 = arith.constant 96 : index
        %parallel_loop3A_330 = tpu.vector_load %arg12[%parallel_loop3A_328, %parallel_loop3A_329] {strides = array<i32>} : memref<128x128xf32, #tpu.memory_space<vmem>>, vector<1x16xf32>,
        %parallel_loop3A_331 = vector.shape_cast %parallel_loop3A_330 : vector<1x16xf32> to vector<16xf32>
        %parallel_loop3A_332 = vector.shape_cast %parallel_loop3A_327 : vector<16xf32> to vector<1x16xf32>
        tpu.vector_store %arg12[%parallel_loop3A_328, %parallel_loop3A_329], %parallel_loop3A_332 {strides = array<i32>} : memref<128x128xf32, #tpu.memory_space<vmem>>, vector<1x16xf32>,
        %parallel_loop3A_333 = arith.index_cast %parallel_loop3A_234 : i32 to index
        %parallel_loop3A_334 = arith.constant 112 : index
        %parallel_loop3A_335 = tpu.vector_load %arg12[%parallel_loop3A_333, %parallel_loop3A_334] {strides = array<i32>} : memref<128x128xf32, #tpu.memory_space<vmem>>, vector<1x16xf32>,
        %parallel_loop3A_336 = vector.shape_cast %parallel_loop3A_335 : vector<1x16xf32> to vector<16xf32>
        %parallel_loop3A_337 = arith.index_cast %parallel_loop3A_234 : i32 to index
        %parallel_loop3A_338 = arith.constant 112 : index
        %parallel_loop3A_339 = tpu.vector_load %arg14[%parallel_loop3A_337, %parallel_loop3A_338] {strides = array<i32>} : memref<128x128xf32, #tpu.memory_space<vmem>>, vector<1x16xf32>,
        %parallel_loop3A_340 = vector.shape_cast %parallel_loop3A_339 : vector<1x16xf32> to vector<16xf32>
        %parallel_loop3A_341 = arith.mulf %parallel_loop3A_336, %parallel_loop3A_340 : vector<16xf32>
        %parallel_loop3A_342 = arith.index_cast %parallel_loop3A_234 : i32 to index
        %parallel_loop3A_343 = arith.constant 112 : index
        %parallel_loop3A_344 = tpu.vector_load %arg12[%parallel_loop3A_342, %parallel_loop3A_343] {strides = array<i32>} : memref<128x128xf32, #tpu.memory_space<vmem>>, vector<1x16xf32>,
        %parallel_loop3A_345 = vector.shape_cast %parallel_loop3A_344 : vector<1x16xf32> to vector<16xf32>
        %parallel_loop3A_346 = vector.shape_cast %parallel_loop3A_341 : vector<16xf32> to vector<1x16xf32>
        tpu.vector_store %arg12[%parallel_loop3A_342, %parallel_loop3A_343], %parallel_loop3A_346 {strides = array<i32>} : memref<128x128xf32, #tpu.memory_space<vmem>>, vector<1x16xf32>,
      } {sc.loop_unroll_factor = 2 : i64, sc.parallel_access}
      "tpu.region"() ({
        %run_scoped3A = tpu.sem_alloc : memref<!tpu.dma_semaphore, #tpu.memory_space<semaphore_mem>>
        %dma_start3A_234 = arith.constant 0 : i32
        %dma_start3A_235 = arith.constant 0 : i32
        %dma_start3A_236 = tpu.memref_slice %arg15[%dma_start3A_234, %dma_start3A_235] : memref<10112x128xf32, #tpu.memory_space<vmem_shared>> -> memref<10112x128xf32, #tpu.memory_space<vmem_shared>>
        tpu.enqueue_indirect_dma source(%arg12 : memref<128x128xf32, #tpu.memory_space<vmem>>) target(%dma_start3A_236 : memref<10112x128xf32, #tpu.memory_space<vmem_shared>>) offsets(%arg10 : memref<128xi32, #tpu.memory_space<vmem>>) semaphore(%run_scoped3A : memref<!tpu.dma_semaphore, #tpu.memory_space<semaphore_mem>>) {add = true}
        %dma_wait3A_237 = arith.constant 0 : i32
        %dma_wait3A_238 = arith.constant 0 : i32
        %dma_wait3A_239 = tpu.memref_slice %arg15[%dma_wait3A_237, %dma_wait3A_238] : memref<10112x128xf32, #tpu.memory_space<vmem_shared>> -> memref<10112x128xf32, #tpu.memory_space<vmem_shared>>
        tpu.wait_indirect_dma semaphore(%run_scoped3A : memref<!tpu.dma_semaphore, #tpu.memory_space<semaphore_mem>>) src(%arg12 : memref<128x128xf32, #tpu.memory_space<vmem>>) dst(%dma_wait3A_239 : memref<10112x128xf32, #tpu.memory_space<vmem_shared>>)
        tpu.yield
      }) : () -> ()
      %mul3A_174 = arith.constant 2 : i32
      %mul3A_175 = arith.muli %mul3A_174, %scan3A_115 : i32
      %add3A_176 = arith.constant 1 : i32
      %add3A_177 = arith.addi %mul3A_175, %add3A_176 : i32
      %mul3A_178 = arith.constant 80 : i32
      %mul3A_179 = arith.muli %add3A, %mul3A_178 : i32
      %add3A_180 = arith.addi %mul3A_179, %add3A_177 : i32
      %mul3A_181 = arith.constant 128 : i32
      %mul3A_182 = arith.muli %add3A_180, %mul3A_181 : i32
      %dma_start3A_183 = arith.constant 0 : i32
      %dma_start3A_184 = tpu.memref_slice %arg5[%mul3A_182, %dma_start3A_183] : memref<327680x128xf32, #tpu.memory_space<hbm>> -> memref<128x128xf32, #tpu.memory_space<hbm>>
      %dma_start3A_185 = arith.constant 0 : i32
      %dma_start3A_186 = tpu.memref_slice %arg5[%mul3A_182, %dma_start3A_185] : memref<327680x128xf32, #tpu.memory_space<hbm>> -> memref<128x128xf32, #tpu.memory_space<hbm>>
      tpu.enqueue_dma source(%dma_start3A_186 : memref<128x128xf32, #tpu.memory_space<hbm>>) target(%arg14 : memref<128x128xf32, #tpu.memory_space<vmem>>) target_semaphore(%arg22 : memref<!tpu.dma_semaphore, #tpu.memory_space<semaphore_mem>>)
      %add3A_187 = arith.constant 1 : i32
      %add3A_188 = arith.addi %add3A_177, %add3A_187 : i32
      %mul3A_189 = arith.constant 80 : i32
      %mul3A_190 = arith.muli %add3A, %mul3A_189 : i32
      %add3A_191 = arith.addi %mul3A_190, %add3A_188 : i32
      %mul3A_192 = arith.constant 128 : i32
      %mul3A_193 = arith.muli %add3A_191, %mul3A_192 : i32
      %dma_wait3A_194 = tpu.memref_slice %arg3[%mul3A_193] : memref<327680xi32, #tpu.memory_space<hbm>> -> memref<128xi32, #tpu.memory_space<hbm>>
      %dma_wait3A_195 = tpu.memref_slice %arg3[%mul3A_193] : memref<327680xi32, #tpu.memory_space<hbm>> -> memref<128xi32, #tpu.memory_space<hbm>>
      tpu.wait_dma2 semaphore(%arg18 : memref<!tpu.dma_semaphore, #tpu.memory_space<semaphore_mem>>) src(%dma_wait3A_195 : memref<128xi32, #tpu.memory_space<hbm>>) dst(%arg8 : memref<128xi32, #tpu.memory_space<vmem>>)
      %dma_start3A_196 = arith.constant 0 : i32
      %dma_start3A_197 = arith.constant 0 : i32
      %dma_start3A_198 = tpu.memref_slice %arg2[%dma_start3A_196, %dma_start3A_197] : memref<10000x128xf32, #tpu.memory_space<hbm>> -> memref<10000x128xf32, #tpu.memory_space<hbm>>
      tpu.enqueue_indirect_dma source(%dma_start3A_198 : memref<10000x128xf32, #tpu.memory_space<hbm>>) target(%arg12 : memref<128x128xf32, #tpu.memory_space<vmem>>) offsets(%arg8 : memref<128xi32, #tpu.memory_space<vmem>>) semaphore(%arg16 : memref<!tpu.dma_semaphore, #tpu.memory_space<semaphore_mem>>)
      %dma_wait3A_199 = arith.constant 0 : i32
      %dma_wait3A_200 = arith.constant 0 : i32
      %dma_wait3A_201 = tpu.memref_slice %arg2[%dma_wait3A_199, %dma_wait3A_200] : memref<10000x128xf32, #tpu.memory_space<hbm>> -> memref<10000x128xf32, #tpu.memory_space<hbm>>
      tpu.wait_indirect_dma semaphore(%arg17 : memref<!tpu.dma_semaphore, #tpu.memory_space<semaphore_mem>>) src(%dma_wait3A_201 : memref<10000x128xf32, #tpu.memory_space<hbm>>) dst(%arg13 : memref<128x128xf32, #tpu.memory_space<vmem>>)
      %add3A_202 = arith.constant 2 : i32
      %add3A_203 = arith.addi %add3A_177, %add3A_202 : i32
      %mul3A_204 = arith.constant 80 : i32
      %mul3A_205 = arith.muli %add3A, %mul3A_204 : i32
      %add3A_206 = arith.addi %mul3A_205, %add3A_203 : i32
      %mul3A_207 = arith.constant 128 : i32
      %mul3A_208 = arith.muli %add3A_206, %mul3A_207 : i32
      %dma_start3A_209 = tpu.memref_slice %arg3[%mul3A_208] : memref<327680xi32, #tpu.memory_space<hbm>> -> memref<128xi32, #tpu.memory_space<hbm>>
      %dma_start3A_210 = tpu.memref_slice %arg3[%mul3A_208] : memref<327680xi32, #tpu.memory_space<hbm>> -> memref<128xi32, #tpu.memory_space<hbm>>
      tpu.enqueue_dma source(%dma_start3A_210 : memref<128xi32, #tpu.memory_space<hbm>>) target(%arg9 : memref<128xi32, #tpu.memory_space<vmem>>) target_semaphore(%arg19 : memref<!tpu.dma_semaphore, #tpu.memory_space<semaphore_mem>>)
      %mul3A_211 = arith.constant 80 : i32
      %mul3A_212 = arith.muli %add3A, %mul3A_211 : i32
      %add3A_213 = arith.addi %mul3A_212, %add3A_177 : i32
      %mul3A_214 = arith.constant 128 : i32
      %mul3A_215 = arith.muli %add3A_213, %mul3A_214 : i32
      %dma_wait3A_216 = tpu.memref_slice %arg4[%mul3A_215] : memref<327680xi32, #tpu.memory_space<hbm>> -> memref<128xi32, #tpu.memory_space<hbm>>
      %dma_wait3A_217 = tpu.memref_slice %arg4[%mul3A_215] : memref<327680xi32, #tpu.memory_space<hbm>> -> memref<128xi32, #tpu.memory_space<hbm>>
      tpu.wait_dma2 semaphore(%arg21 : memref<!tpu.dma_semaphore, #tpu.memory_space<semaphore_mem>>) src(%dma_wait3A_217 : memref<128xi32, #tpu.memory_space<hbm>>) dst(%arg11 : memref<128xi32, #tpu.memory_space<vmem>>)
      %add3A_218 = arith.constant 1 : i32
      %add3A_219 = arith.addi %add3A_177, %add3A_218 : i32
      %mul3A_220 = arith.constant 80 : i32
      %mul3A_221 = arith.muli %add3A, %mul3A_220 : i32
      %add3A_222 = arith.addi %mul3A_221, %add3A_219 : i32
      %mul3A_223 = arith.constant 128 : i32
      %mul3A_224 = arith.muli %add3A_222, %mul3A_223 : i32
      %dma_start3A_225 = tpu.memref_slice %arg4[%mul3A_224] : memref<327680xi32, #tpu.memory_space<hbm>> -> memref<128xi32, #tpu.memory_space<hbm>>
      %dma_start3A_226 = tpu.memref_slice %arg4[%mul3A_224] : memref<327680xi32, #tpu.memory_space<hbm>> -> memref<128xi32, #tpu.memory_space<hbm>>
      tpu.enqueue_dma source(%dma_start3A_226 : memref<128xi32, #tpu.memory_space<hbm>>) target(%arg10 : memref<128xi32, #tpu.memory_space<vmem>>) target_semaphore(%arg20 : memref<!tpu.dma_semaphore, #tpu.memory_space<semaphore_mem>>)
      %dma_wait3A_227 = arith.constant 0 : i32
      %dma_wait3A_228 = tpu.memref_slice %arg5[%mul3A_182, %dma_wait3A_227] : memref<327680x128xf32, #tpu.memory_space<hbm>> -> memref<128x128xf32, #tpu.memory_space<hbm>>
      %dma_wait3A_229 = arith.constant 0 : i32
      %dma_wait3A_230 = tpu.memref_slice %arg5[%mul3A_182, %dma_wait3A_229] : memref<327680x128xf32, #tpu.memory_space<hbm>> -> memref<128x128xf32, #tpu.memory_space<hbm>>
      tpu.wait_dma2 semaphore(%arg22 : memref<!tpu.dma_semaphore, #tpu.memory_space<semaphore_mem>>) src(%dma_wait3A_230 : memref<128x128xf32, #tpu.memory_space<hbm>>) dst(%arg14 : memref<128x128xf32, #tpu.memory_space<vmem>>)
      %parallel_loop3A_231 = arith.constant 0 : i32
      %parallel_loop3A_232 = arith.constant 128 : i32
      %parallel_loop3A_233 = arith.constant 1 : i32
      scf.for %parallel_loop3A_234 = %parallel_loop3A_231 to %parallel_loop3A_232 step %parallel_loop3A_233  : i32 {
        %parallel_loop3A_235 = arith.index_cast %parallel_loop3A_234 : i32 to index
        %parallel_loop3A_236 = arith.constant 0 : index
        %parallel_loop3A_237 = tpu.vector_load %arg13[%parallel_loop3A_235, %parallel_loop3A_236] {strides = array<i32>} : memref<128x128xf32, #tpu.memory_space<vmem>>, vector<1x16xf32>,
        %parallel_loop3A_238 = vector.shape_cast %parallel_loop3A_237 : vector<1x16xf32> to vector<16xf32>
        %parallel_loop3A_239 = arith.index_cast %parallel_loop3A_234 : i32 to index
        %parallel_loop3A_240 = arith.constant 0 : index
        %parallel_loop3A_241 = tpu.vector_load %arg14[%parallel_loop3A_239, %parallel_loop3A_240] {strides = array<i32>} : memref<128x128xf32, #tpu.memory_space<vmem>>, vector<1x16xf32>,
        %parallel_loop3A_242 = vector.shape_cast %parallel_loop3A_241 : vector<1x16xf32> to vector<16xf32>
        %parallel_loop3A_243 = arith.mulf %parallel_loop3A_238, %parallel_loop3A_242 : vector<16xf32>
        %parallel_loop3A_244 = arith.index_cast %parallel_loop3A_234 : i32 to index
        %parallel_loop3A_245 = arith.constant 0 : index
        %parallel_loop3A_246 = tpu.vector_load %arg13[%parallel_loop3A_244, %parallel_loop3A_245] {strides = array<i32>} : memref<128x128xf32, #tpu.memory_space<vmem>>, vector<1x16xf32>,
        %parallel_loop3A_247 = vector.shape_cast %parallel_loop3A_246 : vector<1x16xf32> to vector<16xf32>
        %parallel_loop3A_248 = vector.shape_cast %parallel_loop3A_243 : vector<16xf32> to vector<1x16xf32>
        tpu.vector_store %arg13[%parallel_loop3A_244, %parallel_loop3A_245], %parallel_loop3A_248 {strides = array<i32>} : memref<128x128xf32, #tpu.memory_space<vmem>>, vector<1x16xf32>,
        %parallel_loop3A_249 = arith.index_cast %parallel_loop3A_234 : i32 to index
        %parallel_loop3A_250 = arith.constant 16 : index
        %parallel_loop3A_251 = tpu.vector_load %arg13[%parallel_loop3A_249, %parallel_loop3A_250] {strides = array<i32>} : memref<128x128xf32, #tpu.memory_space<vmem>>, vector<1x16xf32>,
        %parallel_loop3A_252 = vector.shape_cast %parallel_loop3A_251 : vector<1x16xf32> to vector<16xf32>
        %parallel_loop3A_253 = arith.index_cast %parallel_loop3A_234 : i32 to index
        %parallel_loop3A_254 = arith.constant 16 : index
        %parallel_loop3A_255 = tpu.vector_load %arg14[%parallel_loop3A_253, %parallel_loop3A_254] {strides = array<i32>} : memref<128x128xf32, #tpu.memory_space<vmem>>, vector<1x16xf32>,
        %parallel_loop3A_256 = vector.shape_cast %parallel_loop3A_255 : vector<1x16xf32> to vector<16xf32>
        %parallel_loop3A_257 = arith.mulf %parallel_loop3A_252, %parallel_loop3A_256 : vector<16xf32>
        %parallel_loop3A_258 = arith.index_cast %parallel_loop3A_234 : i32 to index
        %parallel_loop3A_259 = arith.constant 16 : index
        %parallel_loop3A_260 = tpu.vector_load %arg13[%parallel_loop3A_258, %parallel_loop3A_259] {strides = array<i32>} : memref<128x128xf32, #tpu.memory_space<vmem>>, vector<1x16xf32>,
        %parallel_loop3A_261 = vector.shape_cast %parallel_loop3A_260 : vector<1x16xf32> to vector<16xf32>
        %parallel_loop3A_262 = vector.shape_cast %parallel_loop3A_257 : vector<16xf32> to vector<1x16xf32>
        tpu.vector_store %arg13[%parallel_loop3A_258, %parallel_loop3A_259], %parallel_loop3A_262 {strides = array<i32>} : memref<128x128xf32, #tpu.memory_space<vmem>>, vector<1x16xf32>,
        %parallel_loop3A_263 = arith.index_cast %parallel_loop3A_234 : i32 to index
        %parallel_loop3A_264 = arith.constant 32 : index
        %parallel_loop3A_265 = tpu.vector_load %arg13[%parallel_loop3A_263, %parallel_loop3A_264] {strides = array<i32>} : memref<128x128xf32, #tpu.memory_space<vmem>>, vector<1x16xf32>,
        %parallel_loop3A_266 = vector.shape_cast %parallel_loop3A_265 : vector<1x16xf32> to vector<16xf32>
        %parallel_loop3A_267 = arith.index_cast %parallel_loop3A_234 : i32 to index
        %parallel_loop3A_268 = arith.constant 32 : index
        %parallel_loop3A_269 = tpu.vector_load %arg14[%parallel_loop3A_267, %parallel_loop3A_268] {strides = array<i32>} : memref<128x128xf32, #tpu.memory_space<vmem>>, vector<1x16xf32>,
        %parallel_loop3A_270 = vector.shape_cast %parallel_loop3A_269 : vector<1x16xf32> to vector<16xf32>
        %parallel_loop3A_271 = arith.mulf %parallel_loop3A_266, %parallel_loop3A_270 : vector<16xf32>
        %parallel_loop3A_272 = arith.index_cast %parallel_loop3A_234 : i32 to index
        %parallel_loop3A_273 = arith.constant 32 : index
        %parallel_loop3A_274 = tpu.vector_load %arg13[%parallel_loop3A_272, %parallel_loop3A_273] {strides = array<i32>} : memref<128x128xf32, #tpu.memory_space<vmem>>, vector<1x16xf32>,
        %parallel_loop3A_275 = vector.shape_cast %parallel_loop3A_274 : vector<1x16xf32> to vector<16xf32>
        %parallel_loop3A_276 = vector.shape_cast %parallel_loop3A_271 : vector<16xf32> to vector<1x16xf32>
        tpu.vector_store %arg13[%parallel_loop3A_272, %parallel_loop3A_273], %parallel_loop3A_276 {strides = array<i32>} : memref<128x128xf32, #tpu.memory_space<vmem>>, vector<1x16xf32>,
        %parallel_loop3A_277 = arith.index_cast %parallel_loop3A_234 : i32 to index
        %parallel_loop3A_278 = arith.constant 48 : index
        %parallel_loop3A_279 = tpu.vector_load %arg13[%parallel_loop3A_277, %parallel_loop3A_278] {strides = array<i32>} : memref<128x128xf32, #tpu.memory_space<vmem>>, vector<1x16xf32>,
        %parallel_loop3A_280 = vector.shape_cast %parallel_loop3A_279 : vector<1x16xf32> to vector<16xf32>
        %parallel_loop3A_281 = arith.index_cast %parallel_loop3A_234 : i32 to index
        %parallel_loop3A_282 = arith.constant 48 : index
        %parallel_loop3A_283 = tpu.vector_load %arg14[%parallel_loop3A_281, %parallel_loop3A_282] {strides = array<i32>} : memref<128x128xf32, #tpu.memory_space<vmem>>, vector<1x16xf32>,
        %parallel_loop3A_284 = vector.shape_cast %parallel_loop3A_283 : vector<1x16xf32> to vector<16xf32>
        %parallel_loop3A_285 = arith.mulf %parallel_loop3A_280, %parallel_loop3A_284 : vector<16xf32>
        %parallel_loop3A_286 = arith.index_cast %parallel_loop3A_234 : i32 to index
        %parallel_loop3A_287 = arith.constant 48 : index
        %parallel_loop3A_288 = tpu.vector_load %arg13[%parallel_loop3A_286, %parallel_loop3A_287] {strides = array<i32>} : memref<128x128xf32, #tpu.memory_space<vmem>>, vector<1x16xf32>,
        %parallel_loop3A_289 = vector.shape_cast %parallel_loop3A_288 : vector<1x16xf32> to vector<16xf32>
        %parallel_loop3A_290 = vector.shape_cast %parallel_loop3A_285 : vector<16xf32> to vector<1x16xf32>
        tpu.vector_store %arg13[%parallel_loop3A_286, %parallel_loop3A_287], %parallel_loop3A_290 {strides = array<i32>} : memref<128x128xf32, #tpu.memory_space<vmem>>, vector<1x16xf32>,
        %parallel_loop3A_291 = arith.index_cast %parallel_loop3A_234 : i32 to index
        %parallel_loop3A_292 = arith.constant 64 : index
        %parallel_loop3A_293 = tpu.vector_load %arg13[%parallel_loop3A_291, %parallel_loop3A_292] {strides = array<i32>} : memref<128x128xf32, #tpu.memory_space<vmem>>, vector<1x16xf32>,
        %parallel_loop3A_294 = vector.shape_cast %parallel_loop3A_293 : vector<1x16xf32> to vector<16xf32>
        %parallel_loop3A_295 = arith.index_cast %parallel_loop3A_234 : i32 to index
        %parallel_loop3A_296 = arith.constant 64 : index
        %parallel_loop3A_297 = tpu.vector_load %arg14[%parallel_loop3A_295, %parallel_loop3A_296] {strides = array<i32>} : memref<128x128xf32, #tpu.memory_space<vmem>>, vector<1x16xf32>,
        %parallel_loop3A_298 = vector.shape_cast %parallel_loop3A_297 : vector<1x16xf32> to vector<16xf32>
        %parallel_loop3A_299 = arith.mulf %parallel_loop3A_294, %parallel_loop3A_298 : vector<16xf32>
        %parallel_loop3A_300 = arith.index_cast %parallel_loop3A_234 : i32 to index
        %parallel_loop3A_301 = arith.constant 64 : index
        %parallel_loop3A_302 = tpu.vector_load %arg13[%parallel_loop3A_300, %parallel_loop3A_301] {strides = array<i32>} : memref<128x128xf32, #tpu.memory_space<vmem>>, vector<1x16xf32>,
        %parallel_loop3A_303 = vector.shape_cast %parallel_loop3A_302 : vector<1x16xf32> to vector<16xf32>
        %parallel_loop3A_304 = vector.shape_cast %parallel_loop3A_299 : vector<16xf32> to vector<1x16xf32>
        tpu.vector_store %arg13[%parallel_loop3A_300, %parallel_loop3A_301], %parallel_loop3A_304 {strides = array<i32>} : memref<128x128xf32, #tpu.memory_space<vmem>>, vector<1x16xf32>,
        %parallel_loop3A_305 = arith.index_cast %parallel_loop3A_234 : i32 to index
        %parallel_loop3A_306 = arith.constant 80 : index
        %parallel_loop3A_307 = tpu.vector_load %arg13[%parallel_loop3A_305, %parallel_loop3A_306] {strides = array<i32>} : memref<128x128xf32, #tpu.memory_space<vmem>>, vector<1x16xf32>,
        %parallel_loop3A_308 = vector.shape_cast %parallel_loop3A_307 : vector<1x16xf32> to vector<16xf32>
        %parallel_loop3A_309 = arith.index_cast %parallel_loop3A_234 : i32 to index
        %parallel_loop3A_310 = arith.constant 80 : index
        %parallel_loop3A_311 = tpu.vector_load %arg14[%parallel_loop3A_309, %parallel_loop3A_310] {strides = array<i32>} : memref<128x128xf32, #tpu.memory_space<vmem>>, vector<1x16xf32>,
        %parallel_loop3A_312 = vector.shape_cast %parallel_loop3A_311 : vector<1x16xf32> to vector<16xf32>
        %parallel_loop3A_313 = arith.mulf %parallel_loop3A_308, %parallel_loop3A_312 : vector<16xf32>
        %parallel_loop3A_314 = arith.index_cast %parallel_loop3A_234 : i32 to index
        %parallel_loop3A_315 = arith.constant 80 : index
        %parallel_loop3A_316 = tpu.vector_load %arg13[%parallel_loop3A_314, %parallel_loop3A_315] {strides = array<i32>} : memref<128x128xf32, #tpu.memory_space<vmem>>, vector<1x16xf32>,
        %parallel_loop3A_317 = vector.shape_cast %parallel_loop3A_316 : vector<1x16xf32> to vector<16xf32>
        %parallel_loop3A_318 = vector.shape_cast %parallel_loop3A_313 : vector<16xf32> to vector<1x16xf32>
        tpu.vector_store %arg13[%parallel_loop3A_314, %parallel_loop3A_315], %parallel_loop3A_318 {strides = array<i32>} : memref<128x128xf32, #tpu.memory_space<vmem>>, vector<1x16xf32>,
        %parallel_loop3A_319 = arith.index_cast %parallel_loop3A_234 : i32 to index
        %parallel_loop3A_320 = arith.constant 96 : index
        %parallel_loop3A_321 = tpu.vector_load %arg13[%parallel_loop3A_319, %parallel_loop3A_320] {strides = array<i32>} : memref<128x128xf32, #tpu.memory_space<vmem>>, vector<1x16xf32>,
        %parallel_loop3A_322 = vector.shape_cast %parallel_loop3A_321 : vector<1x16xf32> to vector<16xf32>
        %parallel_loop3A_323 = arith.index_cast %parallel_loop3A_234 : i32 to index
        %parallel_loop3A_324 = arith.constant 96 : index
        %parallel_loop3A_325 = tpu.vector_load %arg14[%parallel_loop3A_323, %parallel_loop3A_324] {strides = array<i32>} : memref<128x128xf32, #tpu.memory_space<vmem>>, vector<1x16xf32>,
        %parallel_loop3A_326 = vector.shape_cast %parallel_loop3A_325 : vector<1x16xf32> to vector<16xf32>
        %parallel_loop3A_327 = arith.mulf %parallel_loop3A_322, %parallel_loop3A_326 : vector<16xf32>
        %parallel_loop3A_328 = arith.index_cast %parallel_loop3A_234 : i32 to index
        %parallel_loop3A_329 = arith.constant 96 : index
        %parallel_loop3A_330 = tpu.vector_load %arg13[%parallel_loop3A_328, %parallel_loop3A_329] {strides = array<i32>} : memref<128x128xf32, #tpu.memory_space<vmem>>, vector<1x16xf32>,
        %parallel_loop3A_331 = vector.shape_cast %parallel_loop3A_330 : vector<1x16xf32> to vector<16xf32>
        %parallel_loop3A_332 = vector.shape_cast %parallel_loop3A_327 : vector<16xf32> to vector<1x16xf32>
        tpu.vector_store %arg13[%parallel_loop3A_328, %parallel_loop3A_329], %parallel_loop3A_332 {strides = array<i32>} : memref<128x128xf32, #tpu.memory_space<vmem>>, vector<1x16xf32>,
        %parallel_loop3A_333 = arith.index_cast %parallel_loop3A_234 : i32 to index
        %parallel_loop3A_334 = arith.constant 112 : index
        %parallel_loop3A_335 = tpu.vector_load %arg13[%parallel_loop3A_333, %parallel_loop3A_334] {strides = array<i32>} : memref<128x128xf32, #tpu.memory_space<vmem>>, vector<1x16xf32>,
        %parallel_loop3A_336 = vector.shape_cast %parallel_loop3A_335 : vector<1x16xf32> to vector<16xf32>
        %parallel_loop3A_337 = arith.index_cast %parallel_loop3A_234 : i32 to index
        %parallel_loop3A_338 = arith.constant 112 : index
        %parallel_loop3A_339 = tpu.vector_load %arg14[%parallel_loop3A_337, %parallel_loop3A_338] {strides = array<i32>} : memref<128x128xf32, #tpu.memory_space<vmem>>, vector<1x16xf32>,
        %parallel_loop3A_340 = vector.shape_cast %parallel_loop3A_339 : vector<1x16xf32> to vector<16xf32>
        %parallel_loop3A_341 = arith.mulf %parallel_loop3A_336, %parallel_loop3A_340 : vector<16xf32>
        %parallel_loop3A_342 = arith.index_cast %parallel_loop3A_234 : i32 to index
        %parallel_loop3A_343 = arith.constant 112 : index
        %parallel_loop3A_344 = tpu.vector_load %arg13[%parallel_loop3A_342, %parallel_loop3A_343] {strides = array<i32>} : memref<128x128xf32, #tpu.memory_space<vmem>>, vector<1x16xf32>,
        %parallel_loop3A_345 = vector.shape_cast %parallel_loop3A_344 : vector<1x16xf32> to vector<16xf32>
        %parallel_loop3A_346 = vector.shape_cast %parallel_loop3A_341 : vector<16xf32> to vector<1x16xf32>
        tpu.vector_store %arg13[%parallel_loop3A_342, %parallel_loop3A_343], %parallel_loop3A_346 {strides = array<i32>} : memref<128x128xf32, #tpu.memory_space<vmem>>, vector<1x16xf32>,
      } {sc.loop_unroll_factor = 2 : i64, sc.parallel_access}
      "tpu.region"() ({
        %run_scoped3A = tpu.sem_alloc : memref<!tpu.dma_semaphore, #tpu.memory_space<semaphore_mem>>
        %dma_start3A_234 = arith.constant 0 : i32
        %dma_start3A_235 = arith.constant 0 : i32
        %dma_start3A_236 = tpu.memref_slice %arg15[%dma_start3A_234, %dma_start3A_235] : memref<10112x128xf32, #tpu.memory_space<vmem_shared>> -> memref<10112x128xf32, #tpu.memory_space<vmem_shared>>
        tpu.enqueue_indirect_dma source(%arg13 : memref<128x128xf32, #tpu.memory_space<vmem>>) target(%dma_start3A_236 : memref<10112x128xf32, #tpu.memory_space<vmem_shared>>) offsets(%arg11 : memref<128xi32, #tpu.memory_space<vmem>>) semaphore(%run_scoped3A : memref<!tpu.dma_semaphore, #tpu.memory_space<semaphore_mem>>) {add = true}
        %dma_wait3A_237 = arith.constant 0 : i32
        %dma_wait3A_238 = arith.constant 0 : i32
        %dma_wait3A_239 = tpu.memref_slice %arg15[%dma_wait3A_237, %dma_wait3A_238] : memref<10112x128xf32, #tpu.memory_space<vmem_shared>> -> memref<10112x128xf32, #tpu.memory_space<vmem_shared>>
        tpu.wait_indirect_dma semaphore(%run_scoped3A : memref<!tpu.dma_semaphore, #tpu.memory_space<semaphore_mem>>) src(%arg13 : memref<128x128xf32, #tpu.memory_space<vmem>>) dst(%dma_wait3A_239 : memref<10112x128xf32, #tpu.memory_space<vmem_shared>>)
        tpu.yield
      }) : () -> ()
    }
    %scan3A_33 = arith.constant 39 : i32
    %mul3A_34 = arith.constant 80 : i32
    %mul3A_35 = arith.muli %add3A, %mul3A_34 : i32
    %add3A_36 = arith.constant 78 : i32
    %add3A_37 = arith.addi %mul3A_35, %add3A_36 : i32
    %mul3A_38 = arith.constant 128 : i32
    %mul3A_39 = arith.muli %add3A_37, %mul3A_38 : i32
    %dma_start3A_40 = arith.constant 0 : i32
    %dma_start3A_41 = tpu.memref_slice %arg5[%mul3A_39, %dma_start3A_40] : memref<327680x128xf32, #tpu.memory_space<hbm>> -> memref<128x128xf32, #tpu.memory_space<hbm>>
    %dma_start3A_42 = arith.constant 0 : i32
    %dma_start3A_43 = tpu.memref_slice %arg5[%mul3A_39, %dma_start3A_42] : memref<327680x128xf32, #tpu.memory_space<hbm>> -> memref<128x128xf32, #tpu.memory_space<hbm>>
    tpu.enqueue_dma source(%dma_start3A_43 : memref<128x128xf32, #tpu.memory_space<hbm>>) target(%arg14 : memref<128x128xf32, #tpu.memory_space<vmem>>) target_semaphore(%arg22 : memref<!tpu.dma_semaphore, #tpu.memory_space<semaphore_mem>>)
    %mul3A_44 = arith.constant 80 : i32
    %mul3A_45 = arith.muli %add3A, %mul3A_44 : i32
    %add3A_46 = arith.constant 79 : i32
    %add3A_47 = arith.addi %mul3A_45, %add3A_46 : i32
    %mul3A_48 = arith.constant 128 : i32
    %mul3A_49 = arith.muli %add3A_47, %mul3A_48 : i32
    %dma_wait3A = tpu.memref_slice %arg3[%mul3A_49] : memref<327680xi32, #tpu.memory_space<hbm>> -> memref<128xi32, #tpu.memory_space<hbm>>
    %dma_wait3A_50 = tpu.memref_slice %arg3[%mul3A_49] : memref<327680xi32, #tpu.memory_space<hbm>> -> memref<128xi32, #tpu.memory_space<hbm>>
    tpu.wait_dma2 semaphore(%arg19 : memref<!tpu.dma_semaphore, #tpu.memory_space<semaphore_mem>>) src(%dma_wait3A_50 : memref<128xi32, #tpu.memory_space<hbm>>) dst(%arg9 : memref<128xi32, #tpu.memory_space<vmem>>)
    %dma_start3A_51 = arith.constant 0 : i32
    %dma_start3A_52 = arith.constant 0 : i32
    %dma_start3A_53 = tpu.memref_slice %arg2[%dma_start3A_51, %dma_start3A_52] : memref<10000x128xf32, #tpu.memory_space<hbm>> -> memref<10000x128xf32, #tpu.memory_space<hbm>>
    tpu.enqueue_indirect_dma source(%dma_start3A_53 : memref<10000x128xf32, #tpu.memory_space<hbm>>) target(%arg13 : memref<128x128xf32, #tpu.memory_space<vmem>>) offsets(%arg9 : memref<128xi32, #tpu.memory_space<vmem>>) semaphore(%arg17 : memref<!tpu.dma_semaphore, #tpu.memory_space<semaphore_mem>>)
    %dma_wait3A_54 = arith.constant 0 : i32
    %dma_wait3A_55 = arith.constant 0 : i32
    %dma_wait3A_56 = tpu.memref_slice %arg2[%dma_wait3A_54, %dma_wait3A_55] : memref<10000x128xf32, #tpu.memory_space<hbm>> -> memref<10000x128xf32, #tpu.memory_space<hbm>>
    tpu.wait_indirect_dma semaphore(%arg16 : memref<!tpu.dma_semaphore, #tpu.memory_space<semaphore_mem>>) src(%dma_wait3A_56 : memref<10000x128xf32, #tpu.memory_space<hbm>>) dst(%arg12 : memref<128x128xf32, #tpu.memory_space<vmem>>)
    %mul3A_57 = arith.constant 80 : i32
    %mul3A_58 = arith.muli %add3A, %mul3A_57 : i32
    %add3A_59 = arith.constant 78 : i32
    %add3A_60 = arith.addi %mul3A_58, %add3A_59 : i32
    %mul3A_61 = arith.constant 128 : i32
    %mul3A_62 = arith.muli %add3A_60, %mul3A_61 : i32
    %dma_wait3A_63 = tpu.memref_slice %arg4[%mul3A_62] : memref<327680xi32, #tpu.memory_space<hbm>> -> memref<128xi32, #tpu.memory_space<hbm>>
    %dma_wait3A_64 = tpu.memref_slice %arg4[%mul3A_62] : memref<327680xi32, #tpu.memory_space<hbm>> -> memref<128xi32, #tpu.memory_space<hbm>>
    tpu.wait_dma2 semaphore(%arg20 : memref<!tpu.dma_semaphore, #tpu.memory_space<semaphore_mem>>) src(%dma_wait3A_64 : memref<128xi32, #tpu.memory_space<hbm>>) dst(%arg10 : memref<128xi32, #tpu.memory_space<vmem>>)
    %mul3A_65 = arith.constant 80 : i32
    %mul3A_66 = arith.muli %add3A, %mul3A_65 : i32
    %add3A_67 = arith.constant 79 : i32
    %add3A_68 = arith.addi %mul3A_66, %add3A_67 : i32
    %mul3A_69 = arith.constant 128 : i32
    %mul3A_70 = arith.muli %add3A_68, %mul3A_69 : i32
    %dma_start3A_71 = tpu.memref_slice %arg4[%mul3A_70] : memref<327680xi32, #tpu.memory_space<hbm>> -> memref<128xi32, #tpu.memory_space<hbm>>
    %dma_start3A_72 = tpu.memref_slice %arg4[%mul3A_70] : memref<327680xi32, #tpu.memory_space<hbm>> -> memref<128xi32, #tpu.memory_space<hbm>>
    tpu.enqueue_dma source(%dma_start3A_72 : memref<128xi32, #tpu.memory_space<hbm>>) target(%arg11 : memref<128xi32, #tpu.memory_space<vmem>>) target_semaphore(%arg21 : memref<!tpu.dma_semaphore, #tpu.memory_space<semaphore_mem>>)
    %dma_wait3A_73 = arith.constant 0 : i32
    %dma_wait3A_74 = tpu.memref_slice %arg5[%mul3A_39, %dma_wait3A_73] : memref<327680x128xf32, #tpu.memory_space<hbm>> -> memref<128x128xf32, #tpu.memory_space<hbm>>
    %dma_wait3A_75 = arith.constant 0 : i32
    %dma_wait3A_76 = tpu.memref_slice %arg5[%mul3A_39, %dma_wait3A_75] : memref<327680x128xf32, #tpu.memory_space<hbm>> -> memref<128x128xf32, #tpu.memory_space<hbm>>
    tpu.wait_dma2 semaphore(%arg22 : memref<!tpu.dma_semaphore, #tpu.memory_space<semaphore_mem>>) src(%dma_wait3A_76 : memref<128x128xf32, #tpu.memory_space<hbm>>) dst(%arg14 : memref<128x128xf32, #tpu.memory_space<vmem>>)
    %parallel_loop3A = arith.constant 0 : i32
    %parallel_loop3A_77 = arith.constant 128 : i32
    %parallel_loop3A_78 = arith.constant 1 : i32
    scf.for %parallel_loop3A_115 = %parallel_loop3A to %parallel_loop3A_77 step %parallel_loop3A_78  : i32 {
      %parallel_loop3A_116 = arith.index_cast %parallel_loop3A_115 : i32 to index
      %parallel_loop3A_117 = arith.constant 0 : index
      %parallel_loop3A_118 = tpu.vector_load %arg12[%parallel_loop3A_116, %parallel_loop3A_117] {strides = array<i32>} : memref<128x128xf32, #tpu.memory_space<vmem>>, vector<1x16xf32>,
      %parallel_loop3A_119 = vector.shape_cast %parallel_loop3A_118 : vector<1x16xf32> to vector<16xf32>
      %parallel_loop3A_120 = arith.index_cast %parallel_loop3A_115 : i32 to index
      %parallel_loop3A_121 = arith.constant 0 : index
      %parallel_loop3A_122 = tpu.vector_load %arg14[%parallel_loop3A_120, %parallel_loop3A_121] {strides = array<i32>} : memref<128x128xf32, #tpu.memory_space<vmem>>, vector<1x16xf32>,
      %parallel_loop3A_123 = vector.shape_cast %parallel_loop3A_122 : vector<1x16xf32> to vector<16xf32>
      %parallel_loop3A_124 = arith.mulf %parallel_loop3A_119, %parallel_loop3A_123 : vector<16xf32>
      %parallel_loop3A_125 = arith.index_cast %parallel_loop3A_115 : i32 to index
      %parallel_loop3A_126 = arith.constant 0 : index
      %parallel_loop3A_127 = tpu.vector_load %arg12[%parallel_loop3A_125, %parallel_loop3A_126] {strides = array<i32>} : memref<128x128xf32, #tpu.memory_space<vmem>>, vector<1x16xf32>,
      %parallel_loop3A_128 = vector.shape_cast %parallel_loop3A_127 : vector<1x16xf32> to vector<16xf32>
      %parallel_loop3A_129 = vector.shape_cast %parallel_loop3A_124 : vector<16xf32> to vector<1x16xf32>
      tpu.vector_store %arg12[%parallel_loop3A_125, %parallel_loop3A_126], %parallel_loop3A_129 {strides = array<i32>} : memref<128x128xf32, #tpu.memory_space<vmem>>, vector<1x16xf32>,
      %parallel_loop3A_130 = arith.index_cast %parallel_loop3A_115 : i32 to index
      %parallel_loop3A_131 = arith.constant 16 : index
      %parallel_loop3A_132 = tpu.vector_load %arg12[%parallel_loop3A_130, %parallel_loop3A_131] {strides = array<i32>} : memref<128x128xf32, #tpu.memory_space<vmem>>, vector<1x16xf32>,
      %parallel_loop3A_133 = vector.shape_cast %parallel_loop3A_132 : vector<1x16xf32> to vector<16xf32>
      %parallel_loop3A_134 = arith.index_cast %parallel_loop3A_115 : i32 to index
      %parallel_loop3A_135 = arith.constant 16 : index
      %parallel_loop3A_136 = tpu.vector_load %arg14[%parallel_loop3A_134, %parallel_loop3A_135] {strides = array<i32>} : memref<128x128xf32, #tpu.memory_space<vmem>>, vector<1x16xf32>,
      %parallel_loop3A_137 = vector.shape_cast %parallel_loop3A_136 : vector<1x16xf32> to vector<16xf32>
      %parallel_loop3A_138 = arith.mulf %parallel_loop3A_133, %parallel_loop3A_137 : vector<16xf32>
      %parallel_loop3A_139 = arith.index_cast %parallel_loop3A_115 : i32 to index
      %parallel_loop3A_140 = arith.constant 16 : index
      %parallel_loop3A_141 = tpu.vector_load %arg12[%parallel_loop3A_139, %parallel_loop3A_140] {strides = array<i32>} : memref<128x128xf32, #tpu.memory_space<vmem>>, vector<1x16xf32>,
      %parallel_loop3A_142 = vector.shape_cast %parallel_loop3A_141 : vector<1x16xf32> to vector<16xf32>
      %parallel_loop3A_143 = vector.shape_cast %parallel_loop3A_138 : vector<16xf32> to vector<1x16xf32>
      tpu.vector_store %arg12[%parallel_loop3A_139, %parallel_loop3A_140], %parallel_loop3A_143 {strides = array<i32>} : memref<128x128xf32, #tpu.memory_space<vmem>>, vector<1x16xf32>,
      %parallel_loop3A_144 = arith.index_cast %parallel_loop3A_115 : i32 to index
      %parallel_loop3A_145 = arith.constant 32 : index
      %parallel_loop3A_146 = tpu.vector_load %arg12[%parallel_loop3A_144, %parallel_loop3A_145] {strides = array<i32>} : memref<128x128xf32, #tpu.memory_space<vmem>>, vector<1x16xf32>,
      %parallel_loop3A_147 = vector.shape_cast %parallel_loop3A_146 : vector<1x16xf32> to vector<16xf32>
      %parallel_loop3A_148 = arith.index_cast %parallel_loop3A_115 : i32 to index
      %parallel_loop3A_149 = arith.constant 32 : index
      %parallel_loop3A_150 = tpu.vector_load %arg14[%parallel_loop3A_148, %parallel_loop3A_149] {strides = array<i32>} : memref<128x128xf32, #tpu.memory_space<vmem>>, vector<1x16xf32>,
      %parallel_loop3A_151 = vector.shape_cast %parallel_loop3A_150 : vector<1x16xf32> to vector<16xf32>
      %parallel_loop3A_152 = arith.mulf %parallel_loop3A_147, %parallel_loop3A_151 : vector<16xf32>
      %parallel_loop3A_153 = arith.index_cast %parallel_loop3A_115 : i32 to index
      %parallel_loop3A_154 = arith.constant 32 : index
      %parallel_loop3A_155 = tpu.vector_load %arg12[%parallel_loop3A_153, %parallel_loop3A_154] {strides = array<i32>} : memref<128x128xf32, #tpu.memory_space<vmem>>, vector<1x16xf32>,
      %parallel_loop3A_156 = vector.shape_cast %parallel_loop3A_155 : vector<1x16xf32> to vector<16xf32>
      %parallel_loop3A_157 = vector.shape_cast %parallel_loop3A_152 : vector<16xf32> to vector<1x16xf32>
      tpu.vector_store %arg12[%parallel_loop3A_153, %parallel_loop3A_154], %parallel_loop3A_157 {strides = array<i32>} : memref<128x128xf32, #tpu.memory_space<vmem>>, vector<1x16xf32>,
      %parallel_loop3A_158 = arith.index_cast %parallel_loop3A_115 : i32 to index
      %parallel_loop3A_159 = arith.constant 48 : index
      %parallel_loop3A_160 = tpu.vector_load %arg12[%parallel_loop3A_158, %parallel_loop3A_159] {strides = array<i32>} : memref<128x128xf32, #tpu.memory_space<vmem>>, vector<1x16xf32>,
      %parallel_loop3A_161 = vector.shape_cast %parallel_loop3A_160 : vector<1x16xf32> to vector<16xf32>
      %parallel_loop3A_162 = arith.index_cast %parallel_loop3A_115 : i32 to index
      %parallel_loop3A_163 = arith.constant 48 : index
      %parallel_loop3A_164 = tpu.vector_load %arg14[%parallel_loop3A_162, %parallel_loop3A_163] {strides = array<i32>} : memref<128x128xf32, #tpu.memory_space<vmem>>, vector<1x16xf32>,
      %parallel_loop3A_165 = vector.shape_cast %parallel_loop3A_164 : vector<1x16xf32> to vector<16xf32>
      %parallel_loop3A_166 = arith.mulf %parallel_loop3A_161, %parallel_loop3A_165 : vector<16xf32>
      %parallel_loop3A_167 = arith.index_cast %parallel_loop3A_115 : i32 to index
      %parallel_loop3A_168 = arith.constant 48 : index
      %parallel_loop3A_169 = tpu.vector_load %arg12[%parallel_loop3A_167, %parallel_loop3A_168] {strides = array<i32>} : memref<128x128xf32, #tpu.memory_space<vmem>>, vector<1x16xf32>,
      %parallel_loop3A_170 = vector.shape_cast %parallel_loop3A_169 : vector<1x16xf32> to vector<16xf32>
      %parallel_loop3A_171 = vector.shape_cast %parallel_loop3A_166 : vector<16xf32> to vector<1x16xf32>
      tpu.vector_store %arg12[%parallel_loop3A_167, %parallel_loop3A_168], %parallel_loop3A_171 {strides = array<i32>} : memref<128x128xf32, #tpu.memory_space<vmem>>, vector<1x16xf32>,
      %parallel_loop3A_172 = arith.index_cast %parallel_loop3A_115 : i32 to index
      %parallel_loop3A_173 = arith.constant 64 : index
      %parallel_loop3A_174 = tpu.vector_load %arg12[%parallel_loop3A_172, %parallel_loop3A_173] {strides = array<i32>} : memref<128x128xf32, #tpu.memory_space<vmem>>, vector<1x16xf32>,
      %parallel_loop3A_175 = vector.shape_cast %parallel_loop3A_174 : vector<1x16xf32> to vector<16xf32>
      %parallel_loop3A_176 = arith.index_cast %parallel_loop3A_115 : i32 to index
      %parallel_loop3A_177 = arith.constant 64 : index
      %parallel_loop3A_178 = tpu.vector_load %arg14[%parallel_loop3A_176, %parallel_loop3A_177] {strides = array<i32>} : memref<128x128xf32, #tpu.memory_space<vmem>>, vector<1x16xf32>,
      %parallel_loop3A_179 = vector.shape_cast %parallel_loop3A_178 : vector<1x16xf32> to vector<16xf32>
      %parallel_loop3A_180 = arith.mulf %parallel_loop3A_175, %parallel_loop3A_179 : vector<16xf32>
      %parallel_loop3A_181 = arith.index_cast %parallel_loop3A_115 : i32 to index
      %parallel_loop3A_182 = arith.constant 64 : index
      %parallel_loop3A_183 = tpu.vector_load %arg12[%parallel_loop3A_181, %parallel_loop3A_182] {strides = array<i32>} : memref<128x128xf32, #tpu.memory_space<vmem>>, vector<1x16xf32>,
      %parallel_loop3A_184 = vector.shape_cast %parallel_loop3A_183 : vector<1x16xf32> to vector<16xf32>
      %parallel_loop3A_185 = vector.shape_cast %parallel_loop3A_180 : vector<16xf32> to vector<1x16xf32>
      tpu.vector_store %arg12[%parallel_loop3A_181, %parallel_loop3A_182], %parallel_loop3A_185 {strides = array<i32>} : memref<128x128xf32, #tpu.memory_space<vmem>>, vector<1x16xf32>,
      %parallel_loop3A_186 = arith.index_cast %parallel_loop3A_115 : i32 to index
      %parallel_loop3A_187 = arith.constant 80 : index
      %parallel_loop3A_188 = tpu.vector_load %arg12[%parallel_loop3A_186, %parallel_loop3A_187] {strides = array<i32>} : memref<128x128xf32, #tpu.memory_space<vmem>>, vector<1x16xf32>,
      %parallel_loop3A_189 = vector.shape_cast %parallel_loop3A_188 : vector<1x16xf32> to vector<16xf32>
      %parallel_loop3A_190 = arith.index_cast %parallel_loop3A_115 : i32 to index
      %parallel_loop3A_191 = arith.constant 80 : index
      %parallel_loop3A_192 = tpu.vector_load %arg14[%parallel_loop3A_190, %parallel_loop3A_191] {strides = array<i32>} : memref<128x128xf32, #tpu.memory_space<vmem>>, vector<1x16xf32>,
      %parallel_loop3A_193 = vector.shape_cast %parallel_loop3A_192 : vector<1x16xf32> to vector<16xf32>
      %parallel_loop3A_194 = arith.mulf %parallel_loop3A_189, %parallel_loop3A_193 : vector<16xf32>
      %parallel_loop3A_195 = arith.index_cast %parallel_loop3A_115 : i32 to index
      %parallel_loop3A_196 = arith.constant 80 : index
      %parallel_loop3A_197 = tpu.vector_load %arg12[%parallel_loop3A_195, %parallel_loop3A_196] {strides = array<i32>} : memref<128x128xf32, #tpu.memory_space<vmem>>, vector<1x16xf32>,
      %parallel_loop3A_198 = vector.shape_cast %parallel_loop3A_197 : vector<1x16xf32> to vector<16xf32>
      %parallel_loop3A_199 = vector.shape_cast %parallel_loop3A_194 : vector<16xf32> to vector<1x16xf32>
      tpu.vector_store %arg12[%parallel_loop3A_195, %parallel_loop3A_196], %parallel_loop3A_199 {strides = array<i32>} : memref<128x128xf32, #tpu.memory_space<vmem>>, vector<1x16xf32>,
      %parallel_loop3A_200 = arith.index_cast %parallel_loop3A_115 : i32 to index
      %parallel_loop3A_201 = arith.constant 96 : index
      %parallel_loop3A_202 = tpu.vector_load %arg12[%parallel_loop3A_200, %parallel_loop3A_201] {strides = array<i32>} : memref<128x128xf32, #tpu.memory_space<vmem>>, vector<1x16xf32>,
      %parallel_loop3A_203 = vector.shape_cast %parallel_loop3A_202 : vector<1x16xf32> to vector<16xf32>
      %parallel_loop3A_204 = arith.index_cast %parallel_loop3A_115 : i32 to index
      %parallel_loop3A_205 = arith.constant 96 : index
      %parallel_loop3A_206 = tpu.vector_load %arg14[%parallel_loop3A_204, %parallel_loop3A_205] {strides = array<i32>} : memref<128x128xf32, #tpu.memory_space<vmem>>, vector<1x16xf32>,
      %parallel_loop3A_207 = vector.shape_cast %parallel_loop3A_206 : vector<1x16xf32> to vector<16xf32>
      %parallel_loop3A_208 = arith.mulf %parallel_loop3A_203, %parallel_loop3A_207 : vector<16xf32>
      %parallel_loop3A_209 = arith.index_cast %parallel_loop3A_115 : i32 to index
      %parallel_loop3A_210 = arith.constant 96 : index
      %parallel_loop3A_211 = tpu.vector_load %arg12[%parallel_loop3A_209, %parallel_loop3A_210] {strides = array<i32>} : memref<128x128xf32, #tpu.memory_space<vmem>>, vector<1x16xf32>,
      %parallel_loop3A_212 = vector.shape_cast %parallel_loop3A_211 : vector<1x16xf32> to vector<16xf32>
      %parallel_loop3A_213 = vector.shape_cast %parallel_loop3A_208 : vector<16xf32> to vector<1x16xf32>
      tpu.vector_store %arg12[%parallel_loop3A_209, %parallel_loop3A_210], %parallel_loop3A_213 {strides = array<i32>} : memref<128x128xf32, #tpu.memory_space<vmem>>, vector<1x16xf32>,
      %parallel_loop3A_214 = arith.index_cast %parallel_loop3A_115 : i32 to index
      %parallel_loop3A_215 = arith.constant 112 : index
      %parallel_loop3A_216 = tpu.vector_load %arg12[%parallel_loop3A_214, %parallel_loop3A_215] {strides = array<i32>} : memref<128x128xf32, #tpu.memory_space<vmem>>, vector<1x16xf32>,
      %parallel_loop3A_217 = vector.shape_cast %parallel_loop3A_216 : vector<1x16xf32> to vector<16xf32>
      %parallel_loop3A_218 = arith.index_cast %parallel_loop3A_115 : i32 to index
      %parallel_loop3A_219 = arith.constant 112 : index
      %parallel_loop3A_220 = tpu.vector_load %arg14[%parallel_loop3A_218, %parallel_loop3A_219] {strides = array<i32>} : memref<128x128xf32, #tpu.memory_space<vmem>>, vector<1x16xf32>,
      %parallel_loop3A_221 = vector.shape_cast %parallel_loop3A_220 : vector<1x16xf32> to vector<16xf32>
      %parallel_loop3A_222 = arith.mulf %parallel_loop3A_217, %parallel_loop3A_221 : vector<16xf32>
      %parallel_loop3A_223 = arith.index_cast %parallel_loop3A_115 : i32 to index
      %parallel_loop3A_224 = arith.constant 112 : index
      %parallel_loop3A_225 = tpu.vector_load %arg12[%parallel_loop3A_223, %parallel_loop3A_224] {strides = array<i32>} : memref<128x128xf32, #tpu.memory_space<vmem>>, vector<1x16xf32>,
      %parallel_loop3A_226 = vector.shape_cast %parallel_loop3A_225 : vector<1x16xf32> to vector<16xf32>
      %parallel_loop3A_227 = vector.shape_cast %parallel_loop3A_222 : vector<16xf32> to vector<1x16xf32>
      tpu.vector_store %arg12[%parallel_loop3A_223, %parallel_loop3A_224], %parallel_loop3A_227 {strides = array<i32>} : memref<128x128xf32, #tpu.memory_space<vmem>>, vector<1x16xf32>,
    } {sc.loop_unroll_factor = 2 : i64, sc.parallel_access}
    "tpu.region"() ({
      %run_scoped3A = tpu.sem_alloc : memref<!tpu.dma_semaphore, #tpu.memory_space<semaphore_mem>>
      %dma_start3A_115 = arith.constant 0 : i32
      %dma_start3A_116 = arith.constant 0 : i32
      %dma_start3A_117 = tpu.memref_slice %arg15[%dma_start3A_115, %dma_start3A_116] : memref<10112x128xf32, #tpu.memory_space<vmem_shared>> -> memref<10112x128xf32, #tpu.memory_space<vmem_shared>>
      tpu.enqueue_indirect_dma source(%arg12 : memref<128x128xf32, #tpu.memory_space<vmem>>) target(%dma_start3A_117 : memref<10112x128xf32, #tpu.memory_space<vmem_shared>>) offsets(%arg10 : memref<128xi32, #tpu.memory_space<vmem>>) semaphore(%run_scoped3A : memref<!tpu.dma_semaphore, #tpu.memory_space<semaphore_mem>>) {add = true}
      %dma_wait3A_118 = arith.constant 0 : i32
      %dma_wait3A_119 = arith.constant 0 : i32
      %dma_wait3A_120 = tpu.memref_slice %arg15[%dma_wait3A_118, %dma_wait3A_119] : memref<10112x128xf32, #tpu.memory_space<vmem_shared>> -> memref<10112x128xf32, #tpu.memory_space<vmem_shared>>
      tpu.wait_indirect_dma semaphore(%run_scoped3A : memref<!tpu.dma_semaphore, #tpu.memory_space<semaphore_mem>>) src(%arg12 : memref<128x128xf32, #tpu.memory_space<vmem>>) dst(%dma_wait3A_120 : memref<10112x128xf32, #tpu.memory_space<vmem_shared>>)
      tpu.yield
    }) : () -> ()
    %mul3A_79 = arith.constant 80 : i32
    %mul3A_80 = arith.muli %add3A, %mul3A_79 : i32
    %add3A_81 = arith.constant 79 : i32
    %add3A_82 = arith.addi %mul3A_80, %add3A_81 : i32
    %mul3A_83 = arith.constant 128 : i32
    %mul3A_84 = arith.muli %add3A_82, %mul3A_83 : i32
    %dma_start3A_85 = arith.constant 0 : i32
    %dma_start3A_86 = tpu.memref_slice %arg5[%mul3A_84, %dma_start3A_85] : memref<327680x128xf32, #tpu.memory_space<hbm>> -> memref<128x128xf32, #tpu.memory_space<hbm>>
    %dma_start3A_87 = arith.constant 0 : i32
    %dma_start3A_88 = tpu.memref_slice %arg5[%mul3A_84, %dma_start3A_87] : memref<327680x128xf32, #tpu.memory_space<hbm>> -> memref<128x128xf32, #tpu.memory_space<hbm>>
    tpu.enqueue_dma source(%dma_start3A_88 : memref<128x128xf32, #tpu.memory_space<hbm>>) target(%arg14 : memref<128x128xf32, #tpu.memory_space<vmem>>) target_semaphore(%arg22 : memref<!tpu.dma_semaphore, #tpu.memory_space<semaphore_mem>>)
    %dma_wait3A_89 = arith.constant 0 : i32
    %dma_wait3A_90 = arith.constant 0 : i32
    %dma_wait3A_91 = tpu.memref_slice %arg2[%dma_wait3A_89, %dma_wait3A_90] : memref<10000x128xf32, #tpu.memory_space<hbm>> -> memref<10000x128xf32, #tpu.memory_space<hbm>>
    tpu.wait_indirect_dma semaphore(%arg17 : memref<!tpu.dma_semaphore, #tpu.memory_space<semaphore_mem>>) src(%dma_wait3A_91 : memref<10000x128xf32, #tpu.memory_space<hbm>>) dst(%arg13 : memref<128x128xf32, #tpu.memory_space<vmem>>)
    %mul3A_92 = arith.constant 80 : i32
    %mul3A_93 = arith.muli %add3A, %mul3A_92 : i32
    %add3A_94 = arith.constant 79 : i32
    %add3A_95 = arith.addi %mul3A_93, %add3A_94 : i32
    %mul3A_96 = arith.constant 128 : i32
    %mul3A_97 = arith.muli %add3A_95, %mul3A_96 : i32
    %dma_wait3A_98 = tpu.memref_slice %arg4[%mul3A_97] : memref<327680xi32, #tpu.memory_space<hbm>> -> memref<128xi32, #tpu.memory_space<hbm>>
    %dma_wait3A_99 = tpu.memref_slice %arg4[%mul3A_97] : memref<327680xi32, #tpu.memory_space<hbm>> -> memref<128xi32, #tpu.memory_space<hbm>>
    tpu.wait_dma2 semaphore(%arg21 : memref<!tpu.dma_semaphore, #tpu.memory_space<semaphore_mem>>) src(%dma_wait3A_99 : memref<128xi32, #tpu.memory_space<hbm>>) dst(%arg11 : memref<128xi32, #tpu.memory_space<vmem>>)
    %dma_wait3A_100 = arith.constant 0 : i32
    %dma_wait3A_101 = tpu.memref_slice %arg5[%mul3A_84, %dma_wait3A_100] : memref<327680x128xf32, #tpu.memory_space<hbm>> -> memref<128x128xf32, #tpu.memory_space<hbm>>
    %dma_wait3A_102 = arith.constant 0 : i32
    %dma_wait3A_103 = tpu.memref_slice %arg5[%mul3A_84, %dma_wait3A_102] : memref<327680x128xf32, #tpu.memory_space<hbm>> -> memref<128x128xf32, #tpu.memory_space<hbm>>
    tpu.wait_dma2 semaphore(%arg22 : memref<!tpu.dma_semaphore, #tpu.memory_space<semaphore_mem>>) src(%dma_wait3A_103 : memref<128x128xf32, #tpu.memory_space<hbm>>) dst(%arg14 : memref<128x128xf32, #tpu.memory_space<vmem>>)
    %parallel_loop3A_104 = arith.constant 0 : i32
    %parallel_loop3A_105 = arith.constant 128 : i32
    %parallel_loop3A_106 = arith.constant 1 : i32
    scf.for %parallel_loop3A_115 = %parallel_loop3A_104 to %parallel_loop3A_105 step %parallel_loop3A_106  : i32 {
      %parallel_loop3A_116 = arith.index_cast %parallel_loop3A_115 : i32 to index
      %parallel_loop3A_117 = arith.constant 0 : index
      %parallel_loop3A_118 = tpu.vector_load %arg13[%parallel_loop3A_116, %parallel_loop3A_117] {strides = array<i32>} : memref<128x128xf32, #tpu.memory_space<vmem>>, vector<1x16xf32>,
      %parallel_loop3A_119 = vector.shape_cast %parallel_loop3A_118 : vector<1x16xf32> to vector<16xf32>
      %parallel_loop3A_120 = arith.index_cast %parallel_loop3A_115 : i32 to index
      %parallel_loop3A_121 = arith.constant 0 : index
      %parallel_loop3A_122 = tpu.vector_load %arg14[%parallel_loop3A_120, %parallel_loop3A_121] {strides = array<i32>} : memref<128x128xf32, #tpu.memory_space<vmem>>, vector<1x16xf32>,
      %parallel_loop3A_123 = vector.shape_cast %parallel_loop3A_122 : vector<1x16xf32> to vector<16xf32>
      %parallel_loop3A_124 = arith.mulf %parallel_loop3A_119, %parallel_loop3A_123 : vector<16xf32>
      %parallel_loop3A_125 = arith.index_cast %parallel_loop3A_115 : i32 to index
      %parallel_loop3A_126 = arith.constant 0 : index
      %parallel_loop3A_127 = tpu.vector_load %arg13[%parallel_loop3A_125, %parallel_loop3A_126] {strides = array<i32>} : memref<128x128xf32, #tpu.memory_space<vmem>>, vector<1x16xf32>,
      %parallel_loop3A_128 = vector.shape_cast %parallel_loop3A_127 : vector<1x16xf32> to vector<16xf32>
      %parallel_loop3A_129 = vector.shape_cast %parallel_loop3A_124 : vector<16xf32> to vector<1x16xf32>
      tpu.vector_store %arg13[%parallel_loop3A_125, %parallel_loop3A_126], %parallel_loop3A_129 {strides = array<i32>} : memref<128x128xf32, #tpu.memory_space<vmem>>, vector<1x16xf32>,
      %parallel_loop3A_130 = arith.index_cast %parallel_loop3A_115 : i32 to index
      %parallel_loop3A_131 = arith.constant 16 : index
      %parallel_loop3A_132 = tpu.vector_load %arg13[%parallel_loop3A_130, %parallel_loop3A_131] {strides = array<i32>} : memref<128x128xf32, #tpu.memory_space<vmem>>, vector<1x16xf32>,
      %parallel_loop3A_133 = vector.shape_cast %parallel_loop3A_132 : vector<1x16xf32> to vector<16xf32>
      %parallel_loop3A_134 = arith.index_cast %parallel_loop3A_115 : i32 to index
      %parallel_loop3A_135 = arith.constant 16 : index
      %parallel_loop3A_136 = tpu.vector_load %arg14[%parallel_loop3A_134, %parallel_loop3A_135] {strides = array<i32>} : memref<128x128xf32, #tpu.memory_space<vmem>>, vector<1x16xf32>,
      %parallel_loop3A_137 = vector.shape_cast %parallel_loop3A_136 : vector<1x16xf32> to vector<16xf32>
      %parallel_loop3A_138 = arith.mulf %parallel_loop3A_133, %parallel_loop3A_137 : vector<16xf32>
      %parallel_loop3A_139 = arith.index_cast %parallel_loop3A_115 : i32 to index
      %parallel_loop3A_140 = arith.constant 16 : index
      %parallel_loop3A_141 = tpu.vector_load %arg13[%parallel_loop3A_139, %parallel_loop3A_140] {strides = array<i32>} : memref<128x128xf32, #tpu.memory_space<vmem>>, vector<1x16xf32>,
      %parallel_loop3A_142 = vector.shape_cast %parallel_loop3A_141 : vector<1x16xf32> to vector<16xf32>
      %parallel_loop3A_143 = vector.shape_cast %parallel_loop3A_138 : vector<16xf32> to vector<1x16xf32>
      tpu.vector_store %arg13[%parallel_loop3A_139, %parallel_loop3A_140], %parallel_loop3A_143 {strides = array<i32>} : memref<128x128xf32, #tpu.memory_space<vmem>>, vector<1x16xf32>,
      %parallel_loop3A_144 = arith.index_cast %parallel_loop3A_115 : i32 to index
      %parallel_loop3A_145 = arith.constant 32 : index
      %parallel_loop3A_146 = tpu.vector_load %arg13[%parallel_loop3A_144, %parallel_loop3A_145] {strides = array<i32>} : memref<128x128xf32, #tpu.memory_space<vmem>>, vector<1x16xf32>,
      %parallel_loop3A_147 = vector.shape_cast %parallel_loop3A_146 : vector<1x16xf32> to vector<16xf32>
      %parallel_loop3A_148 = arith.index_cast %parallel_loop3A_115 : i32 to index
      %parallel_loop3A_149 = arith.constant 32 : index
      %parallel_loop3A_150 = tpu.vector_load %arg14[%parallel_loop3A_148, %parallel_loop3A_149] {strides = array<i32>} : memref<128x128xf32, #tpu.memory_space<vmem>>, vector<1x16xf32>,
      %parallel_loop3A_151 = vector.shape_cast %parallel_loop3A_150 : vector<1x16xf32> to vector<16xf32>
      %parallel_loop3A_152 = arith.mulf %parallel_loop3A_147, %parallel_loop3A_151 : vector<16xf32>
      %parallel_loop3A_153 = arith.index_cast %parallel_loop3A_115 : i32 to index
      %parallel_loop3A_154 = arith.constant 32 : index
      %parallel_loop3A_155 = tpu.vector_load %arg13[%parallel_loop3A_153, %parallel_loop3A_154] {strides = array<i32>} : memref<128x128xf32, #tpu.memory_space<vmem>>, vector<1x16xf32>,
      %parallel_loop3A_156 = vector.shape_cast %parallel_loop3A_155 : vector<1x16xf32> to vector<16xf32>
      %parallel_loop3A_157 = vector.shape_cast %parallel_loop3A_152 : vector<16xf32> to vector<1x16xf32>
      tpu.vector_store %arg13[%parallel_loop3A_153, %parallel_loop3A_154], %parallel_loop3A_157 {strides = array<i32>} : memref<128x128xf32, #tpu.memory_space<vmem>>, vector<1x16xf32>,
      %parallel_loop3A_158 = arith.index_cast %parallel_loop3A_115 : i32 to index
      %parallel_loop3A_159 = arith.constant 48 : index
      %parallel_loop3A_160 = tpu.vector_load %arg13[%parallel_loop3A_158, %parallel_loop3A_159] {strides = array<i32>} : memref<128x128xf32, #tpu.memory_space<vmem>>, vector<1x16xf32>,
      %parallel_loop3A_161 = vector.shape_cast %parallel_loop3A_160 : vector<1x16xf32> to vector<16xf32>
      %parallel_loop3A_162 = arith.index_cast %parallel_loop3A_115 : i32 to index
      %parallel_loop3A_163 = arith.constant 48 : index
      %parallel_loop3A_164 = tpu.vector_load %arg14[%parallel_loop3A_162, %parallel_loop3A_163] {strides = array<i32>} : memref<128x128xf32, #tpu.memory_space<vmem>>, vector<1x16xf32>,
      %parallel_loop3A_165 = vector.shape_cast %parallel_loop3A_164 : vector<1x16xf32> to vector<16xf32>
      %parallel_loop3A_166 = arith.mulf %parallel_loop3A_161, %parallel_loop3A_165 : vector<16xf32>
      %parallel_loop3A_167 = arith.index_cast %parallel_loop3A_115 : i32 to index
      %parallel_loop3A_168 = arith.constant 48 : index
      %parallel_loop3A_169 = tpu.vector_load %arg13[%parallel_loop3A_167, %parallel_loop3A_168] {strides = array<i32>} : memref<128x128xf32, #tpu.memory_space<vmem>>, vector<1x16xf32>,
      %parallel_loop3A_170 = vector.shape_cast %parallel_loop3A_169 : vector<1x16xf32> to vector<16xf32>
      %parallel_loop3A_171 = vector.shape_cast %parallel_loop3A_166 : vector<16xf32> to vector<1x16xf32>
      tpu.vector_store %arg13[%parallel_loop3A_167, %parallel_loop3A_168], %parallel_loop3A_171 {strides = array<i32>} : memref<128x128xf32, #tpu.memory_space<vmem>>, vector<1x16xf32>,
      %parallel_loop3A_172 = arith.index_cast %parallel_loop3A_115 : i32 to index
      %parallel_loop3A_173 = arith.constant 64 : index
      %parallel_loop3A_174 = tpu.vector_load %arg13[%parallel_loop3A_172, %parallel_loop3A_173] {strides = array<i32>} : memref<128x128xf32, #tpu.memory_space<vmem>>, vector<1x16xf32>,
      %parallel_loop3A_175 = vector.shape_cast %parallel_loop3A_174 : vector<1x16xf32> to vector<16xf32>
      %parallel_loop3A_176 = arith.index_cast %parallel_loop3A_115 : i32 to index
      %parallel_loop3A_177 = arith.constant 64 : index
      %parallel_loop3A_178 = tpu.vector_load %arg14[%parallel_loop3A_176, %parallel_loop3A_177] {strides = array<i32>} : memref<128x128xf32, #tpu.memory_space<vmem>>, vector<1x16xf32>,
      %parallel_loop3A_179 = vector.shape_cast %parallel_loop3A_178 : vector<1x16xf32> to vector<16xf32>
      %parallel_loop3A_180 = arith.mulf %parallel_loop3A_175, %parallel_loop3A_179 : vector<16xf32>
      %parallel_loop3A_181 = arith.index_cast %parallel_loop3A_115 : i32 to index
      %parallel_loop3A_182 = arith.constant 64 : index
      %parallel_loop3A_183 = tpu.vector_load %arg13[%parallel_loop3A_181, %parallel_loop3A_182] {strides = array<i32>} : memref<128x128xf32, #tpu.memory_space<vmem>>, vector<1x16xf32>,
      %parallel_loop3A_184 = vector.shape_cast %parallel_loop3A_183 : vector<1x16xf32> to vector<16xf32>
      %parallel_loop3A_185 = vector.shape_cast %parallel_loop3A_180 : vector<16xf32> to vector<1x16xf32>
      tpu.vector_store %arg13[%parallel_loop3A_181, %parallel_loop3A_182], %parallel_loop3A_185 {strides = array<i32>} : memref<128x128xf32, #tpu.memory_space<vmem>>, vector<1x16xf32>,
      %parallel_loop3A_186 = arith.index_cast %parallel_loop3A_115 : i32 to index
      %parallel_loop3A_187 = arith.constant 80 : index
      %parallel_loop3A_188 = tpu.vector_load %arg13[%parallel_loop3A_186, %parallel_loop3A_187] {strides = array<i32>} : memref<128x128xf32, #tpu.memory_space<vmem>>, vector<1x16xf32>,
      %parallel_loop3A_189 = vector.shape_cast %parallel_loop3A_188 : vector<1x16xf32> to vector<16xf32>
      %parallel_loop3A_190 = arith.index_cast %parallel_loop3A_115 : i32 to index
      %parallel_loop3A_191 = arith.constant 80 : index
      %parallel_loop3A_192 = tpu.vector_load %arg14[%parallel_loop3A_190, %parallel_loop3A_191] {strides = array<i32>} : memref<128x128xf32, #tpu.memory_space<vmem>>, vector<1x16xf32>,
      %parallel_loop3A_193 = vector.shape_cast %parallel_loop3A_192 : vector<1x16xf32> to vector<16xf32>
      %parallel_loop3A_194 = arith.mulf %parallel_loop3A_189, %parallel_loop3A_193 : vector<16xf32>
      %parallel_loop3A_195 = arith.index_cast %parallel_loop3A_115 : i32 to index
      %parallel_loop3A_196 = arith.constant 80 : index
      %parallel_loop3A_197 = tpu.vector_load %arg13[%parallel_loop3A_195, %parallel_loop3A_196] {strides = array<i32>} : memref<128x128xf32, #tpu.memory_space<vmem>>, vector<1x16xf32>,
      %parallel_loop3A_198 = vector.shape_cast %parallel_loop3A_197 : vector<1x16xf32> to vector<16xf32>
      %parallel_loop3A_199 = vector.shape_cast %parallel_loop3A_194 : vector<16xf32> to vector<1x16xf32>
      tpu.vector_store %arg13[%parallel_loop3A_195, %parallel_loop3A_196], %parallel_loop3A_199 {strides = array<i32>} : memref<128x128xf32, #tpu.memory_space<vmem>>, vector<1x16xf32>,
      %parallel_loop3A_200 = arith.index_cast %parallel_loop3A_115 : i32 to index
      %parallel_loop3A_201 = arith.constant 96 : index
      %parallel_loop3A_202 = tpu.vector_load %arg13[%parallel_loop3A_200, %parallel_loop3A_201] {strides = array<i32>} : memref<128x128xf32, #tpu.memory_space<vmem>>, vector<1x16xf32>,
      %parallel_loop3A_203 = vector.shape_cast %parallel_loop3A_202 : vector<1x16xf32> to vector<16xf32>
      %parallel_loop3A_204 = arith.index_cast %parallel_loop3A_115 : i32 to index
      %parallel_loop3A_205 = arith.constant 96 : index
      %parallel_loop3A_206 = tpu.vector_load %arg14[%parallel_loop3A_204, %parallel_loop3A_205] {strides = array<i32>} : memref<128x128xf32, #tpu.memory_space<vmem>>, vector<1x16xf32>,
      %parallel_loop3A_207 = vector.shape_cast %parallel_loop3A_206 : vector<1x16xf32> to vector<16xf32>
      %parallel_loop3A_208 = arith.mulf %parallel_loop3A_203, %parallel_loop3A_207 : vector<16xf32>
      %parallel_loop3A_209 = arith.index_cast %parallel_loop3A_115 : i32 to index
      %parallel_loop3A_210 = arith.constant 96 : index
      %parallel_loop3A_211 = tpu.vector_load %arg13[%parallel_loop3A_209, %parallel_loop3A_210] {strides = array<i32>} : memref<128x128xf32, #tpu.memory_space<vmem>>, vector<1x16xf32>,
      %parallel_loop3A_212 = vector.shape_cast %parallel_loop3A_211 : vector<1x16xf32> to vector<16xf32>
      %parallel_loop3A_213 = vector.shape_cast %parallel_loop3A_208 : vector<16xf32> to vector<1x16xf32>
      tpu.vector_store %arg13[%parallel_loop3A_209, %parallel_loop3A_210], %parallel_loop3A_213 {strides = array<i32>} : memref<128x128xf32, #tpu.memory_space<vmem>>, vector<1x16xf32>,
      %parallel_loop3A_214 = arith.index_cast %parallel_loop3A_115 : i32 to index
      %parallel_loop3A_215 = arith.constant 112 : index
      %parallel_loop3A_216 = tpu.vector_load %arg13[%parallel_loop3A_214, %parallel_loop3A_215] {strides = array<i32>} : memref<128x128xf32, #tpu.memory_space<vmem>>, vector<1x16xf32>,
      %parallel_loop3A_217 = vector.shape_cast %parallel_loop3A_216 : vector<1x16xf32> to vector<16xf32>
      %parallel_loop3A_218 = arith.index_cast %parallel_loop3A_115 : i32 to index
      %parallel_loop3A_219 = arith.constant 112 : index
      %parallel_loop3A_220 = tpu.vector_load %arg14[%parallel_loop3A_218, %parallel_loop3A_219] {strides = array<i32>} : memref<128x128xf32, #tpu.memory_space<vmem>>, vector<1x16xf32>,
      %parallel_loop3A_221 = vector.shape_cast %parallel_loop3A_220 : vector<1x16xf32> to vector<16xf32>
      %parallel_loop3A_222 = arith.mulf %parallel_loop3A_217, %parallel_loop3A_221 : vector<16xf32>
      %parallel_loop3A_223 = arith.index_cast %parallel_loop3A_115 : i32 to index
      %parallel_loop3A_224 = arith.constant 112 : index
      %parallel_loop3A_225 = tpu.vector_load %arg13[%parallel_loop3A_223, %parallel_loop3A_224] {strides = array<i32>} : memref<128x128xf32, #tpu.memory_space<vmem>>, vector<1x16xf32>,
      %parallel_loop3A_226 = vector.shape_cast %parallel_loop3A_225 : vector<1x16xf32> to vector<16xf32>
      %parallel_loop3A_227 = vector.shape_cast %parallel_loop3A_222 : vector<16xf32> to vector<1x16xf32>
      tpu.vector_store %arg13[%parallel_loop3A_223, %parallel_loop3A_224], %parallel_loop3A_227 {strides = array<i32>} : memref<128x128xf32, #tpu.memory_space<vmem>>, vector<1x16xf32>,
    } {sc.loop_unroll_factor = 2 : i64, sc.parallel_access}
    "tpu.region"() ({
      %run_scoped3A = tpu.sem_alloc : memref<!tpu.dma_semaphore, #tpu.memory_space<semaphore_mem>>
      %dma_start3A_115 = arith.constant 0 : i32
      %dma_start3A_116 = arith.constant 0 : i32
      %dma_start3A_117 = tpu.memref_slice %arg15[%dma_start3A_115, %dma_start3A_116] : memref<10112x128xf32, #tpu.memory_space<vmem_shared>> -> memref<10112x128xf32, #tpu.memory_space<vmem_shared>>
      tpu.enqueue_indirect_dma source(%arg13 : memref<128x128xf32, #tpu.memory_space<vmem>>) target(%dma_start3A_117 : memref<10112x128xf32, #tpu.memory_space<vmem_shared>>) offsets(%arg11 : memref<128xi32, #tpu.memory_space<vmem>>) semaphore(%run_scoped3A : memref<!tpu.dma_semaphore, #tpu.memory_space<semaphore_mem>>) {add = true}
      %dma_wait3A_118 = arith.constant 0 : i32
      %dma_wait3A_119 = arith.constant 0 : i32
      %dma_wait3A_120 = tpu.memref_slice %arg15[%dma_wait3A_118, %dma_wait3A_119] : memref<10112x128xf32, #tpu.memory_space<vmem_shared>> -> memref<10112x128xf32, #tpu.memory_space<vmem_shared>>
      tpu.wait_indirect_dma semaphore(%run_scoped3A : memref<!tpu.dma_semaphore, #tpu.memory_space<semaphore_mem>>) src(%arg13 : memref<128x128xf32, #tpu.memory_space<vmem>>) dst(%dma_wait3A_120 : memref<10112x128xf32, #tpu.memory_space<vmem_shared>>)
      tpu.yield
    }) : () -> ()
    %barrier3A_107 = arith.constant 0 : index
    tpu.barrier barrier_id(%barrier3A_107)
    %mul3A_108 = arith.constant 632 : i32
    %mul3A_109 = arith.muli %arg1, %mul3A_108 : i32
    %mul3A_110 = arith.constant 10112 : i32
    %mul3A_111 = arith.muli %arg0, %mul3A_110 : i32
    %mul3A_112 = arith.constant 632 : i32
    %mul3A_113 = arith.muli %arg1, %mul3A_112 : i32
    %add3A_114 = arith.addi %mul3A_111, %mul3A_113 : i32
    "tpu.region"() ({
      %run_scoped3A = tpu.sem_alloc : memref<!tpu.dma_semaphore, #tpu.memory_space<semaphore_mem>>
      %dma_start3A_115 = arith.constant 0 : i32
      %dma_start3A_116 = tpu.memref_slice %arg7[%add3A_114, %dma_start3A_115] : memref<20224x128xf32, #tpu.memory_space<hbm>> -> memref<632x128xf32, #tpu.memory_space<hbm>>
      %dma_start3A_117 = arith.constant 0 : i32
      %dma_start3A_118 = tpu.memref_slice %arg15[%mul3A_109, %dma_start3A_117] : memref<10112x128xf32, #tpu.memory_space<vmem_shared>> -> memref<632x128xf32, #tpu.memory_space<vmem_shared>>
      tpu.enqueue_dma source(%dma_start3A_118 : memref<632x128xf32, #tpu.memory_space<vmem_shared>>) target(%dma_start3A_116 : memref<632x128xf32, #tpu.memory_space<hbm>>) target_semaphore(%run_scoped3A : memref<!tpu.dma_semaphore, #tpu.memory_space<semaphore_mem>>)
      %dma_wait3A_119 = arith.constant 0 : i32
      %dma_wait3A_120 = tpu.memref_slice %arg7[%add3A_114, %dma_wait3A_119] : memref<20224x128xf32, #tpu.memory_space<hbm>> -> memref<632x128xf32, #tpu.memory_space<hbm>>
      %dma_wait3A_121 = arith.constant 0 : i32
      %dma_wait3A_122 = tpu.memref_slice %arg15[%mul3A_109, %dma_wait3A_121] : memref<10112x128xf32, #tpu.memory_space<vmem_shared>> -> memref<632x128xf32, #tpu.memory_space<vmem_shared>>
      tpu.wait_dma2 semaphore(%run_scoped3A : memref<!tpu.dma_semaphore, #tpu.memory_space<semaphore_mem>>) src(%dma_wait3A_122 : memref<632x128xf32, #tpu.memory_space<vmem_shared>>) dst(%dma_wait3A_120 : memref<632x128xf32, #tpu.memory_space<hbm>>)
      tpu.yield
    }) : () -> ()
    return
  }
}

module attributes {stable_mosaic.version = 14 : i64} {
  func.func @_xw_first_kernel(%arg0: i32, %arg1: memref<400x128xf32, #tpu.memory_space<vmem>>, %arg2: memref<400x1xf32, #tpu.memory_space<vmem>>, %arg3: memref<128x128xf32, #tpu.memory_space<vmem>>, %arg4: memref<400x128xf32, #tpu.memory_space<vmem>>, %arg5: memref<400x128xf32, #tpu.memory_space<vmem>>) attributes {dimension_semantics = [#tpu.dimension_semantics<arbitrary>], iteration_bounds = array<i64: 25>, scalar_prefetch = 0 : i64, scratch_operands = 0 : i64, tpu.core_type = #tpu.core_type<tc>, window_params = [{transform_indices = @transform_0, window_bounds = array<i64: 400, 128>}, {transform_indices = @transform_1, window_bounds = array<i64: 400, 1>}, {pipeline_mode = #tpu.pipeline_mode<synchronous>, transform_indices = @transform_2, window_bounds = array<i64: 128, 128>}, {transform_indices = @transform_3, window_bounds = array<i64: 400, 128>}, {transform_indices = @transform_4, window_bounds = array<i64: 400, 128>}]} {
    %get3A = arith.constant 0 : index
    %get3A_0 = arith.constant 0 : index
    %get3A_1 = vector.load %arg1[%get3A, %get3A_0] : memref<400x128xf32, #tpu.memory_space<vmem>>, vector<400x128xf32>
    %get3A_2 = arith.constant 0 : index
    %get3A_3 = arith.constant 0 : index
    %get3A_4 = vector.load %arg2[%get3A_2, %get3A_3] : memref<400x1xf32, #tpu.memory_space<vmem>>, vector<400x1xf32>
    %mul3A = vector.broadcast %get3A_4 : vector<400x1xf32> to vector<400x128xf32>
    %mul3A_5 = arith.mulf %get3A_1, %mul3A : vector<400x128xf32>
    %swap3A = arith.constant 0 : index
    %swap3A_6 = arith.constant 0 : index
    %swap3A_7 = vector.load %arg4[%swap3A, %swap3A_6] : memref<400x128xf32, #tpu.memory_space<vmem>>, vector<400x128xf32>
    tpu.vector_store %arg4[%swap3A, %swap3A_6], %mul3A_5 {strides = array<i32>} : memref<400x128xf32, #tpu.memory_space<vmem>>, vector<400x128xf32>,
    %get3A_8 = arith.constant 0 : index
    %get3A_9 = arith.constant 0 : index
    %get3A_10 = vector.load %arg3[%get3A_8, %get3A_9] : memref<128x128xf32, #tpu.memory_space<vmem>>, vector<128x128xf32>
    %dot_general3A = arith.constant dense<0.000000e+00> : vector<400x128xf32>
    %dot_general3A_11 = tpu.matmul %mul3A_5, %get3A_10, %dot_general3A {dimension_numbers = #tpu.dot_dimension_numbers<[1], [0], [0], [1], [0, 0, 1, 1], [], []>, transpose_lhs_hint = false} : vector<400x128xf32>, vector<128x128xf32>, vector<400x128xf32> -> vector<400x128xf32>
    %swap3A_12 = arith.constant 0 : index
    %swap3A_13 = arith.constant 0 : index
    %swap3A_14 = vector.load %arg5[%swap3A_12, %swap3A_13] : memref<400x128xf32, #tpu.memory_space<vmem>>, vector<400x128xf32>
    tpu.vector_store %arg5[%swap3A_12, %swap3A_13], %dot_general3A_11 {strides = array<i32>} : memref<400x128xf32, #tpu.memory_space<vmem>>, vector<400x128xf32>,
    return
  }
  func.func @transform_0(%arg0: i32) -> (i32, i32) {
    %c0_i32 = arith.constant 0 : i32
    %c0_i32_0 = arith.constant 0 : i32
    return %arg0, %c0_i32 : i32, i32
  }
  func.func @transform_1(%arg0: i32) -> (i32, i32) {
    %c0_i32 = arith.constant 0 : i32
    %c0_i32_0 = arith.constant 0 : i32
    return %arg0, %c0_i32 : i32, i32
  }
  func.func @transform_2(%arg0: i32) -> (i32, i32) {
    %c0_i32 = arith.constant 0 : i32
    %c0_i32_0 = arith.constant 0 : i32
    %c0_i32_1 = arith.constant 0 : i32
    return %c0_i32, %c0_i32_0 : i32, i32
  }
  func.func @transform_3(%arg0: i32) -> (i32, i32) {
    %c0_i32 = arith.constant 0 : i32
    %c0_i32_0 = arith.constant 0 : i32
    return %arg0, %c0_i32 : i32, i32
  }
  func.func @transform_4(%arg0: i32) -> (i32, i32) {
    %c0_i32 = arith.constant 0 : i32
    %c0_i32_0 = arith.constant 0 : i32
    return %arg0, %c0_i32 : i32, i32
  }
}

module attributes {stable_mosaic.version = 14 : i64} {
  func.func @_edge_gates_kernel(%arg0: i32, %arg1: memref<8x2048xf32, #tpu.memory_space<vmem>>, %arg2: memref<13x128xf32, #tpu.memory_space<vmem>>, %arg3: memref<10x100xf32, #tpu.memory_space<vmem>>, %arg4: memref<100x128xf32, #tpu.memory_space<vmem>>, %arg5: memref<2048x128xf32, #tpu.memory_space<vmem>>) attributes {dimension_semantics = [#tpu.dimension_semantics<arbitrary>], iteration_bounds = array<i64: 160>, scalar_prefetch = 0 : i64, scratch_operands = 0 : i64, tpu.core_type = #tpu.core_type<tc>, window_params = [{transform_indices = @transform_0, window_bounds = array<i64: 8, 2048>}, {pipeline_mode = #tpu.pipeline_mode<synchronous>, transform_indices = @transform_1, window_bounds = array<i64: 13, 128>}, {pipeline_mode = #tpu.pipeline_mode<synchronous>, transform_indices = @transform_2, window_bounds = array<i64: 10, 100>}, {pipeline_mode = #tpu.pipeline_mode<synchronous>, transform_indices = @transform_3, window_bounds = array<i64: 100, 128>}, {transform_indices = @transform_4, window_bounds = array<i64: 2048, 128>}]} {
    %get3A = arith.constant 0 : index
    %get3A_0 = arith.constant 0 : index
    %get3A_1 = vector.load %arg1[%get3A, %get3A_0] : memref<8x2048xf32, #tpu.memory_space<vmem>>, vector<8x2048xf32>
    %slice3A = vector.extract_strided_slice %get3A_1 {offsets = [0, 0], sizes = [1, 2048], strides = [1, 1]} : vector<8x2048xf32> to vector<1x2048xf32>
    %slice3A_2 = vector.extract_strided_slice %get3A_1 {offsets = [1, 0], sizes = [1, 2048], strides = [1, 1]} : vector<8x2048xf32> to vector<1x2048xf32>
    %slice3A_3 = vector.extract_strided_slice %get3A_1 {offsets = [2, 0], sizes = [1, 2048], strides = [1, 1]} : vector<8x2048xf32> to vector<1x2048xf32>
    %mul3A = arith.mulf %slice3A, %slice3A : vector<1x2048xf32>
    %mul3A_4 = arith.mulf %slice3A_2, %slice3A_2 : vector<1x2048xf32>
    %add3A = arith.addf %mul3A, %mul3A_4 : vector<1x2048xf32>
    %mul3A_5 = arith.mulf %slice3A_3, %slice3A_3 : vector<1x2048xf32>
    %add3A_6 = arith.addf %add3A, %mul3A_5 : vector<1x2048xf32>
    %sqrt3A = math.sqrt %add3A_6 : vector<1x2048xf32>
    %max3A = arith.constant 9.99999996E-13 : f32
    %max3A_7 = vector.broadcast %max3A : f32 to vector<1x2048xf32>
    %max3A_8 = arith.maximumf %sqrt3A, %max3A_7 : vector<1x2048xf32>
    %div3A = arith.constant 1.000000e+00 : f32
    %div3A_9 = vector.broadcast %div3A : f32 to vector<1x2048xf32>
    %div3A_10 = arith.divf %div3A_9, %max3A_8 : vector<1x2048xf32>
    %mul3A_11 = arith.mulf %slice3A, %div3A_10 : vector<1x2048xf32>
    %mul3A_12 = arith.mulf %slice3A_2, %div3A_10 : vector<1x2048xf32>
    %mul3A_13 = arith.mulf %slice3A_3, %div3A_10 : vector<1x2048xf32>
    %broadcast_in_dim3A = arith.constant 1.000000e+00 : f32
    %broadcast_in_dim3A_14 = vector.broadcast %broadcast_in_dim3A : f32 to vector<1x2048xf32>
    %mul3A_15 = arith.constant 1.73205078 : f32
    %mul3A_16 = vector.broadcast %mul3A_15 : f32 to vector<1x2048xf32>
    %mul3A_17 = arith.mulf %mul3A_16, %mul3A_11 : vector<1x2048xf32>
    %mul3A_18 = arith.constant 1.73205078 : f32
    %mul3A_19 = vector.broadcast %mul3A_18 : f32 to vector<1x2048xf32>
    %mul3A_20 = arith.mulf %mul3A_19, %mul3A_12 : vector<1x2048xf32>
    %mul3A_21 = arith.constant 1.73205078 : f32
    %mul3A_22 = vector.broadcast %mul3A_21 : f32 to vector<1x2048xf32>
    %mul3A_23 = arith.mulf %mul3A_22, %mul3A_13 : vector<1x2048xf32>
    %mul3A_24 = arith.constant 3.87298346 : f32
    %mul3A_25 = vector.broadcast %mul3A_24 : f32 to vector<1x2048xf32>
    %mul3A_26 = arith.mulf %mul3A_25, %mul3A_11 : vector<1x2048xf32>
    %mul3A_27 = arith.mulf %mul3A_26, %mul3A_12 : vector<1x2048xf32>
    %mul3A_28 = arith.constant 3.87298346 : f32
    %mul3A_29 = vector.broadcast %mul3A_28 : f32 to vector<1x2048xf32>
    %mul3A_30 = arith.mulf %mul3A_29, %mul3A_12 : vector<1x2048xf32>
    %mul3A_31 = arith.mulf %mul3A_30, %mul3A_13 : vector<1x2048xf32>
    %mul3A_32 = arith.constant 3.000000e+00 : f32
    %mul3A_33 = vector.broadcast %mul3A_32 : f32 to vector<1x2048xf32>
    %mul3A_34 = arith.mulf %mul3A_33, %mul3A_13 : vector<1x2048xf32>
    %mul3A_35 = arith.mulf %mul3A_34, %mul3A_13 : vector<1x2048xf32>
    %sub3A = arith.constant 1.000000e+00 : f32
    %sub3A_36 = vector.broadcast %sub3A : f32 to vector<1x2048xf32>
    %sub3A_37 = arith.subf %mul3A_35, %sub3A_36 : vector<1x2048xf32>
    %mul3A_38 = arith.constant 1.11803401 : f32
    %mul3A_39 = vector.broadcast %mul3A_38 : f32 to vector<1x2048xf32>
    %mul3A_40 = arith.mulf %mul3A_39, %sub3A_37 : vector<1x2048xf32>
    %mul3A_41 = arith.constant 3.87298346 : f32
    %mul3A_42 = vector.broadcast %mul3A_41 : f32 to vector<1x2048xf32>
    %mul3A_43 = arith.mulf %mul3A_42, %mul3A_11 : vector<1x2048xf32>
    %mul3A_44 = arith.mulf %mul3A_43, %mul3A_13 : vector<1x2048xf32>
    %mul3A_45 = arith.mulf %mul3A_11, %mul3A_11 : vector<1x2048xf32>
    %mul3A_46 = arith.mulf %mul3A_12, %mul3A_12 : vector<1x2048xf32>
    %sub3A_47 = arith.subf %mul3A_45, %mul3A_46 : vector<1x2048xf32>
    %mul3A_48 = arith.constant 1.93649173 : f32
    %mul3A_49 = vector.broadcast %mul3A_48 : f32 to vector<1x2048xf32>
    %mul3A_50 = arith.mulf %mul3A_49, %sub3A_47 : vector<1x2048xf32>
    %concatenate3A = tpu.concatenate %broadcast_in_dim3A_14, %mul3A_17, %mul3A_20, %mul3A_23, %mul3A_27, %mul3A_31, %mul3A_40, %mul3A_44, %mul3A_50 in 0 : vector<1x2048xf32>, vector<1x2048xf32>, vector<1x2048xf32>, vector<1x2048xf32>, vector<1x2048xf32>, vector<1x2048xf32>, vector<1x2048xf32>, vector<1x2048xf32>, vector<1x2048xf32> -> vector<9x2048xf32>
    %slice3A_51 = vector.extract_strided_slice %get3A_1 {offsets = [3, 0], sizes = [4, 2048], strides = [1, 1]} : vector<8x2048xf32> to vector<4x2048xf32>
    %concatenate3A_52 = tpu.concatenate %slice3A_51, %concatenate3A in 0 : vector<4x2048xf32>, vector<9x2048xf32> -> vector<13x2048xf32>
    %iota3A = tpu.iota {dimensions = array<i32: 0>} : vector<10x1xi32>
    %add3A_53 = arith.constant 1 : i32
    %add3A_54 = vector.broadcast %add3A_53 : i32 to vector<10x1xi32>
    %add3A_55 = arith.addi %iota3A, %add3A_54 : vector<10x1xi32>
    %convert_element_type3A = arith.sitofp %add3A_55 : vector<10x1xi32> to vector<10x1xf32>
    %mul3A_56 = arith.constant 0.181818187 : f32
    %mul3A_57 = vector.broadcast %mul3A_56 : f32 to vector<10x1xf32>
    %mul3A_58 = arith.mulf %convert_element_type3A, %mul3A_57 : vector<10x1xf32>
    %add3A_59 = arith.constant 0.000000e+00 : f32
    %add3A_60 = vector.broadcast %add3A_59 : f32 to vector<10x1xf32>
    %add3A_61 = arith.addf %mul3A_58, %add3A_60 : vector<10x1xf32>
    %sub3A_62 = vector.broadcast %sqrt3A : vector<1x2048xf32> to vector<10x2048xf32>
    %sub3A_63 = vector.broadcast %add3A_61 : vector<10x1xf32> to vector<10x2048xf32>
    %sub3A_64 = arith.subf %sub3A_62, %sub3A_63 : vector<10x2048xf32>
    %div3A_65 = arith.constant 0.181818187 : f32
    %div3A_66 = vector.broadcast %div3A_65 : f32 to vector<10x2048xf32>
    %div3A_67 = arith.divf %sub3A_64, %div3A_66 : vector<10x2048xf32>
    %mul3A_68 = arith.constant 1.57079637 : f32
    %mul3A_69 = vector.broadcast %mul3A_68 : f32 to vector<10x2048xf32>
    %mul3A_70 = arith.mulf %mul3A_69, %div3A_67 : vector<10x2048xf32>
    %cos3A = math.cos %mul3A_70 : vector<10x2048xf32>
    %gt3A = arith.constant -1.000000e+00 : f32
    %gt3A_71 = vector.broadcast %gt3A : f32 to vector<10x2048xf32>
    %gt3A_72 = arith.cmpf ogt, %div3A_67, %gt3A_71 : vector<10x2048xf32>
    %lt3A = arith.constant 1.000000e+00 : f32
    %lt3A_73 = vector.broadcast %lt3A : f32 to vector<10x2048xf32>
    %lt3A_74 = arith.cmpf olt, %div3A_67, %lt3A_73 : vector<10x2048xf32>
    %and3A = arith.andi %gt3A_72, %lt3A_74 : vector<10x2048xi1>
    %convert_element_type3A_75 = arith.extui %and3A : vector<10x2048xi1> to vector<10x2048xi32>
    %convert_element_type3A_76 = arith.sitofp %convert_element_type3A_75 : vector<10x2048xi32> to vector<10x2048xf32>
    %mul3A_77 = arith.mulf %cos3A, %convert_element_type3A_76 : vector<10x2048xf32>
    %mul3A_78 = arith.constant 3.1622777 : f32
    %mul3A_79 = vector.broadcast %mul3A_78 : f32 to vector<10x2048xf32>
    %mul3A_80 = arith.mulf %mul3A_77, %mul3A_79 : vector<10x2048xf32>
    %get3A_81 = arith.constant 0 : index
    %get3A_82 = arith.constant 0 : index
    %get3A_83 = vector.load %arg3[%get3A_81, %get3A_82] : memref<10x100xf32, #tpu.memory_space<vmem>>, vector<10x100xf32>
    %dot_general3A = arith.constant dense<0.000000e+00> : vector<2048x100xf32>
    %dot_general3A_84 = tpu.matmul %mul3A_80, %get3A_83, %dot_general3A {dimension_numbers = #tpu.dot_dimension_numbers<[0], [0], [1], [1], [0, 1, 1, 1], [], []>, transpose_lhs_hint = false} : vector<10x2048xf32>, vector<10x100xf32>, vector<2048x100xf32> -> vector<2048x100xf32>
    %neg3A = arith.constant 0.000000e+00 : f32
    %neg3A_85 = vector.broadcast %neg3A : f32 to vector<2048x100xf32>
    %neg3A_86 = arith.subf %neg3A_85, %dot_general3A_84 : vector<2048x100xf32>
    %exp3A = math.exp %neg3A_86 : vector<2048x100xf32>
    %add3A_87 = arith.constant 1.000000e+00 : f32
    %add3A_88 = vector.broadcast %add3A_87 : f32 to vector<2048x100xf32>
    %add3A_89 = arith.addf %add3A_88, %exp3A : vector<2048x100xf32>
    %div3A_90 = arith.constant 1.000000e+00 : f32
    %div3A_91 = vector.broadcast %div3A_90 : f32 to vector<2048x100xf32>
    %div3A_92 = arith.divf %div3A_91, %add3A_89 : vector<2048x100xf32>
    %mul3A_93 = arith.mulf %dot_general3A_84, %div3A_92 : vector<2048x100xf32>
    %get3A_94 = arith.constant 0 : index
    %get3A_95 = arith.constant 0 : index
    %get3A_96 = vector.load %arg4[%get3A_94, %get3A_95] : memref<100x128xf32, #tpu.memory_space<vmem>>, vector<100x128xf32>
    %dot_general3A_97 = arith.constant dense<0.000000e+00> : vector<2048x128xf32>
    %dot_general3A_98 = tpu.matmul %mul3A_93, %get3A_96, %dot_general3A_97 {dimension_numbers = #tpu.dot_dimension_numbers<[1], [0], [0], [1], [0, 0, 1, 1], [], []>, transpose_lhs_hint = false} : vector<2048x100xf32>, vector<100x128xf32>, vector<2048x128xf32> -> vector<2048x128xf32>
    %get3A_99 = arith.constant 0 : index
    %get3A_100 = arith.constant 0 : index
    %get3A_101 = vector.load %arg2[%get3A_99, %get3A_100] : memref<13x128xf32, #tpu.memory_space<vmem>>, vector<13x128xf32>
    %dot_general3A_102 = arith.constant dense<0.000000e+00> : vector<2048x128xf32>
    %dot_general3A_103 = tpu.matmul %concatenate3A_52, %get3A_101, %dot_general3A_102 {dimension_numbers = #tpu.dot_dimension_numbers<[0], [0], [1], [1], [0, 1, 1, 1], [], []>, transpose_lhs_hint = false} : vector<13x2048xf32>, vector<13x128xf32>, vector<2048x128xf32> -> vector<2048x128xf32>
    %mul3A_104 = arith.mulf %dot_general3A_103, %dot_general3A_98 : vector<2048x128xf32>
    %swap3A = arith.constant 0 : index
    %swap3A_105 = arith.constant 0 : index
    %swap3A_106 = vector.load %arg5[%swap3A, %swap3A_105] : memref<2048x128xf32, #tpu.memory_space<vmem>>, vector<2048x128xf32>
    tpu.vector_store %arg5[%swap3A, %swap3A_105], %mul3A_104 {strides = array<i32>} : memref<2048x128xf32, #tpu.memory_space<vmem>>, vector<2048x128xf32>,
    return
  }
  func.func @transform_0(%arg0: i32) -> (i32, i32) {
    %c0_i32 = arith.constant 0 : i32
    %c0_i32_0 = arith.constant 0 : i32
    return %c0_i32, %arg0 : i32, i32
  }
  func.func @transform_1(%arg0: i32) -> (i32, i32) {
    %c0_i32 = arith.constant 0 : i32
    %c0_i32_0 = arith.constant 0 : i32
    %c0_i32_1 = arith.constant 0 : i32
    return %c0_i32, %c0_i32_0 : i32, i32
  }
  func.func @transform_2(%arg0: i32) -> (i32, i32) {
    %c0_i32 = arith.constant 0 : i32
    %c0_i32_0 = arith.constant 0 : i32
    %c0_i32_1 = arith.constant 0 : i32
    return %c0_i32, %c0_i32_0 : i32, i32
  }
  func.func @transform_3(%arg0: i32) -> (i32, i32) {
    %c0_i32 = arith.constant 0 : i32
    %c0_i32_0 = arith.constant 0 : i32
    %c0_i32_1 = arith.constant 0 : i32
    return %c0_i32, %c0_i32_0 : i32, i32
  }
  func.func @transform_4(%arg0: i32) -> (i32, i32) {
    %c0_i32 = arith.constant 0 : i32
    %c0_i32_0 = arith.constant 0 : i32
    return %arg0, %c0_i32 : i32, i32
  }
}

module attributes {stable_mosaic.version = 14 : i64} {
  func.func @_xw_mid_kernel(%arg0: i32, %arg1: memref<400x128xf32, #tpu.memory_space<vmem>>, %arg2: memref<2x400x128xf32, #tpu.memory_space<vmem>>, %arg3: memref<128x128xf32, #tpu.memory_space<vmem>>, %arg4: memref<128x128xf32, #tpu.memory_space<vmem>>, %arg5: memref<400x128xf32, #tpu.memory_space<vmem>>, %arg6: memref<400x128xf32, #tpu.memory_space<vmem>>) attributes {dimension_semantics = [#tpu.dimension_semantics<arbitrary>], iteration_bounds = array<i64: 25>, scalar_prefetch = 0 : i64, scratch_operands = 0 : i64, tpu.core_type = #tpu.core_type<tc>, window_params = [{transform_indices = @transform_0, window_bounds = array<i64: 400, 128>}, {transform_indices = @transform_1, window_bounds = array<i64: 2, 400, 128>}, {pipeline_mode = #tpu.pipeline_mode<synchronous>, transform_indices = @transform_2, window_bounds = array<i64: 128, 128>}, {pipeline_mode = #tpu.pipeline_mode<synchronous>, transform_indices = @transform_3, window_bounds = array<i64: 128, 128>}, {transform_indices = @transform_4, window_bounds = array<i64: 400, 128>}, {transform_indices = @transform_5, window_bounds = array<i64: 400, 128>}]} {
    %get3A = arith.constant 0 : index
    %get3A_0 = arith.constant 0 : index
    %get3A_1 = arith.constant 0 : index
    %get3A_2 = vector.load %arg2[%get3A, %get3A_0, %get3A_1] : memref<2x400x128xf32, #tpu.memory_space<vmem>>, vector<1x400x128xf32>
    %get3A_3 = vector.shape_cast %get3A_2 : vector<1x400x128xf32> to vector<400x128xf32>
    %get3A_4 = arith.constant 1 : index
    %get3A_5 = arith.constant 0 : index
    %get3A_6 = arith.constant 0 : index
    %get3A_7 = vector.load %arg2[%get3A_4, %get3A_5, %get3A_6] : memref<2x400x128xf32, #tpu.memory_space<vmem>>, vector<1x400x128xf32>
    %get3A_8 = vector.shape_cast %get3A_7 : vector<1x400x128xf32> to vector<400x128xf32>
    %add3A = arith.addf %get3A_3, %get3A_8 : vector<400x128xf32>
    %mul3A = arith.constant 0.176776692 : f32
    %mul3A_9 = vector.broadcast %mul3A : f32 to vector<400x128xf32>
    %mul3A_10 = arith.mulf %add3A, %mul3A_9 : vector<400x128xf32>
    %get3A_11 = arith.constant 0 : index
    %get3A_12 = arith.constant 0 : index
    %get3A_13 = vector.load %arg1[%get3A_11, %get3A_12] : memref<400x128xf32, #tpu.memory_space<vmem>>, vector<400x128xf32>
    %get3A_14 = arith.constant 0 : index
    %get3A_15 = arith.constant 0 : index
    %get3A_16 = vector.load %arg3[%get3A_14, %get3A_15] : memref<128x128xf32, #tpu.memory_space<vmem>>, vector<128x128xf32>
    %dot_general3A = arith.constant dense<0.000000e+00> : vector<400x128xf32>
    %dot_general3A_17 = tpu.matmul %mul3A_10, %get3A_16, %dot_general3A {dimension_numbers = #tpu.dot_dimension_numbers<[1], [0], [0], [1], [0, 0, 1, 1], [], []>, transpose_lhs_hint = false} : vector<400x128xf32>, vector<128x128xf32>, vector<400x128xf32> -> vector<400x128xf32>
    %add3A_18 = arith.addf %get3A_13, %dot_general3A_17 : vector<400x128xf32>
    %swap3A = arith.constant 0 : index
    %swap3A_19 = arith.constant 0 : index
    %swap3A_20 = vector.load %arg5[%swap3A, %swap3A_19] : memref<400x128xf32, #tpu.memory_space<vmem>>, vector<400x128xf32>
    tpu.vector_store %arg5[%swap3A, %swap3A_19], %add3A_18 {strides = array<i32>} : memref<400x128xf32, #tpu.memory_space<vmem>>, vector<400x128xf32>,
    %get3A_21 = arith.constant 0 : index
    %get3A_22 = arith.constant 0 : index
    %get3A_23 = vector.load %arg4[%get3A_21, %get3A_22] : memref<128x128xf32, #tpu.memory_space<vmem>>, vector<128x128xf32>
    %dot_general3A_24 = arith.constant dense<0.000000e+00> : vector<400x128xf32>
    %dot_general3A_25 = tpu.matmul %add3A_18, %get3A_23, %dot_general3A_24 {dimension_numbers = #tpu.dot_dimension_numbers<[1], [0], [0], [1], [0, 0, 1, 1], [], []>, transpose_lhs_hint = false} : vector<400x128xf32>, vector<128x128xf32>, vector<400x128xf32> -> vector<400x128xf32>
    %swap3A_26 = arith.constant 0 : index
    %swap3A_27 = arith.constant 0 : index
    %swap3A_28 = vector.load %arg6[%swap3A_26, %swap3A_27] : memref<400x128xf32, #tpu.memory_space<vmem>>, vector<400x128xf32>
    tpu.vector_store %arg6[%swap3A_26, %swap3A_27], %dot_general3A_25 {strides = array<i32>} : memref<400x128xf32, #tpu.memory_space<vmem>>, vector<400x128xf32>,
    return
  }
  func.func @transform_0(%arg0: i32) -> (i32, i32) {
    %c0_i32 = arith.constant 0 : i32
    %c0_i32_0 = arith.constant 0 : i32
    return %arg0, %c0_i32 : i32, i32
  }
  func.func @transform_1(%arg0: i32) -> (i32, i32, i32) {
    %c0_i32 = arith.constant 0 : i32
    %c0_i32_0 = arith.constant 0 : i32
    %c0_i32_1 = arith.constant 0 : i32
    return %c0_i32, %arg0, %c0_i32_0 : i32, i32, i32
  }
  func.func @transform_2(%arg0: i32) -> (i32, i32) {
    %c0_i32 = arith.constant 0 : i32
    %c0_i32_0 = arith.constant 0 : i32
    %c0_i32_1 = arith.constant 0 : i32
    return %c0_i32, %c0_i32_0 : i32, i32
  }
  func.func @transform_3(%arg0: i32) -> (i32, i32) {
    %c0_i32 = arith.constant 0 : i32
    %c0_i32_0 = arith.constant 0 : i32
    %c0_i32_1 = arith.constant 0 : i32
    return %c0_i32, %c0_i32_0 : i32, i32
  }
  func.func @transform_4(%arg0: i32) -> (i32, i32) {
    %c0_i32 = arith.constant 0 : i32
    %c0_i32_0 = arith.constant 0 : i32
    return %arg0, %c0_i32 : i32, i32
  }
  func.func @transform_5(%arg0: i32) -> (i32, i32) {
    %c0_i32 = arith.constant 0 : i32
    %c0_i32_0 = arith.constant 0 : i32
    return %arg0, %c0_i32 : i32, i32
  }
}

module attributes {stable_mosaic.version = 14 : i64} {
  func.func @_pool_kernel(%arg0: i32, %arg1: memref<400x128xf32, #tpu.memory_space<vmem>>, %arg2: memref<2x400x128xf32, #tpu.memory_space<vmem>>, %arg3: memref<128x128xf32, #tpu.memory_space<vmem>>, %arg4: memref<400x1xi32, #tpu.memory_space<vmem>>, %arg5: memref<16x128xf32, #tpu.memory_space<vmem>>) attributes {dimension_semantics = [#tpu.dimension_semantics<arbitrary>], iteration_bounds = array<i64: 25>, scalar_prefetch = 0 : i64, scratch_operands = 0 : i64, tpu.core_type = #tpu.core_type<tc>, window_params = [{transform_indices = @transform_0, window_bounds = array<i64: 400, 128>}, {transform_indices = @transform_1, window_bounds = array<i64: 2, 400, 128>}, {pipeline_mode = #tpu.pipeline_mode<synchronous>, transform_indices = @transform_2, window_bounds = array<i64: 128, 128>}, {transform_indices = @transform_3, window_bounds = array<i64: 400, 1>}, {pipeline_mode = #tpu.pipeline_mode<synchronous>, transform_indices = @transform_4, window_bounds = array<i64: 16, 128>}]} {
    %get3A = arith.constant 0 : index
    %get3A_0 = arith.constant 0 : index
    %get3A_1 = arith.constant 0 : index
    %get3A_2 = vector.load %arg2[%get3A, %get3A_0, %get3A_1] : memref<2x400x128xf32, #tpu.memory_space<vmem>>, vector<1x400x128xf32>
    %get3A_3 = vector.shape_cast %get3A_2 : vector<1x400x128xf32> to vector<400x128xf32>
    %get3A_4 = arith.constant 1 : index
    %get3A_5 = arith.constant 0 : index
    %get3A_6 = arith.constant 0 : index
    %get3A_7 = vector.load %arg2[%get3A_4, %get3A_5, %get3A_6] : memref<2x400x128xf32, #tpu.memory_space<vmem>>, vector<1x400x128xf32>
    %get3A_8 = vector.shape_cast %get3A_7 : vector<1x400x128xf32> to vector<400x128xf32>
    %add3A = arith.addf %get3A_3, %get3A_8 : vector<400x128xf32>
    %mul3A = arith.constant 0.176776692 : f32
    %mul3A_9 = vector.broadcast %mul3A : f32 to vector<400x128xf32>
    %mul3A_10 = arith.mulf %add3A, %mul3A_9 : vector<400x128xf32>
    %get3A_11 = arith.constant 0 : index
    %get3A_12 = arith.constant 0 : index
    %get3A_13 = vector.load %arg1[%get3A_11, %get3A_12] : memref<400x128xf32, #tpu.memory_space<vmem>>, vector<400x128xf32>
    %get3A_14 = arith.constant 0 : index
    %get3A_15 = arith.constant 0 : index
    %get3A_16 = vector.load %arg3[%get3A_14, %get3A_15] : memref<128x128xf32, #tpu.memory_space<vmem>>, vector<128x128xf32>
    %dot_general3A = arith.constant dense<0.000000e+00> : vector<400x128xf32>
    %dot_general3A_17 = tpu.matmul %mul3A_10, %get3A_16, %dot_general3A {dimension_numbers = #tpu.dot_dimension_numbers<[1], [0], [0], [1], [0, 0, 1, 1], [], []>, transpose_lhs_hint = false} : vector<400x128xf32>, vector<128x128xf32>, vector<400x128xf32> -> vector<400x128xf32>
    %add3A_18 = arith.addf %get3A_13, %dot_general3A_17 : vector<400x128xf32>
    %get3A_19 = arith.constant 0 : index
    %get3A_20 = arith.constant 0 : index
    %get3A_21 = vector.load %arg4[%get3A_19, %get3A_20] : memref<400x1xi32, #tpu.memory_space<vmem>>, vector<400x1xi32>
    %iota3A = tpu.iota {dimensions = array<i32: 1>} : vector<400x16xi32>
    %eq3A = vector.broadcast %get3A_21 : vector<400x1xi32> to vector<400x16xi32>
    %eq3A_22 = arith.cmpi eq, %eq3A, %iota3A : vector<400x16xi32>
    %convert_element_type3A = arith.extui %eq3A_22 : vector<400x16xi1> to vector<400x16xi32>
    %convert_element_type3A_23 = arith.sitofp %convert_element_type3A : vector<400x16xi32> to vector<400x16xf32>
    %dot_general3A_24 = arith.constant dense<0.000000e+00> : vector<16x128xf32>
    %dot_general3A_25 = tpu.matmul %convert_element_type3A_23, %add3A_18, %dot_general3A_24 {dimension_numbers = #tpu.dot_dimension_numbers<[0], [0], [1], [1], [0, 1, 1, 1], [], []>, transpose_lhs_hint = false} : vector<400x16xf32>, vector<400x128xf32>, vector<16x128xf32> -> vector<16x128xf32>
    %eq3A_26 = arith.constant 0 : i32
    %eq3A_27 = arith.cmpi eq, %arg0, %eq3A_26 : i32
    %convert_element_type3A_28 = arith.extui %eq3A_27 : i1 to i32
    %cond3A = arith.constant 0 : i32
    %cond3A_29 = arith.cmpi ne, %convert_element_type3A_28, %cond3A : i32
    scf.if %cond3A_29 {
      %broadcast_in_dim3A = arith.constant 0.000000e+00 : f32
      %broadcast_in_dim3A_39 = vector.broadcast %broadcast_in_dim3A : f32 to vector<16x128xf32>
      %swap3A_40 = arith.constant 0 : index
      %swap3A_41 = arith.constant 0 : index
      %swap3A_42 = vector.load %arg5[%swap3A_40, %swap3A_41] : memref<16x128xf32, #tpu.memory_space<vmem>>, vector<16x128xf32>
      tpu.vector_store %arg5[%swap3A_40, %swap3A_41], %broadcast_in_dim3A_39 {strides = array<i32>} : memref<16x128xf32, #tpu.memory_space<vmem>>, vector<16x128xf32>,
    } else {
    }
    %get3A_30 = arith.constant 0 : index
    %get3A_31 = arith.constant 0 : index
    %get3A_32 = vector.load %arg5[%get3A_30, %get3A_31] : memref<16x128xf32, #tpu.memory_space<vmem>>, vector<16x128xf32>
    %mul3A_33 = arith.constant 0.0316227749 : f32
    %mul3A_34 = vector.broadcast %mul3A_33 : f32 to vector<16x128xf32>
    %mul3A_35 = arith.mulf %dot_general3A_25, %mul3A_34 : vector<16x128xf32>
    %add3A_36 = arith.addf %get3A_32, %mul3A_35 : vector<16x128xf32>
    %swap3A = arith.constant 0 : index
    %swap3A_37 = arith.constant 0 : index
    %swap3A_38 = vector.load %arg5[%swap3A, %swap3A_37] : memref<16x128xf32, #tpu.memory_space<vmem>>, vector<16x128xf32>
    tpu.vector_store %arg5[%swap3A, %swap3A_37], %add3A_36 {strides = array<i32>} : memref<16x128xf32, #tpu.memory_space<vmem>>, vector<16x128xf32>,
    return
  }
  func.func @transform_0(%arg0: i32) -> (i32, i32) {
    %c0_i32 = arith.constant 0 : i32
    %c0_i32_0 = arith.constant 0 : i32
    return %arg0, %c0_i32 : i32, i32
  }
  func.func @transform_1(%arg0: i32) -> (i32, i32, i32) {
    %c0_i32 = arith.constant 0 : i32
    %c0_i32_0 = arith.constant 0 : i32
    %c0_i32_1 = arith.constant 0 : i32
    return %c0_i32, %arg0, %c0_i32_0 : i32, i32, i32
  }
  func.func @transform_2(%arg0: i32) -> (i32, i32) {
    %c0_i32 = arith.constant 0 : i32
    %c0_i32_0 = arith.constant 0 : i32
    %c0_i32_1 = arith.constant 0 : i32
    return %c0_i32, %c0_i32_0 : i32, i32
  }
  func.func @transform_3(%arg0: i32) -> (i32, i32) {
    %c0_i32 = arith.constant 0 : i32
    %c0_i32_0 = arith.constant 0 : i32
    return %arg0, %c0_i32 : i32, i32
  }
  func.func @transform_4(%arg0: i32) -> (i32, i32) {
    %c0_i32 = arith.constant 0 : i32
    %c0_i32_0 = arith.constant 0 : i32
    %c0_i32_1 = arith.constant 0 : i32
    return %c0_i32, %c0_i32_0 : i32, i32
  }
}

</mosaic_0001>

<sc_bundles>
// kernel: _impl.12.cloned.1.call-start
scs
__scs_entry_jumppad:
0x0: {  	(pc) =	sbr.rel $0x88, $3  }
0x1: {  	(tag) =	ssettag $0x0;
	lr =	simm.s32 $0x1  }
0x2: {  	[smem:$0x3F96] =	sst lr;
	_ =	strace $0xD0000000  }
0x3: {  	_ = 	snop  }
0x4: {  	_ = 	snop  }
0x5: {  	_ = 	snop  }
0x6: {  	_ = 	snop  }
0x7: {  	_ = 	snop  }
__scs_overlays_trampoline_lowered:
0x8: {  	[smem:$0x3FA5] =	sst s0  }
0x9: {  	[smem:$0x3FA6] =	sst s1  }
0xa: {  	[smem:$0x3FA7] =	sst s2  }
0xb: {  	[smem:$0x3FA8] =	sst s3  }
0xc: {  	[smem:$0x3FA9] =	sst s4  }
0xd: {  	[smem:$0x3FAA] =	sst s5  }
0xe: {  	[smem:$0x3FAB] =	sst s6  }
0xf: {  	[smem:$0x3FAC] =	sst s7  }
0x10: {  	[smem:$0x3FAD] =	sst s8  }
0x11: {  	[smem:$0x3FAE] =	sst s9;
	s0 =	simm.s32 @!p0 $0x0  }
0x12: {  	s1 =	sld [smem:$0x3F94];
	s0 =	simm.s32 @p0 $0x1  }
0x13: {  	[smem:$0x3FAF] =	sst s0;
	s0 =	simm.s32 @!p1 $0x0  }
0x14: {  	s2 =	sld [smem:$0x3F93];
	s0 =	simm.s32 @p1 $0x1  }
0x15: {  	[smem:$0x3FB0] =	sst s0;
	s0 =	simm.s32 @!p2 $0x0  }
0x16: {  	s3 =	sld [smem:$0x3FDB];
	s0 =	simm.s32 @p2 $0x1  }
0x17: {  	s4 =	simm.s32 $0x1BF5;
	[smem:$0x3FB2] =	sst s0  }
0x18: {  	s0 =	sld [smem:$0x3F95];
	_ =	swait.ge [sflag:s4], $0x0  }
0x19: {  	s7 =	sld [smem:$0x3F96]  }
0x1a: {  	s8 =	sadd.s32 $0xFFFFE003, lr  }
0x1b: {  	s9 =	sadd.s32 $0xFFFFFEF7, lr;
	s5 =	simm.s32 $0xFFFFFFFF;
	p2 =	slt.u32 s8, $0xFFFFF086  }
0x1c: {  	p1 =	slt.u32 s9, $0xF7A;
	s5 =	simm.s32 @!p2 $0x0  }
0x1d: {  	s5 =	simm.s32 @p1 $0x1;
	p0 =	seq.s32 s7, s2  }
0x1e: {  	s7 =	smul.u32 @!p0 $0xF7A, s2;
	p2 =	seq.s32 @!p0 s5, $0x0  }
0x1f: {  	s9 =	smul.u32 $0xF7A, s1;
	s8 =	simm.s32 @!p0 $0x1BF5;
	p2 =	por !p2, p0  }
0x20: {  	[sflag:s8] =	ssyncset.s32 @!p0 $0xFFFFF086;
	s6 =	sadd.s32 @!p0 s3, s7;
	s7 =	simm.s32 @!p0 $0x108  }
0x21: {  	s3 =	sadd.s32 s3, s9;
	s6 =	sadd.s32 @!p0 $0x88, s6;
	s7 =	simm.s32 @p2 $0x1082  }
0x22: {  	[simem:s7], [sflag:s8] =	dma.local @!p0 [hbm:s6], $0xF7A  }
0x23: {  	s9 =	sor.u32 $0xD0000000, s2;
	s6 =	simm.s32 $0x108;
	_ =	swait.ge @!p0 [sflag:s8], $0x0  }
0x24: {  	s3 =	sadd.s32 $0x88, s3;
	s6 =	simm.s32 @!p1 $0x1082;
	[sflag:s4] =	ssyncset.s32 $0xFFFFF086  }
0x25: {  	[simem:s6], [sflag:s4] =	dma.local [hbm:s3], $0xF7A  }
0x26: {  	[smem:$0x3F96] =	sst s1;
	(tag) =	ssettag s2;
	_ =	strace s9  }
0x27: {  	s1 =	sld [smem:$0x3FA6]  }
0x28: {  	s2 =	sld [smem:$0x3FA7]  }
0x29: {  	s4 =	sld [smem:$0x3FA9]  }
0x2a: {  	p0 =	seq.s32 s5, $0x0;
	s5 =	sld [smem:$0x3FAA]  }
0x2b: {  	s6 =	sld [smem:$0x3FAB]  }
0x2c: {  	s7 =	sld [smem:$0x3FAC]  }
0x2d: {  	s3 =	simm.s32 $0x108;
	s8 =	sld [smem:$0x3FAD]  }
0x2e: {  	s3 =	simm.s32 @!p0 $0x1082;
	s9 =	sld [smem:$0x3FAE]  }
0x2f: {  	lr =	sadd.s32 s0, s3;
	s0 =	sld [smem:$0x3FA5]  }
0x30: {  	s3 =	sld [smem:$0x3FA8]  }
0x31: {  	[smem:$0x3FB1] =	sst s10  }
0x32: {  	s10 =	sld [smem:$0x3FAF];
	_ =	sdelay $0x3  }
0x33: {  	p0 =	seq.s32 s10, $0x1;
	s10 =	sld [smem:$0x3FB1];
	_ =	sdelay $0x3  }
0x34: {  	[smem:$0x3FB1] =	sst s10  }
0x35: {  	s10 =	sld [smem:$0x3FB0];
	_ =	sdelay $0x3  }
0x36: {  	p1 =	seq.s32 s10, $0x1;
	s10 =	sld [smem:$0x3FB1];
	_ =	sdelay $0x3  }
0x37: {  	[smem:$0x3FB1] =	sst s10  }
0x38: {  	s10 =	sld [smem:$0x3FB2]  }
0x39: {  	_ = 	snop;
	(pc) =	sbr.ind lr, $3  }
0x3a: {  	_ = 	snop  }
0x3b: {  	_ = 	snop  }
0x3c: {  	p2 =	seq.s32 s10, $0x1;
	s10 =	sld [smem:$0x3FB1]  }
0x3d: {  	_ =	shalt  }
0x3e: {  	_ =	shalt  }
0x3f: {  	_ =	shalt  }
0x40: {  	_ =	shalt  }
0x41: {  	_ =	shalt  }
0x42: {  	_ =	shalt  }
0x43: {  	_ =	shalt  }
0x44: {  	_ =	shalt  }
0x45: {  	_ =	shalt  }
0x46: {  	_ =	shalt  }
0x47: {  	_ =	shalt  }
0x48: {  	_ =	shalt  }
0x49: {  	_ =	shalt  }
0x4a: {  	_ =	shalt  }
0x4b: {  	_ =	shalt  }
0x4c: {  	_ =	shalt  }
0x4d: {  	_ =	shalt  }
0x4e: {  	_ =	shalt  }
0x4f: {  	_ =	shalt  }
0x50: {  	_ =	shalt  }
0x51: {  	_ =	shalt  }
0x52: {  	_ =	shalt  }
0x53: {  	_ =	shalt  }
0x54: {  	_ =	shalt  }
0x55: {  	_ =	shalt  }
0x56: {  	_ =	shalt  }
0x57: {  	_ =	shalt  }
0x58: {  	_ =	shalt  }
0x59: {  	_ =	shalt  }
0x5a: {  	_ =	shalt  }
0x5b: {  	_ =	shalt  }
0x5c: {  	_ =	shalt  }
0x5d: {  	_ =	shalt  }
0x5e: {  	_ =	shalt  }
0x5f: {  	_ =	shalt  }
0x60: {  	_ =	shalt  }
0x61: {  	_ =	shalt  }
0x62: {  	_ =	shalt  }
0x63: {  	_ =	shalt  }
0x64: {  	_ =	shalt  }
0x65: {  	_ =	shalt  }
0x66: {  	_ =	shalt  }
0x67: {  	_ =	shalt  }
0x68: {  	_ =	shalt  }
0x69: {  	_ =	shalt  }
0x6a: {  	_ =	shalt  }
0x6b: {  	_ =	shalt  }
0x6c: {  	_ =	shalt  }
0x6d: {  	_ =	shalt  }
0x6e: {  	_ =	shalt  }
0x6f: {  	_ =	shalt  }
0x70: {  	_ =	shalt  }
0x71: {  	_ =	shalt  }
0x72: {  	_ =	shalt  }
0x73: {  	_ =	shalt  }
0x74: {  	_ =	shalt  }
0x75: {  	_ =	shalt  }
0x76: {  	_ =	shalt  }
0x77: {  	_ =	shalt  }
0x78: {  	_ =	shalt  }
0x79: {  	_ =	shalt  }
0x7a: {  	_ =	shalt  }
0x7b: {  	_ =	shalt  }
0x7c: {  	_ =	shalt  }
0x7d: {  	_ =	shalt  }
0x7e: {  	_ =	shalt  }
0x7f: {  	_ =	shalt  }
0x80: {  	_ =	shalt  }
0x81: {  	_ =	shalt  }
0x82: {  	_ =	shalt  }
0x83: {  	_ =	shalt  }
0x84: {  	_ =	shalt  }
0x85: {  	_ =	shalt  }
0x86: {  	_ =	shalt  }
0x87: {  	_ =	shalt  }
.Lfunc_end0:
.L_simem_size_0:
called_computation_lowered:
.L_overlay_start_0:
0x88: {  	s2 =	sld [smem:$0x3FD9]  }
0x89: {  	s3 =	sld [smem:$0x3FFE];
	_ =	sdelay $0x1  }
0x8a: {  	s1 =	srdreg.scid  }
0x8b: {  	s0 =	sand.u32 $0x1, s1  }
0x8c: {  	s16 =	sshll.u32 s0, $0xA;
	s2 =	sadd.s32 s3, s2  }
0x8d: {  	s2 =	sadd.s32 s2, s16  }
0x8e: {  	[smem:$0x3FBD] =	sst s2  }
0x8f: {  	_ = 	snop  }
0x90: {  	(tm) =	ssettm $0x1  }
0x91: {  	s17 =	sld [smem:$0x3FFB];
	_ =	sdelay $0x3  }
0x92: {  	_ =	strace s17  }
0x93: {  	s2 =	sld [smem:$0x3FFC];
	_ =	sdelay $0x3  }
0x94: {  	_ =	strace s2  }
0x95: {  	s2 =	sld [smem:$0x3FFD];
	_ =	sdelay $0x3  }
0x96: {  	_ =	strace s2  }
0x97: {  	_ =	strace $0x8FFFFFFF  }
0x98: {  	s18 =	sld [smem:$0x3FDB];
	_ =	sdelay $0x1  }
0x99: {  	s19 =	simm.s32 $_scs_section_size  }
0x9a: {  	s4 =	simm.s32 $_size__tile_overlayer_lowered;
	s5 =	simm.s32 $_tile_overlayer_lowered  }
0x9b: {  	s22 =	simm.s32 $0x1BFF;
	s21 =	sshll.u32 s5, $0x1;
	s2 =	sadd.s32 s19, s18  }
0x9c: {  	s6 =	simm.s32 $0x0;
	s20 =	sshll.u32 s4, $0x1;
	s4 =	sadd.s32 s21, s2  }
0x9d: {  	[timem:s6], [sflag:s22] =	dma.local [hbm:s4], s20  }
0x9e: {  	_ =	swait.ge [sflag:s22], s20  }
0x9f: {  	s3 =	ssub.s32 $0x0, s20;
	[sflag:s22] =	ssyncset.done $0x0  }
0xa0: {  	[sflag:s22] =	ssyncadd.s32 s3;
	_ =	sdelay $0x1  }
0xa1: {  	s23 =	simm.s32 $0x1B8B  }
0xa2: {  	_ =	swait.ge [sflag:s23], $0x1  }
0xa3: {  	[sflag:s23] =	ssyncset.done $0x0  }
0xa4: {  	s25 =	simm.s32 $0x1B8E;
	s24 =	sld [smem:$0x3FFE];
	[sflag:s23] =	ssyncadd.s32 $0xFFFFFFFF  }
0xa5: {  	s26 =	simm.s32 $execute0_lowered;
	[smem:$0x3FD2] =	sst s25  }
0xa6: {  	s4 =	sshll.u32 s26, $0x1;
	_ =	strace $0x80000046;
	[dreg:$0x1] =	wrdreg $0xFFFFFFFF  }
0xa7: {  	s28 =	simm.s32 $_size_execute0_lowered;
	s2 =	sadd.s32 s2, s4;
	[dreg:$0x0] =	wrdreg $0x0  }
0xa8: {  	s4 =	sshll.u32 s28, $0x1;
	[dreg:$0x2] =	wrdreg s2  }
0xa9: {  	[dreg:$0x3] =	wrdreg s4  }
0xaa: {  	[dreg:$0x4] =	wrdreg $0xC0  }
0xab: {  	_ =	task [dreg:s6], $0x5FFFF  }
0xac: {  	[dreg:$0x1] =	wrdreg $0xFFFFFFFF  }
0xad: {  	[dreg:$0x0] =	wrdreg $0x60  }
0xae: {  	[dreg:$0x2] =	wrdreg s24  }
0xaf: {  	[dreg:$0x3] =	wrdreg $0xC2000  }
0xb0: {  	[dreg:$0x4] =	wrdreg $0x9  }
0xb1: {  	_ =	task.clear_ibuf [dreg:s6], $0x5FFFF;
	_ =	strace $0x90000046  }
0xb2: {  	s29 =	simm.s32 $0x9;
	_ =	strace $0x80000048  }
0xb3: {  	_ =	swait.ge [sflag:s29], $0x1  }
0xb4: {  	[sflag:s29] =	ssyncadd.s32 $0xFFFFFFFF  }
0xb5: {  	_ =	strace $0x90000048  }
0xb6: {  	_ =	sfence  }
0xb7: {  	s30 =	sld [smem:$0x0];
	_ =	sdelay $0x2  }
0xb8: {  	s31 =	sshll.u32 s1, $0xD;
	s1 =	sshrl.u32 s1, $0x2  }
0xb9: {  	s3 =	sand.u32 $0x4000, s31;
	s1 =	sadd.s32 s1, s30  }
0xba: {  	s0 =	sor.u32 s3, s0;
	s1 =	sshll.u32 s1, $0x11  }
0xbb: {  	s0 =	sor.u32 s1, s0  }
0xbc: {  	s0 =	sadd.s32 $0x8F2B, s0  }
0xbd: {  	[sflag:s0] =	ssyncadd.remote.s32 $0x1  }
0xbe: {  	_ =	sfence.sel $0xFFFF  }
0xbf: {  	[dreg:$0x0] =	wrdreg $0xFFFFFFFF;
	(pc) =	sbr.abs _section_cstart, $3  }
0xc0: {  	[dreg:$0x1] =	wrdreg $0xFFFFFFFF  }
0xc1: {  	_ =	task.clear_ibuf [dreg:s6], $0x2FFFF;
	_ =	strace $0x9FFFFFFF  }
0xc2: {  	(tm) =	ssettm $0x7FFFFFFF  }
0xc3: {  	_ =	shalt  }
tec
execute0_lowered:
.L_overlay_start_1:
0x0: {  	(tag) =	ssettag $0x1  }
0x1: {  	s0 =	rddreg [dreg:$0x0]  }
0x2: {  	s24 =	rddreg [dreg:$0x1]  }
0x3: {  	s3 =	simm.s32 $0x0;
	s12 =	stileid.u32;
	s1 =	srdreg.scid  }
0x4: {  	s28 =	simm.s32 $0x4;
	s29 =	simm.s32 $0x4200;
	s30 =	simm.s32 $0x1  }
0x5: {  	s31 =	simm.s32 $0x5;
	[smem:$0x7FF] =	sst s3;
	s2 =	smul.u32 $0x2780, s12  }
0x6: {  	s1 =	sand.u32 $0x1, s1;
	s4 =	sadd.s32 $0x6E200, s0;
	s5 =	sadd.s32 $0x5A200, s0  }
0x7: {  	s6 =	sadd.s32 $0x64200, s0;
	s7 =	sadd.s32 $0xBC600, s0;
	s10 =	smul.u32 $0x4F000, s12  }
0x8: {  	s16 =	sshll.u32 s12, $0x6;
	_ =	strace $0x80000047;
	s8 =	smul.u32 $0x27800, s1  }
0x9: {  	s25 =	sshll.u32 s1, $0x4;
	s1 =	ssub.s32 $0x2, s1;
	s9 =	sadd.s32 s2, s0  }
0xa: {  	s26 =	sor.u32 s12, s25;
	s14 =	sshrl.u32 s1, $0x1;
	s10 =	sshrl.u32 s10, $0x2  }
0xb: {  	s12 =	simm.s32 $0x2;
	s2 =	sadd.s32 s2, s8;
	s11 =	smul.u32 $0x500, s26  }
0xc: {  	s1 =	ssub.s32 s1, s14;
	s15 =	sadd.s32 s10, s24;
	s9 =	sadd.s32 $0x5BC600, s9  }
0xd: {  	s13 =	smul.u32 $0x50, s26;
	s14 =	sor.u32 $0x1C08, s16;
	[dreg:$0x4] =	wrdreg s9  }
0xe: {  	s17 =	smul.u32 $0x140000, s26;
	s0 =	sadd.s32 s2, s0;
	[dreg:$0x5] =	wrdreg s14  }
0xf: {  	s2 =	smul.u32 $0x2800, s26;
	s26 =	smax.u32 s1, $0x1;
	[dreg:$0x3] =	wrdreg s13  }
0x10: {  	s10 =	simm.s32 $0x0;
	s8 =	sshrl.u32 s15, $0x3;
	[dreg:$0xf] =	wrdreg s26  }
0x11: {  	s1 =	simm.s32 $0x7;
	s18 =	sadd.s32 s5, s11;
	[dreg:$0x10] =	wrdreg s8  }
0x12: {  	s19 =	sadd.s32 s6, s11;
	s20 =	sor.u32 $0x2, s13;
	[dreg:$0x6] =	wrdreg s18  }
0x13: {  	s21 =	sor.u32 $0x3, s13;
	s22 =	sshrl.u32 s17, $0x3;
	[dreg:$0x8] =	wrdreg s19  }
0x14: {  	s0 =	sadd.s32 $0x5E3E00, s0;
	s26 =	simm.s32 $0x8200;
	[dreg:$0x9] =	wrdreg s20  }
0x15: {  	s13 =	simm.s32 $0x6;
	s9 =	sadd.s32 $0x10, s18;
	[dreg:$0xa] =	wrdreg s21  }
0x16: {  	s2 =	sadd.s32 $0x2780, s2;
	[dreg:$0xe] =	wrdreg s0;
	s20 =	simm.s32 $0x200  }
0x17: {  	s0 =	simm.s32 $0x180;
	[dreg:$0x7] =	wrdreg s9;
	s9 =	sadd.s32 s7, s22  }
0x18: {  	s23 =	sshrl.u32 s2, $0x3;
	s2 =	sshll.u32 s2, $0x4;
	s9 =	sadd.s32 $0x27000, s9  }
0x19: {  	s22 =	simm.s32 $0x8;
	s25 =	sadd.s32 s6, s23;
	[dreg:$0xb] =	wrdreg s9  }
0x1a: {  	s2 =	sadd.s32 s7, s2;
	s23 =	simm.s32 $0x80;
	[dreg:$0xc] =	wrdreg s25  }
0x1b: {  	[dreg:$0xd] =	wrdreg s2;
	s25 =	simm.s32 $0x100;
	s9 =	simm.s32 $0x3  }
.LBB2_1:
0x1c: {  	[dreg:$0x11] =	wrdreg s10  }
0x1d: {  	s2 =	rddreg [dreg:$0x4]  }
0x1e: {  	[spmem:s8], [sflag:s14] =	dma.local [hbm:s2], $0x2780  }
0x1f: {  	_ =	swait.ge [sflag:s22], $0x2780  }
0x20: {  	[sflag:s22] =	ssyncset.done $0x0  }
0x21: {  	[sflag:s22] =	ssyncadd.s32 $0xFFFFD880  }
0x22: {  	[bflag:$0x0] =	sbarrier.arrive $0xFFFF  }
0x23: {  	s19 =	rddreg [dreg:$0x6]  }
0x24: {  	[tilespmem:s3], [sflag:$0x8] =	stream.linear.gather [hbm4b:s19+s3], $0x80, $0x38;
	[tilespmem:$0x1FE00] =	vst v63  }
0x25: {  	_ =	swait.ge [sflag:s22], $0x80  }
0x26: {  	[sflag:s22] =	ssyncset.done $0x0  }
0x27: {  	[sflag:s22] =	ssyncadd.s32 $0xFFFFFF80  }
0x28: {  	[tilespmem:s20], [sflag:$0x1] =	stream.indirect.gather [hbm4b:s4+s23], $0x80, s3, s23, $0xb8;
	[tilespmem:$0x1FE00] =	vst v63  }
0x29: {  	s20 =	rddreg [dreg:$0x7]  }
0x2a: {  	[tilespmem:s23], [sflag:$0x4] =	stream.linear.gather [hbm4b:s20+s3], $0x80, $0x38;
	[tilespmem:$0x1FE00] =	vst v63  }
0x2b: {  	s17 =	simm.s32 $0x0;
	s21 =	rddreg [dreg:$0x8]  }
0x2c: {  	[tilespmem:s25], [sflag:$0x5] =	stream.linear.gather [hbm4b:s21+s3], $0x80, $0x38;
	[tilespmem:$0x1FE00] =	vst v63  }
.LBB2_2:
0x2d: {  	s18 =	sshll.u32 s17, $0x1;
	s2 =	rddreg [dreg:$0x3]  }
0x2e: {  	s2 =	sadd.s32 s2, s18  }
0x2f: {  	s8 =	sshll.u32 s2, $0xB  }
0x30: {  	s8 =	sadd.s32 s7, s8  }
0x31: {  	[tilespmem:s26], [sflag:$0x7] =	stream.linear.gather [hbm4b:s8+s3], $0x4000, $0x38;
	[tilespmem:$0x1FE00] =	vst v63  }
0x32: {  	_ =	swait.ge [sflag:s28], $0x80  }
0x33: {  	[sflag:s28] =	ssyncset.done $0x0;
	s15 =	rddreg [dreg:$0x9]  }
0x34: {  	[sflag:s28] =	ssyncadd.s32 $0xFFFFFF80;
	s8 =	sadd.s32 s18, s15  }
0x35: {  	[tilespmem:s29], [sflag:$0x2] =	stream.indirect.gather [hbm4b:s4+s23], $0x80, s23, s23, $0xb8;
	[tilespmem:$0x1FE00] =	vst v63  }
0x36: {  	s8 =	sshll.u32 s8, $0x4;
	_ =	swait.ge [sflag:s30], $0x4000  }
0x37: {  	s19 =	sand.u32 $0x1FFFFFE0, s8;
	[sflag:s30] =	ssyncset.done $0x0  }
0x38: {  	s20 =	sadd.s32 $0x1, s2;
	s16 =	sadd.s32 s5, s19;
	[sflag:s30] =	ssyncadd.s32 $0xFFFFC000  }
0x39: {  	[tilespmem:s3], [sflag:$0x3] =	stream.linear.gather [hbm4b:s16+s3], $0x80, $0x38;
	[tilespmem:$0x1FE00] =	vst v63  }
0x3a: {  	s21 =	sshll.u32 s20, $0x4;
	_ =	swait.ge [sflag:s31], $0x80  }
0x3b: {  	s2 =	sand.u32 $0x1FFFFFF0, s21;
	[sflag:s31] =	ssyncset.done $0x0  }
0x3c: {  	s2 =	sadd.s32 s6, s2;
	[sflag:s31] =	ssyncadd.s32 $0xFFFFFF80  }
0x3d: {  	[tilespmem:s0], [sflag:$0x6] =	stream.linear.gather [hbm4b:s2+s3], $0x80, $0x38;
	[tilespmem:$0x1FE00] =	vst v63  }
0x3e: {  	_ =	swait.ge [sflag:s1], $0x4000  }
0x3f: {  	[sflag:s1] =	ssyncset.done $0x0  }
0x40: {  	s11 =	simm.s32 $0x280;
	[sflag:s1] =	ssyncadd.s32 $0xFFFFC000  }
0x41: {  	s14 =	simm.s32 $0x8280;
	v0 =	vld [tilespmem:s11+$0x0]  }
0x42: {  	v1 =	vld [tilespmem:s14+$0x0];
	_ =	sdelay $0x3  }
0x43: {  	v2 =	vld [tilespmem:s11+$0xFFFFFF80]  }
0x44: {  	v0 =	vmul.f32 v1, v0;
	v1 =	vld [tilespmem:s14+$0xFFFFFF80];
	_ =	sdelay $0x1  }
0x45: {  	[tilespmem:s11+$0x0] =	vst v0;
	v0 =	vld [tilespmem:s11+$0x10]  }
0x46: {  	v3 =	vld [tilespmem:s14+$0x10];
	_ =	sdelay $0x1  }
0x47: {  	v1 =	vmul.f32 v1, v2;
	_ =	sdelay $0x1  }
0x48: {  	v4 =	vld [tilespmem:s11+$0xFFFFFF90];
	[tilespmem:s11+$0xFFFFFF80] =	vst v1  }
0x49: {  	v0 =	vmul.f32 v3, v0;
	v1 =	vld [tilespmem:s14+$0xFFFFFF90];
	_ =	sdelay $0x1  }
0x4a: {  	[tilespmem:s11+$0x10] =	vst v0;
	v0 =	vld [tilespmem:s11+$0x20]  }
0x4b: {  	v3 =	vld [tilespmem:s14+$0x20]  }
0x4c: {  	v5 =	vld [tilespmem:s11+$0xFFFFFFB0]  }
0x4d: {  	s10 =	simm.s32 $0x380;
	v6 =	vld [tilespmem:s11+$0xFFFFFFD0];
	v1 =	vmul.f32 v1, v4  }
0x4e: {  	v7 =	vld [tilespmem:s10+$0x0]  }
0x4f: {  	v2 =	vld [tilespmem:s11+$0xFFFFFFA0];
	[tilespmem:s11+$0xFFFFFF90] =	vst v1  }
0x50: {  	v0 =	vmul.f32 v3, v0;
	v1 =	vld [tilespmem:s14+$0xFFFFFFA0]  }
0x51: {  	v8 =	vld [tilespmem:s11+$0xFFFFFFE0]  }
0x52: {  	[tilespmem:s11+$0x20] =	vst v0;
	v0 =	vld [tilespmem:s11+$0x30]  }
0x53: {  	s21 =	simm.s32 $0x8380;
	v3 =	vld [tilespmem:s14+$0x30]  }
0x54: {  	v10 =	vld [tilespmem:s21+$0xFFFFFF80]  }
0x55: {  	v1 =	vmul.f32 v1, v2;
	v2 =	vld [tilespmem:s21+$0x0]  }
0x56: {  	v12 =	vld [tilespmem:s10+$0xFFFFFF90]  }
0x57: {  	s8 =	simm.s32 $0x8480;
	v13 =	vld [tilespmem:s10+$0xFFFFFFD0]  }
0x58: {  	v15 =	vld [tilespmem:s8+$0xFFFFFF80];
	v0 =	vmul.f32 v3, v0  }
0x59: {  	[tilespmem:s11+$0xFFFFFFA0] =	vst v1;
	v1 =	vld [tilespmem:s11+$0x40]  }
0x5a: {  	[tilespmem:s11+$0x30] =	vst v0;
	v2 =	vmul.f32 v2, v7;
	v7 =	vld [tilespmem:s10+$0xFFFFFF80]  }
0x5b: {  	s16 =	simm.s32 $0x480;
	v9 =	vld [tilespmem:s14+$0x40]  }
0x5c: {  	v16 =	vld [tilespmem:s16+$0xFFFFFF80]  }
0x5d: {  	v3 =	vld [tilespmem:s14+$0xFFFFFFB0]  }
0x5e: {  	v17 =	vld [tilespmem:s10+$0x50]  }
0x5f: {  	[tilespmem:s10+$0x0] =	vst v2;
	v2 =	vld [tilespmem:s10+$0x10];
	v7 =	vmul.f32 v10, v7  }
0x60: {  	v11 =	vld [tilespmem:s21+$0x10];
	v1 =	vmul.f32 v9, v1  }
0x61: {  	v9 =	vld [tilespmem:s11+$0x50];
	[tilespmem:s10+$0xFFFFFF80] =	vst v7  }
0x62: {  	[tilespmem:s11+$0x40] =	vst v1;
	v1 =	vmul.f32 v3, v5;
	v5 =	vld [tilespmem:s21+$0xFFFFFF90]  }
0x63: {  	v3 =	vld [tilespmem:s14+$0x50]  }
0x64: {  	v60 =	vld [tilespmem:s16+$0xFFFFFFA0]  }
0x65: {  	v4 =	vld [tilespmem:s11+$0xFFFFFFC0];
	v2 =	vmul.f32 v11, v2;
	[tilespmem:s11+$0xFFFFFFB0] =	vst v1  }
0x66: {  	v1 =	vld [tilespmem:s14+$0xFFFFFFC0]  }
0x67: {  	[tilespmem:s10+$0x10] =	vst v2;
	v2 =	vld [tilespmem:s10+$0x20]  }
0x68: {  	v5 =	vmul.f32 v5, v12;
	v3 =	vmul.f32 v3, v9;
	v9 =	vld [tilespmem:s21+$0x20]  }
0x69: {  	v18 =	vld [tilespmem:s10+$0x60];
	v15 =	vmul.f32 v15, v16  }
0x6a: {  	v10 =	vld [tilespmem:s10+$0xFFFFFFA0];
	[tilespmem:s10+$0xFFFFFF90] =	vst v5  }
0x6b: {  	[tilespmem:s16+$0xFFFFFF80] =	vst v15;
	v1 =	vmul.f32 v1, v4;
	v4 =	vld [tilespmem:s21+$0xFFFFFFA0]  }
0x6c: {  	v15 =	vld [tilespmem:s8+$0xFFFFFF90]  }
0x6d: {  	v0 =	vld [tilespmem:s11+$0xFFFFFFF0];
	[tilespmem:s11+$0xFFFFFFC0] =	vst v1;
	v1 =	vmul.f32 v9, v2  }
0x6e: {  	v7 =	vld [tilespmem:s10+$0xFFFFFFB0]  }
0x6f: {  	v5 =	vld [tilespmem:s10+$0x30];
	[tilespmem:s10+$0x20] =	vst v1  }
0x70: {  	v4 =	vmul.f32 v4, v10;
	v10 =	vld [tilespmem:s21+$0x30]  }
0x71: {  	v2 =	vld [tilespmem:s14+$0xFFFFFFD0]  }
0x72: {  	v11 =	vld [tilespmem:s11+$0x60]  }
0x73: {  	v12 =	vld [tilespmem:s10+$0xFFFFFFC0];
	[tilespmem:s11+$0x50] =	vst v3  }
0x74: {  	v3 =	vld [tilespmem:s14+$0x60]  }
0x75: {  	[tilespmem:s10+$0xFFFFFFA0] =	vst v4;
	v4 =	vld [tilespmem:s16+$0x0];
	v5 =	vmul.f32 v10, v5  }
0x76: {  	v2 =	vmul.f32 v2, v6;
	v6 =	vld [tilespmem:s8+$0x0]  }
0x77: {  	v10 =	vld [tilespmem:s10+$0x40];
	[tilespmem:s10+$0x30] =	vst v5  }
0x78: {  	v5 =	vld [tilespmem:s21+$0x40]  }
0x79: {  	v9 =	vld [tilespmem:s11+$0x70];
	v3 =	vmul.f32 v3, v11  }
0x7a: {  	v1 =	vld [tilespmem:s10+$0xFFFFFFE0]  }
0x7b: {  	[tilespmem:s11+$0x60] =	vst v3;
	v3 =	vld [tilespmem:s21+$0xFFFFFFB0];
	v4 =	vmul.f32 v6, v4  }
0x7c: {  	v6 =	vld [tilespmem:s16+$0xFFFFFF90]  }
0x7d: {  	[tilespmem:s16+$0x0] =	vst v4;
	v4 =	vld [tilespmem:s16+$0x10];
	v5 =	vmul.f32 v5, v10  }
0x7e: {  	v10 =	vld [tilespmem:s8+$0x10]  }
0x7f: {  	v11 =	vld [tilespmem:s14+$0x70];
	[tilespmem:s10+$0x40] =	vst v5  }
0x80: {  	v3 =	vmul.f32 v3, v7;
	v7 =	vld [tilespmem:s21+$0x50]  }
0x81: {  	[tilespmem:s11+$0xFFFFFFD0] =	vst v2;
	v2 =	vld [tilespmem:s10+$0xFFFFFFF0]  }
0x82: {  	v14 =	vld [tilespmem:s14+$0xFFFFFFE0];
	[tilespmem:s10+$0xFFFFFFB0] =	vst v3;
	v6 =	vmul.f32 v15, v6  }
0x83: {  	v3 =	vmul.f32 v10, v4;
	v10 =	vld [tilespmem:s21+$0xFFFFFFC0]  }
0x84: {  	[tilespmem:s16+$0xFFFFFF90] =	vst v6;
	v6 =	vld [tilespmem:s16+$0xFFFFFFE0]  }
0x85: {  	v5 =	vld [tilespmem:s16+$0xFFFFFFB0];
	[tilespmem:s16+$0x10] =	vst v3;
	v3 =	vmul.f32 v7, v17  }
0x86: {  	v7 =	vld [tilespmem:s16+$0x20]  }
0x87: {  	v15 =	vld [tilespmem:s8+$0x20];
	[tilespmem:s10+$0x50] =	vst v3  }
0x88: {  	v10 =	vmul.f32 v10, v12;
	v12 =	vld [tilespmem:s21+$0x60]  }
0x89: {  	v61 =	vld [tilespmem:s8+$0xFFFFFFA0]  }
0x8a: {  	v4 =	vld [tilespmem:s16+$0xFFFFFFC0];
	[tilespmem:s10+$0xFFFFFFC0] =	vst v10  }
0x8b: {  	v10 =	vld [tilespmem:s21+$0xFFFFFFD0]  }
0x8c: {  	v3 =	vld [tilespmem:s16+$0xFFFFFFD0];
	v7 =	vmul.f32 v15, v7  }
0x8d: {  	v15 =	vld [tilespmem:s10+$0x70];
	v12 =	vmul.f32 v12, v18  }
0x8e: {  	[tilespmem:s16+$0x20] =	vst v7;
	v7 =	vmul.f32 v14, v8;
	v14 =	vld [tilespmem:s16+$0x30]  }
0x8f: {  	v8 =	vmul.f32 v61, v60;
	v62 =	vld [tilespmem:s8+$0x30];
	[tilespmem:s10+$0x60] =	vst v12  }
0x90: {  	[tilespmem:s11+$0xFFFFFFE0] =	vst v7;
	v7 =	vmul.f32 v10, v13;
	v63 =	vld [tilespmem:s21+$0x70]  }
0x91: {  	[tilespmem:s16+$0xFFFFFFA0] =	vst v8;
	v8 =	vld [tilespmem:s14+$0xFFFFFFF0]  }
0x92: {  	v12 =	vld [tilespmem:s8+$0xFFFFFFB0];
	[tilespmem:s10+$0xFFFFFFD0] =	vst v7  }
0x93: {  	v10 =	vmul.f32 v11, v9;
	v9 =	vld [tilespmem:s21+$0xFFFFFFE0]  }
0x94: {  	v7 =	vld [tilespmem:s16+$0xFFFFFFF0];
	v13 =	vmul.f32 v62, v14  }
0x95: {  	s15 =	simm.s32 $0x4;
	s2 =	simm.s32 $0x580;
	s14 =	simm.s32 $0x8480;
	[tilespmem:s11+$0x70] =	vst v10;
	v10 =	vld [tilespmem:s16+$0x40];
	v11 =	vmul.f32 v63, v15  }
.LBB2_3:
0x96: {  	v14 =	vld [tilespmem:s2+$0x0];
	[tilespmem:s16+$0x30] =	vst v13;
	s8 =	sadd.s32 $0x100, s8;
	v8 =	vmul.f32 v8, v0;
	v0 =	vmov v2  }
0x97: {  	v13 =	vld [tilespmem:s8+$0x0];
	v12 =	vmul.f32 v12, v5;
	[tilespmem:s10+$0x70] =	vst v11  }
0x98: {  	s15 =	sadd.s32 $0x2, s15;
	v5 =	vld [tilespmem:s14+$0x40];
	v9 =	vmul.f32 v9, v1;
	[tilespmem:s11+$0xFFFFFFF0] =	vst v8;
	v1 =	vmov v6;
	s11 =	smov.u32 s10;
	s10 =	smov.u32 s16  }
0x99: {  	p0 =	slt.u32 s15, $0x7E;
	s16 =	smov.u32 s2;
	v6 =	vld [tilespmem:s8+$0xFFFFFF80];
	[tilespmem:s10+$0xFFFFFFB0] =	vst v12;
	v2 =	vmov v7  }
0x9a: {  	v7 =	vld [tilespmem:s2+$0xFFFFFF80];
	[tilespmem:s11+$0xFFFFFFE0] =	vst v9  }
0x9b: {  	v8 =	vld [tilespmem:s2+$0xFFFFFF90]  }
0x9c: {  	v9 =	vld [tilespmem:s2+$0xFFFFFFA0];
	v11 =	vmul.f32 v13, v14  }
0x9d: {  	v5 =	vmul.f32 v5, v10;
	v10 =	vld [tilespmem:s10+$0x50]  }
0x9e: {  	[tilespmem:s2+$0x0] =	vst v11;
	v11 =	vld [tilespmem:s2+$0x10]  }
0x9f: {  	v6 =	vmul.f32 v6, v7;
	v7 =	vld [tilespmem:s8+$0x10];
	[tilespmem:s10+$0x40] =	vst v5  }
0xa0: {  	v12 =	vld [tilespmem:s14+$0x50]  }
0xa1: {  	[tilespmem:s2+$0xFFFFFF80] =	vst v6;
	v5 =	vld [tilespmem:s2+$0xFFFFFFB0]  }
0xa2: {  	v6 =	vld [tilespmem:s8+$0xFFFFFF90]  }
0xa3: {  	v13 =	vld [tilespmem:s14+$0xFFFFFFC0]  }
0xa4: {  	v14 =	vld [tilespmem:s2+$0xFFFFFFC0];
	v7 =	vmul.f32 v7, v11  }
0xa5: {  	v10 =	vmul.f32 v12, v10;
	v11 =	vld [tilespmem:s10+$0x60]  }
0xa6: {  	[tilespmem:s2+$0x10] =	vst v7;
	v7 =	vld [tilespmem:s2+$0x20]  }
0xa7: {  	v6 =	vmul.f32 v6, v8;
	v8 =	vld [tilespmem:s8+$0x20];
	[tilespmem:s10+$0x50] =	vst v10  }
0xa8: {  	v10 =	vmul.f32 v13, v4;
	v12 =	vld [tilespmem:s14+$0x60]  }
0xa9: {  	[tilespmem:s2+$0xFFFFFF90] =	vst v6;
	v13 =	vld [tilespmem:s2+$0xFFFFFFD0];
	v4 =	vmov v14  }
0xaa: {  	v14 =	vld [tilespmem:s8+$0xFFFFFFA0];
	[tilespmem:s10+$0xFFFFFFC0] =	vst v10  }
0xab: {  	v10 =	vld [tilespmem:s14+$0xFFFFFFD0]  }
0xac: {  	v6 =	vld [tilespmem:s2+$0xFFFFFFE0];
	v7 =	vmul.f32 v8, v7  }
0xad: {  	v8 =	vmul.f32 v12, v11;
	v11 =	vld [tilespmem:s10+$0x70]  }
0xae: {  	[tilespmem:s2+$0x20] =	vst v7;
	v15 =	vld [tilespmem:s2+$0x30]  }
0xaf: {  	v7 =	vmul.f32 v14, v9;
	v14 =	vld [tilespmem:s8+$0x30];
	[tilespmem:s10+$0x60] =	vst v8  }
0xb0: {  	v9 =	vmul.f32 v10, v3;
	v16 =	vld [tilespmem:s14+$0x70];
	v3 =	vmov v13  }
.Ltmp0:
0xb1: {  	[tilespmem:s2+$0xFFFFFFA0] =	vst v7;
	v8 =	vld [tilespmem:s21+$0xFFFFFFF0];
	s21 =	smov.u32 s14;
	s14 =	smov.u32 s8;
	(pc) =	sbr.rel @p0 .LBB2_3-.Ltmp0, $4  }
0xb2: {  	v12 =	vld [tilespmem:s8+$0xFFFFFFB0];
	[tilespmem:s10+$0xFFFFFFD0] =	vst v9  }
0xb3: {  	v9 =	vld [tilespmem:s21+$0xFFFFFFE0]  }
0xb4: {  	v7 =	vld [tilespmem:s2+$0xFFFFFFF0];
	v13 =	vmul.f32 v14, v15  }
0xb5: {  	s2 =	sadd.s32 $0x100, s2;
	v10 =	vld [tilespmem:s16+$0x40];
	v11 =	vmul.f32 v16, v11  }
0xb6: {  	_ = 	snop  }
0xb7: {  	[tilespmem:s16+$0x30] =	vst v13;
	v5 =	vmul.f32 v12, v5  }
0xb8: {  	v12 =	vld [tilespmem:s14+$0x40]  }
0xb9: {  	[tilespmem:s16+$0xFFFFFFB0] =	vst v5  }
0xba: {  	v5 =	vld [tilespmem:s14+$0xFFFFFFC0];
	_ =	sdelay $0x2  }
0xbb: {  	v10 =	vmul.f32 v12, v10;
	_ =	sdelay $0x1  }
0xbc: {  	v12 =	vld [tilespmem:s16+$0x50];
	[tilespmem:s16+$0x40] =	vst v10;
	v4 =	vmul.f32 v5, v4  }
0xbd: {  	v5 =	vld [tilespmem:s14+$0x50]  }
0xbe: {  	[tilespmem:s16+$0xFFFFFFC0] =	vst v4  }
0xbf: {  	v4 =	vld [tilespmem:s14+$0xFFFFFFD0];
	_ =	sdelay $0x2  }
0xc0: {  	v5 =	vmul.f32 v5, v12;
	_ =	sdelay $0x1  }
0xc1: {  	v10 =	vld [tilespmem:s16+$0x60];
	[tilespmem:s16+$0x50] =	vst v5;
	v3 =	vmul.f32 v4, v3  }
0xc2: {  	v4 =	vld [tilespmem:s14+$0x60]  }
0xc3: {  	[tilespmem:s16+$0xFFFFFFD0] =	vst v3  }
0xc4: {  	v3 =	vld [tilespmem:s14+$0xFFFFFFE0];
	_ =	sdelay $0x2  }
0xc5: {  	v4 =	vmul.f32 v4, v10  }
0xc6: {  	v1 =	vmul.f32 v9, v1  }
0xc7: {  	v5 =	vld [tilespmem:s16+$0x70];
	[tilespmem:s16+$0x60] =	vst v4;
	v3 =	vmul.f32 v3, v6  }
0xc8: {  	[tilespmem:s10+$0xFFFFFFE0] =	vst v1;
	v1 =	vld [tilespmem:s14+$0x70]  }
0xc9: {  	v4 =	vld [tilespmem:s21+$0xFFFFFFF0];
	[tilespmem:s16+$0xFFFFFFE0] =	vst v3  }
0xca: {  	v3 =	vld [tilespmem:s14+$0xFFFFFFF0];
	_ =	sdelay $0x1  }
0xcb: {  	v0 =	vmul.f32 v8, v0  }
0xcc: {  	[tilespmem:s10+$0x70] =	vst v11;
	v1 =	vmul.f32 v1, v5  }
0xcd: {  	[tilespmem:s11+$0xFFFFFFF0] =	vst v0;
	v0 =	vmul.f32 v4, v2  }
0xce: {  	[tilespmem:s16+$0x70] =	vst v1;
	v1 =	vmul.f32 v3, v7  }
0xcf: {  	[tilespmem:s10+$0xFFFFFFF0] =	vst v0  }
0xd0: {  	s8 =	simm.s32 $0x200;
	[tilespmem:s16+$0xFFFFFFF0] =	vst v1  }
0xd1: {  	[spmem:s24] =	stream.indirect.scatter.add.f32 [tilespmem:s8], [sflag:$0x8], $0x80, s25, s23, $0xb8;
	[tilespmem:$0x1FE00] =	vst v63  }
0xd2: {  	s2 =	sshll.u32 s20, $0xB;
	_ =	swait.ge [sflag:s22], $0x4000  }
0xd3: {  	s2 =	sand.u32 $0x1FFFF800, s2;
	[sflag:s22] =	ssyncset.done $0x0  }
0xd4: {  	s2 =	sadd.s32 s7, s2;
	[sflag:s22] =	ssyncadd.s32 $0xFFFFC000  }
0xd5: {  	[tilespmem:s26], [sflag:$0x7] =	stream.linear.gather [hbm4b:s2+s3], $0x4000, $0x38;
	[tilespmem:$0x1FE00] =	vst v63  }
0xd6: {  	_ =	swait.ge [sflag:s9], $0x80  }
0xd7: {  	[sflag:s9] =	ssyncset.done $0x0;
	s16 =	rddreg [dreg:$0xa]  }
0xd8: {  	[sflag:s9] =	ssyncadd.s32 $0xFFFFFF80;
	s2 =	sadd.s32 s18, s16  }
0xd9: {  	[tilespmem:s8], [sflag:$0x1] =	stream.indirect.gather [hbm4b:s4+s23], $0x80, s3, s23, $0xb8;
	[tilespmem:$0x1FE00] =	vst v63  }
0xda: {  	s2 =	sshll.u32 s2, $0x4;
	_ =	swait.ge [sflag:s12], $0x4000  }
0xdb: {  	s2 =	sand.u32 $0x1FFFFFF0, s2;
	[sflag:s12] =	ssyncset.done $0x0  }
0xdc: {  	s2 =	sadd.s32 s5, s2;
	[sflag:s12] =	ssyncadd.s32 $0xFFFFC000  }
0xdd: {  	[tilespmem:s23], [sflag:$0x4] =	stream.linear.gather [hbm4b:s2+s3], $0x80, $0x38;
	[tilespmem:$0x1FE00] =	vst v63  }
0xde: {  	_ =	swait.ge [sflag:s13], $0x80  }
0xdf: {  	[sflag:s13] =	ssyncset.done $0x0  }
0xe0: {  	s19 =	sadd.s32 s6, s19;
	[sflag:s13] =	ssyncadd.s32 $0xFFFFFF80  }
0xe1: {  	[tilespmem:s25], [sflag:$0x5] =	stream.linear.gather [hbm4b:s19+s3], $0x80, $0x38;
	[tilespmem:$0x1FE00] =	vst v63  }
0xe2: {  	_ =	swait.ge [sflag:s1], $0x4000  }
0xe3: {  	[sflag:s1] =	ssyncset.done $0x0  }
0xe4: {  	s11 =	simm.s32 $0x4280;
	[sflag:s1] =	ssyncadd.s32 $0xFFFFC000  }
0xe5: {  	s21 =	simm.s32 $0x8280;
	v0 =	vld [tilespmem:s11+$0x0]  }
0xe6: {  	v1 =	vld [tilespmem:s21+$0x0];
	_ =	sdelay $0x3  }
0xe7: {  	v2 =	vld [tilespmem:s11+$0xFFFFFF80]  }
0xe8: {  	v0 =	vmul.f32 v1, v0;
	v1 =	vld [tilespmem:s21+$0xFFFFFF80];
	_ =	sdelay $0x1  }
0xe9: {  	[tilespmem:s11+$0x0] =	vst v0;
	v0 =	vld [tilespmem:s11+$0x10]  }
0xea: {  	v3 =	vld [tilespmem:s21+$0x10];
	_ =	sdelay $0x1  }
0xeb: {  	v1 =	vmul.f32 v1, v2;
	_ =	sdelay $0x1  }
0xec: {  	v4 =	vld [tilespmem:s11+$0xFFFFFF90];
	[tilespmem:s11+$0xFFFFFF80] =	vst v1  }
0xed: {  	v0 =	vmul.f32 v3, v0;
	v1 =	vld [tilespmem:s21+$0xFFFFFF90];
	_ =	sdelay $0x1  }
0xee: {  	[tilespmem:s11+$0x10] =	vst v0;
	v0 =	vld [tilespmem:s11+$0x20]  }
0xef: {  	v3 =	vld [tilespmem:s21+$0x20]  }
0xf0: {  	v5 =	vld [tilespmem:s11+$0xFFFFFFB0]  }
0xf1: {  	s10 =	simm.s32 $0x4380;
	v6 =	vld [tilespmem:s11+$0xFFFFFFD0];
	v1 =	vmul.f32 v1, v4  }
0xf2: {  	v7 =	vld [tilespmem:s10+$0x0]  }
0xf3: {  	v2 =	vld [tilespmem:s11+$0xFFFFFFA0];
	[tilespmem:s11+$0xFFFFFF90] =	vst v1  }
0xf4: {  	v0 =	vmul.f32 v3, v0;
	v1 =	vld [tilespmem:s21+$0xFFFFFFA0]  }
0xf5: {  	v8 =	vld [tilespmem:s11+$0xFFFFFFE0]  }
0xf6: {  	[tilespmem:s11+$0x20] =	vst v0;
	v0 =	vld [tilespmem:s11+$0x30]  }
0xf7: {  	s18 =	simm.s32 $0x8380;
	v3 =	vld [tilespmem:s21+$0x30]  }
0xf8: {  	v10 =	vld [tilespmem:s18+$0xFFFFFF80]  }
0xf9: {  	v1 =	vmul.f32 v1, v2;
	v2 =	vld [tilespmem:s18+$0x0]  }
0xfa: {  	v12 =	vld [tilespmem:s10+$0xFFFFFF90]  }
0xfb: {  	s8 =	simm.s32 $0x8480;
	v13 =	vld [tilespmem:s10+$0xFFFFFFD0]  }
0xfc: {  	v15 =	vld [tilespmem:s8+$0xFFFFFF80];
	v0 =	vmul.f32 v3, v0  }
0xfd: {  	[tilespmem:s11+$0xFFFFFFA0] =	vst v1;
	v1 =	vld [tilespmem:s11+$0x40]  }
0xfe: {  	[tilespmem:s11+$0x30] =	vst v0;
	v2 =	vmul.f32 v2, v7;
	v7 =	vld [tilespmem:s10+$0xFFFFFF80]  }
0xff: {  	s16 =	simm.s32 $0x4480;
	v9 =	vld [tilespmem:s21+$0x40]  }
0x100: {  	v16 =	vld [tilespmem:s16+$0xFFFFFF80]  }
0x101: {  	v3 =	vld [tilespmem:s21+$0xFFFFFFB0]  }
0x102: {  	v17 =	vld [tilespmem:s10+$0x50]  }
0x103: {  	[tilespmem:s10+$0x0] =	vst v2;
	v2 =	vld [tilespmem:s10+$0x10];
	v7 =	vmul.f32 v10, v7  }
0x104: {  	v11 =	vld [tilespmem:s18+$0x10];
	v1 =	vmul.f32 v9, v1  }
0x105: {  	v9 =	vld [tilespmem:s11+$0x50];
	[tilespmem:s10+$0xFFFFFF80] =	vst v7  }
0x106: {  	[tilespmem:s11+$0x40] =	vst v1;
	v1 =	vmul.f32 v3, v5;
	v5 =	vld [tilespmem:s18+$0xFFFFFF90]  }
0x107: {  	v3 =	vld [tilespmem:s21+$0x50]  }
0x108: {  	v60 =	vld [tilespmem:s16+$0xFFFFFFA0]  }
0x109: {  	v4 =	vld [tilespmem:s11+$0xFFFFFFC0];
	v2 =	vmul.f32 v11, v2;
	[tilespmem:s11+$0xFFFFFFB0] =	vst v1  }
0x10a: {  	v1 =	vld [tilespmem:s21+$0xFFFFFFC0]  }
0x10b: {  	[tilespmem:s10+$0x10] =	vst v2;
	v2 =	vld [tilespmem:s10+$0x20]  }
0x10c: {  	v5 =	vmul.f32 v5, v12;
	v3 =	vmul.f32 v3, v9;
	v9 =	vld [tilespmem:s18+$0x20]  }
0x10d: {  	v18 =	vld [tilespmem:s10+$0x60];
	v15 =	vmul.f32 v15, v16  }
0x10e: {  	v10 =	vld [tilespmem:s10+$0xFFFFFFA0];
	[tilespmem:s10+$0xFFFFFF90] =	vst v5  }
0x10f: {  	[tilespmem:s16+$0xFFFFFF80] =	vst v15;
	v1 =	vmul.f32 v1, v4;
	v4 =	vld [tilespmem:s18+$0xFFFFFFA0]  }
0x110: {  	v15 =	vld [tilespmem:s8+$0xFFFFFF90]  }
0x111: {  	v0 =	vld [tilespmem:s11+$0xFFFFFFF0];
	[tilespmem:s11+$0xFFFFFFC0] =	vst v1;
	v1 =	vmul.f32 v9, v2  }
0x112: {  	v7 =	vld [tilespmem:s10+$0xFFFFFFB0]  }
0x113: {  	v5 =	vld [tilespmem:s10+$0x30];
	[tilespmem:s10+$0x20] =	vst v1  }
0x114: {  	v4 =	vmul.f32 v4, v10;
	v10 =	vld [tilespmem:s18+$0x30]  }
0x115: {  	v2 =	vld [tilespmem:s21+$0xFFFFFFD0]  }
0x116: {  	v11 =	vld [tilespmem:s11+$0x60]  }
0x117: {  	v12 =	vld [tilespmem:s10+$0xFFFFFFC0];
	[tilespmem:s11+$0x50] =	vst v3  }
0x118: {  	v3 =	vld [tilespmem:s21+$0x60]  }
0x119: {  	[tilespmem:s10+$0xFFFFFFA0] =	vst v4;
	v4 =	vld [tilespmem:s16+$0x0];
	v5 =	vmul.f32 v10, v5  }
0x11a: {  	v2 =	vmul.f32 v2, v6;
	v6 =	vld [tilespmem:s8+$0x0]  }
0x11b: {  	v10 =	vld [tilespmem:s10+$0x40];
	[tilespmem:s10+$0x30] =	vst v5  }
0x11c: {  	v5 =	vld [tilespmem:s18+$0x40]  }
0x11d: {  	v9 =	vld [tilespmem:s11+$0x70];
	v3 =	vmul.f32 v3, v11  }
0x11e: {  	v1 =	vld [tilespmem:s10+$0xFFFFFFE0]  }
0x11f: {  	[tilespmem:s11+$0x60] =	vst v3;
	v3 =	vld [tilespmem:s18+$0xFFFFFFB0];
	v4 =	vmul.f32 v6, v4  }
0x120: {  	v6 =	vld [tilespmem:s16+$0xFFFFFF90]  }
0x121: {  	[tilespmem:s16+$0x0] =	vst v4;
	v4 =	vld [tilespmem:s16+$0x10];
	v5 =	vmul.f32 v5, v10  }
0x122: {  	v10 =	vld [tilespmem:s8+$0x10]  }
0x123: {  	v11 =	vld [tilespmem:s21+$0x70];
	[tilespmem:s10+$0x40] =	vst v5  }
0x124: {  	v3 =	vmul.f32 v3, v7;
	v7 =	vld [tilespmem:s18+$0x50]  }
0x125: {  	[tilespmem:s11+$0xFFFFFFD0] =	vst v2;
	v2 =	vld [tilespmem:s10+$0xFFFFFFF0]  }
0x126: {  	v14 =	vld [tilespmem:s21+$0xFFFFFFE0];
	[tilespmem:s10+$0xFFFFFFB0] =	vst v3;
	v6 =	vmul.f32 v15, v6  }
0x127: {  	v3 =	vmul.f32 v10, v4;
	v10 =	vld [tilespmem:s18+$0xFFFFFFC0]  }
0x128: {  	[tilespmem:s16+$0xFFFFFF90] =	vst v6;
	v6 =	vld [tilespmem:s16+$0xFFFFFFE0]  }
0x129: {  	v5 =	vld [tilespmem:s16+$0xFFFFFFB0];
	[tilespmem:s16+$0x10] =	vst v3;
	v3 =	vmul.f32 v7, v17  }
0x12a: {  	v7 =	vld [tilespmem:s16+$0x20]  }
0x12b: {  	v15 =	vld [tilespmem:s8+$0x20];
	[tilespmem:s10+$0x50] =	vst v3  }
0x12c: {  	v10 =	vmul.f32 v10, v12;
	v12 =	vld [tilespmem:s18+$0x60]  }
0x12d: {  	v61 =	vld [tilespmem:s8+$0xFFFFFFA0]  }
0x12e: {  	v4 =	vld [tilespmem:s16+$0xFFFFFFC0];
	[tilespmem:s10+$0xFFFFFFC0] =	vst v10  }
0x12f: {  	v10 =	vld [tilespmem:s18+$0xFFFFFFD0]  }
0x130: {  	v3 =	vld [tilespmem:s16+$0xFFFFFFD0];
	v7 =	vmul.f32 v15, v7  }
0x131: {  	v15 =	vld [tilespmem:s10+$0x70];
	v12 =	vmul.f32 v12, v18  }
0x132: {  	[tilespmem:s16+$0x20] =	vst v7;
	v7 =	vmul.f32 v14, v8;
	v14 =	vld [tilespmem:s16+$0x30]  }
0x133: {  	v8 =	vmul.f32 v61, v60;
	v62 =	vld [tilespmem:s8+$0x30];
	[tilespmem:s10+$0x60] =	vst v12  }
0x134: {  	[tilespmem:s11+$0xFFFFFFE0] =	vst v7;
	v7 =	vmul.f32 v10, v13;
	v63 =	vld [tilespmem:s18+$0x70]  }
0x135: {  	[tilespmem:s16+$0xFFFFFFA0] =	vst v8;
	v8 =	vld [tilespmem:s21+$0xFFFFFFF0]  }
0x136: {  	v12 =	vld [tilespmem:s8+$0xFFFFFFB0];
	[tilespmem:s10+$0xFFFFFFD0] =	vst v7  }
0x137: {  	v10 =	vmul.f32 v11, v9;
	v9 =	vld [tilespmem:s18+$0xFFFFFFE0]  }
0x138: {  	s20 =	simm.s32 $0x200;
	v7 =	vld [tilespmem:s16+$0xFFFFFFF0];
	v13 =	vmul.f32 v62, v14  }
0x139: {  	s15 =	simm.s32 $0x4;
	s14 =	simm.s32 $0x8480;
	s2 =	simm.s32 $0x4580;
	[tilespmem:s11+$0x70] =	vst v10;
	v10 =	vld [tilespmem:s16+$0x40];
	v11 =	vmul.f32 v63, v15  }
.LBB2_5:
0x13a: {  	v14 =	vld [tilespmem:s2+$0x0];
	[tilespmem:s16+$0x30] =	vst v13;
	s8 =	sadd.s32 $0x100, s8;
	v8 =	vmul.f32 v8, v0;
	v0 =	vmov v2  }
0x13b: {  	v13 =	vld [tilespmem:s8+$0x0];
	v12 =	vmul.f32 v12, v5;
	[tilespmem:s10+$0x70] =	vst v11  }
0x13c: {  	s15 =	sadd.s32 $0x2, s15;
	v5 =	vld [tilespmem:s14+$0x40];
	v9 =	vmul.f32 v9, v1;
	[tilespmem:s11+$0xFFFFFFF0] =	vst v8;
	v1 =	vmov v6;
	s11 =	smov.u32 s10;
	s10 =	smov.u32 s16  }
0x13d: {  	p0 =	slt.u32 s15, $0x7E;
	s16 =	smov.u32 s2;
	v6 =	vld [tilespmem:s8+$0xFFFFFF80];
	[tilespmem:s10+$0xFFFFFFB0] =	vst v12;
	v2 =	vmov v7  }
0x13e: {  	v7 =	vld [tilespmem:s2+$0xFFFFFF80];
	[tilespmem:s11+$0xFFFFFFE0] =	vst v9  }
0x13f: {  	v8 =	vld [tilespmem:s2+$0xFFFFFF90]  }
0x140: {  	v9 =	vld [tilespmem:s2+$0xFFFFFFA0];
	v11 =	vmul.f32 v13, v14  }
0x141: {  	v5 =	vmul.f32 v5, v10;
	v10 =	vld [tilespmem:s10+$0x50]  }
0x142: {  	[tilespmem:s2+$0x0] =	vst v11;
	v11 =	vld [tilespmem:s2+$0x10]  }
0x143: {  	v6 =	vmul.f32 v6, v7;
	v7 =	vld [tilespmem:s8+$0x10];
	[tilespmem:s10+$0x40] =	vst v5  }
0x144: {  	v12 =	vld [tilespmem:s14+$0x50]  }
0x145: {  	[tilespmem:s2+$0xFFFFFF80] =	vst v6;
	v5 =	vld [tilespmem:s2+$0xFFFFFFB0]  }
0x146: {  	v6 =	vld [tilespmem:s8+$0xFFFFFF90]  }
0x147: {  	v13 =	vld [tilespmem:s14+$0xFFFFFFC0]  }
0x148: {  	v14 =	vld [tilespmem:s2+$0xFFFFFFC0];
	v7 =	vmul.f32 v7, v11  }
0x149: {  	v10 =	vmul.f32 v12, v10;
	v11 =	vld [tilespmem:s10+$0x60]  }
0x14a: {  	[tilespmem:s2+$0x10] =	vst v7;
	v7 =	vld [tilespmem:s2+$0x20]  }
0x14b: {  	v6 =	vmul.f32 v6, v8;
	v8 =	vld [tilespmem:s8+$0x20];
	[tilespmem:s10+$0x50] =	vst v10  }
0x14c: {  	v10 =	vmul.f32 v13, v4;
	v12 =	vld [tilespmem:s14+$0x60]  }
0x14d: {  	[tilespmem:s2+$0xFFFFFF90] =	vst v6;
	v13 =	vld [tilespmem:s2+$0xFFFFFFD0];
	v4 =	vmov v14  }
0x14e: {  	v14 =	vld [tilespmem:s8+$0xFFFFFFA0];
	[tilespmem:s10+$0xFFFFFFC0] =	vst v10  }
0x14f: {  	v10 =	vld [tilespmem:s14+$0xFFFFFFD0]  }
0x150: {  	v6 =	vld [tilespmem:s2+$0xFFFFFFE0];
	v7 =	vmul.f32 v8, v7  }
0x151: {  	v8 =	vmul.f32 v12, v11;
	v11 =	vld [tilespmem:s10+$0x70]  }
0x152: {  	[tilespmem:s2+$0x20] =	vst v7;
	v15 =	vld [tilespmem:s2+$0x30]  }
0x153: {  	v7 =	vmul.f32 v14, v9;
	v14 =	vld [tilespmem:s8+$0x30];
	[tilespmem:s10+$0x60] =	vst v8  }
0x154: {  	v9 =	vmul.f32 v10, v3;
	v16 =	vld [tilespmem:s14+$0x70];
	v3 =	vmov v13  }
.Ltmp1:
0x155: {  	[tilespmem:s2+$0xFFFFFFA0] =	vst v7;
	v8 =	vld [tilespmem:s18+$0xFFFFFFF0];
	s18 =	smov.u32 s14;
	s14 =	smov.u32 s8;
	(pc) =	sbr.rel @p0 .LBB2_5-.Ltmp1, $4  }
0x156: {  	v12 =	vld [tilespmem:s8+$0xFFFFFFB0];
	[tilespmem:s10+$0xFFFFFFD0] =	vst v9  }
0x157: {  	v9 =	vld [tilespmem:s18+$0xFFFFFFE0]  }
0x158: {  	v7 =	vld [tilespmem:s2+$0xFFFFFFF0];
	v13 =	vmul.f32 v14, v15  }
0x159: {  	s2 =	sadd.s32 $0x100, s2;
	v10 =	vld [tilespmem:s16+$0x40];
	v11 =	vmul.f32 v16, v11  }
0x15a: {  	_ = 	snop  }
0x15b: {  	v5 =	vmul.f32 v12, v5  }
0x15c: {  	[tilespmem:s16+$0x30] =	vst v13  }
0x15d: {  	v54 =	vld [tilespmem:s14+$0x40];
	[tilespmem:s16+$0xFFFFFFB0] =	vst v5  }
0x15e: {  	v5 =	vld [tilespmem:s14+$0xFFFFFFC0];
	_ =	sdelay $0x3  }
0x15f: {  	v10 =	vmul.f32 v54, v10  }
0x160: {  	v4 =	vmul.f32 v5, v4  }
0x161: {  	v55 =	vld [tilespmem:s16+$0x50];
	[tilespmem:s16+$0x40] =	vst v10  }
0x162: {  	v56 =	vld [tilespmem:s14+$0x50];
	[tilespmem:s16+$0xFFFFFFC0] =	vst v4  }
0x163: {  	v4 =	vld [tilespmem:s14+$0xFFFFFFD0];
	_ =	sdelay $0x3  }
0x164: {  	v5 =	vmul.f32 v56, v55  }
0x165: {  	v3 =	vmul.f32 v4, v3  }
0x166: {  	v57 =	vld [tilespmem:s16+$0x60];
	[tilespmem:s16+$0x50] =	vst v5  }
0x167: {  	v58 =	vld [tilespmem:s14+$0x60];
	[tilespmem:s16+$0xFFFFFFD0] =	vst v3  }
0x168: {  	v3 =	vld [tilespmem:s14+$0xFFFFFFE0];
	_ =	sdelay $0x2  }
0x169: {  	v1 =	vmul.f32 v9, v1  }
0x16a: {  	v4 =	vmul.f32 v58, v57  }
0x16b: {  	v59 =	vld [tilespmem:s16+$0x70];
	[tilespmem:s10+$0xFFFFFFE0] =	vst v1;
	v3 =	vmul.f32 v3, v6  }
0x16c: {  	v61 =	vld [tilespmem:s18+$0xFFFFFFF0];
	[tilespmem:s16+$0x60] =	vst v4  }
0x16d: {  	v60 =	vld [tilespmem:s14+$0x70];
	[tilespmem:s16+$0xFFFFFFE0] =	vst v3  }
0x16e: {  	v3 =	vld [tilespmem:s14+$0xFFFFFFF0];
	_ =	sdelay $0x1  }
0x16f: {  	v0 =	vmul.f32 v8, v0  }
0x170: {  	[tilespmem:s10+$0x70] =	vst v11;
	v62 =	vmul.f32 v61, v2  }
0x171: {  	[tilespmem:s11+$0xFFFFFFF0] =	vst v0;
	v1 =	vmul.f32 v60, v59  }
0x172: {  	s17 =	sadd.s32 $0x1, s17;
	[tilespmem:s10+$0xFFFFFFF0] =	vst v62;
	v63 =	vmul.f32 v3, v7  }
0x173: {  	p0 =	sne.s32 s17, $0x27;
	[tilespmem:s16+$0x70] =	vst v1  }
.Ltmp2:
0x174: {  	[tilespmem:s16+$0xFFFFFFF0] =	vst v63;
	(pc) =	sbr.rel @p0 .LBB2_2-.Ltmp2, $4  }
0x175: {  	[spmem:s24] =	stream.indirect.scatter.add.f32 [tilespmem:s29], [sflag:$0x8], $0x80, s0, s23, $0xb8;
	[tilespmem:$0x1FE00] =	vst v63  }
0x176: {  	_ =	swait.ge [sflag:s22], $0x4000  }
0x177: {  	[sflag:s22] =	ssyncset.done $0x0  }
0x178: {  	[sflag:s22] =	ssyncadd.s32 $0xFFFFC000  }
0x179: {  	s2 =	rddreg [dreg:$0xb]  }
0x17a: {  	[tilespmem:s26], [sflag:$0x7] =	stream.linear.gather [hbm4b:s2+s3], $0x4000, $0x38;
	[tilespmem:$0x1FE00] =	vst v63  }
0x17b: {  	_ =	swait.ge [sflag:s28], $0x80  }
0x17c: {  	[sflag:s28] =	ssyncset.done $0x0  }
0x17d: {  	[sflag:s28] =	ssyncadd.s32 $0xFFFFFF80  }
0x17e: {  	[tilespmem:s29], [sflag:$0x2] =	stream.indirect.gather [hbm4b:s4+s23], $0x80, s23, s23, $0xb8;
	[tilespmem:$0x1FE00] =	vst v63  }
0x17f: {  	_ =	swait.ge [sflag:s30], $0x4000  }
0x180: {  	[sflag:s30] =	ssyncset.done $0x0  }
0x181: {  	[sflag:s30] =	ssyncadd.s32 $0xFFFFC000  }
0x182: {  	_ =	swait.ge [sflag:s31], $0x80  }
0x183: {  	[sflag:s31] =	ssyncset.done $0x0  }
0x184: {  	s21 =	rddreg [dreg:$0xc];
	[sflag:s31] =	ssyncadd.s32 $0xFFFFFF80  }
0x185: {  	[tilespmem:s0], [sflag:$0x6] =	stream.linear.gather [hbm4b:s21+s3], $0x80, $0x38;
	[tilespmem:$0x1FE00] =	vst v63  }
0x186: {  	_ =	swait.ge [sflag:s1], $0x4000  }
0x187: {  	[sflag:s1] =	ssyncset.done $0x0  }
0x188: {  	s11 =	simm.s32 $0x280;
	[sflag:s1] =	ssyncadd.s32 $0xFFFFC000  }
0x189: {  	s14 =	simm.s32 $0x8280;
	v0 =	vld [tilespmem:s11+$0x0]  }
0x18a: {  	v1 =	vld [tilespmem:s14+$0x0];
	_ =	sdelay $0x3  }
0x18b: {  	v2 =	vld [tilespmem:s11+$0xFFFFFF80]  }
0x18c: {  	v0 =	vmul.f32 v1, v0;
	v1 =	vld [tilespmem:s14+$0xFFFFFF80];
	_ =	sdelay $0x1  }
0x18d: {  	[tilespmem:s11+$0x0] =	vst v0;
	v0 =	vld [tilespmem:s11+$0x10]  }
0x18e: {  	v3 =	vld [tilespmem:s14+$0x10];
	_ =	sdelay $0x1  }
0x18f: {  	v1 =	vmul.f32 v1, v2;
	_ =	sdelay $0x1  }
0x190: {  	v4 =	vld [tilespmem:s11+$0xFFFFFF90];
	[tilespmem:s11+$0xFFFFFF80] =	vst v1  }
0x191: {  	v0 =	vmul.f32 v3, v0;
	v1 =	vld [tilespmem:s14+$0xFFFFFF90];
	_ =	sdelay $0x1  }
0x192: {  	[tilespmem:s11+$0x10] =	vst v0;
	v0 =	vld [tilespmem:s11+$0x20]  }
0x193: {  	v3 =	vld [tilespmem:s14+$0x20]  }
0x194: {  	v5 =	vld [tilespmem:s11+$0xFFFFFFB0]  }
0x195: {  	s10 =	simm.s32 $0x380;
	v6 =	vld [tilespmem:s11+$0xFFFFFFD0];
	v1 =	vmul.f32 v1, v4  }
0x196: {  	v7 =	vld [tilespmem:s10+$0x0]  }
0x197: {  	v2 =	vld [tilespmem:s11+$0xFFFFFFA0];
	[tilespmem:s11+$0xFFFFFF90] =	vst v1  }
0x198: {  	v0 =	vmul.f32 v3, v0;
	v1 =	vld [tilespmem:s14+$0xFFFFFFA0]  }
0x199: {  	v8 =	vld [tilespmem:s11+$0xFFFFFFE0]  }
0x19a: {  	[tilespmem:s11+$0x20] =	vst v0;
	v0 =	vld [tilespmem:s11+$0x30]  }
0x19b: {  	s17 =	simm.s32 $0x8380;
	v3 =	vld [tilespmem:s14+$0x30]  }
0x19c: {  	v10 =	vld [tilespmem:s17+$0xFFFFFF80]  }
0x19d: {  	v1 =	vmul.f32 v1, v2;
	v2 =	vld [tilespmem:s17+$0x0]  }
0x19e: {  	v12 =	vld [tilespmem:s10+$0xFFFFFF90]  }
0x19f: {  	s8 =	simm.s32 $0x8480;
	v13 =	vld [tilespmem:s10+$0xFFFFFFD0]  }
0x1a0: {  	v15 =	vld [tilespmem:s8+$0xFFFFFF80];
	v0 =	vmul.f32 v3, v0  }
0x1a1: {  	[tilespmem:s11+$0xFFFFFFA0] =	vst v1;
	v1 =	vld [tilespmem:s11+$0x40]  }
0x1a2: {  	[tilespmem:s11+$0x30] =	vst v0;
	v2 =	vmul.f32 v2, v7;
	v7 =	vld [tilespmem:s10+$0xFFFFFF80]  }
0x1a3: {  	s16 =	simm.s32 $0x480;
	v9 =	vld [tilespmem:s14+$0x40]  }
0x1a4: {  	v16 =	vld [tilespmem:s16+$0xFFFFFF80]  }
0x1a5: {  	v3 =	vld [tilespmem:s14+$0xFFFFFFB0]  }
0x1a6: {  	v17 =	vld [tilespmem:s10+$0x50]  }
0x1a7: {  	[tilespmem:s10+$0x0] =	vst v2;
	v2 =	vld [tilespmem:s10+$0x10];
	v7 =	vmul.f32 v10, v7  }
0x1a8: {  	v11 =	vld [tilespmem:s17+$0x10];
	v1 =	vmul.f32 v9, v1  }
0x1a9: {  	v9 =	vld [tilespmem:s11+$0x50];
	[tilespmem:s10+$0xFFFFFF80] =	vst v7  }
0x1aa: {  	[tilespmem:s11+$0x40] =	vst v1;
	v1 =	vmul.f32 v3, v5;
	v5 =	vld [tilespmem:s17+$0xFFFFFF90]  }
0x1ab: {  	v3 =	vld [tilespmem:s14+$0x50]  }
0x1ac: {  	v60 =	vld [tilespmem:s16+$0xFFFFFFA0]  }
0x1ad: {  	v4 =	vld [tilespmem:s11+$0xFFFFFFC0];
	v2 =	vmul.f32 v11, v2;
	[tilespmem:s11+$0xFFFFFFB0] =	vst v1  }
0x1ae: {  	v1 =	vld [tilespmem:s14+$0xFFFFFFC0]  }
0x1af: {  	[tilespmem:s10+$0x10] =	vst v2;
	v2 =	vld [tilespmem:s10+$0x20]  }
0x1b0: {  	v5 =	vmul.f32 v5, v12;
	v3 =	vmul.f32 v3, v9;
	v9 =	vld [tilespmem:s17+$0x20]  }
0x1b1: {  	v18 =	vld [tilespmem:s10+$0x60];
	v15 =	vmul.f32 v15, v16  }
0x1b2: {  	v10 =	vld [tilespmem:s10+$0xFFFFFFA0];
	[tilespmem:s10+$0xFFFFFF90] =	vst v5  }
0x1b3: {  	[tilespmem:s16+$0xFFFFFF80] =	vst v15;
	v1 =	vmul.f32 v1, v4;
	v4 =	vld [tilespmem:s17+$0xFFFFFFA0]  }
0x1b4: {  	v15 =	vld [tilespmem:s8+$0xFFFFFF90]  }
0x1b5: {  	v0 =	vld [tilespmem:s11+$0xFFFFFFF0];
	[tilespmem:s11+$0xFFFFFFC0] =	vst v1;
	v1 =	vmul.f32 v9, v2  }
0x1b6: {  	v7 =	vld [tilespmem:s10+$0xFFFFFFB0]  }
0x1b7: {  	v5 =	vld [tilespmem:s10+$0x30];
	[tilespmem:s10+$0x20] =	vst v1  }
0x1b8: {  	v4 =	vmul.f32 v4, v10;
	v10 =	vld [tilespmem:s17+$0x30]  }
0x1b9: {  	v2 =	vld [tilespmem:s14+$0xFFFFFFD0]  }
0x1ba: {  	v11 =	vld [tilespmem:s11+$0x60]  }
0x1bb: {  	v12 =	vld [tilespmem:s10+$0xFFFFFFC0];
	[tilespmem:s11+$0x50] =	vst v3  }
0x1bc: {  	v3 =	vld [tilespmem:s14+$0x60]  }
0x1bd: {  	[tilespmem:s10+$0xFFFFFFA0] =	vst v4;
	v4 =	vld [tilespmem:s16+$0x0];
	v5 =	vmul.f32 v10, v5  }
0x1be: {  	v2 =	vmul.f32 v2, v6;
	v6 =	vld [tilespmem:s8+$0x0]  }
0x1bf: {  	v10 =	vld [tilespmem:s10+$0x40];
	[tilespmem:s10+$0x30] =	vst v5  }
0x1c0: {  	v5 =	vld [tilespmem:s17+$0x40]  }
0x1c1: {  	v9 =	vld [tilespmem:s11+$0x70];
	v3 =	vmul.f32 v3, v11  }
0x1c2: {  	v1 =	vld [tilespmem:s10+$0xFFFFFFE0]  }
0x1c3: {  	[tilespmem:s11+$0x60] =	vst v3;
	v3 =	vld [tilespmem:s17+$0xFFFFFFB0];
	v4 =	vmul.f32 v6, v4  }
0x1c4: {  	v6 =	vld [tilespmem:s16+$0xFFFFFF90]  }
0x1c5: {  	[tilespmem:s16+$0x0] =	vst v4;
	v4 =	vld [tilespmem:s16+$0x10];
	v5 =	vmul.f32 v5, v10  }
0x1c6: {  	v10 =	vld [tilespmem:s8+$0x10]  }
0x1c7: {  	v11 =	vld [tilespmem:s14+$0x70];
	[tilespmem:s10+$0x40] =	vst v5  }
0x1c8: {  	v3 =	vmul.f32 v3, v7;
	v7 =	vld [tilespmem:s17+$0x50]  }
0x1c9: {  	[tilespmem:s11+$0xFFFFFFD0] =	vst v2;
	v2 =	vld [tilespmem:s10+$0xFFFFFFF0]  }
0x1ca: {  	v14 =	vld [tilespmem:s14+$0xFFFFFFE0];
	[tilespmem:s10+$0xFFFFFFB0] =	vst v3;
	v6 =	vmul.f32 v15, v6  }
0x1cb: {  	v3 =	vmul.f32 v10, v4;
	v10 =	vld [tilespmem:s17+$0xFFFFFFC0]  }
0x1cc: {  	[tilespmem:s16+$0xFFFFFF90] =	vst v6;
	v6 =	vld [tilespmem:s16+$0xFFFFFFE0]  }
0x1cd: {  	v5 =	vld [tilespmem:s16+$0xFFFFFFB0];
	[tilespmem:s16+$0x10] =	vst v3;
	v3 =	vmul.f32 v7, v17  }
0x1ce: {  	v7 =	vld [tilespmem:s16+$0x20]  }
0x1cf: {  	v15 =	vld [tilespmem:s8+$0x20];
	[tilespmem:s10+$0x50] =	vst v3  }
0x1d0: {  	v10 =	vmul.f32 v10, v12;
	v12 =	vld [tilespmem:s17+$0x60]  }
0x1d1: {  	v61 =	vld [tilespmem:s8+$0xFFFFFFA0]  }
0x1d2: {  	v4 =	vld [tilespmem:s16+$0xFFFFFFC0];
	[tilespmem:s10+$0xFFFFFFC0] =	vst v10  }
0x1d3: {  	v10 =	vld [tilespmem:s17+$0xFFFFFFD0]  }
0x1d4: {  	v3 =	vld [tilespmem:s16+$0xFFFFFFD0];
	v7 =	vmul.f32 v15, v7  }
0x1d5: {  	v15 =	vld [tilespmem:s10+$0x70];
	v12 =	vmul.f32 v12, v18  }
0x1d6: {  	[tilespmem:s16+$0x20] =	vst v7;
	v7 =	vmul.f32 v14, v8;
	v14 =	vld [tilespmem:s16+$0x30]  }
0x1d7: {  	v8 =	vmul.f32 v61, v60;
	v62 =	vld [tilespmem:s8+$0x30];
	[tilespmem:s10+$0x60] =	vst v12  }
0x1d8: {  	[tilespmem:s11+$0xFFFFFFE0] =	vst v7;
	v7 =	vmul.f32 v10, v13;
	v63 =	vld [tilespmem:s17+$0x70]  }
0x1d9: {  	[tilespmem:s16+$0xFFFFFFA0] =	vst v8;
	v8 =	vld [tilespmem:s14+$0xFFFFFFF0]  }
0x1da: {  	v12 =	vld [tilespmem:s8+$0xFFFFFFB0];
	[tilespmem:s10+$0xFFFFFFD0] =	vst v7  }
0x1db: {  	v10 =	vmul.f32 v11, v9;
	v9 =	vld [tilespmem:s17+$0xFFFFFFE0]  }
0x1dc: {  	v7 =	vld [tilespmem:s16+$0xFFFFFFF0];
	v13 =	vmul.f32 v62, v14  }
0x1dd: {  	s15 =	simm.s32 $0x4;
	s2 =	simm.s32 $0x580;
	s14 =	simm.s32 $0x8480;
	[tilespmem:s11+$0x70] =	vst v10;
	v10 =	vld [tilespmem:s16+$0x40];
	v11 =	vmul.f32 v63, v15  }
.LBB2_8:
0x1de: {  	v14 =	vld [tilespmem:s2+$0x0];
	[tilespmem:s16+$0x30] =	vst v13;
	s8 =	sadd.s32 $0x100, s8;
	v8 =	vmul.f32 v8, v0;
	v0 =	vmov v2  }
0x1df: {  	v13 =	vld [tilespmem:s8+$0x0];
	v12 =	vmul.f32 v12, v5;
	[tilespmem:s10+$0x70] =	vst v11  }
0x1e0: {  	s15 =	sadd.s32 $0x2, s15;
	v5 =	vld [tilespmem:s14+$0x40];
	v9 =	vmul.f32 v9, v1;
	[tilespmem:s11+$0xFFFFFFF0] =	vst v8;
	v1 =	vmov v6;
	s11 =	smov.u32 s10;
	s10 =	smov.u32 s16  }
0x1e1: {  	p0 =	slt.u32 s15, $0x7E;
	s16 =	smov.u32 s2;
	v6 =	vld [tilespmem:s8+$0xFFFFFF80];
	[tilespmem:s10+$0xFFFFFFB0] =	vst v12;
	v2 =	vmov v7  }
0x1e2: {  	v7 =	vld [tilespmem:s2+$0xFFFFFF80];
	[tilespmem:s11+$0xFFFFFFE0] =	vst v9  }
0x1e3: {  	v8 =	vld [tilespmem:s2+$0xFFFFFF90]  }
0x1e4: {  	v9 =	vld [tilespmem:s2+$0xFFFFFFA0];
	v11 =	vmul.f32 v13, v14  }
0x1e5: {  	v5 =	vmul.f32 v5, v10;
	v10 =	vld [tilespmem:s10+$0x50]  }
0x1e6: {  	[tilespmem:s2+$0x0] =	vst v11;
	v11 =	vld [tilespmem:s2+$0x10]  }
0x1e7: {  	v6 =	vmul.f32 v6, v7;
	v7 =	vld [tilespmem:s8+$0x10];
	[tilespmem:s10+$0x40] =	vst v5  }
0x1e8: {  	v12 =	vld [tilespmem:s14+$0x50]  }
0x1e9: {  	[tilespmem:s2+$0xFFFFFF80] =	vst v6;
	v5 =	vld [tilespmem:s2+$0xFFFFFFB0]  }
0x1ea: {  	v6 =	vld [tilespmem:s8+$0xFFFFFF90]  }
0x1eb: {  	v13 =	vld [tilespmem:s14+$0xFFFFFFC0]  }
0x1ec: {  	v14 =	vld [tilespmem:s2+$0xFFFFFFC0];
	v7 =	vmul.f32 v7, v11  }
0x1ed: {  	v10 =	vmul.f32 v12, v10;
	v11 =	vld [tilespmem:s10+$0x60]  }
0x1ee: {  	[tilespmem:s2+$0x10] =	vst v7;
	v7 =	vld [tilespmem:s2+$0x20]  }
0x1ef: {  	v6 =	vmul.f32 v6, v8;
	v8 =	vld [tilespmem:s8+$0x20];
	[tilespmem:s10+$0x50] =	vst v10  }
0x1f0: {  	v10 =	vmul.f32 v13, v4;
	v12 =	vld [tilespmem:s14+$0x60]  }
0x1f1: {  	[tilespmem:s2+$0xFFFFFF90] =	vst v6;
	v13 =	vld [tilespmem:s2+$0xFFFFFFD0];
	v4 =	vmov v14  }
0x1f2: {  	v14 =	vld [tilespmem:s8+$0xFFFFFFA0];
	[tilespmem:s10+$0xFFFFFFC0] =	vst v10  }
0x1f3: {  	v10 =	vld [tilespmem:s14+$0xFFFFFFD0]  }
0x1f4: {  	v6 =	vld [tilespmem:s2+$0xFFFFFFE0];
	v7 =	vmul.f32 v8, v7  }
0x1f5: {  	v8 =	vmul.f32 v12, v11;
	v11 =	vld [tilespmem:s10+$0x70]  }
0x1f6: {  	[tilespmem:s2+$0x20] =	vst v7;
	v15 =	vld [tilespmem:s2+$0x30]  }
0x1f7: {  	v7 =	vmul.f32 v14, v9;
	v14 =	vld [tilespmem:s8+$0x30];
	[tilespmem:s10+$0x60] =	vst v8  }
0x1f8: {  	v9 =	vmul.f32 v10, v3;
	v16 =	vld [tilespmem:s14+$0x70];
	v3 =	vmov v13  }
.Ltmp3:
0x1f9: {  	[tilespmem:s2+$0xFFFFFFA0] =	vst v7;
	v8 =	vld [tilespmem:s17+$0xFFFFFFF0];
	s17 =	smov.u32 s14;
	s14 =	smov.u32 s8;
	(pc) =	sbr.rel @p0 .LBB2_8-.Ltmp3, $4  }
0x1fa: {  	v12 =	vld [tilespmem:s8+$0xFFFFFFB0];
	[tilespmem:s10+$0xFFFFFFD0] =	vst v9  }
0x1fb: {  	v9 =	vld [tilespmem:s17+$0xFFFFFFE0]  }
0x1fc: {  	v7 =	vld [tilespmem:s2+$0xFFFFFFF0];
	v13 =	vmul.f32 v14, v15  }
0x1fd: {  	s2 =	sadd.s32 $0x100, s2;
	v10 =	vld [tilespmem:s16+$0x40];
	v11 =	vmul.f32 v16, v11  }
0x1fe: {  	_ = 	snop  }
0x1ff: {  	[tilespmem:s16+$0x30] =	vst v13;
	v5 =	vmul.f32 v12, v5  }
0x200: {  	v12 =	vld [tilespmem:s14+$0x40]  }
0x201: {  	[tilespmem:s16+$0xFFFFFFB0] =	vst v5  }
0x202: {  	v5 =	vld [tilespmem:s14+$0xFFFFFFC0];
	_ =	sdelay $0x2  }
0x203: {  	v10 =	vmul.f32 v12, v10;
	_ =	sdelay $0x1  }
0x204: {  	v12 =	vld [tilespmem:s16+$0x50];
	[tilespmem:s16+$0x40] =	vst v10;
	v4 =	vmul.f32 v5, v4  }
0x205: {  	v5 =	vld [tilespmem:s14+$0x50]  }
0x206: {  	[tilespmem:s16+$0xFFFFFFC0] =	vst v4  }
0x207: {  	v4 =	vld [tilespmem:s14+$0xFFFFFFD0];
	_ =	sdelay $0x2  }
0x208: {  	v5 =	vmul.f32 v5, v12;
	_ =	sdelay $0x1  }
0x209: {  	v10 =	vld [tilespmem:s16+$0x60];
	[tilespmem:s16+$0x50] =	vst v5;
	v3 =	vmul.f32 v4, v3  }
0x20a: {  	v4 =	vld [tilespmem:s14+$0x60]  }
0x20b: {  	[tilespmem:s16+$0xFFFFFFD0] =	vst v3  }
0x20c: {  	v3 =	vld [tilespmem:s14+$0xFFFFFFE0];
	_ =	sdelay $0x2  }
0x20d: {  	v4 =	vmul.f32 v4, v10  }
0x20e: {  	v1 =	vmul.f32 v9, v1  }
0x20f: {  	v5 =	vld [tilespmem:s16+$0x70];
	[tilespmem:s16+$0x60] =	vst v4;
	v3 =	vmul.f32 v3, v6  }
0x210: {  	[tilespmem:s10+$0xFFFFFFE0] =	vst v1;
	v1 =	vld [tilespmem:s14+$0x70]  }
0x211: {  	v4 =	vld [tilespmem:s17+$0xFFFFFFF0];
	[tilespmem:s16+$0xFFFFFFE0] =	vst v3  }
0x212: {  	v3 =	vld [tilespmem:s14+$0xFFFFFFF0];
	_ =	sdelay $0x1  }
0x213: {  	v0 =	vmul.f32 v8, v0  }
0x214: {  	[tilespmem:s10+$0x70] =	vst v11;
	v1 =	vmul.f32 v1, v5  }
0x215: {  	[tilespmem:s11+$0xFFFFFFF0] =	vst v0;
	v0 =	vmul.f32 v4, v2  }
0x216: {  	[tilespmem:s16+$0x70] =	vst v1;
	v1 =	vmul.f32 v3, v7  }
0x217: {  	[tilespmem:s10+$0xFFFFFFF0] =	vst v0  }
0x218: {  	[tilespmem:s16+$0xFFFFFFF0] =	vst v1  }
0x219: {  	[spmem:s24] =	stream.indirect.scatter.add.f32 [tilespmem:s20], [sflag:$0x8], $0x80, s25, s23, $0xb8;
	[tilespmem:$0x1FE00] =	vst v63  }
0x21a: {  	_ =	swait.ge [sflag:s22], $0x4000  }
0x21b: {  	[sflag:s22] =	ssyncset.done $0x0  }
0x21c: {  	s2 =	rddreg [dreg:$0xd];
	[sflag:s22] =	ssyncadd.s32 $0xFFFFC000  }
0x21d: {  	[tilespmem:s26], [sflag:$0x7] =	stream.linear.gather [hbm4b:s2+s3], $0x4000, $0x38;
	[tilespmem:$0x1FE00] =	vst v63  }
0x21e: {  	_ =	swait.ge [sflag:s12], $0x4000  }
0x21f: {  	[sflag:s12] =	ssyncset.done $0x0  }
0x220: {  	[sflag:s12] =	ssyncadd.s32 $0xFFFFC000  }
0x221: {  	_ =	swait.ge [sflag:s13], $0x80  }
0x222: {  	[sflag:s13] =	ssyncset.done $0x0  }
0x223: {  	[sflag:s13] =	ssyncadd.s32 $0xFFFFFF80  }
0x224: {  	_ =	swait.ge [sflag:s1], $0x4000  }
0x225: {  	[sflag:s1] =	ssyncset.done $0x0  }
0x226: {  	s11 =	simm.s32 $0x4280;
	[sflag:s1] =	ssyncadd.s32 $0xFFFFC000  }
0x227: {  	s21 =	simm.s32 $0x8280;
	v0 =	vld [tilespmem:s11+$0x0]  }
0x228: {  	v1 =	vld [tilespmem:s21+$0x0];
	_ =	sdelay $0x3  }
0x229: {  	v2 =	vld [tilespmem:s11+$0xFFFFFF80]  }
0x22a: {  	v0 =	vmul.f32 v1, v0;
	v1 =	vld [tilespmem:s21+$0xFFFFFF80];
	_ =	sdelay $0x1  }
0x22b: {  	[tilespmem:s11+$0x0] =	vst v0;
	v0 =	vld [tilespmem:s11+$0x10]  }
0x22c: {  	v3 =	vld [tilespmem:s21+$0x10];
	_ =	sdelay $0x1  }
0x22d: {  	v1 =	vmul.f32 v1, v2;
	_ =	sdelay $0x1  }
0x22e: {  	v4 =	vld [tilespmem:s11+$0xFFFFFF90];
	[tilespmem:s11+$0xFFFFFF80] =	vst v1  }
0x22f: {  	v0 =	vmul.f32 v3, v0;
	v1 =	vld [tilespmem:s21+$0xFFFFFF90];
	_ =	sdelay $0x1  }
0x230: {  	[tilespmem:s11+$0x10] =	vst v0;
	v0 =	vld [tilespmem:s11+$0x20]  }
0x231: {  	v3 =	vld [tilespmem:s21+$0x20]  }
0x232: {  	v5 =	vld [tilespmem:s11+$0xFFFFFFB0]  }
0x233: {  	s10 =	simm.s32 $0x4380;
	v6 =	vld [tilespmem:s11+$0xFFFFFFD0];
	v1 =	vmul.f32 v1, v4  }
0x234: {  	v7 =	vld [tilespmem:s10+$0x0]  }
0x235: {  	v2 =	vld [tilespmem:s11+$0xFFFFFFA0];
	[tilespmem:s11+$0xFFFFFF90] =	vst v1  }
0x236: {  	v0 =	vmul.f32 v3, v0;
	v1 =	vld [tilespmem:s21+$0xFFFFFFA0]  }
0x237: {  	v8 =	vld [tilespmem:s11+$0xFFFFFFE0]  }
0x238: {  	[tilespmem:s11+$0x20] =	vst v0;
	v0 =	vld [tilespmem:s11+$0x30]  }
0x239: {  	s17 =	simm.s32 $0x8380;
	v3 =	vld [tilespmem:s21+$0x30]  }
0x23a: {  	v10 =	vld [tilespmem:s17+$0xFFFFFF80]  }
0x23b: {  	v1 =	vmul.f32 v1, v2;
	v2 =	vld [tilespmem:s17+$0x0]  }
0x23c: {  	v12 =	vld [tilespmem:s10+$0xFFFFFF90]  }
0x23d: {  	s8 =	simm.s32 $0x8480;
	v13 =	vld [tilespmem:s10+$0xFFFFFFD0]  }
0x23e: {  	v15 =	vld [tilespmem:s8+$0xFFFFFF80];
	v0 =	vmul.f32 v3, v0  }
0x23f: {  	[tilespmem:s11+$0xFFFFFFA0] =	vst v1;
	v1 =	vld [tilespmem:s11+$0x40]  }
0x240: {  	[tilespmem:s11+$0x30] =	vst v0;
	v2 =	vmul.f32 v2, v7;
	v7 =	vld [tilespmem:s10+$0xFFFFFF80]  }
0x241: {  	s16 =	simm.s32 $0x4480;
	v9 =	vld [tilespmem:s21+$0x40]  }
0x242: {  	v16 =	vld [tilespmem:s16+$0xFFFFFF80]  }
0x243: {  	v3 =	vld [tilespmem:s21+$0xFFFFFFB0]  }
0x244: {  	v17 =	vld [tilespmem:s10+$0x50]  }
0x245: {  	[tilespmem:s10+$0x0] =	vst v2;
	v2 =	vld [tilespmem:s10+$0x10];
	v7 =	vmul.f32 v10, v7  }
0x246: {  	v11 =	vld [tilespmem:s17+$0x10];
	v1 =	vmul.f32 v9, v1  }
0x247: {  	v9 =	vld [tilespmem:s11+$0x50];
	[tilespmem:s10+$0xFFFFFF80] =	vst v7  }
0x248: {  	[tilespmem:s11+$0x40] =	vst v1;
	v1 =	vmul.f32 v3, v5;
	v5 =	vld [tilespmem:s17+$0xFFFFFF90]  }
0x249: {  	v3 =	vld [tilespmem:s21+$0x50]  }
0x24a: {  	v60 =	vld [tilespmem:s16+$0xFFFFFFA0]  }
0x24b: {  	v4 =	vld [tilespmem:s11+$0xFFFFFFC0];
	v2 =	vmul.f32 v11, v2;
	[tilespmem:s11+$0xFFFFFFB0] =	vst v1  }
0x24c: {  	v1 =	vld [tilespmem:s21+$0xFFFFFFC0]  }
0x24d: {  	[tilespmem:s10+$0x10] =	vst v2;
	v2 =	vld [tilespmem:s10+$0x20]  }
0x24e: {  	v5 =	vmul.f32 v5, v12;
	v3 =	vmul.f32 v3, v9;
	v9 =	vld [tilespmem:s17+$0x20]  }
0x24f: {  	v18 =	vld [tilespmem:s10+$0x60];
	v15 =	vmul.f32 v15, v16  }
0x250: {  	v10 =	vld [tilespmem:s10+$0xFFFFFFA0];
	[tilespmem:s10+$0xFFFFFF90] =	vst v5  }
0x251: {  	[tilespmem:s16+$0xFFFFFF80] =	vst v15;
	v1 =	vmul.f32 v1, v4;
	v4 =	vld [tilespmem:s17+$0xFFFFFFA0]  }
0x252: {  	v15 =	vld [tilespmem:s8+$0xFFFFFF90]  }
0x253: {  	v0 =	vld [tilespmem:s11+$0xFFFFFFF0];
	[tilespmem:s11+$0xFFFFFFC0] =	vst v1;
	v1 =	vmul.f32 v9, v2  }
0x254: {  	v7 =	vld [tilespmem:s10+$0xFFFFFFB0]  }
0x255: {  	v5 =	vld [tilespmem:s10+$0x30];
	[tilespmem:s10+$0x20] =	vst v1  }
0x256: {  	v4 =	vmul.f32 v4, v10;
	v10 =	vld [tilespmem:s17+$0x30]  }
0x257: {  	v2 =	vld [tilespmem:s21+$0xFFFFFFD0]  }
0x258: {  	v11 =	vld [tilespmem:s11+$0x60]  }
0x259: {  	v12 =	vld [tilespmem:s10+$0xFFFFFFC0];
	[tilespmem:s11+$0x50] =	vst v3  }
0x25a: {  	v3 =	vld [tilespmem:s21+$0x60]  }
0x25b: {  	[tilespmem:s10+$0xFFFFFFA0] =	vst v4;
	v4 =	vld [tilespmem:s16+$0x0];
	v5 =	vmul.f32 v10, v5  }
0x25c: {  	v2 =	vmul.f32 v2, v6;
	v6 =	vld [tilespmem:s8+$0x0]  }
0x25d: {  	v10 =	vld [tilespmem:s10+$0x40];
	[tilespmem:s10+$0x30] =	vst v5  }
0x25e: {  	v5 =	vld [tilespmem:s17+$0x40]  }
0x25f: {  	v9 =	vld [tilespmem:s11+$0x70];
	v3 =	vmul.f32 v3, v11  }
0x260: {  	v1 =	vld [tilespmem:s10+$0xFFFFFFE0]  }
0x261: {  	[tilespmem:s11+$0x60] =	vst v3;
	v3 =	vld [tilespmem:s17+$0xFFFFFFB0];
	v4 =	vmul.f32 v6, v4  }
0x262: {  	v6 =	vld [tilespmem:s16+$0xFFFFFF90]  }
0x263: {  	[tilespmem:s16+$0x0] =	vst v4;
	v4 =	vld [tilespmem:s16+$0x10];
	v5 =	vmul.f32 v5, v10  }
0x264: {  	v10 =	vld [tilespmem:s8+$0x10]  }
0x265: {  	v11 =	vld [tilespmem:s21+$0x70];
	[tilespmem:s10+$0x40] =	vst v5  }
0x266: {  	v3 =	vmul.f32 v3, v7;
	v7 =	vld [tilespmem:s17+$0x50]  }
0x267: {  	[tilespmem:s11+$0xFFFFFFD0] =	vst v2;
	v2 =	vld [tilespmem:s10+$0xFFFFFFF0]  }
0x268: {  	v14 =	vld [tilespmem:s21+$0xFFFFFFE0];
	[tilespmem:s10+$0xFFFFFFB0] =	vst v3;
	v6 =	vmul.f32 v15, v6  }
0x269: {  	v3 =	vmul.f32 v10, v4;
	v10 =	vld [tilespmem:s17+$0xFFFFFFC0]  }
0x26a: {  	[tilespmem:s16+$0xFFFFFF90] =	vst v6;
	v6 =	vld [tilespmem:s16+$0xFFFFFFE0]  }
0x26b: {  	v5 =	vld [tilespmem:s16+$0xFFFFFFB0];
	[tilespmem:s16+$0x10] =	vst v3;
	v3 =	vmul.f32 v7, v17  }
0x26c: {  	v7 =	vld [tilespmem:s16+$0x20]  }
0x26d: {  	v15 =	vld [tilespmem:s8+$0x20];
	[tilespmem:s10+$0x50] =	vst v3  }
0x26e: {  	v10 =	vmul.f32 v10, v12;
	v12 =	vld [tilespmem:s17+$0x60]  }
0x26f: {  	v61 =	vld [tilespmem:s8+$0xFFFFFFA0]  }
0x270: {  	v4 =	vld [tilespmem:s16+$0xFFFFFFC0];
	[tilespmem:s10+$0xFFFFFFC0] =	vst v10  }
0x271: {  	v10 =	vld [tilespmem:s17+$0xFFFFFFD0]  }
0x272: {  	v3 =	vld [tilespmem:s16+$0xFFFFFFD0];
	v7 =	vmul.f32 v15, v7  }
0x273: {  	v15 =	vld [tilespmem:s10+$0x70];
	v12 =	vmul.f32 v12, v18  }
0x274: {  	[tilespmem:s16+$0x20] =	vst v7;
	v7 =	vmul.f32 v14, v8;
	v14 =	vld [tilespmem:s16+$0x30]  }
0x275: {  	v8 =	vmul.f32 v61, v60;
	v62 =	vld [tilespmem:s8+$0x30];
	[tilespmem:s10+$0x60] =	vst v12  }
0x276: {  	[tilespmem:s11+$0xFFFFFFE0] =	vst v7;
	v7 =	vmul.f32 v10, v13;
	v63 =	vld [tilespmem:s17+$0x70]  }
0x277: {  	[tilespmem:s16+$0xFFFFFFA0] =	vst v8;
	v8 =	vld [tilespmem:s21+$0xFFFFFFF0]  }
0x278: {  	v12 =	vld [tilespmem:s8+$0xFFFFFFB0];
	[tilespmem:s10+$0xFFFFFFD0] =	vst v7  }
0x279: {  	v10 =	vmul.f32 v11, v9;
	v9 =	vld [tilespmem:s17+$0xFFFFFFE0]  }
0x27a: {  	v7 =	vld [tilespmem:s16+$0xFFFFFFF0];
	v13 =	vmul.f32 v62, v14  }
0x27b: {  	s15 =	simm.s32 $0x4;
	s14 =	simm.s32 $0x8480;
	s2 =	simm.s32 $0x4580;
	[tilespmem:s11+$0x70] =	vst v10;
	v10 =	vld [tilespmem:s16+$0x40];
	v11 =	vmul.f32 v63, v15  }
.LBB2_10:
0x27c: {  	v14 =	vld [tilespmem:s2+$0x0];
	[tilespmem:s16+$0x30] =	vst v13;
	s8 =	sadd.s32 $0x100, s8;
	v8 =	vmul.f32 v8, v0;
	v0 =	vmov v2  }
0x27d: {  	v13 =	vld [tilespmem:s8+$0x0];
	v12 =	vmul.f32 v12, v5;
	[tilespmem:s10+$0x70] =	vst v11  }
0x27e: {  	s15 =	sadd.s32 $0x2, s15;
	v5 =	vld [tilespmem:s14+$0x40];
	v9 =	vmul.f32 v9, v1;
	[tilespmem:s11+$0xFFFFFFF0] =	vst v8;
	v1 =	vmov v6;
	s11 =	smov.u32 s10;
	s10 =	smov.u32 s16  }
0x27f: {  	p0 =	slt.u32 s15, $0x7E;
	s16 =	smov.u32 s2;
	v6 =	vld [tilespmem:s8+$0xFFFFFF80];
	[tilespmem:s10+$0xFFFFFFB0] =	vst v12;
	v2 =	vmov v7  }
0x280: {  	v7 =	vld [tilespmem:s2+$0xFFFFFF80];
	[tilespmem:s11+$0xFFFFFFE0] =	vst v9  }
0x281: {  	v8 =	vld [tilespmem:s2+$0xFFFFFF90]  }
0x282: {  	v9 =	vld [tilespmem:s2+$0xFFFFFFA0];
	v11 =	vmul.f32 v13, v14  }
0x283: {  	v5 =	vmul.f32 v5, v10;
	v10 =	vld [tilespmem:s10+$0x50]  }
0x284: {  	[tilespmem:s2+$0x0] =	vst v11;
	v11 =	vld [tilespmem:s2+$0x10]  }
0x285: {  	v6 =	vmul.f32 v6, v7;
	v7 =	vld [tilespmem:s8+$0x10];
	[tilespmem:s10+$0x40] =	vst v5  }
0x286: {  	v12 =	vld [tilespmem:s14+$0x50]  }
0x287: {  	[tilespmem:s2+$0xFFFFFF80] =	vst v6;
	v5 =	vld [tilespmem:s2+$0xFFFFFFB0]  }
0x288: {  	v6 =	vld [tilespmem:s8+$0xFFFFFF90]  }
0x289: {  	v13 =	vld [tilespmem:s14+$0xFFFFFFC0]  }
0x28a: {  	v14 =	vld [tilespmem:s2+$0xFFFFFFC0];
	v7 =	vmul.f32 v7, v11  }
0x28b: {  	v10 =	vmul.f32 v12, v10;
	v11 =	vld [tilespmem:s10+$0x60]  }
0x28c: {  	[tilespmem:s2+$0x10] =	vst v7;
	v7 =	vld [tilespmem:s2+$0x20]  }
0x28d: {  	v6 =	vmul.f32 v6, v8;
	v8 =	vld [tilespmem:s8+$0x20];
	[tilespmem:s10+$0x50] =	vst v10  }
0x28e: {  	v10 =	vmul.f32 v13, v4;
	v12 =	vld [tilespmem:s14+$0x60]  }
0x28f: {  	[tilespmem:s2+$0xFFFFFF90] =	vst v6;
	v13 =	vld [tilespmem:s2+$0xFFFFFFD0];
	v4 =	vmov v14  }
0x290: {  	v14 =	vld [tilespmem:s8+$0xFFFFFFA0];
	[tilespmem:s10+$0xFFFFFFC0] =	vst v10  }
0x291: {  	v10 =	vld [tilespmem:s14+$0xFFFFFFD0]  }
0x292: {  	v6 =	vld [tilespmem:s2+$0xFFFFFFE0];
	v7 =	vmul.f32 v8, v7  }
0x293: {  	v8 =	vmul.f32 v12, v11;
	v11 =	vld [tilespmem:s10+$0x70]  }
0x294: {  	[tilespmem:s2+$0x20] =	vst v7;
	v15 =	vld [tilespmem:s2+$0x30]  }
0x295: {  	v7 =	vmul.f32 v14, v9;
	v14 =	vld [tilespmem:s8+$0x30];
	[tilespmem:s10+$0x60] =	vst v8  }
0x296: {  	v9 =	vmul.f32 v10, v3;
	v16 =	vld [tilespmem:s14+$0x70];
	v3 =	vmov v13  }
.Ltmp4:
0x297: {  	[tilespmem:s2+$0xFFFFFFA0] =	vst v7;
	v8 =	vld [tilespmem:s17+$0xFFFFFFF0];
	s17 =	smov.u32 s14;
	s14 =	smov.u32 s8;
	(pc) =	sbr.rel @p0 .LBB2_10-.Ltmp4, $4  }
0x298: {  	v12 =	vld [tilespmem:s8+$0xFFFFFFB0];
	[tilespmem:s10+$0xFFFFFFD0] =	vst v9  }
0x299: {  	v9 =	vld [tilespmem:s17+$0xFFFFFFE0]  }
0x29a: {  	v7 =	vld [tilespmem:s2+$0xFFFFFFF0];
	v13 =	vmul.f32 v14, v15  }
0x29b: {  	s2 =	sadd.s32 $0x100, s2;
	v10 =	vld [tilespmem:s16+$0x40];
	v11 =	vmul.f32 v16, v11  }
0x29c: {  	_ = 	snop  }
0x29d: {  	v5 =	vmul.f32 v12, v5  }
0x29e: {  	[tilespmem:s16+$0x30] =	vst v13  }
0x29f: {  	v54 =	vld [tilespmem:s14+$0x40];
	[tilespmem:s16+$0xFFFFFFB0] =	vst v5  }
0x2a0: {  	v5 =	vld [tilespmem:s14+$0xFFFFFFC0];
	_ =	sdelay $0x3  }
0x2a1: {  	v10 =	vmul.f32 v54, v10  }
0x2a2: {  	v4 =	vmul.f32 v5, v4  }
0x2a3: {  	v55 =	vld [tilespmem:s16+$0x50];
	[tilespmem:s16+$0x40] =	vst v10  }
0x2a4: {  	v56 =	vld [tilespmem:s14+$0x50];
	[tilespmem:s16+$0xFFFFFFC0] =	vst v4  }
0x2a5: {  	v4 =	vld [tilespmem:s14+$0xFFFFFFD0];
	_ =	sdelay $0x3  }
0x2a6: {  	v5 =	vmul.f32 v56, v55  }
0x2a7: {  	v3 =	vmul.f32 v4, v3  }
0x2a8: {  	v57 =	vld [tilespmem:s16+$0x60];
	[tilespmem:s16+$0x50] =	vst v5  }
0x2a9: {  	v58 =	vld [tilespmem:s14+$0x60];
	[tilespmem:s16+$0xFFFFFFD0] =	vst v3  }
0x2aa: {  	v3 =	vld [tilespmem:s14+$0xFFFFFFE0];
	_ =	sdelay $0x2  }
0x2ab: {  	v1 =	vmul.f32 v9, v1  }
0x2ac: {  	v4 =	vmul.f32 v58, v57  }
0x2ad: {  	v59 =	vld [tilespmem:s16+$0x70];
	[tilespmem:s10+$0xFFFFFFE0] =	vst v1;
	v3 =	vmul.f32 v3, v6  }
0x2ae: {  	v61 =	vld [tilespmem:s17+$0xFFFFFFF0];
	[tilespmem:s16+$0x60] =	vst v4  }
0x2af: {  	v60 =	vld [tilespmem:s14+$0x70];
	[tilespmem:s16+$0xFFFFFFE0] =	vst v3  }
0x2b0: {  	v3 =	vld [tilespmem:s14+$0xFFFFFFF0];
	_ =	sdelay $0x1  }
0x2b1: {  	v0 =	vmul.f32 v8, v0  }
0x2b2: {  	[tilespmem:s10+$0x70] =	vst v11;
	v62 =	vmul.f32 v61, v2  }
0x2b3: {  	[tilespmem:s11+$0xFFFFFFF0] =	vst v0;
	v1 =	vmul.f32 v60, v59  }
0x2b4: {  	[tilespmem:s10+$0xFFFFFFF0] =	vst v62;
	v63 =	vmul.f32 v3, v7  }
0x2b5: {  	[tilespmem:s16+$0x70] =	vst v1  }
0x2b6: {  	[tilespmem:s16+$0xFFFFFFF0] =	vst v63  }
0x2b7: {  	[spmem:s24] =	stream.indirect.scatter.add.f32 [tilespmem:s29], [sflag:$0x8], $0x80, s0, s23, $0xb8;
	[tilespmem:$0x1FE00] =	vst v63  }
0x2b8: {  	_ =	swait.ge [sflag:s22], $0x4000  }
0x2b9: {  	[sflag:s22] =	ssyncset.done $0x0  }
0x2ba: {  	[sflag:s22] =	ssyncadd.s32 $0xFFFFC000  }
0x2bb: {  	[bflag:$0x0] =	sbarrier.arrive $0xFFFF  }
0x2bc: {  	s14 =	rddreg [dreg:$0x5]  }
0x2bd: {  	s2 =	rddreg [dreg:$0xe]  }
0x2be: {  	s8 =	rddreg [dreg:$0x10]  }
0x2bf: {  	[hbm:s2], [sflag:s14] =	dma.local [spmem:s8], $0x2780  }
0x2c0: {  	_ =	swait.ge [sflag:s22], $0x2780  }
0x2c1: {  	s19 =	rddreg [dreg:$0x11]  }
0x2c2: {  	s21 =	rddreg [dreg:$0xf];
	s10 =	sadd.s32 $0x1, s19  }
0x2c3: {  	p0 =	sne.s32 s10, s21  }
.Ltmp5:
0x2c4: {  	_ = 	snop;
	(pc) =	sbr.rel @p0 .LBB2_1-.Ltmp5, $3  }
0x2c5: {  	_ =	sdelay $0x1  }
0x2c6: {  	[sflag:s22] =	ssyncset.done $0x0  }
0x2c7: {  	[sflag:s22] =	ssyncadd.s32 $0xFFFFD880  }
0x2c8: {  	_ =	sfence.sel $0x180000  }
0x2c9: {  	[bflag:$0x0] =	sbarrier.arrive $0xFFFF  }
0x2ca: {  	_ =	strace $0x90000047  }
0x2cb: {  	s0 =	stileid.u32;
	[bflag:$0x2] =	sbarrier.arrive $0xFFFF  }
0x2cc: {  	p0 =	sne.s32 s0, $0x0;
	s0 =	rddreg [dreg:$0x2]  }
0x2cd: {  	s0 =	sadd.s32 @!p0 $0x100000, s0  }
0x2ce: {  	[sflag:s0] =	ssyncadd.tile.s32 @!p0 $0x1;
	_ =	shalt  }
.Lfunc_end2:
_tile_overlayer_lowered:
.L_overlay_start_2:
0x2cf: {  	(tag) =	ssettag $0x2  }
0x2d0: {  	s0 =	rddreg [dreg:$0x0];
	s2 =	stileid.u32  }
0x2d1: {  	s1 =	rddreg [dreg:$0x1];
	p0 =	sne.s32 s2, $0x0  }
0x2d2: {  	s3 =	rddreg [dreg:$0x2];
	[bflag:$0x3] =	sbarrier.arrive $0xFFFF;
	s2 =	simm.s32 @!p0 $0x1C08  }
0x2d3: {  	[timem:s3], [sflag:s2] =	dma.local @!p0 [hbm:s0], s1  }
0x2d4: {  	s0 =	simm.s32 @!p0 $0x8  }
0x2d5: {  	_ =	swait.ge @!p0 [sflag:s0], s1  }
0x2d6: {  	s1 =	ssub.s32 @!p0 $0x0, s1;
	[sflag:s0] =	ssyncset.done @!p0 $0x0  }
0x2d7: {  	[sflag:s0] =	ssyncadd.s32 @!p0 s1  }
0x2d8: {  	[bflag:$0x3] =	sbarrier.arrive $0xFFFF  }
0x2d9: {  	_ =	shalt  }

// kernel: _impl.15.cloned.1.call-start
scs
__scs_entry_jumppad:
0x0: {  	(pc) =	sbr.rel $0x88, $3  }
0x1: {  	(tag) =	ssettag $0x0;
	lr =	simm.s32 $0x1  }
0x2: {  	[smem:$0x3F96] =	sst lr;
	_ =	strace $0xD0000000  }
0x3: {  	_ = 	snop  }
0x4: {  	_ = 	snop  }
0x5: {  	_ = 	snop  }
0x6: {  	_ = 	snop  }
0x7: {  	_ = 	snop  }
__scs_overlays_trampoline_lowered:
0x8: {  	[smem:$0x3FA5] =	sst s0  }
0x9: {  	[smem:$0x3FA6] =	sst s1  }
0xa: {  	[smem:$0x3FA7] =	sst s2  }
0xb: {  	[smem:$0x3FA8] =	sst s3  }
0xc: {  	[smem:$0x3FA9] =	sst s4  }
0xd: {  	[smem:$0x3FAA] =	sst s5  }
0xe: {  	[smem:$0x3FAB] =	sst s6  }
0xf: {  	[smem:$0x3FAC] =	sst s7  }
0x10: {  	[smem:$0x3FAD] =	sst s8  }
0x11: {  	[smem:$0x3FAE] =	sst s9;
	s0 =	simm.s32 @!p0 $0x0  }
0x12: {  	s1 =	sld [smem:$0x3F94];
	s0 =	simm.s32 @p0 $0x1  }
0x13: {  	[smem:$0x3FAF] =	sst s0;
	s0 =	simm.s32 @!p1 $0x0  }
0x14: {  	s2 =	sld [smem:$0x3F93];
	s0 =	simm.s32 @p1 $0x1  }
0x15: {  	[smem:$0x3FB0] =	sst s0;
	s0 =	simm.s32 @!p2 $0x0  }
0x16: {  	s3 =	sld [smem:$0x3FDB];
	s0 =	simm.s32 @p2 $0x1  }
0x17: {  	s4 =	simm.s32 $0x1BF5;
	[smem:$0x3FB2] =	sst s0  }
0x18: {  	s0 =	sld [smem:$0x3F95];
	_ =	swait.ge [sflag:s4], $0x0  }
0x19: {  	s7 =	sld [smem:$0x3F96]  }
0x1a: {  	s8 =	sadd.s32 $0xFFFFE003, lr  }
0x1b: {  	s9 =	sadd.s32 $0xFFFFFEF7, lr;
	s5 =	simm.s32 $0xFFFFFFFF;
	p2 =	slt.u32 s8, $0xFFFFF086  }
0x1c: {  	p1 =	slt.u32 s9, $0xF7A;
	s5 =	simm.s32 @!p2 $0x0  }
0x1d: {  	s5 =	simm.s32 @p1 $0x1;
	p0 =	seq.s32 s7, s2  }
0x1e: {  	s7 =	smul.u32 @!p0 $0xF7A, s2;
	p2 =	seq.s32 @!p0 s5, $0x0  }
0x1f: {  	s9 =	smul.u32 $0xF7A, s1;
	s8 =	simm.s32 @!p0 $0x1BF5;
	p2 =	por !p2, p0  }
0x20: {  	[sflag:s8] =	ssyncset.s32 @!p0 $0xFFFFF086;
	s6 =	sadd.s32 @!p0 s3, s7;
	s7 =	simm.s32 @!p0 $0x108  }
0x21: {  	s3 =	sadd.s32 s3, s9;
	s6 =	sadd.s32 @!p0 $0x88, s6;
	s7 =	simm.s32 @p2 $0x1082  }
0x22: {  	[simem:s7], [sflag:s8] =	dma.local @!p0 [hbm:s6], $0xF7A  }
0x23: {  	s9 =	sor.u32 $0xD0000000, s2;
	s6 =	simm.s32 $0x108;
	_ =	swait.ge @!p0 [sflag:s8], $0x0  }
0x24: {  	s3 =	sadd.s32 $0x88, s3;
	s6 =	simm.s32 @!p1 $0x1082;
	[sflag:s4] =	ssyncset.s32 $0xFFFFF086  }
0x25: {  	[simem:s6], [sflag:s4] =	dma.local [hbm:s3], $0xF7A  }
0x26: {  	[smem:$0x3F96] =	sst s1;
	(tag) =	ssettag s2;
	_ =	strace s9  }
0x27: {  	s1 =	sld [smem:$0x3FA6]  }
0x28: {  	s2 =	sld [smem:$0x3FA7]  }
0x29: {  	s4 =	sld [smem:$0x3FA9]  }
0x2a: {  	p0 =	seq.s32 s5, $0x0;
	s5 =	sld [smem:$0x3FAA]  }
0x2b: {  	s6 =	sld [smem:$0x3FAB]  }
0x2c: {  	s7 =	sld [smem:$0x3FAC]  }
0x2d: {  	s3 =	simm.s32 $0x108;
	s8 =	sld [smem:$0x3FAD]  }
0x2e: {  	s3 =	simm.s32 @!p0 $0x1082;
	s9 =	sld [smem:$0x3FAE]  }
0x2f: {  	lr =	sadd.s32 s0, s3;
	s0 =	sld [smem:$0x3FA5]  }
0x30: {  	s3 =	sld [smem:$0x3FA8]  }
0x31: {  	[smem:$0x3FB1] =	sst s10  }
0x32: {  	s10 =	sld [smem:$0x3FAF];
	_ =	sdelay $0x3  }
0x33: {  	p0 =	seq.s32 s10, $0x1;
	s10 =	sld [smem:$0x3FB1];
	_ =	sdelay $0x3  }
0x34: {  	[smem:$0x3FB1] =	sst s10  }
0x35: {  	s10 =	sld [smem:$0x3FB0];
	_ =	sdelay $0x3  }
0x36: {  	p1 =	seq.s32 s10, $0x1;
	s10 =	sld [smem:$0x3FB1];
	_ =	sdelay $0x3  }
0x37: {  	[smem:$0x3FB1] =	sst s10  }
0x38: {  	s10 =	sld [smem:$0x3FB2]  }
0x39: {  	_ = 	snop;
	(pc) =	sbr.ind lr, $3  }
0x3a: {  	_ = 	snop  }
0x3b: {  	_ = 	snop  }
0x3c: {  	p2 =	seq.s32 s10, $0x1;
	s10 =	sld [smem:$0x3FB1]  }
0x3d: {  	_ =	shalt  }
0x3e: {  	_ =	shalt  }
0x3f: {  	_ =	shalt  }
0x40: {  	_ =	shalt  }
0x41: {  	_ =	shalt  }
0x42: {  	_ =	shalt  }
0x43: {  	_ =	shalt  }
0x44: {  	_ =	shalt  }
0x45: {  	_ =	shalt  }
0x46: {  	_ =	shalt  }
0x47: {  	_ =	shalt  }
0x48: {  	_ =	shalt  }
0x49: {  	_ =	shalt  }
0x4a: {  	_ =	shalt  }
0x4b: {  	_ =	shalt  }
0x4c: {  	_ =	shalt  }
0x4d: {  	_ =	shalt  }
0x4e: {  	_ =	shalt  }
0x4f: {  	_ =	shalt  }
0x50: {  	_ =	shalt  }
0x51: {  	_ =	shalt  }
0x52: {  	_ =	shalt  }
0x53: {  	_ =	shalt  }
0x54: {  	_ =	shalt  }
0x55: {  	_ =	shalt  }
0x56: {  	_ =	shalt  }
0x57: {  	_ =	shalt  }
0x58: {  	_ =	shalt  }
0x59: {  	_ =	shalt  }
0x5a: {  	_ =	shalt  }
0x5b: {  	_ =	shalt  }
0x5c: {  	_ =	shalt  }
0x5d: {  	_ =	shalt  }
0x5e: {  	_ =	shalt  }
0x5f: {  	_ =	shalt  }
0x60: {  	_ =	shalt  }
0x61: {  	_ =	shalt  }
0x62: {  	_ =	shalt  }
0x63: {  	_ =	shalt  }
0x64: {  	_ =	shalt  }
0x65: {  	_ =	shalt  }
0x66: {  	_ =	shalt  }
0x67: {  	_ =	shalt  }
0x68: {  	_ =	shalt  }
0x69: {  	_ =	shalt  }
0x6a: {  	_ =	shalt  }
0x6b: {  	_ =	shalt  }
0x6c: {  	_ =	shalt  }
0x6d: {  	_ =	shalt  }
0x6e: {  	_ =	shalt  }
0x6f: {  	_ =	shalt  }
0x70: {  	_ =	shalt  }
0x71: {  	_ =	shalt  }
0x72: {  	_ =	shalt  }
0x73: {  	_ =	shalt  }
0x74: {  	_ =	shalt  }
0x75: {  	_ =	shalt  }
0x76: {  	_ =	shalt  }
0x77: {  	_ =	shalt  }
0x78: {  	_ =	shalt  }
0x79: {  	_ =	shalt  }
0x7a: {  	_ =	shalt  }
0x7b: {  	_ =	shalt  }
0x7c: {  	_ =	shalt  }
0x7d: {  	_ =	shalt  }
0x7e: {  	_ =	shalt  }
0x7f: {  	_ =	shalt  }
0x80: {  	_ =	shalt  }
0x81: {  	_ =	shalt  }
0x82: {  	_ =	shalt  }
0x83: {  	_ =	shalt  }
0x84: {  	_ =	shalt  }
0x85: {  	_ =	shalt  }
0x86: {  	_ =	shalt  }
0x87: {  	_ =	shalt  }
.Lfunc_end0:
.L_simem_size_0:
called_computation.1_lowered:
.L_overlay_start_0:
0x88: {  	s2 =	sld [smem:$0x3FD9]  }
0x89: {  	s3 =	sld [smem:$0x3FFE];
	_ =	sdelay $0x1  }
0x8a: {  	s1 =	srdreg.scid  }
0x8b: {  	s0 =	sand.u32 $0x1, s1  }
0x8c: {  	s16 =	sshll.u32 s0, $0xA;
	s2 =	sadd.s32 s3, s2  }
0x8d: {  	s2 =	sadd.s32 s2, s16  }
0x8e: {  	[smem:$0x3FBD] =	sst s2  }
0x8f: {  	_ = 	snop  }
0x90: {  	(tm) =	ssettm $0x1  }
0x91: {  	s17 =	sld [smem:$0x3FFB];
	_ =	sdelay $0x3  }
0x92: {  	_ =	strace s17  }
0x93: {  	s2 =	sld [smem:$0x3FFC];
	_ =	sdelay $0x3  }
0x94: {  	_ =	strace s2  }
0x95: {  	s2 =	sld [smem:$0x3FFD];
	_ =	sdelay $0x3  }
0x96: {  	_ =	strace s2  }
0x97: {  	_ =	strace $0x8FFFFFFF  }
0x98: {  	s18 =	sld [smem:$0x3FDB];
	_ =	sdelay $0x1  }
0x99: {  	s19 =	simm.s32 $_scs_section_size  }
0x9a: {  	s4 =	simm.s32 $_size__tile_overlayer_lowered;
	s5 =	simm.s32 $_tile_overlayer_lowered  }
0x9b: {  	s22 =	simm.s32 $0x1BFF;
	s21 =	sshll.u32 s5, $0x1;
	s2 =	sadd.s32 s19, s18  }
0x9c: {  	s6 =	simm.s32 $0x0;
	s20 =	sshll.u32 s4, $0x1;
	s4 =	sadd.s32 s21, s2  }
0x9d: {  	[timem:s6], [sflag:s22] =	dma.local [hbm:s4], s20  }
0x9e: {  	_ =	swait.ge [sflag:s22], s20  }
0x9f: {  	s3 =	ssub.s32 $0x0, s20;
	[sflag:s22] =	ssyncset.done $0x0  }
0xa0: {  	[sflag:s22] =	ssyncadd.s32 s3;
	_ =	sdelay $0x1  }
0xa1: {  	s23 =	simm.s32 $0x1B8B  }
0xa2: {  	_ =	swait.ge [sflag:s23], $0x1  }
0xa3: {  	[sflag:s23] =	ssyncset.done $0x0  }
0xa4: {  	s25 =	simm.s32 $0x1B8E;
	s24 =	sld [smem:$0x3FFE];
	[sflag:s23] =	ssyncadd.s32 $0xFFFFFFFF  }
0xa5: {  	s26 =	simm.s32 $execute0_lowered;
	[smem:$0x3FD2] =	sst s25  }
0xa6: {  	s4 =	sshll.u32 s26, $0x1;
	_ =	strace $0x80000049;
	[dreg:$0x1] =	wrdreg $0xFFFFFFFF  }
0xa7: {  	s28 =	simm.s32 $_size_execute0_lowered;
	s2 =	sadd.s32 s2, s4;
	[dreg:$0x0] =	wrdreg $0x0  }
0xa8: {  	s4 =	sshll.u32 s28, $0x1;
	[dreg:$0x2] =	wrdreg s2  }
0xa9: {  	[dreg:$0x3] =	wrdreg s4  }
0xaa: {  	[dreg:$0x4] =	wrdreg $0xC0  }
0xab: {  	_ =	task [dreg:s6], $0x5FFFF  }
0xac: {  	[dreg:$0x1] =	wrdreg $0xFFFFFFFF  }
0xad: {  	[dreg:$0x0] =	wrdreg $0x60  }
0xae: {  	[dreg:$0x2] =	wrdreg s24  }
0xaf: {  	[dreg:$0x3] =	wrdreg $0xC2000  }
0xb0: {  	[dreg:$0x4] =	wrdreg $0x9  }
0xb1: {  	_ =	task.clear_ibuf [dreg:s6], $0x5FFFF;
	_ =	strace $0x90000049  }
0xb2: {  	s29 =	simm.s32 $0x9;
	_ =	strace $0x8000004B  }
0xb3: {  	_ =	swait.ge [sflag:s29], $0x1  }
0xb4: {  	[sflag:s29] =	ssyncadd.s32 $0xFFFFFFFF  }
0xb5: {  	_ =	strace $0x9000004B  }
0xb6: {  	_ =	sfence  }
0xb7: {  	s30 =	sld [smem:$0x0];
	_ =	sdelay $0x2  }
0xb8: {  	s31 =	sshll.u32 s1, $0xD;
	s1 =	sshrl.u32 s1, $0x2  }
0xb9: {  	s3 =	sand.u32 $0x4000, s31;
	s1 =	sadd.s32 s1, s30  }
0xba: {  	s0 =	sor.u32 s3, s0;
	s1 =	sshll.u32 s1, $0x11  }
0xbb: {  	s0 =	sor.u32 s1, s0  }
0xbc: {  	s0 =	sadd.s32 $0x8F2B, s0  }
0xbd: {  	[sflag:s0] =	ssyncadd.remote.s32 $0x1  }
0xbe: {  	_ =	sfence.sel $0xFFFF  }
0xbf: {  	[dreg:$0x0] =	wrdreg $0xFFFFFFFF;
	(pc) =	sbr.abs _section_cstart, $3  }
0xc0: {  	[dreg:$0x1] =	wrdreg $0xFFFFFFFF  }
0xc1: {  	_ =	task.clear_ibuf [dreg:s6], $0x2FFFF;
	_ =	strace $0x9FFFFFFF  }
0xc2: {  	(tm) =	ssettm $0x7FFFFFFF  }
0xc3: {  	_ =	shalt  }
tec
execute0_lowered:
.L_overlay_start_1:
0x0: {  	(tag) =	ssettag $0x1  }
0x1: {  	s0 =	rddreg [dreg:$0x0]  }
0x2: {  	s24 =	rddreg [dreg:$0x1]  }
0x3: {  	s3 =	simm.s32 $0x0;
	s12 =	stileid.u32;
	s1 =	srdreg.scid  }
0x4: {  	s28 =	simm.s32 $0x4;
	s29 =	simm.s32 $0x4200;
	s30 =	simm.s32 $0x1  }
0x5: {  	s31 =	simm.s32 $0x5;
	[smem:$0x7FF] =	sst s3;
	s2 =	smul.u32 $0x2780, s12  }
0x6: {  	s1 =	sand.u32 $0x1, s1;
	s4 =	sadd.s32 $0x5E3E00, s0;
	s5 =	sadd.s32 $0x5A200, s0  }
0x7: {  	s6 =	sadd.s32 $0x64200, s0;
	s7 =	sadd.s32 $0x632E00, s0;
	s10 =	smul.u32 $0x4F000, s12  }
0x8: {  	s16 =	sshll.u32 s12, $0x6;
	_ =	strace $0x8000004A;
	s8 =	smul.u32 $0x27800, s1  }
0x9: {  	s25 =	sshll.u32 s1, $0x4;
	s1 =	ssub.s32 $0x2, s1;
	s9 =	sadd.s32 s2, s0  }
0xa: {  	s26 =	sor.u32 s12, s25;
	s14 =	sshrl.u32 s1, $0x1;
	s10 =	sshrl.u32 s10, $0x2  }
0xb: {  	s12 =	simm.s32 $0x2;
	s2 =	sadd.s32 s2, s8;
	s11 =	smul.u32 $0x500, s26  }
0xc: {  	s1 =	ssub.s32 s1, s14;
	s15 =	sadd.s32 s10, s24;
	s9 =	sadd.s32 $0x5BC600, s9  }
0xd: {  	s13 =	smul.u32 $0x50, s26;
	s14 =	sor.u32 $0x1C08, s16;
	[dreg:$0x4] =	wrdreg s9  }
0xe: {  	s17 =	smul.u32 $0x140000, s26;
	s0 =	sadd.s32 s2, s0;
	[dreg:$0x5] =	wrdreg s14  }
0xf: {  	s2 =	smul.u32 $0x2800, s26;
	s26 =	smax.u32 s1, $0x1;
	[dreg:$0x3] =	wrdreg s13  }
0x10: {  	s10 =	simm.s32 $0x0;
	s8 =	sshrl.u32 s15, $0x3;
	[dreg:$0xf] =	wrdreg s26  }
0x11: {  	s1 =	simm.s32 $0x7;
	s18 =	sadd.s32 s5, s11;
	[dreg:$0x10] =	wrdreg s8  }
0x12: {  	s19 =	sadd.s32 s6, s11;
	s20 =	sor.u32 $0x2, s13;
	[dreg:$0x6] =	wrdreg s18  }
0x13: {  	s21 =	sor.u32 $0x3, s13;
	s22 =	sshrl.u32 s17, $0x3;
	[dreg:$0x8] =	wrdreg s19  }
0x14: {  	s0 =	sadd.s32 $0x6E200, s0;
	s26 =	simm.s32 $0x8200;
	[dreg:$0x9] =	wrdreg s20  }
0x15: {  	s13 =	simm.s32 $0x6;
	s9 =	sadd.s32 $0x10, s18;
	[dreg:$0xa] =	wrdreg s21  }
0x16: {  	s2 =	sadd.s32 $0x2780, s2;
	[dreg:$0xe] =	wrdreg s0;
	s20 =	simm.s32 $0x200  }
0x17: {  	s0 =	simm.s32 $0x180;
	[dreg:$0x7] =	wrdreg s9;
	s9 =	sadd.s32 s7, s22  }
0x18: {  	s23 =	sshrl.u32 s2, $0x3;
	s2 =	sshll.u32 s2, $0x4;
	s9 =	sadd.s32 $0x27000, s9  }
0x19: {  	s22 =	simm.s32 $0x8;
	s25 =	sadd.s32 s6, s23;
	[dreg:$0xb] =	wrdreg s9  }
0x1a: {  	s2 =	sadd.s32 s7, s2;
	s23 =	simm.s32 $0x80;
	[dreg:$0xc] =	wrdreg s25  }
0x1b: {  	[dreg:$0xd] =	wrdreg s2;
	s25 =	simm.s32 $0x100;
	s9 =	simm.s32 $0x3  }
.LBB2_1:
0x1c: {  	[dreg:$0x11] =	wrdreg s10  }
0x1d: {  	s2 =	rddreg [dreg:$0x4]  }
0x1e: {  	[spmem:s8], [sflag:s14] =	dma.local [hbm:s2], $0x2780  }
0x1f: {  	_ =	swait.ge [sflag:s22], $0x2780  }
0x20: {  	[sflag:s22] =	ssyncset.done $0x0  }
0x21: {  	[sflag:s22] =	ssyncadd.s32 $0xFFFFD880  }
0x22: {  	[bflag:$0x0] =	sbarrier.arrive $0xFFFF  }
0x23: {  	s19 =	rddreg [dreg:$0x6]  }
0x24: {  	[tilespmem:s3], [sflag:$0x8] =	stream.linear.gather [hbm4b:s19+s3], $0x80, $0x38;
	[tilespmem:$0x1FE00] =	vst v63  }
0x25: {  	_ =	swait.ge [sflag:s22], $0x80  }
0x26: {  	[sflag:s22] =	ssyncset.done $0x0  }
0x27: {  	[sflag:s22] =	ssyncadd.s32 $0xFFFFFF80  }
0x28: {  	[tilespmem:s20], [sflag:$0x1] =	stream.indirect.gather [hbm4b:s4+s23], $0x80, s3, s23, $0xb8;
	[tilespmem:$0x1FE00] =	vst v63  }
0x29: {  	s20 =	rddreg [dreg:$0x7]  }
0x2a: {  	[tilespmem:s23], [sflag:$0x4] =	stream.linear.gather [hbm4b:s20+s3], $0x80, $0x38;
	[tilespmem:$0x1FE00] =	vst v63  }
0x2b: {  	s17 =	simm.s32 $0x0;
	s21 =	rddreg [dreg:$0x8]  }
0x2c: {  	[tilespmem:s25], [sflag:$0x5] =	stream.linear.gather [hbm4b:s21+s3], $0x80, $0x38;
	[tilespmem:$0x1FE00] =	vst v63  }
.LBB2_2:
0x2d: {  	s18 =	sshll.u32 s17, $0x1;
	s2 =	rddreg [dreg:$0x3]  }
0x2e: {  	s2 =	sadd.s32 s2, s18  }
0x2f: {  	s8 =	sshll.u32 s2, $0xB  }
0x30: {  	s8 =	sadd.s32 s7, s8  }
0x31: {  	[tilespmem:s26], [sflag:$0x7] =	stream.linear.gather [hbm4b:s8+s3], $0x4000, $0x38;
	[tilespmem:$0x1FE00] =	vst v63  }
0x32: {  	_ =	swait.ge [sflag:s28], $0x80  }
0x33: {  	[sflag:s28] =	ssyncset.done $0x0;
	s15 =	rddreg [dreg:$0x9]  }
0x34: {  	[sflag:s28] =	ssyncadd.s32 $0xFFFFFF80;
	s8 =	sadd.s32 s18, s15  }
0x35: {  	[tilespmem:s29], [sflag:$0x2] =	stream.indirect.gather [hbm4b:s4+s23], $0x80, s23, s23, $0xb8;
	[tilespmem:$0x1FE00] =	vst v63  }
0x36: {  	s8 =	sshll.u32 s8, $0x4;
	_ =	swait.ge [sflag:s30], $0x4000  }
0x37: {  	s19 =	sand.u32 $0x1FFFFFE0, s8;
	[sflag:s30] =	ssyncset.done $0x0  }
0x38: {  	s20 =	sadd.s32 $0x1, s2;
	s16 =	sadd.s32 s5, s19;
	[sflag:s30] =	ssyncadd.s32 $0xFFFFC000  }
0x39: {  	[tilespmem:s3], [sflag:$0x3] =	stream.linear.gather [hbm4b:s16+s3], $0x80, $0x38;
	[tilespmem:$0x1FE00] =	vst v63  }
0x3a: {  	s21 =	sshll.u32 s20, $0x4;
	_ =	swait.ge [sflag:s31], $0x80  }
0x3b: {  	s2 =	sand.u32 $0x1FFFFFF0, s21;
	[sflag:s31] =	ssyncset.done $0x0  }
0x3c: {  	s2 =	sadd.s32 s6, s2;
	[sflag:s31] =	ssyncadd.s32 $0xFFFFFF80  }
0x3d: {  	[tilespmem:s0], [sflag:$0x6] =	stream.linear.gather [hbm4b:s2+s3], $0x80, $0x38;
	[tilespmem:$0x1FE00] =	vst v63  }
0x3e: {  	_ =	swait.ge [sflag:s1], $0x4000  }
0x3f: {  	[sflag:s1] =	ssyncset.done $0x0  }
0x40: {  	s11 =	simm.s32 $0x280;
	[sflag:s1] =	ssyncadd.s32 $0xFFFFC000  }
0x41: {  	s14 =	simm.s32 $0x8280;
	v0 =	vld [tilespmem:s11+$0x0]  }
0x42: {  	v1 =	vld [tilespmem:s14+$0x0];
	_ =	sdelay $0x3  }
0x43: {  	v2 =	vld [tilespmem:s11+$0xFFFFFF80]  }
0x44: {  	v0 =	vmul.f32 v1, v0;
	v1 =	vld [tilespmem:s14+$0xFFFFFF80];
	_ =	sdelay $0x1  }
0x45: {  	[tilespmem:s11+$0x0] =	vst v0;
	v0 =	vld [tilespmem:s11+$0x10]  }
0x46: {  	v3 =	vld [tilespmem:s14+$0x10];
	_ =	sdelay $0x1  }
0x47: {  	v1 =	vmul.f32 v1, v2;
	_ =	sdelay $0x1  }
0x48: {  	v4 =	vld [tilespmem:s11+$0xFFFFFF90];
	[tilespmem:s11+$0xFFFFFF80] =	vst v1  }
0x49: {  	v0 =	vmul.f32 v3, v0;
	v1 =	vld [tilespmem:s14+$0xFFFFFF90];
	_ =	sdelay $0x1  }
0x4a: {  	[tilespmem:s11+$0x10] =	vst v0;
	v0 =	vld [tilespmem:s11+$0x20]  }
0x4b: {  	v3 =	vld [tilespmem:s14+$0x20]  }
0x4c: {  	v5 =	vld [tilespmem:s11+$0xFFFFFFB0]  }
0x4d: {  	s10 =	simm.s32 $0x380;
	v6 =	vld [tilespmem:s11+$0xFFFFFFD0];
	v1 =	vmul.f32 v1, v4  }
0x4e: {  	v7 =	vld [tilespmem:s10+$0x0]  }
0x4f: {  	v2 =	vld [tilespmem:s11+$0xFFFFFFA0];
	[tilespmem:s11+$0xFFFFFF90] =	vst v1  }
0x50: {  	v0 =	vmul.f32 v3, v0;
	v1 =	vld [tilespmem:s14+$0xFFFFFFA0]  }
0x51: {  	v8 =	vld [tilespmem:s11+$0xFFFFFFE0]  }
0x52: {  	[tilespmem:s11+$0x20] =	vst v0;
	v0 =	vld [tilespmem:s11+$0x30]  }
0x53: {  	s21 =	simm.s32 $0x8380;
	v3 =	vld [tilespmem:s14+$0x30]  }
0x54: {  	v10 =	vld [tilespmem:s21+$0xFFFFFF80]  }
0x55: {  	v1 =	vmul.f32 v1, v2;
	v2 =	vld [tilespmem:s21+$0x0]  }
0x56: {  	v12 =	vld [tilespmem:s10+$0xFFFFFF90]  }
0x57: {  	s8 =	simm.s32 $0x8480;
	v13 =	vld [tilespmem:s10+$0xFFFFFFD0]  }
0x58: {  	v15 =	vld [tilespmem:s8+$0xFFFFFF80];
	v0 =	vmul.f32 v3, v0  }
0x59: {  	[tilespmem:s11+$0xFFFFFFA0] =	vst v1;
	v1 =	vld [tilespmem:s11+$0x40]  }
0x5a: {  	[tilespmem:s11+$0x30] =	vst v0;
	v2 =	vmul.f32 v2, v7;
	v7 =	vld [tilespmem:s10+$0xFFFFFF80]  }
0x5b: {  	s16 =	simm.s32 $0x480;
	v9 =	vld [tilespmem:s14+$0x40]  }
0x5c: {  	v16 =	vld [tilespmem:s16+$0xFFFFFF80]  }
0x5d: {  	v3 =	vld [tilespmem:s14+$0xFFFFFFB0]  }
0x5e: {  	v17 =	vld [tilespmem:s10+$0x50]  }
0x5f: {  	[tilespmem:s10+$0x0] =	vst v2;
	v2 =	vld [tilespmem:s10+$0x10];
	v7 =	vmul.f32 v10, v7  }
0x60: {  	v11 =	vld [tilespmem:s21+$0x10];
	v1 =	vmul.f32 v9, v1  }
0x61: {  	v9 =	vld [tilespmem:s11+$0x50];
	[tilespmem:s10+$0xFFFFFF80] =	vst v7  }
0x62: {  	[tilespmem:s11+$0x40] =	vst v1;
	v1 =	vmul.f32 v3, v5;
	v5 =	vld [tilespmem:s21+$0xFFFFFF90]  }
0x63: {  	v3 =	vld [tilespmem:s14+$0x50]  }
0x64: {  	v60 =	vld [tilespmem:s16+$0xFFFFFFA0]  }
0x65: {  	v4 =	vld [tilespmem:s11+$0xFFFFFFC0];
	v2 =	vmul.f32 v11, v2;
	[tilespmem:s11+$0xFFFFFFB0] =	vst v1  }
0x66: {  	v1 =	vld [tilespmem:s14+$0xFFFFFFC0]  }
0x67: {  	[tilespmem:s10+$0x10] =	vst v2;
	v2 =	vld [tilespmem:s10+$0x20]  }
0x68: {  	v5 =	vmul.f32 v5, v12;
	v3 =	vmul.f32 v3, v9;
	v9 =	vld [tilespmem:s21+$0x20]  }
0x69: {  	v18 =	vld [tilespmem:s10+$0x60];
	v15 =	vmul.f32 v15, v16  }
0x6a: {  	v10 =	vld [tilespmem:s10+$0xFFFFFFA0];
	[tilespmem:s10+$0xFFFFFF90] =	vst v5  }
0x6b: {  	[tilespmem:s16+$0xFFFFFF80] =	vst v15;
	v1 =	vmul.f32 v1, v4;
	v4 =	vld [tilespmem:s21+$0xFFFFFFA0]  }
0x6c: {  	v15 =	vld [tilespmem:s8+$0xFFFFFF90]  }
0x6d: {  	v0 =	vld [tilespmem:s11+$0xFFFFFFF0];
	[tilespmem:s11+$0xFFFFFFC0] =	vst v1;
	v1 =	vmul.f32 v9, v2  }
0x6e: {  	v7 =	vld [tilespmem:s10+$0xFFFFFFB0]  }
0x6f: {  	v5 =	vld [tilespmem:s10+$0x30];
	[tilespmem:s10+$0x20] =	vst v1  }
0x70: {  	v4 =	vmul.f32 v4, v10;
	v10 =	vld [tilespmem:s21+$0x30]  }
0x71: {  	v2 =	vld [tilespmem:s14+$0xFFFFFFD0]  }
0x72: {  	v11 =	vld [tilespmem:s11+$0x60]  }
0x73: {  	v12 =	vld [tilespmem:s10+$0xFFFFFFC0];
	[tilespmem:s11+$0x50] =	vst v3  }
0x74: {  	v3 =	vld [tilespmem:s14+$0x60]  }
0x75: {  	[tilespmem:s10+$0xFFFFFFA0] =	vst v4;
	v4 =	vld [tilespmem:s16+$0x0];
	v5 =	vmul.f32 v10, v5  }
0x76: {  	v2 =	vmul.f32 v2, v6;
	v6 =	vld [tilespmem:s8+$0x0]  }
0x77: {  	v10 =	vld [tilespmem:s10+$0x40];
	[tilespmem:s10+$0x30] =	vst v5  }
0x78: {  	v5 =	vld [tilespmem:s21+$0x40]  }
0x79: {  	v9 =	vld [tilespmem:s11+$0x70];
	v3 =	vmul.f32 v3, v11  }
0x7a: {  	v1 =	vld [tilespmem:s10+$0xFFFFFFE0]  }
0x7b: {  	[tilespmem:s11+$0x60] =	vst v3;
	v3 =	vld [tilespmem:s21+$0xFFFFFFB0];
	v4 =	vmul.f32 v6, v4  }
0x7c: {  	v6 =	vld [tilespmem:s16+$0xFFFFFF90]  }
0x7d: {  	[tilespmem:s16+$0x0] =	vst v4;
	v4 =	vld [tilespmem:s16+$0x10];
	v5 =	vmul.f32 v5, v10  }
0x7e: {  	v10 =	vld [tilespmem:s8+$0x10]  }
0x7f: {  	v11 =	vld [tilespmem:s14+$0x70];
	[tilespmem:s10+$0x40] =	vst v5  }
0x80: {  	v3 =	vmul.f32 v3, v7;
	v7 =	vld [tilespmem:s21+$0x50]  }
0x81: {  	[tilespmem:s11+$0xFFFFFFD0] =	vst v2;
	v2 =	vld [tilespmem:s10+$0xFFFFFFF0]  }
0x82: {  	v14 =	vld [tilespmem:s14+$0xFFFFFFE0];
	[tilespmem:s10+$0xFFFFFFB0] =	vst v3;
	v6 =	vmul.f32 v15, v6  }
0x83: {  	v3 =	vmul.f32 v10, v4;
	v10 =	vld [tilespmem:s21+$0xFFFFFFC0]  }
0x84: {  	[tilespmem:s16+$0xFFFFFF90] =	vst v6;
	v6 =	vld [tilespmem:s16+$0xFFFFFFE0]  }
0x85: {  	v5 =	vld [tilespmem:s16+$0xFFFFFFB0];
	[tilespmem:s16+$0x10] =	vst v3;
	v3 =	vmul.f32 v7, v17  }
0x86: {  	v7 =	vld [tilespmem:s16+$0x20]  }
0x87: {  	v15 =	vld [tilespmem:s8+$0x20];
	[tilespmem:s10+$0x50] =	vst v3  }
0x88: {  	v10 =	vmul.f32 v10, v12;
	v12 =	vld [tilespmem:s21+$0x60]  }
0x89: {  	v61 =	vld [tilespmem:s8+$0xFFFFFFA0]  }
0x8a: {  	v4 =	vld [tilespmem:s16+$0xFFFFFFC0];
	[tilespmem:s10+$0xFFFFFFC0] =	vst v10  }
0x8b: {  	v10 =	vld [tilespmem:s21+$0xFFFFFFD0]  }
0x8c: {  	v3 =	vld [tilespmem:s16+$0xFFFFFFD0];
	v7 =	vmul.f32 v15, v7  }
0x8d: {  	v15 =	vld [tilespmem:s10+$0x70];
	v12 =	vmul.f32 v12, v18  }
0x8e: {  	[tilespmem:s16+$0x20] =	vst v7;
	v7 =	vmul.f32 v14, v8;
	v14 =	vld [tilespmem:s16+$0x30]  }
0x8f: {  	v8 =	vmul.f32 v61, v60;
	v62 =	vld [tilespmem:s8+$0x30];
	[tilespmem:s10+$0x60] =	vst v12  }
0x90: {  	[tilespmem:s11+$0xFFFFFFE0] =	vst v7;
	v7 =	vmul.f32 v10, v13;
	v63 =	vld [tilespmem:s21+$0x70]  }
0x91: {  	[tilespmem:s16+$0xFFFFFFA0] =	vst v8;
	v8 =	vld [tilespmem:s14+$0xFFFFFFF0]  }
0x92: {  	v12 =	vld [tilespmem:s8+$0xFFFFFFB0];
	[tilespmem:s10+$0xFFFFFFD0] =	vst v7  }
0x93: {  	v10 =	vmul.f32 v11, v9;
	v9 =	vld [tilespmem:s21+$0xFFFFFFE0]  }
0x94: {  	v7 =	vld [tilespmem:s16+$0xFFFFFFF0];
	v13 =	vmul.f32 v62, v14  }
0x95: {  	s15 =	simm.s32 $0x4;
	s2 =	simm.s32 $0x580;
	s14 =	simm.s32 $0x8480;
	[tilespmem:s11+$0x70] =	vst v10;
	v10 =	vld [tilespmem:s16+$0x40];
	v11 =	vmul.f32 v63, v15  }
.LBB2_3:
0x96: {  	v14 =	vld [tilespmem:s2+$0x0];
	[tilespmem:s16+$0x30] =	vst v13;
	s8 =	sadd.s32 $0x100, s8;
	v8 =	vmul.f32 v8, v0;
	v0 =	vmov v2  }
0x97: {  	v13 =	vld [tilespmem:s8+$0x0];
	v12 =	vmul.f32 v12, v5;
	[tilespmem:s10+$0x70] =	vst v11  }
0x98: {  	s15 =	sadd.s32 $0x2, s15;
	v5 =	vld [tilespmem:s14+$0x40];
	v9 =	vmul.f32 v9, v1;
	[tilespmem:s11+$0xFFFFFFF0] =	vst v8;
	v1 =	vmov v6;
	s11 =	smov.u32 s10;
	s10 =	smov.u32 s16  }
0x99: {  	p0 =	slt.u32 s15, $0x7E;
	s16 =	smov.u32 s2;
	v6 =	vld [tilespmem:s8+$0xFFFFFF80];
	[tilespmem:s10+$0xFFFFFFB0] =	vst v12;
	v2 =	vmov v7  }
0x9a: {  	v7 =	vld [tilespmem:s2+$0xFFFFFF80];
	[tilespmem:s11+$0xFFFFFFE0] =	vst v9  }
0x9b: {  	v8 =	vld [tilespmem:s2+$0xFFFFFF90]  }
0x9c: {  	v9 =	vld [tilespmem:s2+$0xFFFFFFA0];
	v11 =	vmul.f32 v13, v14  }
0x9d: {  	v5 =	vmul.f32 v5, v10;
	v10 =	vld [tilespmem:s10+$0x50]  }
0x9e: {  	[tilespmem:s2+$0x0] =	vst v11;
	v11 =	vld [tilespmem:s2+$0x10]  }
0x9f: {  	v6 =	vmul.f32 v6, v7;
	v7 =	vld [tilespmem:s8+$0x10];
	[tilespmem:s10+$0x40] =	vst v5  }
0xa0: {  	v12 =	vld [tilespmem:s14+$0x50]  }
0xa1: {  	[tilespmem:s2+$0xFFFFFF80] =	vst v6;
	v5 =	vld [tilespmem:s2+$0xFFFFFFB0]  }
0xa2: {  	v6 =	vld [tilespmem:s8+$0xFFFFFF90]  }
0xa3: {  	v13 =	vld [tilespmem:s14+$0xFFFFFFC0]  }
0xa4: {  	v14 =	vld [tilespmem:s2+$0xFFFFFFC0];
	v7 =	vmul.f32 v7, v11  }
0xa5: {  	v10 =	vmul.f32 v12, v10;
	v11 =	vld [tilespmem:s10+$0x60]  }
0xa6: {  	[tilespmem:s2+$0x10] =	vst v7;
	v7 =	vld [tilespmem:s2+$0x20]  }
0xa7: {  	v6 =	vmul.f32 v6, v8;
	v8 =	vld [tilespmem:s8+$0x20];
	[tilespmem:s10+$0x50] =	vst v10  }
0xa8: {  	v10 =	vmul.f32 v13, v4;
	v12 =	vld [tilespmem:s14+$0x60]  }
0xa9: {  	[tilespmem:s2+$0xFFFFFF90] =	vst v6;
	v13 =	vld [tilespmem:s2+$0xFFFFFFD0];
	v4 =	vmov v14  }
0xaa: {  	v14 =	vld [tilespmem:s8+$0xFFFFFFA0];
	[tilespmem:s10+$0xFFFFFFC0] =	vst v10  }
0xab: {  	v10 =	vld [tilespmem:s14+$0xFFFFFFD0]  }
0xac: {  	v6 =	vld [tilespmem:s2+$0xFFFFFFE0];
	v7 =	vmul.f32 v8, v7  }
0xad: {  	v8 =	vmul.f32 v12, v11;
	v11 =	vld [tilespmem:s10+$0x70]  }
0xae: {  	[tilespmem:s2+$0x20] =	vst v7;
	v15 =	vld [tilespmem:s2+$0x30]  }
0xaf: {  	v7 =	vmul.f32 v14, v9;
	v14 =	vld [tilespmem:s8+$0x30];
	[tilespmem:s10+$0x60] =	vst v8  }
0xb0: {  	v9 =	vmul.f32 v10, v3;
	v16 =	vld [tilespmem:s14+$0x70];
	v3 =	vmov v13  }
.Ltmp0:
0xb1: {  	[tilespmem:s2+$0xFFFFFFA0] =	vst v7;
	v8 =	vld [tilespmem:s21+$0xFFFFFFF0];
	s21 =	smov.u32 s14;
	s14 =	smov.u32 s8;
	(pc) =	sbr.rel @p0 .LBB2_3-.Ltmp0, $4  }
0xb2: {  	v12 =	vld [tilespmem:s8+$0xFFFFFFB0];
	[tilespmem:s10+$0xFFFFFFD0] =	vst v9  }
0xb3: {  	v9 =	vld [tilespmem:s21+$0xFFFFFFE0]  }
0xb4: {  	v7 =	vld [tilespmem:s2+$0xFFFFFFF0];
	v13 =	vmul.f32 v14, v15  }
0xb5: {  	s2 =	sadd.s32 $0x100, s2;
	v10 =	vld [tilespmem:s16+$0x40];
	v11 =	vmul.f32 v16, v11  }
0xb6: {  	_ = 	snop  }
0xb7: {  	[tilespmem:s16+$0x30] =	vst v13;
	v5 =	vmul.f32 v12, v5  }
0xb8: {  	v12 =	vld [tilespmem:s14+$0x40]  }
0xb9: {  	[tilespmem:s16+$0xFFFFFFB0] =	vst v5  }
0xba: {  	v5 =	vld [tilespmem:s14+$0xFFFFFFC0];
	_ =	sdelay $0x2  }
0xbb: {  	v10 =	vmul.f32 v12, v10;
	_ =	sdelay $0x1  }
0xbc: {  	v12 =	vld [tilespmem:s16+$0x50];
	[tilespmem:s16+$0x40] =	vst v10;
	v4 =	vmul.f32 v5, v4  }
0xbd: {  	v5 =	vld [tilespmem:s14+$0x50]  }
0xbe: {  	[tilespmem:s16+$0xFFFFFFC0] =	vst v4  }
0xbf: {  	v4 =	vld [tilespmem:s14+$0xFFFFFFD0];
	_ =	sdelay $0x2  }
0xc0: {  	v5 =	vmul.f32 v5, v12;
	_ =	sdelay $0x1  }
0xc1: {  	v10 =	vld [tilespmem:s16+$0x60];
	[tilespmem:s16+$0x50] =	vst v5;
	v3 =	vmul.f32 v4, v3  }
0xc2: {  	v4 =	vld [tilespmem:s14+$0x60]  }
0xc3: {  	[tilespmem:s16+$0xFFFFFFD0] =	vst v3  }
0xc4: {  	v3 =	vld [tilespmem:s14+$0xFFFFFFE0];
	_ =	sdelay $0x2  }
0xc5: {  	v4 =	vmul.f32 v4, v10  }
0xc6: {  	v1 =	vmul.f32 v9, v1  }
0xc7: {  	v5 =	vld [tilespmem:s16+$0x70];
	[tilespmem:s16+$0x60] =	vst v4;
	v3 =	vmul.f32 v3, v6  }
0xc8: {  	[tilespmem:s10+$0xFFFFFFE0] =	vst v1;
	v1 =	vld [tilespmem:s14+$0x70]  }
0xc9: {  	v4 =	vld [tilespmem:s21+$0xFFFFFFF0];
	[tilespmem:s16+$0xFFFFFFE0] =	vst v3  }
0xca: {  	v3 =	vld [tilespmem:s14+$0xFFFFFFF0];
	_ =	sdelay $0x1  }
0xcb: {  	v0 =	vmul.f32 v8, v0  }
0xcc: {  	[tilespmem:s10+$0x70] =	vst v11;
	v1 =	vmul.f32 v1, v5  }
0xcd: {  	[tilespmem:s11+$0xFFFFFFF0] =	vst v0;
	v0 =	vmul.f32 v4, v2  }
0xce: {  	[tilespmem:s16+$0x70] =	vst v1;
	v1 =	vmul.f32 v3, v7  }
0xcf: {  	[tilespmem:s10+$0xFFFFFFF0] =	vst v0  }
0xd0: {  	s8 =	simm.s32 $0x200;
	[tilespmem:s16+$0xFFFFFFF0] =	vst v1  }
0xd1: {  	[spmem:s24] =	stream.indirect.scatter.add.f32 [tilespmem:s8], [sflag:$0x8], $0x80, s25, s23, $0xb8;
	[tilespmem:$0x1FE00] =	vst v63  }
0xd2: {  	s2 =	sshll.u32 s20, $0xB;
	_ =	swait.ge [sflag:s22], $0x4000  }
0xd3: {  	s2 =	sand.u32 $0x1FFFF800, s2;
	[sflag:s22] =	ssyncset.done $0x0  }
0xd4: {  	s2 =	sadd.s32 s7, s2;
	[sflag:s22] =	ssyncadd.s32 $0xFFFFC000  }
0xd5: {  	[tilespmem:s26], [sflag:$0x7] =	stream.linear.gather [hbm4b:s2+s3], $0x4000, $0x38;
	[tilespmem:$0x1FE00] =	vst v63  }
0xd6: {  	_ =	swait.ge [sflag:s9], $0x80  }
0xd7: {  	[sflag:s9] =	ssyncset.done $0x0;
	s16 =	rddreg [dreg:$0xa]  }
0xd8: {  	[sflag:s9] =	ssyncadd.s32 $0xFFFFFF80;
	s2 =	sadd.s32 s18, s16  }
0xd9: {  	[tilespmem:s8], [sflag:$0x1] =	stream.indirect.gather [hbm4b:s4+s23], $0x80, s3, s23, $0xb8;
	[tilespmem:$0x1FE00] =	vst v63  }
0xda: {  	s2 =	sshll.u32 s2, $0x4;
	_ =	swait.ge [sflag:s12], $0x4000  }
0xdb: {  	s2 =	sand.u32 $0x1FFFFFF0, s2;
	[sflag:s12] =	ssyncset.done $0x0  }
0xdc: {  	s2 =	sadd.s32 s5, s2;
	[sflag:s12] =	ssyncadd.s32 $0xFFFFC000  }
0xdd: {  	[tilespmem:s23], [sflag:$0x4] =	stream.linear.gather [hbm4b:s2+s3], $0x80, $0x38;
	[tilespmem:$0x1FE00] =	vst v63  }
0xde: {  	_ =	swait.ge [sflag:s13], $0x80  }
0xdf: {  	[sflag:s13] =	ssyncset.done $0x0  }
0xe0: {  	s19 =	sadd.s32 s6, s19;
	[sflag:s13] =	ssyncadd.s32 $0xFFFFFF80  }
0xe1: {  	[tilespmem:s25], [sflag:$0x5] =	stream.linear.gather [hbm4b:s19+s3], $0x80, $0x38;
	[tilespmem:$0x1FE00] =	vst v63  }
0xe2: {  	_ =	swait.ge [sflag:s1], $0x4000  }
0xe3: {  	[sflag:s1] =	ssyncset.done $0x0  }
0xe4: {  	s11 =	simm.s32 $0x4280;
	[sflag:s1] =	ssyncadd.s32 $0xFFFFC000  }
0xe5: {  	s21 =	simm.s32 $0x8280;
	v0 =	vld [tilespmem:s11+$0x0]  }
0xe6: {  	v1 =	vld [tilespmem:s21+$0x0];
	_ =	sdelay $0x3  }
0xe7: {  	v2 =	vld [tilespmem:s11+$0xFFFFFF80]  }
0xe8: {  	v0 =	vmul.f32 v1, v0;
	v1 =	vld [tilespmem:s21+$0xFFFFFF80];
	_ =	sdelay $0x1  }
0xe9: {  	[tilespmem:s11+$0x0] =	vst v0;
	v0 =	vld [tilespmem:s11+$0x10]  }
0xea: {  	v3 =	vld [tilespmem:s21+$0x10];
	_ =	sdelay $0x1  }
0xeb: {  	v1 =	vmul.f32 v1, v2;
	_ =	sdelay $0x1  }
0xec: {  	v4 =	vld [tilespmem:s11+$0xFFFFFF90];
	[tilespmem:s11+$0xFFFFFF80] =	vst v1  }
0xed: {  	v0 =	vmul.f32 v3, v0;
	v1 =	vld [tilespmem:s21+$0xFFFFFF90];
	_ =	sdelay $0x1  }
0xee: {  	[tilespmem:s11+$0x10] =	vst v0;
	v0 =	vld [tilespmem:s11+$0x20]  }
0xef: {  	v3 =	vld [tilespmem:s21+$0x20]  }
0xf0: {  	v5 =	vld [tilespmem:s11+$0xFFFFFFB0]  }
0xf1: {  	s10 =	simm.s32 $0x4380;
	v6 =	vld [tilespmem:s11+$0xFFFFFFD0];
	v1 =	vmul.f32 v1, v4  }
0xf2: {  	v7 =	vld [tilespmem:s10+$0x0]  }
0xf3: {  	v2 =	vld [tilespmem:s11+$0xFFFFFFA0];
	[tilespmem:s11+$0xFFFFFF90] =	vst v1  }
0xf4: {  	v0 =	vmul.f32 v3, v0;
	v1 =	vld [tilespmem:s21+$0xFFFFFFA0]  }
0xf5: {  	v8 =	vld [tilespmem:s11+$0xFFFFFFE0]  }
0xf6: {  	[tilespmem:s11+$0x20] =	vst v0;
	v0 =	vld [tilespmem:s11+$0x30]  }
0xf7: {  	s18 =	simm.s32 $0x8380;
	v3 =	vld [tilespmem:s21+$0x30]  }
0xf8: {  	v10 =	vld [tilespmem:s18+$0xFFFFFF80]  }
0xf9: {  	v1 =	vmul.f32 v1, v2;
	v2 =	vld [tilespmem:s18+$0x0]  }
0xfa: {  	v12 =	vld [tilespmem:s10+$0xFFFFFF90]  }
0xfb: {  	s8 =	simm.s32 $0x8480;
	v13 =	vld [tilespmem:s10+$0xFFFFFFD0]  }
0xfc: {  	v15 =	vld [tilespmem:s8+$0xFFFFFF80];
	v0 =	vmul.f32 v3, v0  }
0xfd: {  	[tilespmem:s11+$0xFFFFFFA0] =	vst v1;
	v1 =	vld [tilespmem:s11+$0x40]  }
0xfe: {  	[tilespmem:s11+$0x30] =	vst v0;
	v2 =	vmul.f32 v2, v7;
	v7 =	vld [tilespmem:s10+$0xFFFFFF80]  }
0xff: {  	s16 =	simm.s32 $0x4480;
	v9 =	vld [tilespmem:s21+$0x40]  }
0x100: {  	v16 =	vld [tilespmem:s16+$0xFFFFFF80]  }
0x101: {  	v3 =	vld [tilespmem:s21+$0xFFFFFFB0]  }
0x102: {  	v17 =	vld [tilespmem:s10+$0x50]  }
0x103: {  	[tilespmem:s10+$0x0] =	vst v2;
	v2 =	vld [tilespmem:s10+$0x10];
	v7 =	vmul.f32 v10, v7  }
0x104: {  	v11 =	vld [tilespmem:s18+$0x10];
	v1 =	vmul.f32 v9, v1  }
0x105: {  	v9 =	vld [tilespmem:s11+$0x50];
	[tilespmem:s10+$0xFFFFFF80] =	vst v7  }
0x106: {  	[tilespmem:s11+$0x40] =	vst v1;
	v1 =	vmul.f32 v3, v5;
	v5 =	vld [tilespmem:s18+$0xFFFFFF90]  }
0x107: {  	v3 =	vld [tilespmem:s21+$0x50]  }
0x108: {  	v60 =	vld [tilespmem:s16+$0xFFFFFFA0]  }
0x109: {  	v4 =	vld [tilespmem:s11+$0xFFFFFFC0];
	v2 =	vmul.f32 v11, v2;
	[tilespmem:s11+$0xFFFFFFB0] =	vst v1  }
0x10a: {  	v1 =	vld [tilespmem:s21+$0xFFFFFFC0]  }
0x10b: {  	[tilespmem:s10+$0x10] =	vst v2;
	v2 =	vld [tilespmem:s10+$0x20]  }
0x10c: {  	v5 =	vmul.f32 v5, v12;
	v3 =	vmul.f32 v3, v9;
	v9 =	vld [tilespmem:s18+$0x20]  }
0x10d: {  	v18 =	vld [tilespmem:s10+$0x60];
	v15 =	vmul.f32 v15, v16  }
0x10e: {  	v10 =	vld [tilespmem:s10+$0xFFFFFFA0];
	[tilespmem:s10+$0xFFFFFF90] =	vst v5  }
0x10f: {  	[tilespmem:s16+$0xFFFFFF80] =	vst v15;
	v1 =	vmul.f32 v1, v4;
	v4 =	vld [tilespmem:s18+$0xFFFFFFA0]  }
0x110: {  	v15 =	vld [tilespmem:s8+$0xFFFFFF90]  }
0x111: {  	v0 =	vld [tilespmem:s11+$0xFFFFFFF0];
	[tilespmem:s11+$0xFFFFFFC0] =	vst v1;
	v1 =	vmul.f32 v9, v2  }
0x112: {  	v7 =	vld [tilespmem:s10+$0xFFFFFFB0]  }
0x113: {  	v5 =	vld [tilespmem:s10+$0x30];
	[tilespmem:s10+$0x20] =	vst v1  }
0x114: {  	v4 =	vmul.f32 v4, v10;
	v10 =	vld [tilespmem:s18+$0x30]  }
0x115: {  	v2 =	vld [tilespmem:s21+$0xFFFFFFD0]  }
0x116: {  	v11 =	vld [tilespmem:s11+$0x60]  }
0x117: {  	v12 =	vld [tilespmem:s10+$0xFFFFFFC0];
	[tilespmem:s11+$0x50] =	vst v3  }
0x118: {  	v3 =	vld [tilespmem:s21+$0x60]  }
0x119: {  	[tilespmem:s10+$0xFFFFFFA0] =	vst v4;
	v4 =	vld [tilespmem:s16+$0x0];
	v5 =	vmul.f32 v10, v5  }
0x11a: {  	v2 =	vmul.f32 v2, v6;
	v6 =	vld [tilespmem:s8+$0x0]  }
0x11b: {  	v10 =	vld [tilespmem:s10+$0x40];
	[tilespmem:s10+$0x30] =	vst v5  }
0x11c: {  	v5 =	vld [tilespmem:s18+$0x40]  }
0x11d: {  	v9 =	vld [tilespmem:s11+$0x70];
	v3 =	vmul.f32 v3, v11  }
0x11e: {  	v1 =	vld [tilespmem:s10+$0xFFFFFFE0]  }
0x11f: {  	[tilespmem:s11+$0x60] =	vst v3;
	v3 =	vld [tilespmem:s18+$0xFFFFFFB0];
	v4 =	vmul.f32 v6, v4  }
0x120: {  	v6 =	vld [tilespmem:s16+$0xFFFFFF90]  }
0x121: {  	[tilespmem:s16+$0x0] =	vst v4;
	v4 =	vld [tilespmem:s16+$0x10];
	v5 =	vmul.f32 v5, v10  }
0x122: {  	v10 =	vld [tilespmem:s8+$0x10]  }
0x123: {  	v11 =	vld [tilespmem:s21+$0x70];
	[tilespmem:s10+$0x40] =	vst v5  }
0x124: {  	v3 =	vmul.f32 v3, v7;
	v7 =	vld [tilespmem:s18+$0x50]  }
0x125: {  	[tilespmem:s11+$0xFFFFFFD0] =	vst v2;
	v2 =	vld [tilespmem:s10+$0xFFFFFFF0]  }
0x126: {  	v14 =	vld [tilespmem:s21+$0xFFFFFFE0];
	[tilespmem:s10+$0xFFFFFFB0] =	vst v3;
	v6 =	vmul.f32 v15, v6  }
0x127: {  	v3 =	vmul.f32 v10, v4;
	v10 =	vld [tilespmem:s18+$0xFFFFFFC0]  }
0x128: {  	[tilespmem:s16+$0xFFFFFF90] =	vst v6;
	v6 =	vld [tilespmem:s16+$0xFFFFFFE0]  }
0x129: {  	v5 =	vld [tilespmem:s16+$0xFFFFFFB0];
	[tilespmem:s16+$0x10] =	vst v3;
	v3 =	vmul.f32 v7, v17  }
0x12a: {  	v7 =	vld [tilespmem:s16+$0x20]  }
0x12b: {  	v15 =	vld [tilespmem:s8+$0x20];
	[tilespmem:s10+$0x50] =	vst v3  }
0x12c: {  	v10 =	vmul.f32 v10, v12;
	v12 =	vld [tilespmem:s18+$0x60]  }
0x12d: {  	v61 =	vld [tilespmem:s8+$0xFFFFFFA0]  }
0x12e: {  	v4 =	vld [tilespmem:s16+$0xFFFFFFC0];
	[tilespmem:s10+$0xFFFFFFC0] =	vst v10  }
0x12f: {  	v10 =	vld [tilespmem:s18+$0xFFFFFFD0]  }
0x130: {  	v3 =	vld [tilespmem:s16+$0xFFFFFFD0];
	v7 =	vmul.f32 v15, v7  }
0x131: {  	v15 =	vld [tilespmem:s10+$0x70];
	v12 =	vmul.f32 v12, v18  }
0x132: {  	[tilespmem:s16+$0x20] =	vst v7;
	v7 =	vmul.f32 v14, v8;
	v14 =	vld [tilespmem:s16+$0x30]  }
0x133: {  	v8 =	vmul.f32 v61, v60;
	v62 =	vld [tilespmem:s8+$0x30];
	[tilespmem:s10+$0x60] =	vst v12  }
0x134: {  	[tilespmem:s11+$0xFFFFFFE0] =	vst v7;
	v7 =	vmul.f32 v10, v13;
	v63 =	vld [tilespmem:s18+$0x70]  }
0x135: {  	[tilespmem:s16+$0xFFFFFFA0] =	vst v8;
	v8 =	vld [tilespmem:s21+$0xFFFFFFF0]  }
0x136: {  	v12 =	vld [tilespmem:s8+$0xFFFFFFB0];
	[tilespmem:s10+$0xFFFFFFD0] =	vst v7  }
0x137: {  	v10 =	vmul.f32 v11, v9;
	v9 =	vld [tilespmem:s18+$0xFFFFFFE0]  }
0x138: {  	s20 =	simm.s32 $0x200;
	v7 =	vld [tilespmem:s16+$0xFFFFFFF0];
	v13 =	vmul.f32 v62, v14  }
0x139: {  	s15 =	simm.s32 $0x4;
	s14 =	simm.s32 $0x8480;
	s2 =	simm.s32 $0x4580;
	[tilespmem:s11+$0x70] =	vst v10;
	v10 =	vld [tilespmem:s16+$0x40];
	v11 =	vmul.f32 v63, v15  }
.LBB2_5:
0x13a: {  	v14 =	vld [tilespmem:s2+$0x0];
	[tilespmem:s16+$0x30] =	vst v13;
	s8 =	sadd.s32 $0x100, s8;
	v8 =	vmul.f32 v8, v0;
	v0 =	vmov v2  }
0x13b: {  	v13 =	vld [tilespmem:s8+$0x0];
	v12 =	vmul.f32 v12, v5;
	[tilespmem:s10+$0x70] =	vst v11  }
0x13c: {  	s15 =	sadd.s32 $0x2, s15;
	v5 =	vld [tilespmem:s14+$0x40];
	v9 =	vmul.f32 v9, v1;
	[tilespmem:s11+$0xFFFFFFF0] =	vst v8;
	v1 =	vmov v6;
	s11 =	smov.u32 s10;
	s10 =	smov.u32 s16  }
0x13d: {  	p0 =	slt.u32 s15, $0x7E;
	s16 =	smov.u32 s2;
	v6 =	vld [tilespmem:s8+$0xFFFFFF80];
	[tilespmem:s10+$0xFFFFFFB0] =	vst v12;
	v2 =	vmov v7  }
0x13e: {  	v7 =	vld [tilespmem:s2+$0xFFFFFF80];
	[tilespmem:s11+$0xFFFFFFE0] =	vst v9  }
0x13f: {  	v8 =	vld [tilespmem:s2+$0xFFFFFF90]  }
0x140: {  	v9 =	vld [tilespmem:s2+$0xFFFFFFA0];
	v11 =	vmul.f32 v13, v14  }
0x141: {  	v5 =	vmul.f32 v5, v10;
	v10 =	vld [tilespmem:s10+$0x50]  }
0x142: {  	[tilespmem:s2+$0x0] =	vst v11;
	v11 =	vld [tilespmem:s2+$0x10]  }
0x143: {  	v6 =	vmul.f32 v6, v7;
	v7 =	vld [tilespmem:s8+$0x10];
	[tilespmem:s10+$0x40] =	vst v5  }
0x144: {  	v12 =	vld [tilespmem:s14+$0x50]  }
0x145: {  	[tilespmem:s2+$0xFFFFFF80] =	vst v6;
	v5 =	vld [tilespmem:s2+$0xFFFFFFB0]  }
0x146: {  	v6 =	vld [tilespmem:s8+$0xFFFFFF90]  }
0x147: {  	v13 =	vld [tilespmem:s14+$0xFFFFFFC0]  }
0x148: {  	v14 =	vld [tilespmem:s2+$0xFFFFFFC0];
	v7 =	vmul.f32 v7, v11  }
0x149: {  	v10 =	vmul.f32 v12, v10;
	v11 =	vld [tilespmem:s10+$0x60]  }
0x14a: {  	[tilespmem:s2+$0x10] =	vst v7;
	v7 =	vld [tilespmem:s2+$0x20]  }
0x14b: {  	v6 =	vmul.f32 v6, v8;
	v8 =	vld [tilespmem:s8+$0x20];
	[tilespmem:s10+$0x50] =	vst v10  }
0x14c: {  	v10 =	vmul.f32 v13, v4;
	v12 =	vld [tilespmem:s14+$0x60]  }
0x14d: {  	[tilespmem:s2+$0xFFFFFF90] =	vst v6;
	v13 =	vld [tilespmem:s2+$0xFFFFFFD0];
	v4 =	vmov v14  }
0x14e: {  	v14 =	vld [tilespmem:s8+$0xFFFFFFA0];
	[tilespmem:s10+$0xFFFFFFC0] =	vst v10  }
0x14f: {  	v10 =	vld [tilespmem:s14+$0xFFFFFFD0]  }
0x150: {  	v6 =	vld [tilespmem:s2+$0xFFFFFFE0];
	v7 =	vmul.f32 v8, v7  }
0x151: {  	v8 =	vmul.f32 v12, v11;
	v11 =	vld [tilespmem:s10+$0x70]  }
0x152: {  	[tilespmem:s2+$0x20] =	vst v7;
	v15 =	vld [tilespmem:s2+$0x30]  }
0x153: {  	v7 =	vmul.f32 v14, v9;
	v14 =	vld [tilespmem:s8+$0x30];
	[tilespmem:s10+$0x60] =	vst v8  }
0x154: {  	v9 =	vmul.f32 v10, v3;
	v16 =	vld [tilespmem:s14+$0x70];
	v3 =	vmov v13  }
.Ltmp1:
0x155: {  	[tilespmem:s2+$0xFFFFFFA0] =	vst v7;
	v8 =	vld [tilespmem:s18+$0xFFFFFFF0];
	s18 =	smov.u32 s14;
	s14 =	smov.u32 s8;
	(pc) =	sbr.rel @p0 .LBB2_5-.Ltmp1, $4  }
0x156: {  	v12 =	vld [tilespmem:s8+$0xFFFFFFB0];
	[tilespmem:s10+$0xFFFFFFD0] =	vst v9  }
0x157: {  	v9 =	vld [tilespmem:s18+$0xFFFFFFE0]  }
0x158: {  	v7 =	vld [tilespmem:s2+$0xFFFFFFF0];
	v13 =	vmul.f32 v14, v15  }
0x159: {  	s2 =	sadd.s32 $0x100, s2;
	v10 =	vld [tilespmem:s16+$0x40];
	v11 =	vmul.f32 v16, v11  }
0x15a: {  	_ = 	snop  }
0x15b: {  	v5 =	vmul.f32 v12, v5  }
0x15c: {  	[tilespmem:s16+$0x30] =	vst v13  }
0x15d: {  	v54 =	vld [tilespmem:s14+$0x40];
	[tilespmem:s16+$0xFFFFFFB0] =	vst v5  }
0x15e: {  	v5 =	vld [tilespmem:s14+$0xFFFFFFC0];
	_ =	sdelay $0x3  }
0x15f: {  	v10 =	vmul.f32 v54, v10  }
0x160: {  	v4 =	vmul.f32 v5, v4  }
0x161: {  	v55 =	vld [tilespmem:s16+$0x50];
	[tilespmem:s16+$0x40] =	vst v10  }
0x162: {  	v56 =	vld [tilespmem:s14+$0x50];
	[tilespmem:s16+$0xFFFFFFC0] =	vst v4  }
0x163: {  	v4 =	vld [tilespmem:s14+$0xFFFFFFD0];
	_ =	sdelay $0x3  }
0x164: {  	v5 =	vmul.f32 v56, v55  }
0x165: {  	v3 =	vmul.f32 v4, v3  }
0x166: {  	v57 =	vld [tilespmem:s16+$0x60];
	[tilespmem:s16+$0x50] =	vst v5  }
0x167: {  	v58 =	vld [tilespmem:s14+$0x60];
	[tilespmem:s16+$0xFFFFFFD0] =	vst v3  }
0x168: {  	v3 =	vld [tilespmem:s14+$0xFFFFFFE0];
	_ =	sdelay $0x2  }
0x169: {  	v1 =	vmul.f32 v9, v1  }
0x16a: {  	v4 =	vmul.f32 v58, v57  }
0x16b: {  	v59 =	vld [tilespmem:s16+$0x70];
	[tilespmem:s10+$0xFFFFFFE0] =	vst v1;
	v3 =	vmul.f32 v3, v6  }
0x16c: {  	v61 =	vld [tilespmem:s18+$0xFFFFFFF0];
	[tilespmem:s16+$0x60] =	vst v4  }
0x16d: {  	v60 =	vld [tilespmem:s14+$0x70];
	[tilespmem:s16+$0xFFFFFFE0] =	vst v3  }
0x16e: {  	v3 =	vld [tilespmem:s14+$0xFFFFFFF0];
	_ =	sdelay $0x1  }
0x16f: {  	v0 =	vmul.f32 v8, v0  }
0x170: {  	[tilespmem:s10+$0x70] =	vst v11;
	v62 =	vmul.f32 v61, v2  }
0x171: {  	[tilespmem:s11+$0xFFFFFFF0] =	vst v0;
	v1 =	vmul.f32 v60, v59  }
0x172: {  	s17 =	sadd.s32 $0x1, s17;
	[tilespmem:s10+$0xFFFFFFF0] =	vst v62;
	v63 =	vmul.f32 v3, v7  }
0x173: {  	p0 =	sne.s32 s17, $0x27;
	[tilespmem:s16+$0x70] =	vst v1  }
.Ltmp2:
0x174: {  	[tilespmem:s16+$0xFFFFFFF0] =	vst v63;
	(pc) =	sbr.rel @p0 .LBB2_2-.Ltmp2, $4  }
0x175: {  	[spmem:s24] =	stream.indirect.scatter.add.f32 [tilespmem:s29], [sflag:$0x8], $0x80, s0, s23, $0xb8;
	[tilespmem:$0x1FE00] =	vst v63  }
0x176: {  	_ =	swait.ge [sflag:s22], $0x4000  }
0x177: {  	[sflag:s22] =	ssyncset.done $0x0  }
0x178: {  	[sflag:s22] =	ssyncadd.s32 $0xFFFFC000  }
0x179: {  	s2 =	rddreg [dreg:$0xb]  }
0x17a: {  	[tilespmem:s26], [sflag:$0x7] =	stream.linear.gather [hbm4b:s2+s3], $0x4000, $0x38;
	[tilespmem:$0x1FE00] =	vst v63  }
0x17b: {  	_ =	swait.ge [sflag:s28], $0x80  }
0x17c: {  	[sflag:s28] =	ssyncset.done $0x0  }
0x17d: {  	[sflag:s28] =	ssyncadd.s32 $0xFFFFFF80  }
0x17e: {  	[tilespmem:s29], [sflag:$0x2] =	stream.indirect.gather [hbm4b:s4+s23], $0x80, s23, s23, $0xb8;
	[tilespmem:$0x1FE00] =	vst v63  }
0x17f: {  	_ =	swait.ge [sflag:s30], $0x4000  }
0x180: {  	[sflag:s30] =	ssyncset.done $0x0  }
0x181: {  	[sflag:s30] =	ssyncadd.s32 $0xFFFFC000  }
0x182: {  	_ =	swait.ge [sflag:s31], $0x80  }
0x183: {  	[sflag:s31] =	ssyncset.done $0x0  }
0x184: {  	s21 =	rddreg [dreg:$0xc];
	[sflag:s31] =	ssyncadd.s32 $0xFFFFFF80  }
0x185: {  	[tilespmem:s0], [sflag:$0x6] =	stream.linear.gather [hbm4b:s21+s3], $0x80, $0x38;
	[tilespmem:$0x1FE00] =	vst v63  }
0x186: {  	_ =	swait.ge [sflag:s1], $0x4000  }
0x187: {  	[sflag:s1] =	ssyncset.done $0x0  }
0x188: {  	s11 =	simm.s32 $0x280;
	[sflag:s1] =	ssyncadd.s32 $0xFFFFC000  }
0x189: {  	s14 =	simm.s32 $0x8280;
	v0 =	vld [tilespmem:s11+$0x0]  }
0x18a: {  	v1 =	vld [tilespmem:s14+$0x0];
	_ =	sdelay $0x3  }
0x18b: {  	v2 =	vld [tilespmem:s11+$0xFFFFFF80]  }
0x18c: {  	v0 =	vmul.f32 v1, v0;
	v1 =	vld [tilespmem:s14+$0xFFFFFF80];
	_ =	sdelay $0x1  }
0x18d: {  	[tilespmem:s11+$0x0] =	vst v0;
	v0 =	vld [tilespmem:s11+$0x10]  }
0x18e: {  	v3 =	vld [tilespmem:s14+$0x10];
	_ =	sdelay $0x1  }
0x18f: {  	v1 =	vmul.f32 v1, v2;
	_ =	sdelay $0x1  }
0x190: {  	v4 =	vld [tilespmem:s11+$0xFFFFFF90];
	[tilespmem:s11+$0xFFFFFF80] =	vst v1  }
0x191: {  	v0 =	vmul.f32 v3, v0;
	v1 =	vld [tilespmem:s14+$0xFFFFFF90];
	_ =	sdelay $0x1  }
0x192: {  	[tilespmem:s11+$0x10] =	vst v0;
	v0 =	vld [tilespmem:s11+$0x20]  }
0x193: {  	v3 =	vld [tilespmem:s14+$0x20]  }
0x194: {  	v5 =	vld [tilespmem:s11+$0xFFFFFFB0]  }
0x195: {  	s10 =	simm.s32 $0x380;
	v6 =	vld [tilespmem:s11+$0xFFFFFFD0];
	v1 =	vmul.f32 v1, v4  }
0x196: {  	v7 =	vld [tilespmem:s10+$0x0]  }
0x197: {  	v2 =	vld [tilespmem:s11+$0xFFFFFFA0];
	[tilespmem:s11+$0xFFFFFF90] =	vst v1  }
0x198: {  	v0 =	vmul.f32 v3, v0;
	v1 =	vld [tilespmem:s14+$0xFFFFFFA0]  }
0x199: {  	v8 =	vld [tilespmem:s11+$0xFFFFFFE0]  }
0x19a: {  	[tilespmem:s11+$0x20] =	vst v0;
	v0 =	vld [tilespmem:s11+$0x30]  }
0x19b: {  	s17 =	simm.s32 $0x8380;
	v3 =	vld [tilespmem:s14+$0x30]  }
0x19c: {  	v10 =	vld [tilespmem:s17+$0xFFFFFF80]  }
0x19d: {  	v1 =	vmul.f32 v1, v2;
	v2 =	vld [tilespmem:s17+$0x0]  }
0x19e: {  	v12 =	vld [tilespmem:s10+$0xFFFFFF90]  }
0x19f: {  	s8 =	simm.s32 $0x8480;
	v13 =	vld [tilespmem:s10+$0xFFFFFFD0]  }
0x1a0: {  	v15 =	vld [tilespmem:s8+$0xFFFFFF80];
	v0 =	vmul.f32 v3, v0  }
0x1a1: {  	[tilespmem:s11+$0xFFFFFFA0] =	vst v1;
	v1 =	vld [tilespmem:s11+$0x40]  }
0x1a2: {  	[tilespmem:s11+$0x30] =	vst v0;
	v2 =	vmul.f32 v2, v7;
	v7 =	vld [tilespmem:s10+$0xFFFFFF80]  }
0x1a3: {  	s16 =	simm.s32 $0x480;
	v9 =	vld [tilespmem:s14+$0x40]  }
0x1a4: {  	v16 =	vld [tilespmem:s16+$0xFFFFFF80]  }
0x1a5: {  	v3 =	vld [tilespmem:s14+$0xFFFFFFB0]  }
0x1a6: {  	v17 =	vld [tilespmem:s10+$0x50]  }
0x1a7: {  	[tilespmem:s10+$0x0] =	vst v2;
	v2 =	vld [tilespmem:s10+$0x10];
	v7 =	vmul.f32 v10, v7  }
0x1a8: {  	v11 =	vld [tilespmem:s17+$0x10];
	v1 =	vmul.f32 v9, v1  }
0x1a9: {  	v9 =	vld [tilespmem:s11+$0x50];
	[tilespmem:s10+$0xFFFFFF80] =	vst v7  }
0x1aa: {  	[tilespmem:s11+$0x40] =	vst v1;
	v1 =	vmul.f32 v3, v5;
	v5 =	vld [tilespmem:s17+$0xFFFFFF90]  }
0x1ab: {  	v3 =	vld [tilespmem:s14+$0x50]  }
0x1ac: {  	v60 =	vld [tilespmem:s16+$0xFFFFFFA0]  }
0x1ad: {  	v4 =	vld [tilespmem:s11+$0xFFFFFFC0];
	v2 =	vmul.f32 v11, v2;
	[tilespmem:s11+$0xFFFFFFB0] =	vst v1  }
0x1ae: {  	v1 =	vld [tilespmem:s14+$0xFFFFFFC0]  }
0x1af: {  	[tilespmem:s10+$0x10] =	vst v2;
	v2 =	vld [tilespmem:s10+$0x20]  }
0x1b0: {  	v5 =	vmul.f32 v5, v12;
	v3 =	vmul.f32 v3, v9;
	v9 =	vld [tilespmem:s17+$0x20]  }
0x1b1: {  	v18 =	vld [tilespmem:s10+$0x60];
	v15 =	vmul.f32 v15, v16  }
0x1b2: {  	v10 =	vld [tilespmem:s10+$0xFFFFFFA0];
	[tilespmem:s10+$0xFFFFFF90] =	vst v5  }
0x1b3: {  	[tilespmem:s16+$0xFFFFFF80] =	vst v15;
	v1 =	vmul.f32 v1, v4;
	v4 =	vld [tilespmem:s17+$0xFFFFFFA0]  }
0x1b4: {  	v15 =	vld [tilespmem:s8+$0xFFFFFF90]  }
0x1b5: {  	v0 =	vld [tilespmem:s11+$0xFFFFFFF0];
	[tilespmem:s11+$0xFFFFFFC0] =	vst v1;
	v1 =	vmul.f32 v9, v2  }
0x1b6: {  	v7 =	vld [tilespmem:s10+$0xFFFFFFB0]  }
0x1b7: {  	v5 =	vld [tilespmem:s10+$0x30];
	[tilespmem:s10+$0x20] =	vst v1  }
0x1b8: {  	v4 =	vmul.f32 v4, v10;
	v10 =	vld [tilespmem:s17+$0x30]  }
0x1b9: {  	v2 =	vld [tilespmem:s14+$0xFFFFFFD0]  }
0x1ba: {  	v11 =	vld [tilespmem:s11+$0x60]  }
0x1bb: {  	v12 =	vld [tilespmem:s10+$0xFFFFFFC0];
	[tilespmem:s11+$0x50] =	vst v3  }
0x1bc: {  	v3 =	vld [tilespmem:s14+$0x60]  }
0x1bd: {  	[tilespmem:s10+$0xFFFFFFA0] =	vst v4;
	v4 =	vld [tilespmem:s16+$0x0];
	v5 =	vmul.f32 v10, v5  }
0x1be: {  	v2 =	vmul.f32 v2, v6;
	v6 =	vld [tilespmem:s8+$0x0]  }
0x1bf: {  	v10 =	vld [tilespmem:s10+$0x40];
	[tilespmem:s10+$0x30] =	vst v5  }
0x1c0: {  	v5 =	vld [tilespmem:s17+$0x40]  }
0x1c1: {  	v9 =	vld [tilespmem:s11+$0x70];
	v3 =	vmul.f32 v3, v11  }
0x1c2: {  	v1 =	vld [tilespmem:s10+$0xFFFFFFE0]  }
0x1c3: {  	[tilespmem:s11+$0x60] =	vst v3;
	v3 =	vld [tilespmem:s17+$0xFFFFFFB0];
	v4 =	vmul.f32 v6, v4  }
0x1c4: {  	v6 =	vld [tilespmem:s16+$0xFFFFFF90]  }
0x1c5: {  	[tilespmem:s16+$0x0] =	vst v4;
	v4 =	vld [tilespmem:s16+$0x10];
	v5 =	vmul.f32 v5, v10  }
0x1c6: {  	v10 =	vld [tilespmem:s8+$0x10]  }
0x1c7: {  	v11 =	vld [tilespmem:s14+$0x70];
	[tilespmem:s10+$0x40] =	vst v5  }
0x1c8: {  	v3 =	vmul.f32 v3, v7;
	v7 =	vld [tilespmem:s17+$0x50]  }
0x1c9: {  	[tilespmem:s11+$0xFFFFFFD0] =	vst v2;
	v2 =	vld [tilespmem:s10+$0xFFFFFFF0]  }
0x1ca: {  	v14 =	vld [tilespmem:s14+$0xFFFFFFE0];
	[tilespmem:s10+$0xFFFFFFB0] =	vst v3;
	v6 =	vmul.f32 v15, v6  }
0x1cb: {  	v3 =	vmul.f32 v10, v4;
	v10 =	vld [tilespmem:s17+$0xFFFFFFC0]  }
0x1cc: {  	[tilespmem:s16+$0xFFFFFF90] =	vst v6;
	v6 =	vld [tilespmem:s16+$0xFFFFFFE0]  }
0x1cd: {  	v5 =	vld [tilespmem:s16+$0xFFFFFFB0];
	[tilespmem:s16+$0x10] =	vst v3;
	v3 =	vmul.f32 v7, v17  }
0x1ce: {  	v7 =	vld [tilespmem:s16+$0x20]  }
0x1cf: {  	v15 =	vld [tilespmem:s8+$0x20];
	[tilespmem:s10+$0x50] =	vst v3  }
0x1d0: {  	v10 =	vmul.f32 v10, v12;
	v12 =	vld [tilespmem:s17+$0x60]  }
0x1d1: {  	v61 =	vld [tilespmem:s8+$0xFFFFFFA0]  }
0x1d2: {  	v4 =	vld [tilespmem:s16+$0xFFFFFFC0];
	[tilespmem:s10+$0xFFFFFFC0] =	vst v10  }
0x1d3: {  	v10 =	vld [tilespmem:s17+$0xFFFFFFD0]  }
0x1d4: {  	v3 =	vld [tilespmem:s16+$0xFFFFFFD0];
	v7 =	vmul.f32 v15, v7  }
0x1d5: {  	v15 =	vld [tilespmem:s10+$0x70];
	v12 =	vmul.f32 v12, v18  }
0x1d6: {  	[tilespmem:s16+$0x20] =	vst v7;
	v7 =	vmul.f32 v14, v8;
	v14 =	vld [tilespmem:s16+$0x30]  }
0x1d7: {  	v8 =	vmul.f32 v61, v60;
	v62 =	vld [tilespmem:s8+$0x30];
	[tilespmem:s10+$0x60] =	vst v12  }
0x1d8: {  	[tilespmem:s11+$0xFFFFFFE0] =	vst v7;
	v7 =	vmul.f32 v10, v13;
	v63 =	vld [tilespmem:s17+$0x70]  }
0x1d9: {  	[tilespmem:s16+$0xFFFFFFA0] =	vst v8;
	v8 =	vld [tilespmem:s14+$0xFFFFFFF0]  }
0x1da: {  	v12 =	vld [tilespmem:s8+$0xFFFFFFB0];
	[tilespmem:s10+$0xFFFFFFD0] =	vst v7  }
0x1db: {  	v10 =	vmul.f32 v11, v9;
	v9 =	vld [tilespmem:s17+$0xFFFFFFE0]  }
0x1dc: {  	v7 =	vld [tilespmem:s16+$0xFFFFFFF0];
	v13 =	vmul.f32 v62, v14  }
0x1dd: {  	s15 =	simm.s32 $0x4;
	s2 =	simm.s32 $0x580;
	s14 =	simm.s32 $0x8480;
	[tilespmem:s11+$0x70] =	vst v10;
	v10 =	vld [tilespmem:s16+$0x40];
	v11 =	vmul.f32 v63, v15  }
.LBB2_8:
0x1de: {  	v14 =	vld [tilespmem:s2+$0x0];
	[tilespmem:s16+$0x30] =	vst v13;
	s8 =	sadd.s32 $0x100, s8;
	v8 =	vmul.f32 v8, v0;
	v0 =	vmov v2  }
0x1df: {  	v13 =	vld [tilespmem:s8+$0x0];
	v12 =	vmul.f32 v12, v5;
	[tilespmem:s10+$0x70] =	vst v11  }
0x1e0: {  	s15 =	sadd.s32 $0x2, s15;
	v5 =	vld [tilespmem:s14+$0x40];
	v9 =	vmul.f32 v9, v1;
	[tilespmem:s11+$0xFFFFFFF0] =	vst v8;
	v1 =	vmov v6;
	s11 =	smov.u32 s10;
	s10 =	smov.u32 s16  }
0x1e1: {  	p0 =	slt.u32 s15, $0x7E;
	s16 =	smov.u32 s2;
	v6 =	vld [tilespmem:s8+$0xFFFFFF80];
	[tilespmem:s10+$0xFFFFFFB0] =	vst v12;
	v2 =	vmov v7  }
0x1e2: {  	v7 =	vld [tilespmem:s2+$0xFFFFFF80];
	[tilespmem:s11+$0xFFFFFFE0] =	vst v9  }
0x1e3: {  	v8 =	vld [tilespmem:s2+$0xFFFFFF90]  }
0x1e4: {  	v9 =	vld [tilespmem:s2+$0xFFFFFFA0];
	v11 =	vmul.f32 v13, v14  }
0x1e5: {  	v5 =	vmul.f32 v5, v10;
	v10 =	vld [tilespmem:s10+$0x50]  }
0x1e6: {  	[tilespmem:s2+$0x0] =	vst v11;
	v11 =	vld [tilespmem:s2+$0x10]  }
0x1e7: {  	v6 =	vmul.f32 v6, v7;
	v7 =	vld [tilespmem:s8+$0x10];
	[tilespmem:s10+$0x40] =	vst v5  }
0x1e8: {  	v12 =	vld [tilespmem:s14+$0x50]  }
0x1e9: {  	[tilespmem:s2+$0xFFFFFF80] =	vst v6;
	v5 =	vld [tilespmem:s2+$0xFFFFFFB0]  }
0x1ea: {  	v6 =	vld [tilespmem:s8+$0xFFFFFF90]  }
0x1eb: {  	v13 =	vld [tilespmem:s14+$0xFFFFFFC0]  }
0x1ec: {  	v14 =	vld [tilespmem:s2+$0xFFFFFFC0];
	v7 =	vmul.f32 v7, v11  }
0x1ed: {  	v10 =	vmul.f32 v12, v10;
	v11 =	vld [tilespmem:s10+$0x60]  }
0x1ee: {  	[tilespmem:s2+$0x10] =	vst v7;
	v7 =	vld [tilespmem:s2+$0x20]  }
0x1ef: {  	v6 =	vmul.f32 v6, v8;
	v8 =	vld [tilespmem:s8+$0x20];
	[tilespmem:s10+$0x50] =	vst v10  }
0x1f0: {  	v10 =	vmul.f32 v13, v4;
	v12 =	vld [tilespmem:s14+$0x60]  }
0x1f1: {  	[tilespmem:s2+$0xFFFFFF90] =	vst v6;
	v13 =	vld [tilespmem:s2+$0xFFFFFFD0];
	v4 =	vmov v14  }
0x1f2: {  	v14 =	vld [tilespmem:s8+$0xFFFFFFA0];
	[tilespmem:s10+$0xFFFFFFC0] =	vst v10  }
0x1f3: {  	v10 =	vld [tilespmem:s14+$0xFFFFFFD0]  }
0x1f4: {  	v6 =	vld [tilespmem:s2+$0xFFFFFFE0];
	v7 =	vmul.f32 v8, v7  }
0x1f5: {  	v8 =	vmul.f32 v12, v11;
	v11 =	vld [tilespmem:s10+$0x70]  }
0x1f6: {  	[tilespmem:s2+$0x20] =	vst v7;
	v15 =	vld [tilespmem:s2+$0x30]  }
0x1f7: {  	v7 =	vmul.f32 v14, v9;
	v14 =	vld [tilespmem:s8+$0x30];
	[tilespmem:s10+$0x60] =	vst v8  }
0x1f8: {  	v9 =	vmul.f32 v10, v3;
	v16 =	vld [tilespmem:s14+$0x70];
	v3 =	vmov v13  }
.Ltmp3:
0x1f9: {  	[tilespmem:s2+$0xFFFFFFA0] =	vst v7;
	v8 =	vld [tilespmem:s17+$0xFFFFFFF0];
	s17 =	smov.u32 s14;
	s14 =	smov.u32 s8;
	(pc) =	sbr.rel @p0 .LBB2_8-.Ltmp3, $4  }
0x1fa: {  	v12 =	vld [tilespmem:s8+$0xFFFFFFB0];
	[tilespmem:s10+$0xFFFFFFD0] =	vst v9  }
0x1fb: {  	v9 =	vld [tilespmem:s17+$0xFFFFFFE0]  }
0x1fc: {  	v7 =	vld [tilespmem:s2+$0xFFFFFFF0];
	v13 =	vmul.f32 v14, v15  }
0x1fd: {  	s2 =	sadd.s32 $0x100, s2;
	v10 =	vld [tilespmem:s16+$0x40];
	v11 =	vmul.f32 v16, v11  }
0x1fe: {  	_ = 	snop  }
0x1ff: {  	[tilespmem:s16+$0x30] =	vst v13;
	v5 =	vmul.f32 v12, v5  }
0x200: {  	v12 =	vld [tilespmem:s14+$0x40]  }
0x201: {  	[tilespmem:s16+$0xFFFFFFB0] =	vst v5  }
0x202: {  	v5 =	vld [tilespmem:s14+$0xFFFFFFC0];
	_ =	sdelay $0x2  }
0x203: {  	v10 =	vmul.f32 v12, v10;
	_ =	sdelay $0x1  }
0x204: {  	v12 =	vld [tilespmem:s16+$0x50];
	[tilespmem:s16+$0x40] =	vst v10;
	v4 =	vmul.f32 v5, v4  }
0x205: {  	v5 =	vld [tilespmem:s14+$0x50]  }
0x206: {  	[tilespmem:s16+$0xFFFFFFC0] =	vst v4  }
0x207: {  	v4 =	vld [tilespmem:s14+$0xFFFFFFD0];
	_ =	sdelay $0x2  }
0x208: {  	v5 =	vmul.f32 v5, v12;
	_ =	sdelay $0x1  }
0x209: {  	v10 =	vld [tilespmem:s16+$0x60];
	[tilespmem:s16+$0x50] =	vst v5;
	v3 =	vmul.f32 v4, v3  }
0x20a: {  	v4 =	vld [tilespmem:s14+$0x60]  }
0x20b: {  	[tilespmem:s16+$0xFFFFFFD0] =	vst v3  }
0x20c: {  	v3 =	vld [tilespmem:s14+$0xFFFFFFE0];
	_ =	sdelay $0x2  }
0x20d: {  	v4 =	vmul.f32 v4, v10  }
0x20e: {  	v1 =	vmul.f32 v9, v1  }
0x20f: {  	v5 =	vld [tilespmem:s16+$0x70];
	[tilespmem:s16+$0x60] =	vst v4;
	v3 =	vmul.f32 v3, v6  }
0x210: {  	[tilespmem:s10+$0xFFFFFFE0] =	vst v1;
	v1 =	vld [tilespmem:s14+$0x70]  }
0x211: {  	v4 =	vld [tilespmem:s17+$0xFFFFFFF0];
	[tilespmem:s16+$0xFFFFFFE0] =	vst v3  }
0x212: {  	v3 =	vld [tilespmem:s14+$0xFFFFFFF0];
	_ =	sdelay $0x1  }
0x213: {  	v0 =	vmul.f32 v8, v0  }
0x214: {  	[tilespmem:s10+$0x70] =	vst v11;
	v1 =	vmul.f32 v1, v5  }
0x215: {  	[tilespmem:s11+$0xFFFFFFF0] =	vst v0;
	v0 =	vmul.f32 v4, v2  }
0x216: {  	[tilespmem:s16+$0x70] =	vst v1;
	v1 =	vmul.f32 v3, v7  }
0x217: {  	[tilespmem:s10+$0xFFFFFFF0] =	vst v0  }
0x218: {  	[tilespmem:s16+$0xFFFFFFF0] =	vst v1  }
0x219: {  	[spmem:s24] =	stream.indirect.scatter.add.f32 [tilespmem:s20], [sflag:$0x8], $0x80, s25, s23, $0xb8;
	[tilespmem:$0x1FE00] =	vst v63  }
0x21a: {  	_ =	swait.ge [sflag:s22], $0x4000  }
0x21b: {  	[sflag:s22] =	ssyncset.done $0x0  }
0x21c: {  	s2 =	rddreg [dreg:$0xd];
	[sflag:s22] =	ssyncadd.s32 $0xFFFFC000  }
0x21d: {  	[tilespmem:s26], [sflag:$0x7] =	stream.linear.gather [hbm4b:s2+s3], $0x4000, $0x38;
	[tilespmem:$0x1FE00] =	vst v63  }
0x21e: {  	_ =	swait.ge [sflag:s12], $0x4000  }
0x21f: {  	[sflag:s12] =	ssyncset.done $0x0  }
0x220: {  	[sflag:s12] =	ssyncadd.s32 $0xFFFFC000  }
0x221: {  	_ =	swait.ge [sflag:s13], $0x80  }
0x222: {  	[sflag:s13] =	ssyncset.done $0x0  }
0x223: {  	[sflag:s13] =	ssyncadd.s32 $0xFFFFFF80  }
0x224: {  	_ =	swait.ge [sflag:s1], $0x4000  }
0x225: {  	[sflag:s1] =	ssyncset.done $0x0  }
0x226: {  	s11 =	simm.s32 $0x4280;
	[sflag:s1] =	ssyncadd.s32 $0xFFFFC000  }
0x227: {  	s21 =	simm.s32 $0x8280;
	v0 =	vld [tilespmem:s11+$0x0]  }
0x228: {  	v1 =	vld [tilespmem:s21+$0x0];
	_ =	sdelay $0x3  }
0x229: {  	v2 =	vld [tilespmem:s11+$0xFFFFFF80]  }
0x22a: {  	v0 =	vmul.f32 v1, v0;
	v1 =	vld [tilespmem:s21+$0xFFFFFF80];
	_ =	sdelay $0x1  }
0x22b: {  	[tilespmem:s11+$0x0] =	vst v0;
	v0 =	vld [tilespmem:s11+$0x10]  }
0x22c: {  	v3 =	vld [tilespmem:s21+$0x10];
	_ =	sdelay $0x1  }
0x22d: {  	v1 =	vmul.f32 v1, v2;
	_ =	sdelay $0x1  }
0x22e: {  	v4 =	vld [tilespmem:s11+$0xFFFFFF90];
	[tilespmem:s11+$0xFFFFFF80] =	vst v1  }
0x22f: {  	v0 =	vmul.f32 v3, v0;
	v1 =	vld [tilespmem:s21+$0xFFFFFF90];
	_ =	sdelay $0x1  }
0x230: {  	[tilespmem:s11+$0x10] =	vst v0;
	v0 =	vld [tilespmem:s11+$0x20]  }
0x231: {  	v3 =	vld [tilespmem:s21+$0x20]  }
0x232: {  	v5 =	vld [tilespmem:s11+$0xFFFFFFB0]  }
0x233: {  	s10 =	simm.s32 $0x4380;
	v6 =	vld [tilespmem:s11+$0xFFFFFFD0];
	v1 =	vmul.f32 v1, v4  }
0x234: {  	v7 =	vld [tilespmem:s10+$0x0]  }
0x235: {  	v2 =	vld [tilespmem:s11+$0xFFFFFFA0];
	[tilespmem:s11+$0xFFFFFF90] =	vst v1  }
0x236: {  	v0 =	vmul.f32 v3, v0;
	v1 =	vld [tilespmem:s21+$0xFFFFFFA0]  }
0x237: {  	v8 =	vld [tilespmem:s11+$0xFFFFFFE0]  }
0x238: {  	[tilespmem:s11+$0x20] =	vst v0;
	v0 =	vld [tilespmem:s11+$0x30]  }
0x239: {  	s17 =	simm.s32 $0x8380;
	v3 =	vld [tilespmem:s21+$0x30]  }
0x23a: {  	v10 =	vld [tilespmem:s17+$0xFFFFFF80]  }
0x23b: {  	v1 =	vmul.f32 v1, v2;
	v2 =	vld [tilespmem:s17+$0x0]  }
0x23c: {  	v12 =	vld [tilespmem:s10+$0xFFFFFF90]  }
0x23d: {  	s8 =	simm.s32 $0x8480;
	v13 =	vld [tilespmem:s10+$0xFFFFFFD0]  }
0x23e: {  	v15 =	vld [tilespmem:s8+$0xFFFFFF80];
	v0 =	vmul.f32 v3, v0  }
0x23f: {  	[tilespmem:s11+$0xFFFFFFA0] =	vst v1;
	v1 =	vld [tilespmem:s11+$0x40]  }
0x240: {  	[tilespmem:s11+$0x30] =	vst v0;
	v2 =	vmul.f32 v2, v7;
	v7 =	vld [tilespmem:s10+$0xFFFFFF80]  }
0x241: {  	s16 =	simm.s32 $0x4480;
	v9 =	vld [tilespmem:s21+$0x40]  }
0x242: {  	v16 =	vld [tilespmem:s16+$0xFFFFFF80]  }
0x243: {  	v3 =	vld [tilespmem:s21+$0xFFFFFFB0]  }
0x244: {  	v17 =	vld [tilespmem:s10+$0x50]  }
0x245: {  	[tilespmem:s10+$0x0] =	vst v2;
	v2 =	vld [tilespmem:s10+$0x10];
	v7 =	vmul.f32 v10, v7  }
0x246: {  	v11 =	vld [tilespmem:s17+$0x10];
	v1 =	vmul.f32 v9, v1  }
0x247: {  	v9 =	vld [tilespmem:s11+$0x50];
	[tilespmem:s10+$0xFFFFFF80] =	vst v7  }
0x248: {  	[tilespmem:s11+$0x40] =	vst v1;
	v1 =	vmul.f32 v3, v5;
	v5 =	vld [tilespmem:s17+$0xFFFFFF90]  }
0x249: {  	v3 =	vld [tilespmem:s21+$0x50]  }
0x24a: {  	v60 =	vld [tilespmem:s16+$0xFFFFFFA0]  }
0x24b: {  	v4 =	vld [tilespmem:s11+$0xFFFFFFC0];
	v2 =	vmul.f32 v11, v2;
	[tilespmem:s11+$0xFFFFFFB0] =	vst v1  }
0x24c: {  	v1 =	vld [tilespmem:s21+$0xFFFFFFC0]  }
0x24d: {  	[tilespmem:s10+$0x10] =	vst v2;
	v2 =	vld [tilespmem:s10+$0x20]  }
0x24e: {  	v5 =	vmul.f32 v5, v12;
	v3 =	vmul.f32 v3, v9;
	v9 =	vld [tilespmem:s17+$0x20]  }
0x24f: {  	v18 =	vld [tilespmem:s10+$0x60];
	v15 =	vmul.f32 v15, v16  }
0x250: {  	v10 =	vld [tilespmem:s10+$0xFFFFFFA0];
	[tilespmem:s10+$0xFFFFFF90] =	vst v5  }
0x251: {  	[tilespmem:s16+$0xFFFFFF80] =	vst v15;
	v1 =	vmul.f32 v1, v4;
	v4 =	vld [tilespmem:s17+$0xFFFFFFA0]  }
0x252: {  	v15 =	vld [tilespmem:s8+$0xFFFFFF90]  }
0x253: {  	v0 =	vld [tilespmem:s11+$0xFFFFFFF0];
	[tilespmem:s11+$0xFFFFFFC0] =	vst v1;
	v1 =	vmul.f32 v9, v2  }
0x254: {  	v7 =	vld [tilespmem:s10+$0xFFFFFFB0]  }
0x255: {  	v5 =	vld [tilespmem:s10+$0x30];
	[tilespmem:s10+$0x20] =	vst v1  }
0x256: {  	v4 =	vmul.f32 v4, v10;
	v10 =	vld [tilespmem:s17+$0x30]  }
0x257: {  	v2 =	vld [tilespmem:s21+$0xFFFFFFD0]  }
0x258: {  	v11 =	vld [tilespmem:s11+$0x60]  }
0x259: {  	v12 =	vld [tilespmem:s10+$0xFFFFFFC0];
	[tilespmem:s11+$0x50] =	vst v3  }
0x25a: {  	v3 =	vld [tilespmem:s21+$0x60]  }
0x25b: {  	[tilespmem:s10+$0xFFFFFFA0] =	vst v4;
	v4 =	vld [tilespmem:s16+$0x0];
	v5 =	vmul.f32 v10, v5  }
0x25c: {  	v2 =	vmul.f32 v2, v6;
	v6 =	vld [tilespmem:s8+$0x0]  }
0x25d: {  	v10 =	vld [tilespmem:s10+$0x40];
	[tilespmem:s10+$0x30] =	vst v5  }
0x25e: {  	v5 =	vld [tilespmem:s17+$0x40]  }
0x25f: {  	v9 =	vld [tilespmem:s11+$0x70];
	v3 =	vmul.f32 v3, v11  }
0x260: {  	v1 =	vld [tilespmem:s10+$0xFFFFFFE0]  }
0x261: {  	[tilespmem:s11+$0x60] =	vst v3;
	v3 =	vld [tilespmem:s17+$0xFFFFFFB0];
	v4 =	vmul.f32 v6, v4  }
0x262: {  	v6 =	vld [tilespmem:s16+$0xFFFFFF90]  }
0x263: {  	[tilespmem:s16+$0x0] =	vst v4;
	v4 =	vld [tilespmem:s16+$0x10];
	v5 =	vmul.f32 v5, v10  }
0x264: {  	v10 =	vld [tilespmem:s8+$0x10]  }
0x265: {  	v11 =	vld [tilespmem:s21+$0x70];
	[tilespmem:s10+$0x40] =	vst v5  }
0x266: {  	v3 =	vmul.f32 v3, v7;
	v7 =	vld [tilespmem:s17+$0x50]  }
0x267: {  	[tilespmem:s11+$0xFFFFFFD0] =	vst v2;
	v2 =	vld [tilespmem:s10+$0xFFFFFFF0]  }
0x268: {  	v14 =	vld [tilespmem:s21+$0xFFFFFFE0];
	[tilespmem:s10+$0xFFFFFFB0] =	vst v3;
	v6 =	vmul.f32 v15, v6  }
0x269: {  	v3 =	vmul.f32 v10, v4;
	v10 =	vld [tilespmem:s17+$0xFFFFFFC0]  }
0x26a: {  	[tilespmem:s16+$0xFFFFFF90] =	vst v6;
	v6 =	vld [tilespmem:s16+$0xFFFFFFE0]  }
0x26b: {  	v5 =	vld [tilespmem:s16+$0xFFFFFFB0];
	[tilespmem:s16+$0x10] =	vst v3;
	v3 =	vmul.f32 v7, v17  }
0x26c: {  	v7 =	vld [tilespmem:s16+$0x20]  }
0x26d: {  	v15 =	vld [tilespmem:s8+$0x20];
	[tilespmem:s10+$0x50] =	vst v3  }
0x26e: {  	v10 =	vmul.f32 v10, v12;
	v12 =	vld [tilespmem:s17+$0x60]  }
0x26f: {  	v61 =	vld [tilespmem:s8+$0xFFFFFFA0]  }
0x270: {  	v4 =	vld [tilespmem:s16+$0xFFFFFFC0];
	[tilespmem:s10+$0xFFFFFFC0] =	vst v10  }
0x271: {  	v10 =	vld [tilespmem:s17+$0xFFFFFFD0]  }
0x272: {  	v3 =	vld [tilespmem:s16+$0xFFFFFFD0];
	v7 =	vmul.f32 v15, v7  }
0x273: {  	v15 =	vld [tilespmem:s10+$0x70];
	v12 =	vmul.f32 v12, v18  }
0x274: {  	[tilespmem:s16+$0x20] =	vst v7;
	v7 =	vmul.f32 v14, v8;
	v14 =	vld [tilespmem:s16+$0x30]  }
0x275: {  	v8 =	vmul.f32 v61, v60;
	v62 =	vld [tilespmem:s8+$0x30];
	[tilespmem:s10+$0x60] =	vst v12  }
0x276: {  	[tilespmem:s11+$0xFFFFFFE0] =	vst v7;
	v7 =	vmul.f32 v10, v13;
	v63 =	vld [tilespmem:s17+$0x70]  }
0x277: {  	[tilespmem:s16+$0xFFFFFFA0] =	vst v8;
	v8 =	vld [tilespmem:s21+$0xFFFFFFF0]  }
0x278: {  	v12 =	vld [tilespmem:s8+$0xFFFFFFB0];
	[tilespmem:s10+$0xFFFFFFD0] =	vst v7  }
0x279: {  	v10 =	vmul.f32 v11, v9;
	v9 =	vld [tilespmem:s17+$0xFFFFFFE0]  }
0x27a: {  	v7 =	vld [tilespmem:s16+$0xFFFFFFF0];
	v13 =	vmul.f32 v62, v14  }
0x27b: {  	s15 =	simm.s32 $0x4;
	s14 =	simm.s32 $0x8480;
	s2 =	simm.s32 $0x4580;
	[tilespmem:s11+$0x70] =	vst v10;
	v10 =	vld [tilespmem:s16+$0x40];
	v11 =	vmul.f32 v63, v15  }
.LBB2_10:
0x27c: {  	v14 =	vld [tilespmem:s2+$0x0];
	[tilespmem:s16+$0x30] =	vst v13;
	s8 =	sadd.s32 $0x100, s8;
	v8 =	vmul.f32 v8, v0;
	v0 =	vmov v2  }
0x27d: {  	v13 =	vld [tilespmem:s8+$0x0];
	v12 =	vmul.f32 v12, v5;
	[tilespmem:s10+$0x70] =	vst v11  }
0x27e: {  	s15 =	sadd.s32 $0x2, s15;
	v5 =	vld [tilespmem:s14+$0x40];
	v9 =	vmul.f32 v9, v1;
	[tilespmem:s11+$0xFFFFFFF0] =	vst v8;
	v1 =	vmov v6;
	s11 =	smov.u32 s10;
	s10 =	smov.u32 s16  }
0x27f: {  	p0 =	slt.u32 s15, $0x7E;
	s16 =	smov.u32 s2;
	v6 =	vld [tilespmem:s8+$0xFFFFFF80];
	[tilespmem:s10+$0xFFFFFFB0] =	vst v12;
	v2 =	vmov v7  }
0x280: {  	v7 =	vld [tilespmem:s2+$0xFFFFFF80];
	[tilespmem:s11+$0xFFFFFFE0] =	vst v9  }
0x281: {  	v8 =	vld [tilespmem:s2+$0xFFFFFF90]  }
0x282: {  	v9 =	vld [tilespmem:s2+$0xFFFFFFA0];
	v11 =	vmul.f32 v13, v14  }
0x283: {  	v5 =	vmul.f32 v5, v10;
	v10 =	vld [tilespmem:s10+$0x50]  }
0x284: {  	[tilespmem:s2+$0x0] =	vst v11;
	v11 =	vld [tilespmem:s2+$0x10]  }
0x285: {  	v6 =	vmul.f32 v6, v7;
	v7 =	vld [tilespmem:s8+$0x10];
	[tilespmem:s10+$0x40] =	vst v5  }
0x286: {  	v12 =	vld [tilespmem:s14+$0x50]  }
0x287: {  	[tilespmem:s2+$0xFFFFFF80] =	vst v6;
	v5 =	vld [tilespmem:s2+$0xFFFFFFB0]  }
0x288: {  	v6 =	vld [tilespmem:s8+$0xFFFFFF90]  }
0x289: {  	v13 =	vld [tilespmem:s14+$0xFFFFFFC0]  }
0x28a: {  	v14 =	vld [tilespmem:s2+$0xFFFFFFC0];
	v7 =	vmul.f32 v7, v11  }
0x28b: {  	v10 =	vmul.f32 v12, v10;
	v11 =	vld [tilespmem:s10+$0x60]  }
0x28c: {  	[tilespmem:s2+$0x10] =	vst v7;
	v7 =	vld [tilespmem:s2+$0x20]  }
0x28d: {  	v6 =	vmul.f32 v6, v8;
	v8 =	vld [tilespmem:s8+$0x20];
	[tilespmem:s10+$0x50] =	vst v10  }
0x28e: {  	v10 =	vmul.f32 v13, v4;
	v12 =	vld [tilespmem:s14+$0x60]  }
0x28f: {  	[tilespmem:s2+$0xFFFFFF90] =	vst v6;
	v13 =	vld [tilespmem:s2+$0xFFFFFFD0];
	v4 =	vmov v14  }
0x290: {  	v14 =	vld [tilespmem:s8+$0xFFFFFFA0];
	[tilespmem:s10+$0xFFFFFFC0] =	vst v10  }
0x291: {  	v10 =	vld [tilespmem:s14+$0xFFFFFFD0]  }
0x292: {  	v6 =	vld [tilespmem:s2+$0xFFFFFFE0];
	v7 =	vmul.f32 v8, v7  }
0x293: {  	v8 =	vmul.f32 v12, v11;
	v11 =	vld [tilespmem:s10+$0x70]  }
0x294: {  	[tilespmem:s2+$0x20] =	vst v7;
	v15 =	vld [tilespmem:s2+$0x30]  }
0x295: {  	v7 =	vmul.f32 v14, v9;
	v14 =	vld [tilespmem:s8+$0x30];
	[tilespmem:s10+$0x60] =	vst v8  }
0x296: {  	v9 =	vmul.f32 v10, v3;
	v16 =	vld [tilespmem:s14+$0x70];
	v3 =	vmov v13  }
.Ltmp4:
0x297: {  	[tilespmem:s2+$0xFFFFFFA0] =	vst v7;
	v8 =	vld [tilespmem:s17+$0xFFFFFFF0];
	s17 =	smov.u32 s14;
	s14 =	smov.u32 s8;
	(pc) =	sbr.rel @p0 .LBB2_10-.Ltmp4, $4  }
0x298: {  	v12 =	vld [tilespmem:s8+$0xFFFFFFB0];
	[tilespmem:s10+$0xFFFFFFD0] =	vst v9  }
0x299: {  	v9 =	vld [tilespmem:s17+$0xFFFFFFE0]  }
0x29a: {  	v7 =	vld [tilespmem:s2+$0xFFFFFFF0];
	v13 =	vmul.f32 v14, v15  }
0x29b: {  	s2 =	sadd.s32 $0x100, s2;
	v10 =	vld [tilespmem:s16+$0x40];
	v11 =	vmul.f32 v16, v11  }
0x29c: {  	_ = 	snop  }
0x29d: {  	v5 =	vmul.f32 v12, v5  }
0x29e: {  	[tilespmem:s16+$0x30] =	vst v13  }
0x29f: {  	v54 =	vld [tilespmem:s14+$0x40];
	[tilespmem:s16+$0xFFFFFFB0] =	vst v5  }
0x2a0: {  	v5 =	vld [tilespmem:s14+$0xFFFFFFC0];
	_ =	sdelay $0x3  }
0x2a1: {  	v10 =	vmul.f32 v54, v10  }
0x2a2: {  	v4 =	vmul.f32 v5, v4  }
0x2a3: {  	v55 =	vld [tilespmem:s16+$0x50];
	[tilespmem:s16+$0x40] =	vst v10  }
0x2a4: {  	v56 =	vld [tilespmem:s14+$0x50];
	[tilespmem:s16+$0xFFFFFFC0] =	vst v4  }
0x2a5: {  	v4 =	vld [tilespmem:s14+$0xFFFFFFD0];
	_ =	sdelay $0x3  }
0x2a6: {  	v5 =	vmul.f32 v56, v55  }
0x2a7: {  	v3 =	vmul.f32 v4, v3  }
0x2a8: {  	v57 =	vld [tilespmem:s16+$0x60];
	[tilespmem:s16+$0x50] =	vst v5  }
0x2a9: {  	v58 =	vld [tilespmem:s14+$0x60];
	[tilespmem:s16+$0xFFFFFFD0] =	vst v3  }
0x2aa: {  	v3 =	vld [tilespmem:s14+$0xFFFFFFE0];
	_ =	sdelay $0x2  }
0x2ab: {  	v1 =	vmul.f32 v9, v1  }
0x2ac: {  	v4 =	vmul.f32 v58, v57  }
0x2ad: {  	v59 =	vld [tilespmem:s16+$0x70];
	[tilespmem:s10+$0xFFFFFFE0] =	vst v1;
	v3 =	vmul.f32 v3, v6  }
0x2ae: {  	v61 =	vld [tilespmem:s17+$0xFFFFFFF0];
	[tilespmem:s16+$0x60] =	vst v4  }
0x2af: {  	v60 =	vld [tilespmem:s14+$0x70];
	[tilespmem:s16+$0xFFFFFFE0] =	vst v3  }
0x2b0: {  	v3 =	vld [tilespmem:s14+$0xFFFFFFF0];
	_ =	sdelay $0x1  }
0x2b1: {  	v0 =	vmul.f32 v8, v0  }
0x2b2: {  	[tilespmem:s10+$0x70] =	vst v11;
	v62 =	vmul.f32 v61, v2  }
0x2b3: {  	[tilespmem:s11+$0xFFFFFFF0] =	vst v0;
	v1 =	vmul.f32 v60, v59  }
0x2b4: {  	[tilespmem:s10+$0xFFFFFFF0] =	vst v62;
	v63 =	vmul.f32 v3, v7  }
0x2b5: {  	[tilespmem:s16+$0x70] =	vst v1  }
0x2b6: {  	[tilespmem:s16+$0xFFFFFFF0] =	vst v63  }
0x2b7: {  	[spmem:s24] =	stream.indirect.scatter.add.f32 [tilespmem:s29], [sflag:$0x8], $0x80, s0, s23, $0xb8;
	[tilespmem:$0x1FE00] =	vst v63  }
0x2b8: {  	_ =	swait.ge [sflag:s22], $0x4000  }
0x2b9: {  	[sflag:s22] =	ssyncset.done $0x0  }
0x2ba: {  	[sflag:s22] =	ssyncadd.s32 $0xFFFFC000  }
0x2bb: {  	[bflag:$0x0] =	sbarrier.arrive $0xFFFF  }
0x2bc: {  	s14 =	rddreg [dreg:$0x5]  }
0x2bd: {  	s2 =	rddreg [dreg:$0xe]  }
0x2be: {  	s8 =	rddreg [dreg:$0x10]  }
0x2bf: {  	[hbm:s2], [sflag:s14] =	dma.local [spmem:s8], $0x2780  }
0x2c0: {  	_ =	swait.ge [sflag:s22], $0x2780  }
0x2c1: {  	s19 =	rddreg [dreg:$0x11]  }
0x2c2: {  	s21 =	rddreg [dreg:$0xf];
	s10 =	sadd.s32 $0x1, s19  }
0x2c3: {  	p0 =	sne.s32 s10, s21  }
.Ltmp5:
0x2c4: {  	_ = 	snop;
	(pc) =	sbr.rel @p0 .LBB2_1-.Ltmp5, $3  }
0x2c5: {  	_ =	sdelay $0x1  }
0x2c6: {  	[sflag:s22] =	ssyncset.done $0x0  }
0x2c7: {  	[sflag:s22] =	ssyncadd.s32 $0xFFFFD880  }
0x2c8: {  	_ =	sfence.sel $0x180000  }
0x2c9: {  	[bflag:$0x0] =	sbarrier.arrive $0xFFFF  }
0x2ca: {  	_ =	strace $0x9000004A  }
0x2cb: {  	s0 =	stileid.u32;
	[bflag:$0x2] =	sbarrier.arrive $0xFFFF  }
0x2cc: {  	p0 =	sne.s32 s0, $0x0;
	s0 =	rddreg [dreg:$0x2]  }
0x2cd: {  	s0 =	sadd.s32 @!p0 $0x100000, s0  }
0x2ce: {  	[sflag:s0] =	ssyncadd.tile.s32 @!p0 $0x1;
	_ =	shalt  }
.Lfunc_end2:
_tile_overlayer_lowered:
.L_overlay_start_2:
0x2cf: {  	(tag) =	ssettag $0x2  }
0x2d0: {  	s0 =	rddreg [dreg:$0x0];
	s2 =	stileid.u32  }
0x2d1: {  	s1 =	rddreg [dreg:$0x1];
	p0 =	sne.s32 s2, $0x0  }
0x2d2: {  	s3 =	rddreg [dreg:$0x2];
	[bflag:$0x3] =	sbarrier.arrive $0xFFFF;
	s2 =	simm.s32 @!p0 $0x1C08  }
0x2d3: {  	[timem:s3], [sflag:s2] =	dma.local @!p0 [hbm:s0], s1  }
0x2d4: {  	s0 =	simm.s32 @!p0 $0x8  }
0x2d5: {  	_ =	swait.ge @!p0 [sflag:s0], s1  }
0x2d6: {  	s1 =	ssub.s32 @!p0 $0x0, s1;
	[sflag:s0] =	ssyncset.done @!p0 $0x0  }
0x2d7: {  	[sflag:s0] =	ssyncadd.s32 @!p0 s1  }
0x2d8: {  	[bflag:$0x3] =	sbarrier.arrive $0xFFFF  }
0x2d9: {  	_ =	shalt  }

// kernel: _impl.18.cloned.1.call-start
scs
__scs_entry_jumppad:
0x0: {  	(pc) =	sbr.rel $0x88, $3  }
0x1: {  	(tag) =	ssettag $0x0;
	lr =	simm.s32 $0x1  }
0x2: {  	[smem:$0x3F96] =	sst lr;
	_ =	strace $0xD0000000  }
0x3: {  	_ = 	snop  }
0x4: {  	_ = 	snop  }
0x5: {  	_ = 	snop  }
0x6: {  	_ = 	snop  }
0x7: {  	_ = 	snop  }
__scs_overlays_trampoline_lowered:
0x8: {  	[smem:$0x3FA5] =	sst s0  }
0x9: {  	[smem:$0x3FA6] =	sst s1  }
0xa: {  	[smem:$0x3FA7] =	sst s2  }
0xb: {  	[smem:$0x3FA8] =	sst s3  }
0xc: {  	[smem:$0x3FA9] =	sst s4  }
0xd: {  	[smem:$0x3FAA] =	sst s5  }
0xe: {  	[smem:$0x3FAB] =	sst s6  }
0xf: {  	[smem:$0x3FAC] =	sst s7  }
0x10: {  	[smem:$0x3FAD] =	sst s8  }
0x11: {  	[smem:$0x3FAE] =	sst s9;
	s0 =	simm.s32 @!p0 $0x0  }
0x12: {  	s1 =	sld [smem:$0x3F94];
	s0 =	simm.s32 @p0 $0x1  }
0x13: {  	[smem:$0x3FAF] =	sst s0;
	s0 =	simm.s32 @!p1 $0x0  }
0x14: {  	s2 =	sld [smem:$0x3F93];
	s0 =	simm.s32 @p1 $0x1  }
0x15: {  	[smem:$0x3FB0] =	sst s0;
	s0 =	simm.s32 @!p2 $0x0  }
0x16: {  	s3 =	sld [smem:$0x3FDB];
	s0 =	simm.s32 @p2 $0x1  }
0x17: {  	s4 =	simm.s32 $0x1BF5;
	[smem:$0x3FB2] =	sst s0  }
0x18: {  	s0 =	sld [smem:$0x3F95];
	_ =	swait.ge [sflag:s4], $0x0  }
0x19: {  	s7 =	sld [smem:$0x3F96]  }
0x1a: {  	s8 =	sadd.s32 $0xFFFFE003, lr  }
0x1b: {  	s9 =	sadd.s32 $0xFFFFFEF7, lr;
	s5 =	simm.s32 $0xFFFFFFFF;
	p2 =	slt.u32 s8, $0xFFFFF086  }
0x1c: {  	p1 =	slt.u32 s9, $0xF7A;
	s5 =	simm.s32 @!p2 $0x0  }
0x1d: {  	s5 =	simm.s32 @p1 $0x1;
	p0 =	seq.s32 s7, s2  }
0x1e: {  	s7 =	smul.u32 @!p0 $0xF7A, s2;
	p2 =	seq.s32 @!p0 s5, $0x0  }
0x1f: {  	s9 =	smul.u32 $0xF7A, s1;
	s8 =	simm.s32 @!p0 $0x1BF5;
	p2 =	por !p2, p0  }
0x20: {  	[sflag:s8] =	ssyncset.s32 @!p0 $0xFFFFF086;
	s6 =	sadd.s32 @!p0 s3, s7;
	s7 =	simm.s32 @!p0 $0x108  }
0x21: {  	s3 =	sadd.s32 s3, s9;
	s6 =	sadd.s32 @!p0 $0x88, s6;
	s7 =	simm.s32 @p2 $0x1082  }
0x22: {  	[simem:s7], [sflag:s8] =	dma.local @!p0 [hbm:s6], $0xF7A  }
0x23: {  	s9 =	sor.u32 $0xD0000000, s2;
	s6 =	simm.s32 $0x108;
	_ =	swait.ge @!p0 [sflag:s8], $0x0  }
0x24: {  	s3 =	sadd.s32 $0x88, s3;
	s6 =	simm.s32 @!p1 $0x1082;
	[sflag:s4] =	ssyncset.s32 $0xFFFFF086  }
0x25: {  	[simem:s6], [sflag:s4] =	dma.local [hbm:s3], $0xF7A  }
0x26: {  	[smem:$0x3F96] =	sst s1;
	(tag) =	ssettag s2;
	_ =	strace s9  }
0x27: {  	s1 =	sld [smem:$0x3FA6]  }
0x28: {  	s2 =	sld [smem:$0x3FA7]  }
0x29: {  	s4 =	sld [smem:$0x3FA9]  }
0x2a: {  	p0 =	seq.s32 s5, $0x0;
	s5 =	sld [smem:$0x3FAA]  }
0x2b: {  	s6 =	sld [smem:$0x3FAB]  }
0x2c: {  	s7 =	sld [smem:$0x3FAC]  }
0x2d: {  	s3 =	simm.s32 $0x108;
	s8 =	sld [smem:$0x3FAD]  }
0x2e: {  	s3 =	simm.s32 @!p0 $0x1082;
	s9 =	sld [smem:$0x3FAE]  }
0x2f: {  	lr =	sadd.s32 s0, s3;
	s0 =	sld [smem:$0x3FA5]  }
0x30: {  	s3 =	sld [smem:$0x3FA8]  }
0x31: {  	[smem:$0x3FB1] =	sst s10  }
0x32: {  	s10 =	sld [smem:$0x3FAF];
	_ =	sdelay $0x3  }
0x33: {  	p0 =	seq.s32 s10, $0x1;
	s10 =	sld [smem:$0x3FB1];
	_ =	sdelay $0x3  }
0x34: {  	[smem:$0x3FB1] =	sst s10  }
0x35: {  	s10 =	sld [smem:$0x3FB0];
	_ =	sdelay $0x3  }
0x36: {  	p1 =	seq.s32 s10, $0x1;
	s10 =	sld [smem:$0x3FB1];
	_ =	sdelay $0x3  }
0x37: {  	[smem:$0x3FB1] =	sst s10  }
0x38: {  	s10 =	sld [smem:$0x3FB2]  }
0x39: {  	_ = 	snop;
	(pc) =	sbr.ind lr, $3  }
0x3a: {  	_ = 	snop  }
0x3b: {  	_ = 	snop  }
0x3c: {  	p2 =	seq.s32 s10, $0x1;
	s10 =	sld [smem:$0x3FB1]  }
0x3d: {  	_ =	shalt  }
0x3e: {  	_ =	shalt  }
0x3f: {  	_ =	shalt  }
0x40: {  	_ =	shalt  }
0x41: {  	_ =	shalt  }
0x42: {  	_ =	shalt  }
0x43: {  	_ =	shalt  }
0x44: {  	_ =	shalt  }
0x45: {  	_ =	shalt  }
0x46: {  	_ =	shalt  }
0x47: {  	_ =	shalt  }
0x48: {  	_ =	shalt  }
0x49: {  	_ =	shalt  }
0x4a: {  	_ =	shalt  }
0x4b: {  	_ =	shalt  }
0x4c: {  	_ =	shalt  }
0x4d: {  	_ =	shalt  }
0x4e: {  	_ =	shalt  }
0x4f: {  	_ =	shalt  }
0x50: {  	_ =	shalt  }
0x51: {  	_ =	shalt  }
0x52: {  	_ =	shalt  }
0x53: {  	_ =	shalt  }
0x54: {  	_ =	shalt  }
0x55: {  	_ =	shalt  }
0x56: {  	_ =	shalt  }
0x57: {  	_ =	shalt  }
0x58: {  	_ =	shalt  }
0x59: {  	_ =	shalt  }
0x5a: {  	_ =	shalt  }
0x5b: {  	_ =	shalt  }
0x5c: {  	_ =	shalt  }
0x5d: {  	_ =	shalt  }
0x5e: {  	_ =	shalt  }
0x5f: {  	_ =	shalt  }
0x60: {  	_ =	shalt  }
0x61: {  	_ =	shalt  }
0x62: {  	_ =	shalt  }
0x63: {  	_ =	shalt  }
0x64: {  	_ =	shalt  }
0x65: {  	_ =	shalt  }
0x66: {  	_ =	shalt  }
0x67: {  	_ =	shalt  }
0x68: {  	_ =	shalt  }
0x69: {  	_ =	shalt  }
0x6a: {  	_ =	shalt  }
0x6b: {  	_ =	shalt  }
0x6c: {  	_ =	shalt  }
0x6d: {  	_ =	shalt  }
0x6e: {  	_ =	shalt  }
0x6f: {  	_ =	shalt  }
0x70: {  	_ =	shalt  }
0x71: {  	_ =	shalt  }
0x72: {  	_ =	shalt  }
0x73: {  	_ =	shalt  }
0x74: {  	_ =	shalt  }
0x75: {  	_ =	shalt  }
0x76: {  	_ =	shalt  }
0x77: {  	_ =	shalt  }
0x78: {  	_ =	shalt  }
0x79: {  	_ =	shalt  }
0x7a: {  	_ =	shalt  }
0x7b: {  	_ =	shalt  }
0x7c: {  	_ =	shalt  }
0x7d: {  	_ =	shalt  }
0x7e: {  	_ =	shalt  }
0x7f: {  	_ =	shalt  }
0x80: {  	_ =	shalt  }
0x81: {  	_ =	shalt  }
0x82: {  	_ =	shalt  }
0x83: {  	_ =	shalt  }
0x84: {  	_ =	shalt  }
0x85: {  	_ =	shalt  }
0x86: {  	_ =	shalt  }
0x87: {  	_ =	shalt  }
.Lfunc_end0:
.L_simem_size_0:
called_computation.2_lowered:
.L_overlay_start_0:
0x88: {  	s2 =	sld [smem:$0x3FD9]  }
0x89: {  	s3 =	sld [smem:$0x3FFE];
	_ =	sdelay $0x1  }
0x8a: {  	s1 =	srdreg.scid  }
0x8b: {  	s0 =	sand.u32 $0x1, s1  }
0x8c: {  	s16 =	sshll.u32 s0, $0xA;
	s2 =	sadd.s32 s3, s2  }
0x8d: {  	s2 =	sadd.s32 s2, s16  }
0x8e: {  	[smem:$0x3FBD] =	sst s2  }
0x8f: {  	_ = 	snop  }
0x90: {  	(tm) =	ssettm $0x1  }
0x91: {  	s17 =	sld [smem:$0x3FFB];
	_ =	sdelay $0x3  }
0x92: {  	_ =	strace s17  }
0x93: {  	s2 =	sld [smem:$0x3FFC];
	_ =	sdelay $0x3  }
0x94: {  	_ =	strace s2  }
0x95: {  	s2 =	sld [smem:$0x3FFD];
	_ =	sdelay $0x3  }
0x96: {  	_ =	strace s2  }
0x97: {  	_ =	strace $0x8FFFFFFF  }
0x98: {  	s18 =	sld [smem:$0x3FDB];
	_ =	sdelay $0x1  }
0x99: {  	s19 =	simm.s32 $_scs_section_size  }
0x9a: {  	s4 =	simm.s32 $_size__tile_overlayer_lowered;
	s5 =	simm.s32 $_tile_overlayer_lowered  }
0x9b: {  	s22 =	simm.s32 $0x1BFF;
	s21 =	sshll.u32 s5, $0x1;
	s2 =	sadd.s32 s19, s18  }
0x9c: {  	s6 =	simm.s32 $0x0;
	s20 =	sshll.u32 s4, $0x1;
	s4 =	sadd.s32 s21, s2  }
0x9d: {  	[timem:s6], [sflag:s22] =	dma.local [hbm:s4], s20  }
0x9e: {  	_ =	swait.ge [sflag:s22], s20  }
0x9f: {  	s3 =	ssub.s32 $0x0, s20;
	[sflag:s22] =	ssyncset.done $0x0  }
0xa0: {  	[sflag:s22] =	ssyncadd.s32 s3;
	_ =	sdelay $0x1  }
0xa1: {  	s23 =	simm.s32 $0x1B8B  }
0xa2: {  	_ =	swait.ge [sflag:s23], $0x1  }
0xa3: {  	[sflag:s23] =	ssyncset.done $0x0  }
0xa4: {  	s25 =	simm.s32 $0x1B8E;
	s24 =	sld [smem:$0x3FFE];
	[sflag:s23] =	ssyncadd.s32 $0xFFFFFFFF  }
0xa5: {  	s26 =	simm.s32 $execute0_lowered;
	[smem:$0x3FD2] =	sst s25  }
0xa6: {  	s4 =	sshll.u32 s26, $0x1;
	_ =	strace $0x8000004C;
	[dreg:$0x1] =	wrdreg $0xFFFFFFFF  }
0xa7: {  	s28 =	simm.s32 $_size_execute0_lowered;
	s2 =	sadd.s32 s2, s4;
	[dreg:$0x0] =	wrdreg $0x0  }
0xa8: {  	s4 =	sshll.u32 s28, $0x1;
	[dreg:$0x2] =	wrdreg s2  }
0xa9: {  	[dreg:$0x3] =	wrdreg s4  }
0xaa: {  	[dreg:$0x4] =	wrdreg $0xC0  }
0xab: {  	_ =	task [dreg:s6], $0x5FFFF  }
0xac: {  	[dreg:$0x1] =	wrdreg $0xFFFFFFFF  }
0xad: {  	[dreg:$0x0] =	wrdreg $0x60  }
0xae: {  	[dreg:$0x2] =	wrdreg s24  }
0xaf: {  	[dreg:$0x3] =	wrdreg $0xC2000  }
0xb0: {  	[dreg:$0x4] =	wrdreg $0x9  }
0xb1: {  	_ =	task.clear_ibuf [dreg:s6], $0x5FFFF;
	_ =	strace $0x9000004C  }
0xb2: {  	s29 =	simm.s32 $0x9;
	_ =	strace $0x8000004E  }
0xb3: {  	_ =	swait.ge [sflag:s29], $0x1  }
0xb4: {  	[sflag:s29] =	ssyncadd.s32 $0xFFFFFFFF  }
0xb5: {  	_ =	strace $0x9000004E  }
0xb6: {  	_ =	sfence  }
0xb7: {  	s30 =	sld [smem:$0x0];
	_ =	sdelay $0x2  }
0xb8: {  	s31 =	sshll.u32 s1, $0xD;
	s1 =	sshrl.u32 s1, $0x2  }
0xb9: {  	s3 =	sand.u32 $0x4000, s31;
	s1 =	sadd.s32 s1, s30  }
0xba: {  	s0 =	sor.u32 s3, s0;
	s1 =	sshll.u32 s1, $0x11  }
0xbb: {  	s0 =	sor.u32 s1, s0  }
0xbc: {  	s0 =	sadd.s32 $0x8F2B, s0  }
0xbd: {  	[sflag:s0] =	ssyncadd.remote.s32 $0x1  }
0xbe: {  	_ =	sfence.sel $0xFFFF  }
0xbf: {  	[dreg:$0x0] =	wrdreg $0xFFFFFFFF;
	(pc) =	sbr.abs _section_cstart, $3  }
0xc0: {  	[dreg:$0x1] =	wrdreg $0xFFFFFFFF  }
0xc1: {  	_ =	task.clear_ibuf [dreg:s6], $0x2FFFF;
	_ =	strace $0x9FFFFFFF  }
0xc2: {  	(tm) =	ssettm $0x7FFFFFFF  }
0xc3: {  	_ =	shalt  }
tec
execute0_lowered:
.L_overlay_start_1:
0x0: {  	(tag) =	ssettag $0x1  }
0x1: {  	s0 =	rddreg [dreg:$0x0]  }
0x2: {  	s24 =	rddreg [dreg:$0x1]  }
0x3: {  	s3 =	simm.s32 $0x0;
	s12 =	stileid.u32;
	s1 =	srdreg.scid  }
0x4: {  	s28 =	simm.s32 $0x4;
	s29 =	simm.s32 $0x4200;
	s30 =	simm.s32 $0x1  }
0x5: {  	s31 =	simm.s32 $0x5;
	[smem:$0x7FF] =	sst s3;
	s2 =	smul.u32 $0x2780, s12  }
0x6: {  	s1 =	sand.u32 $0x1, s1;
	s4 =	sadd.s32 $0x6400, s0;
	s5 =	sadd.s32 $0x5A200, s0  }
0x7: {  	s6 =	sadd.s32 $0x64200, s0;
	s7 =	sadd.s32 $0xB32E00, s0;
	s10 =	smul.u32 $0x4F000, s12  }
0x8: {  	s16 =	sshll.u32 s12, $0x6;
	_ =	strace $0x8000004D;
	s8 =	smul.u32 $0x27800, s1  }
0x9: {  	s25 =	sshll.u32 s1, $0x4;
	s1 =	ssub.s32 $0x2, s1;
	s9 =	sadd.s32 s2, s0  }
0xa: {  	s26 =	sor.u32 s12, s25;
	s14 =	sshrl.u32 s1, $0x1;
	s10 =	sshrl.u32 s10, $0x2  }
0xb: {  	s12 =	simm.s32 $0x2;
	s2 =	sadd.s32 s2, s8;
	s11 =	smul.u32 $0x500, s26  }
0xc: {  	s1 =	ssub.s32 s1, s14;
	s15 =	sadd.s32 s10, s24;
	s9 =	sadd.s32 $0x5BC600, s9  }
0xd: {  	s13 =	smul.u32 $0x50, s26;
	s14 =	sor.u32 $0x1C08, s16;
	[dreg:$0x4] =	wrdreg s9  }
0xe: {  	s17 =	smul.u32 $0x140000, s26;
	s0 =	sadd.s32 s2, s0;
	[dreg:$0x5] =	wrdreg s14  }
0xf: {  	s2 =	smul.u32 $0x2800, s26;
	s26 =	smax.u32 s1, $0x1;
	[dreg:$0x3] =	wrdreg s13  }
0x10: {  	s10 =	simm.s32 $0x0;
	s8 =	sshrl.u32 s15, $0x3;
	[dreg:$0xf] =	wrdreg s26  }
0x11: {  	s1 =	simm.s32 $0x7;
	s18 =	sadd.s32 s5, s11;
	[dreg:$0x10] =	wrdreg s8  }
0x12: {  	s19 =	sadd.s32 s6, s11;
	s20 =	sor.u32 $0x2, s13;
	[dreg:$0x6] =	wrdreg s18  }
0x13: {  	s21 =	sor.u32 $0x3, s13;
	s22 =	sshrl.u32 s17, $0x3;
	[dreg:$0x8] =	wrdreg s19  }
0x14: {  	s0 =	sadd.s32 $0x6E200, s0;
	s26 =	simm.s32 $0x8200;
	[dreg:$0x9] =	wrdreg s20  }
0x15: {  	s13 =	simm.s32 $0x6;
	s9 =	sadd.s32 $0x10, s18;
	[dreg:$0xa] =	wrdreg s21  }
0x16: {  	s2 =	sadd.s32 $0x2780, s2;
	[dreg:$0xe] =	wrdreg s0;
	s20 =	simm.s32 $0x200  }
0x17: {  	s0 =	simm.s32 $0x180;
	[dreg:$0x7] =	wrdreg s9;
	s9 =	sadd.s32 s7, s22  }
0x18: {  	s23 =	sshrl.u32 s2, $0x3;
	s2 =	sshll.u32 s2, $0x4;
	s9 =	sadd.s32 $0x27000, s9  }
0x19: {  	s22 =	simm.s32 $0x8;
	s25 =	sadd.s32 s6, s23;
	[dreg:$0xb] =	wrdreg s9  }
0x1a: {  	s2 =	sadd.s32 s7, s2;
	s23 =	simm.s32 $0x80;
	[dreg:$0xc] =	wrdreg s25  }
0x1b: {  	[dreg:$0xd] =	wrdreg s2;
	s25 =	simm.s32 $0x100;
	s9 =	simm.s32 $0x3  }
.LBB2_1:
0x1c: {  	[dreg:$0x11] =	wrdreg s10  }
0x1d: {  	s2 =	rddreg [dreg:$0x4]  }
0x1e: {  	[spmem:s8], [sflag:s14] =	dma.local [hbm:s2], $0x2780  }
0x1f: {  	_ =	swait.ge [sflag:s22], $0x2780  }
0x20: {  	[sflag:s22] =	ssyncset.done $0x0  }
0x21: {  	[sflag:s22] =	ssyncadd.s32 $0xFFFFD880  }
0x22: {  	[bflag:$0x0] =	sbarrier.arrive $0xFFFF  }
0x23: {  	s19 =	rddreg [dreg:$0x6]  }
0x24: {  	[tilespmem:s3], [sflag:$0x8] =	stream.linear.gather [hbm4b:s19+s3], $0x80, $0x38;
	[tilespmem:$0x1FE00] =	vst v63  }
0x25: {  	_ =	swait.ge [sflag:s22], $0x80  }
0x26: {  	[sflag:s22] =	ssyncset.done $0x0  }
0x27: {  	[sflag:s22] =	ssyncadd.s32 $0xFFFFFF80  }
0x28: {  	[tilespmem:s20], [sflag:$0x1] =	stream.indirect.gather [hbm4b:s4+s23], $0x80, s3, s23, $0xb8;
	[tilespmem:$0x1FE00] =	vst v63  }
0x29: {  	s20 =	rddreg [dreg:$0x7]  }
0x2a: {  	[tilespmem:s23], [sflag:$0x4] =	stream.linear.gather [hbm4b:s20+s3], $0x80, $0x38;
	[tilespmem:$0x1FE00] =	vst v63  }
0x2b: {  	s17 =	simm.s32 $0x0;
	s21 =	rddreg [dreg:$0x8]  }
0x2c: {  	[tilespmem:s25], [sflag:$0x5] =	stream.linear.gather [hbm4b:s21+s3], $0x80, $0x38;
	[tilespmem:$0x1FE00] =	vst v63  }
.LBB2_2:
0x2d: {  	s18 =	sshll.u32 s17, $0x1;
	s2 =	rddreg [dreg:$0x3]  }
0x2e: {  	s2 =	sadd.s32 s2, s18  }
0x2f: {  	s8 =	sshll.u32 s2, $0xB  }
0x30: {  	s8 =	sadd.s32 s7, s8  }
0x31: {  	[tilespmem:s26], [sflag:$0x7] =	stream.linear.gather [hbm4b:s8+s3], $0x4000, $0x38;
	[tilespmem:$0x1FE00] =	vst v63  }
0x32: {  	_ =	swait.ge [sflag:s28], $0x80  }
0x33: {  	[sflag:s28] =	ssyncset.done $0x0;
	s15 =	rddreg [dreg:$0x9]  }
0x34: {  	[sflag:s28] =	ssyncadd.s32 $0xFFFFFF80;
	s8 =	sadd.s32 s18, s15  }
0x35: {  	[tilespmem:s29], [sflag:$0x2] =	stream.indirect.gather [hbm4b:s4+s23], $0x80, s23, s23, $0xb8;
	[tilespmem:$0x1FE00] =	vst v63  }
0x36: {  	s8 =	sshll.u32 s8, $0x4;
	_ =	swait.ge [sflag:s30], $0x4000  }
0x37: {  	s19 =	sand.u32 $0x1FFFFFE0, s8;
	[sflag:s30] =	ssyncset.done $0x0  }
0x38: {  	s20 =	sadd.s32 $0x1, s2;
	s16 =	sadd.s32 s5, s19;
	[sflag:s30] =	ssyncadd.s32 $0xFFFFC000  }
0x39: {  	[tilespmem:s3], [sflag:$0x3] =	stream.linear.gather [hbm4b:s16+s3], $0x80, $0x38;
	[tilespmem:$0x1FE00] =	vst v63  }
0x3a: {  	s21 =	sshll.u32 s20, $0x4;
	_ =	swait.ge [sflag:s31], $0x80  }
0x3b: {  	s2 =	sand.u32 $0x1FFFFFF0, s21;
	[sflag:s31] =	ssyncset.done $0x0  }
0x3c: {  	s2 =	sadd.s32 s6, s2;
	[sflag:s31] =	ssyncadd.s32 $0xFFFFFF80  }
0x3d: {  	[tilespmem:s0], [sflag:$0x6] =	stream.linear.gather [hbm4b:s2+s3], $0x80, $0x38;
	[tilespmem:$0x1FE00] =	vst v63  }
0x3e: {  	_ =	swait.ge [sflag:s1], $0x4000  }
0x3f: {  	[sflag:s1] =	ssyncset.done $0x0  }
0x40: {  	s11 =	simm.s32 $0x280;
	[sflag:s1] =	ssyncadd.s32 $0xFFFFC000  }
0x41: {  	s14 =	simm.s32 $0x8280;
	v0 =	vld [tilespmem:s11+$0x0]  }
0x42: {  	v1 =	vld [tilespmem:s14+$0x0];
	_ =	sdelay $0x3  }
0x43: {  	v2 =	vld [tilespmem:s11+$0xFFFFFF80]  }
0x44: {  	v0 =	vmul.f32 v1, v0;
	v1 =	vld [tilespmem:s14+$0xFFFFFF80];
	_ =	sdelay $0x1  }
0x45: {  	[tilespmem:s11+$0x0] =	vst v0;
	v0 =	vld [tilespmem:s11+$0x10]  }
0x46: {  	v3 =	vld [tilespmem:s14+$0x10];
	_ =	sdelay $0x1  }
0x47: {  	v1 =	vmul.f32 v1, v2;
	_ =	sdelay $0x1  }
0x48: {  	v4 =	vld [tilespmem:s11+$0xFFFFFF90];
	[tilespmem:s11+$0xFFFFFF80] =	vst v1  }
0x49: {  	v0 =	vmul.f32 v3, v0;
	v1 =	vld [tilespmem:s14+$0xFFFFFF90];
	_ =	sdelay $0x1  }
0x4a: {  	[tilespmem:s11+$0x10] =	vst v0;
	v0 =	vld [tilespmem:s11+$0x20]  }
0x4b: {  	v3 =	vld [tilespmem:s14+$0x20]  }
0x4c: {  	v5 =	vld [tilespmem:s11+$0xFFFFFFB0]  }
0x4d: {  	s10 =	simm.s32 $0x380;
	v6 =	vld [tilespmem:s11+$0xFFFFFFD0];
	v1 =	vmul.f32 v1, v4  }
0x4e: {  	v7 =	vld [tilespmem:s10+$0x0]  }
0x4f: {  	v2 =	vld [tilespmem:s11+$0xFFFFFFA0];
	[tilespmem:s11+$0xFFFFFF90] =	vst v1  }
0x50: {  	v0 =	vmul.f32 v3, v0;
	v1 =	vld [tilespmem:s14+$0xFFFFFFA0]  }
0x51: {  	v8 =	vld [tilespmem:s11+$0xFFFFFFE0]  }
0x52: {  	[tilespmem:s11+$0x20] =	vst v0;
	v0 =	vld [tilespmem:s11+$0x30]  }
0x53: {  	s21 =	simm.s32 $0x8380;
	v3 =	vld [tilespmem:s14+$0x30]  }
0x54: {  	v10 =	vld [tilespmem:s21+$0xFFFFFF80]  }
0x55: {  	v1 =	vmul.f32 v1, v2;
	v2 =	vld [tilespmem:s21+$0x0]  }
0x56: {  	v12 =	vld [tilespmem:s10+$0xFFFFFF90]  }
0x57: {  	s8 =	simm.s32 $0x8480;
	v13 =	vld [tilespmem:s10+$0xFFFFFFD0]  }
0x58: {  	v15 =	vld [tilespmem:s8+$0xFFFFFF80];
	v0 =	vmul.f32 v3, v0  }
0x59: {  	[tilespmem:s11+$0xFFFFFFA0] =	vst v1;
	v1 =	vld [tilespmem:s11+$0x40]  }
0x5a: {  	[tilespmem:s11+$0x30] =	vst v0;
	v2 =	vmul.f32 v2, v7;
	v7 =	vld [tilespmem:s10+$0xFFFFFF80]  }
0x5b: {  	s16 =	simm.s32 $0x480;
	v9 =	vld [tilespmem:s14+$0x40]  }
0x5c: {  	v16 =	vld [tilespmem:s16+$0xFFFFFF80]  }
0x5d: {  	v3 =	vld [tilespmem:s14+$0xFFFFFFB0]  }
0x5e: {  	v17 =	vld [tilespmem:s10+$0x50]  }
0x5f: {  	[tilespmem:s10+$0x0] =	vst v2;
	v2 =	vld [tilespmem:s10+$0x10];
	v7 =	vmul.f32 v10, v7  }
0x60: {  	v11 =	vld [tilespmem:s21+$0x10];
	v1 =	vmul.f32 v9, v1  }
0x61: {  	v9 =	vld [tilespmem:s11+$0x50];
	[tilespmem:s10+$0xFFFFFF80] =	vst v7  }
0x62: {  	[tilespmem:s11+$0x40] =	vst v1;
	v1 =	vmul.f32 v3, v5;
	v5 =	vld [tilespmem:s21+$0xFFFFFF90]  }
0x63: {  	v3 =	vld [tilespmem:s14+$0x50]  }
0x64: {  	v60 =	vld [tilespmem:s16+$0xFFFFFFA0]  }
0x65: {  	v4 =	vld [tilespmem:s11+$0xFFFFFFC0];
	v2 =	vmul.f32 v11, v2;
	[tilespmem:s11+$0xFFFFFFB0] =	vst v1  }
0x66: {  	v1 =	vld [tilespmem:s14+$0xFFFFFFC0]  }
0x67: {  	[tilespmem:s10+$0x10] =	vst v2;
	v2 =	vld [tilespmem:s10+$0x20]  }
0x68: {  	v5 =	vmul.f32 v5, v12;
	v3 =	vmul.f32 v3, v9;
	v9 =	vld [tilespmem:s21+$0x20]  }
0x69: {  	v18 =	vld [tilespmem:s10+$0x60];
	v15 =	vmul.f32 v15, v16  }
0x6a: {  	v10 =	vld [tilespmem:s10+$0xFFFFFFA0];
	[tilespmem:s10+$0xFFFFFF90] =	vst v5  }
0x6b: {  	[tilespmem:s16+$0xFFFFFF80] =	vst v15;
	v1 =	vmul.f32 v1, v4;
	v4 =	vld [tilespmem:s21+$0xFFFFFFA0]  }
0x6c: {  	v15 =	vld [tilespmem:s8+$0xFFFFFF90]  }
0x6d: {  	v0 =	vld [tilespmem:s11+$0xFFFFFFF0];
	[tilespmem:s11+$0xFFFFFFC0] =	vst v1;
	v1 =	vmul.f32 v9, v2  }
0x6e: {  	v7 =	vld [tilespmem:s10+$0xFFFFFFB0]  }
0x6f: {  	v5 =	vld [tilespmem:s10+$0x30];
	[tilespmem:s10+$0x20] =	vst v1  }
0x70: {  	v4 =	vmul.f32 v4, v10;
	v10 =	vld [tilespmem:s21+$0x30]  }
0x71: {  	v2 =	vld [tilespmem:s14+$0xFFFFFFD0]  }
0x72: {  	v11 =	vld [tilespmem:s11+$0x60]  }
0x73: {  	v12 =	vld [tilespmem:s10+$0xFFFFFFC0];
	[tilespmem:s11+$0x50] =	vst v3  }
0x74: {  	v3 =	vld [tilespmem:s14+$0x60]  }
0x75: {  	[tilespmem:s10+$0xFFFFFFA0] =	vst v4;
	v4 =	vld [tilespmem:s16+$0x0];
	v5 =	vmul.f32 v10, v5  }
0x76: {  	v2 =	vmul.f32 v2, v6;
	v6 =	vld [tilespmem:s8+$0x0]  }
0x77: {  	v10 =	vld [tilespmem:s10+$0x40];
	[tilespmem:s10+$0x30] =	vst v5  }
0x78: {  	v5 =	vld [tilespmem:s21+$0x40]  }
0x79: {  	v9 =	vld [tilespmem:s11+$0x70];
	v3 =	vmul.f32 v3, v11  }
0x7a: {  	v1 =	vld [tilespmem:s10+$0xFFFFFFE0]  }
0x7b: {  	[tilespmem:s11+$0x60] =	vst v3;
	v3 =	vld [tilespmem:s21+$0xFFFFFFB0];
	v4 =	vmul.f32 v6, v4  }
0x7c: {  	v6 =	vld [tilespmem:s16+$0xFFFFFF90]  }
0x7d: {  	[tilespmem:s16+$0x0] =	vst v4;
	v4 =	vld [tilespmem:s16+$0x10];
	v5 =	vmul.f32 v5, v10  }
0x7e: {  	v10 =	vld [tilespmem:s8+$0x10]  }
0x7f: {  	v11 =	vld [tilespmem:s14+$0x70];
	[tilespmem:s10+$0x40] =	vst v5  }
0x80: {  	v3 =	vmul.f32 v3, v7;
	v7 =	vld [tilespmem:s21+$0x50]  }
0x81: {  	[tilespmem:s11+$0xFFFFFFD0] =	vst v2;
	v2 =	vld [tilespmem:s10+$0xFFFFFFF0]  }
0x82: {  	v14 =	vld [tilespmem:s14+$0xFFFFFFE0];
	[tilespmem:s10+$0xFFFFFFB0] =	vst v3;
	v6 =	vmul.f32 v15, v6  }
0x83: {  	v3 =	vmul.f32 v10, v4;
	v10 =	vld [tilespmem:s21+$0xFFFFFFC0]  }
0x84: {  	[tilespmem:s16+$0xFFFFFF90] =	vst v6;
	v6 =	vld [tilespmem:s16+$0xFFFFFFE0]  }
0x85: {  	v5 =	vld [tilespmem:s16+$0xFFFFFFB0];
	[tilespmem:s16+$0x10] =	vst v3;
	v3 =	vmul.f32 v7, v17  }
0x86: {  	v7 =	vld [tilespmem:s16+$0x20]  }
0x87: {  	v15 =	vld [tilespmem:s8+$0x20];
	[tilespmem:s10+$0x50] =	vst v3  }
0x88: {  	v10 =	vmul.f32 v10, v12;
	v12 =	vld [tilespmem:s21+$0x60]  }
0x89: {  	v61 =	vld [tilespmem:s8+$0xFFFFFFA0]  }
0x8a: {  	v4 =	vld [tilespmem:s16+$0xFFFFFFC0];
	[tilespmem:s10+$0xFFFFFFC0] =	vst v10  }
0x8b: {  	v10 =	vld [tilespmem:s21+$0xFFFFFFD0]  }
0x8c: {  	v3 =	vld [tilespmem:s16+$0xFFFFFFD0];
	v7 =	vmul.f32 v15, v7  }
0x8d: {  	v15 =	vld [tilespmem:s10+$0x70];
	v12 =	vmul.f32 v12, v18  }
0x8e: {  	[tilespmem:s16+$0x20] =	vst v7;
	v7 =	vmul.f32 v14, v8;
	v14 =	vld [tilespmem:s16+$0x30]  }
0x8f: {  	v8 =	vmul.f32 v61, v60;
	v62 =	vld [tilespmem:s8+$0x30];
	[tilespmem:s10+$0x60] =	vst v12  }
0x90: {  	[tilespmem:s11+$0xFFFFFFE0] =	vst v7;
	v7 =	vmul.f32 v10, v13;
	v63 =	vld [tilespmem:s21+$0x70]  }
0x91: {  	[tilespmem:s16+$0xFFFFFFA0] =	vst v8;
	v8 =	vld [tilespmem:s14+$0xFFFFFFF0]  }
0x92: {  	v12 =	vld [tilespmem:s8+$0xFFFFFFB0];
	[tilespmem:s10+$0xFFFFFFD0] =	vst v7  }
0x93: {  	v10 =	vmul.f32 v11, v9;
	v9 =	vld [tilespmem:s21+$0xFFFFFFE0]  }
0x94: {  	v7 =	vld [tilespmem:s16+$0xFFFFFFF0];
	v13 =	vmul.f32 v62, v14  }
0x95: {  	s15 =	simm.s32 $0x4;
	s2 =	simm.s32 $0x580;
	s14 =	simm.s32 $0x8480;
	[tilespmem:s11+$0x70] =	vst v10;
	v10 =	vld [tilespmem:s16+$0x40];
	v11 =	vmul.f32 v63, v15  }
.LBB2_3:
0x96: {  	v14 =	vld [tilespmem:s2+$0x0];
	[tilespmem:s16+$0x30] =	vst v13;
	s8 =	sadd.s32 $0x100, s8;
	v8 =	vmul.f32 v8, v0;
	v0 =	vmov v2  }
0x97: {  	v13 =	vld [tilespmem:s8+$0x0];
	v12 =	vmul.f32 v12, v5;
	[tilespmem:s10+$0x70] =	vst v11  }
0x98: {  	s15 =	sadd.s32 $0x2, s15;
	v5 =	vld [tilespmem:s14+$0x40];
	v9 =	vmul.f32 v9, v1;
	[tilespmem:s11+$0xFFFFFFF0] =	vst v8;
	v1 =	vmov v6;
	s11 =	smov.u32 s10;
	s10 =	smov.u32 s16  }
0x99: {  	p0 =	slt.u32 s15, $0x7E;
	s16 =	smov.u32 s2;
	v6 =	vld [tilespmem:s8+$0xFFFFFF80];
	[tilespmem:s10+$0xFFFFFFB0] =	vst v12;
	v2 =	vmov v7  }
0x9a: {  	v7 =	vld [tilespmem:s2+$0xFFFFFF80];
	[tilespmem:s11+$0xFFFFFFE0] =	vst v9  }
0x9b: {  	v8 =	vld [tilespmem:s2+$0xFFFFFF90]  }
0x9c: {  	v9 =	vld [tilespmem:s2+$0xFFFFFFA0];
	v11 =	vmul.f32 v13, v14  }
0x9d: {  	v5 =	vmul.f32 v5, v10;
	v10 =	vld [tilespmem:s10+$0x50]  }
0x9e: {  	[tilespmem:s2+$0x0] =	vst v11;
	v11 =	vld [tilespmem:s2+$0x10]  }
0x9f: {  	v6 =	vmul.f32 v6, v7;
	v7 =	vld [tilespmem:s8+$0x10];
	[tilespmem:s10+$0x40] =	vst v5  }
0xa0: {  	v12 =	vld [tilespmem:s14+$0x50]  }
0xa1: {  	[tilespmem:s2+$0xFFFFFF80] =	vst v6;
	v5 =	vld [tilespmem:s2+$0xFFFFFFB0]  }
0xa2: {  	v6 =	vld [tilespmem:s8+$0xFFFFFF90]  }
0xa3: {  	v13 =	vld [tilespmem:s14+$0xFFFFFFC0]  }
0xa4: {  	v14 =	vld [tilespmem:s2+$0xFFFFFFC0];
	v7 =	vmul.f32 v7, v11  }
0xa5: {  	v10 =	vmul.f32 v12, v10;
	v11 =	vld [tilespmem:s10+$0x60]  }
0xa6: {  	[tilespmem:s2+$0x10] =	vst v7;
	v7 =	vld [tilespmem:s2+$0x20]  }
0xa7: {  	v6 =	vmul.f32 v6, v8;
	v8 =	vld [tilespmem:s8+$0x20];
	[tilespmem:s10+$0x50] =	vst v10  }
0xa8: {  	v10 =	vmul.f32 v13, v4;
	v12 =	vld [tilespmem:s14+$0x60]  }
0xa9: {  	[tilespmem:s2+$0xFFFFFF90] =	vst v6;
	v13 =	vld [tilespmem:s2+$0xFFFFFFD0];
	v4 =	vmov v14  }
0xaa: {  	v14 =	vld [tilespmem:s8+$0xFFFFFFA0];
	[tilespmem:s10+$0xFFFFFFC0] =	vst v10  }
0xab: {  	v10 =	vld [tilespmem:s14+$0xFFFFFFD0]  }
0xac: {  	v6 =	vld [tilespmem:s2+$0xFFFFFFE0];
	v7 =	vmul.f32 v8, v7  }
0xad: {  	v8 =	vmul.f32 v12, v11;
	v11 =	vld [tilespmem:s10+$0x70]  }
0xae: {  	[tilespmem:s2+$0x20] =	vst v7;
	v15 =	vld [tilespmem:s2+$0x30]  }
0xaf: {  	v7 =	vmul.f32 v14, v9;
	v14 =	vld [tilespmem:s8+$0x30];
	[tilespmem:s10+$0x60] =	vst v8  }
0xb0: {  	v9 =	vmul.f32 v10, v3;
	v16 =	vld [tilespmem:s14+$0x70];
	v3 =	vmov v13  }
.Ltmp0:
0xb1: {  	[tilespmem:s2+$0xFFFFFFA0] =	vst v7;
	v8 =	vld [tilespmem:s21+$0xFFFFFFF0];
	s21 =	smov.u32 s14;
	s14 =	smov.u32 s8;
	(pc) =	sbr.rel @p0 .LBB2_3-.Ltmp0, $4  }
0xb2: {  	v12 =	vld [tilespmem:s8+$0xFFFFFFB0];
	[tilespmem:s10+$0xFFFFFFD0] =	vst v9  }
0xb3: {  	v9 =	vld [tilespmem:s21+$0xFFFFFFE0]  }
0xb4: {  	v7 =	vld [tilespmem:s2+$0xFFFFFFF0];
	v13 =	vmul.f32 v14, v15  }
0xb5: {  	s2 =	sadd.s32 $0x100, s2;
	v10 =	vld [tilespmem:s16+$0x40];
	v11 =	vmul.f32 v16, v11  }
0xb6: {  	_ = 	snop  }
0xb7: {  	[tilespmem:s16+$0x30] =	vst v13;
	v5 =	vmul.f32 v12, v5  }
0xb8: {  	v12 =	vld [tilespmem:s14+$0x40]  }
0xb9: {  	[tilespmem:s16+$0xFFFFFFB0] =	vst v5  }
0xba: {  	v5 =	vld [tilespmem:s14+$0xFFFFFFC0];
	_ =	sdelay $0x2  }
0xbb: {  	v10 =	vmul.f32 v12, v10;
	_ =	sdelay $0x1  }
0xbc: {  	v12 =	vld [tilespmem:s16+$0x50];
	[tilespmem:s16+$0x40] =	vst v10;
	v4 =	vmul.f32 v5, v4  }
0xbd: {  	v5 =	vld [tilespmem:s14+$0x50]  }
0xbe: {  	[tilespmem:s16+$0xFFFFFFC0] =	vst v4  }
0xbf: {  	v4 =	vld [tilespmem:s14+$0xFFFFFFD0];
	_ =	sdelay $0x2  }
0xc0: {  	v5 =	vmul.f32 v5, v12;
	_ =	sdelay $0x1  }
0xc1: {  	v10 =	vld [tilespmem:s16+$0x60];
	[tilespmem:s16+$0x50] =	vst v5;
	v3 =	vmul.f32 v4, v3  }
0xc2: {  	v4 =	vld [tilespmem:s14+$0x60]  }
0xc3: {  	[tilespmem:s16+$0xFFFFFFD0] =	vst v3  }
0xc4: {  	v3 =	vld [tilespmem:s14+$0xFFFFFFE0];
	_ =	sdelay $0x2  }
0xc5: {  	v4 =	vmul.f32 v4, v10  }
0xc6: {  	v1 =	vmul.f32 v9, v1  }
0xc7: {  	v5 =	vld [tilespmem:s16+$0x70];
	[tilespmem:s16+$0x60] =	vst v4;
	v3 =	vmul.f32 v3, v6  }
0xc8: {  	[tilespmem:s10+$0xFFFFFFE0] =	vst v1;
	v1 =	vld [tilespmem:s14+$0x70]  }
0xc9: {  	v4 =	vld [tilespmem:s21+$0xFFFFFFF0];
	[tilespmem:s16+$0xFFFFFFE0] =	vst v3  }
0xca: {  	v3 =	vld [tilespmem:s14+$0xFFFFFFF0];
	_ =	sdelay $0x1  }
0xcb: {  	v0 =	vmul.f32 v8, v0  }
0xcc: {  	[tilespmem:s10+$0x70] =	vst v11;
	v1 =	vmul.f32 v1, v5  }
0xcd: {  	[tilespmem:s11+$0xFFFFFFF0] =	vst v0;
	v0 =	vmul.f32 v4, v2  }
0xce: {  	[tilespmem:s16+$0x70] =	vst v1;
	v1 =	vmul.f32 v3, v7  }
0xcf: {  	[tilespmem:s10+$0xFFFFFFF0] =	vst v0  }
0xd0: {  	s8 =	simm.s32 $0x200;
	[tilespmem:s16+$0xFFFFFFF0] =	vst v1  }
0xd1: {  	[spmem:s24] =	stream.indirect.scatter.add.f32 [tilespmem:s8], [sflag:$0x8], $0x80, s25, s23, $0xb8;
	[tilespmem:$0x1FE00] =	vst v63  }
0xd2: {  	s2 =	sshll.u32 s20, $0xB;
	_ =	swait.ge [sflag:s22], $0x4000  }
0xd3: {  	s2 =	sand.u32 $0x1FFFF800, s2;
	[sflag:s22] =	ssyncset.done $0x0  }
0xd4: {  	s2 =	sadd.s32 s7, s2;
	[sflag:s22] =	ssyncadd.s32 $0xFFFFC000  }
0xd5: {  	[tilespmem:s26], [sflag:$0x7] =	stream.linear.gather [hbm4b:s2+s3], $0x4000, $0x38;
	[tilespmem:$0x1FE00] =	vst v63  }
0xd6: {  	_ =	swait.ge [sflag:s9], $0x80  }
0xd7: {  	[sflag:s9] =	ssyncset.done $0x0;
	s16 =	rddreg [dreg:$0xa]  }
0xd8: {  	[sflag:s9] =	ssyncadd.s32 $0xFFFFFF80;
	s2 =	sadd.s32 s18, s16  }
0xd9: {  	[tilespmem:s8], [sflag:$0x1] =	stream.indirect.gather [hbm4b:s4+s23], $0x80, s3, s23, $0xb8;
	[tilespmem:$0x1FE00] =	vst v63  }
0xda: {  	s2 =	sshll.u32 s2, $0x4;
	_ =	swait.ge [sflag:s12], $0x4000  }
0xdb: {  	s2 =	sand.u32 $0x1FFFFFF0, s2;
	[sflag:s12] =	ssyncset.done $0x0  }
0xdc: {  	s2 =	sadd.s32 s5, s2;
	[sflag:s12] =	ssyncadd.s32 $0xFFFFC000  }
0xdd: {  	[tilespmem:s23], [sflag:$0x4] =	stream.linear.gather [hbm4b:s2+s3], $0x80, $0x38;
	[tilespmem:$0x1FE00] =	vst v63  }
0xde: {  	_ =	swait.ge [sflag:s13], $0x80  }
0xdf: {  	[sflag:s13] =	ssyncset.done $0x0  }
0xe0: {  	s19 =	sadd.s32 s6, s19;
	[sflag:s13] =	ssyncadd.s32 $0xFFFFFF80  }
0xe1: {  	[tilespmem:s25], [sflag:$0x5] =	stream.linear.gather [hbm4b:s19+s3], $0x80, $0x38;
	[tilespmem:$0x1FE00] =	vst v63  }
0xe2: {  	_ =	swait.ge [sflag:s1], $0x4000  }
0xe3: {  	[sflag:s1] =	ssyncset.done $0x0  }
0xe4: {  	s11 =	simm.s32 $0x4280;
	[sflag:s1] =	ssyncadd.s32 $0xFFFFC000  }
0xe5: {  	s21 =	simm.s32 $0x8280;
	v0 =	vld [tilespmem:s11+$0x0]  }
0xe6: {  	v1 =	vld [tilespmem:s21+$0x0];
	_ =	sdelay $0x3  }
0xe7: {  	v2 =	vld [tilespmem:s11+$0xFFFFFF80]  }
0xe8: {  	v0 =	vmul.f32 v1, v0;
	v1 =	vld [tilespmem:s21+$0xFFFFFF80];
	_ =	sdelay $0x1  }
0xe9: {  	[tilespmem:s11+$0x0] =	vst v0;
	v0 =	vld [tilespmem:s11+$0x10]  }
0xea: {  	v3 =	vld [tilespmem:s21+$0x10];
	_ =	sdelay $0x1  }
0xeb: {  	v1 =	vmul.f32 v1, v2;
	_ =	sdelay $0x1  }
0xec: {  	v4 =	vld [tilespmem:s11+$0xFFFFFF90];
	[tilespmem:s11+$0xFFFFFF80] =	vst v1  }
0xed: {  	v0 =	vmul.f32 v3, v0;
	v1 =	vld [tilespmem:s21+$0xFFFFFF90];
	_ =	sdelay $0x1  }
0xee: {  	[tilespmem:s11+$0x10] =	vst v0;
	v0 =	vld [tilespmem:s11+$0x20]  }
0xef: {  	v3 =	vld [tilespmem:s21+$0x20]  }
0xf0: {  	v5 =	vld [tilespmem:s11+$0xFFFFFFB0]  }
0xf1: {  	s10 =	simm.s32 $0x4380;
	v6 =	vld [tilespmem:s11+$0xFFFFFFD0];
	v1 =	vmul.f32 v1, v4  }
0xf2: {  	v7 =	vld [tilespmem:s10+$0x0]  }
0xf3: {  	v2 =	vld [tilespmem:s11+$0xFFFFFFA0];
	[tilespmem:s11+$0xFFFFFF90] =	vst v1  }
0xf4: {  	v0 =	vmul.f32 v3, v0;
	v1 =	vld [tilespmem:s21+$0xFFFFFFA0]  }
0xf5: {  	v8 =	vld [tilespmem:s11+$0xFFFFFFE0]  }
0xf6: {  	[tilespmem:s11+$0x20] =	vst v0;
	v0 =	vld [tilespmem:s11+$0x30]  }
0xf7: {  	s18 =	simm.s32 $0x8380;
	v3 =	vld [tilespmem:s21+$0x30]  }
0xf8: {  	v10 =	vld [tilespmem:s18+$0xFFFFFF80]  }
0xf9: {  	v1 =	vmul.f32 v1, v2;
	v2 =	vld [tilespmem:s18+$0x0]  }
0xfa: {  	v12 =	vld [tilespmem:s10+$0xFFFFFF90]  }
0xfb: {  	s8 =	simm.s32 $0x8480;
	v13 =	vld [tilespmem:s10+$0xFFFFFFD0]  }
0xfc: {  	v15 =	vld [tilespmem:s8+$0xFFFFFF80];
	v0 =	vmul.f32 v3, v0  }
0xfd: {  	[tilespmem:s11+$0xFFFFFFA0] =	vst v1;
	v1 =	vld [tilespmem:s11+$0x40]  }
0xfe: {  	[tilespmem:s11+$0x30] =	vst v0;
	v2 =	vmul.f32 v2, v7;
	v7 =	vld [tilespmem:s10+$0xFFFFFF80]  }
0xff: {  	s16 =	simm.s32 $0x4480;
	v9 =	vld [tilespmem:s21+$0x40]  }
0x100: {  	v16 =	vld [tilespmem:s16+$0xFFFFFF80]  }
0x101: {  	v3 =	vld [tilespmem:s21+$0xFFFFFFB0]  }
0x102: {  	v17 =	vld [tilespmem:s10+$0x50]  }
0x103: {  	[tilespmem:s10+$0x0] =	vst v2;
	v2 =	vld [tilespmem:s10+$0x10];
	v7 =	vmul.f32 v10, v7  }
0x104: {  	v11 =	vld [tilespmem:s18+$0x10];
	v1 =	vmul.f32 v9, v1  }
0x105: {  	v9 =	vld [tilespmem:s11+$0x50];
	[tilespmem:s10+$0xFFFFFF80] =	vst v7  }
0x106: {  	[tilespmem:s11+$0x40] =	vst v1;
	v1 =	vmul.f32 v3, v5;
	v5 =	vld [tilespmem:s18+$0xFFFFFF90]  }
0x107: {  	v3 =	vld [tilespmem:s21+$0x50]  }
0x108: {  	v60 =	vld [tilespmem:s16+$0xFFFFFFA0]  }
0x109: {  	v4 =	vld [tilespmem:s11+$0xFFFFFFC0];
	v2 =	vmul.f32 v11, v2;
	[tilespmem:s11+$0xFFFFFFB0] =	vst v1  }
0x10a: {  	v1 =	vld [tilespmem:s21+$0xFFFFFFC0]  }
0x10b: {  	[tilespmem:s10+$0x10] =	vst v2;
	v2 =	vld [tilespmem:s10+$0x20]  }
0x10c: {  	v5 =	vmul.f32 v5, v12;
	v3 =	vmul.f32 v3, v9;
	v9 =	vld [tilespmem:s18+$0x20]  }
0x10d: {  	v18 =	vld [tilespmem:s10+$0x60];
	v15 =	vmul.f32 v15, v16  }
0x10e: {  	v10 =	vld [tilespmem:s10+$0xFFFFFFA0];
	[tilespmem:s10+$0xFFFFFF90] =	vst v5  }
0x10f: {  	[tilespmem:s16+$0xFFFFFF80] =	vst v15;
	v1 =	vmul.f32 v1, v4;
	v4 =	vld [tilespmem:s18+$0xFFFFFFA0]  }
0x110: {  	v15 =	vld [tilespmem:s8+$0xFFFFFF90]  }
0x111: {  	v0 =	vld [tilespmem:s11+$0xFFFFFFF0];
	[tilespmem:s11+$0xFFFFFFC0] =	vst v1;
	v1 =	vmul.f32 v9, v2  }
0x112: {  	v7 =	vld [tilespmem:s10+$0xFFFFFFB0]  }
0x113: {  	v5 =	vld [tilespmem:s10+$0x30];
	[tilespmem:s10+$0x20] =	vst v1  }
0x114: {  	v4 =	vmul.f32 v4, v10;
	v10 =	vld [tilespmem:s18+$0x30]  }
0x115: {  	v2 =	vld [tilespmem:s21+$0xFFFFFFD0]  }
0x116: {  	v11 =	vld [tilespmem:s11+$0x60]  }
0x117: {  	v12 =	vld [tilespmem:s10+$0xFFFFFFC0];
	[tilespmem:s11+$0x50] =	vst v3  }
0x118: {  	v3 =	vld [tilespmem:s21+$0x60]  }
0x119: {  	[tilespmem:s10+$0xFFFFFFA0] =	vst v4;
	v4 =	vld [tilespmem:s16+$0x0];
	v5 =	vmul.f32 v10, v5  }
0x11a: {  	v2 =	vmul.f32 v2, v6;
	v6 =	vld [tilespmem:s8+$0x0]  }
0x11b: {  	v10 =	vld [tilespmem:s10+$0x40];
	[tilespmem:s10+$0x30] =	vst v5  }
0x11c: {  	v5 =	vld [tilespmem:s18+$0x40]  }
0x11d: {  	v9 =	vld [tilespmem:s11+$0x70];
	v3 =	vmul.f32 v3, v11  }
0x11e: {  	v1 =	vld [tilespmem:s10+$0xFFFFFFE0]  }
0x11f: {  	[tilespmem:s11+$0x60] =	vst v3;
	v3 =	vld [tilespmem:s18+$0xFFFFFFB0];
	v4 =	vmul.f32 v6, v4  }
0x120: {  	v6 =	vld [tilespmem:s16+$0xFFFFFF90]  }
0x121: {  	[tilespmem:s16+$0x0] =	vst v4;
	v4 =	vld [tilespmem:s16+$0x10];
	v5 =	vmul.f32 v5, v10  }
0x122: {  	v10 =	vld [tilespmem:s8+$0x10]  }
0x123: {  	v11 =	vld [tilespmem:s21+$0x70];
	[tilespmem:s10+$0x40] =	vst v5  }
0x124: {  	v3 =	vmul.f32 v3, v7;
	v7 =	vld [tilespmem:s18+$0x50]  }
0x125: {  	[tilespmem:s11+$0xFFFFFFD0] =	vst v2;
	v2 =	vld [tilespmem:s10+$0xFFFFFFF0]  }
0x126: {  	v14 =	vld [tilespmem:s21+$0xFFFFFFE0];
	[tilespmem:s10+$0xFFFFFFB0] =	vst v3;
	v6 =	vmul.f32 v15, v6  }
0x127: {  	v3 =	vmul.f32 v10, v4;
	v10 =	vld [tilespmem:s18+$0xFFFFFFC0]  }
0x128: {  	[tilespmem:s16+$0xFFFFFF90] =	vst v6;
	v6 =	vld [tilespmem:s16+$0xFFFFFFE0]  }
0x129: {  	v5 =	vld [tilespmem:s16+$0xFFFFFFB0];
	[tilespmem:s16+$0x10] =	vst v3;
	v3 =	vmul.f32 v7, v17  }
0x12a: {  	v7 =	vld [tilespmem:s16+$0x20]  }
0x12b: {  	v15 =	vld [tilespmem:s8+$0x20];
	[tilespmem:s10+$0x50] =	vst v3  }
0x12c: {  	v10 =	vmul.f32 v10, v12;
	v12 =	vld [tilespmem:s18+$0x60]  }
0x12d: {  	v61 =	vld [tilespmem:s8+$0xFFFFFFA0]  }
0x12e: {  	v4 =	vld [tilespmem:s16+$0xFFFFFFC0];
	[tilespmem:s10+$0xFFFFFFC0] =	vst v10  }
0x12f: {  	v10 =	vld [tilespmem:s18+$0xFFFFFFD0]  }
0x130: {  	v3 =	vld [tilespmem:s16+$0xFFFFFFD0];
	v7 =	vmul.f32 v15, v7  }
0x131: {  	v15 =	vld [tilespmem:s10+$0x70];
	v12 =	vmul.f32 v12, v18  }
0x132: {  	[tilespmem:s16+$0x20] =	vst v7;
	v7 =	vmul.f32 v14, v8;
	v14 =	vld [tilespmem:s16+$0x30]  }
0x133: {  	v8 =	vmul.f32 v61, v60;
	v62 =	vld [tilespmem:s8+$0x30];
	[tilespmem:s10+$0x60] =	vst v12  }
0x134: {  	[tilespmem:s11+$0xFFFFFFE0] =	vst v7;
	v7 =	vmul.f32 v10, v13;
	v63 =	vld [tilespmem:s18+$0x70]  }
0x135: {  	[tilespmem:s16+$0xFFFFFFA0] =	vst v8;
	v8 =	vld [tilespmem:s21+$0xFFFFFFF0]  }
0x136: {  	v12 =	vld [tilespmem:s8+$0xFFFFFFB0];
	[tilespmem:s10+$0xFFFFFFD0] =	vst v7  }
0x137: {  	v10 =	vmul.f32 v11, v9;
	v9 =	vld [tilespmem:s18+$0xFFFFFFE0]  }
0x138: {  	s20 =	simm.s32 $0x200;
	v7 =	vld [tilespmem:s16+$0xFFFFFFF0];
	v13 =	vmul.f32 v62, v14  }
0x139: {  	s15 =	simm.s32 $0x4;
	s14 =	simm.s32 $0x8480;
	s2 =	simm.s32 $0x4580;
	[tilespmem:s11+$0x70] =	vst v10;
	v10 =	vld [tilespmem:s16+$0x40];
	v11 =	vmul.f32 v63, v15  }
.LBB2_5:
0x13a: {  	v14 =	vld [tilespmem:s2+$0x0];
	[tilespmem:s16+$0x30] =	vst v13;
	s8 =	sadd.s32 $0x100, s8;
	v8 =	vmul.f32 v8, v0;
	v0 =	vmov v2  }
0x13b: {  	v13 =	vld [tilespmem:s8+$0x0];
	v12 =	vmul.f32 v12, v5;
	[tilespmem:s10+$0x70] =	vst v11  }
0x13c: {  	s15 =	sadd.s32 $0x2, s15;
	v5 =	vld [tilespmem:s14+$0x40];
	v9 =	vmul.f32 v9, v1;
	[tilespmem:s11+$0xFFFFFFF0] =	vst v8;
	v1 =	vmov v6;
	s11 =	smov.u32 s10;
	s10 =	smov.u32 s16  }
0x13d: {  	p0 =	slt.u32 s15, $0x7E;
	s16 =	smov.u32 s2;
	v6 =	vld [tilespmem:s8+$0xFFFFFF80];
	[tilespmem:s10+$0xFFFFFFB0] =	vst v12;
	v2 =	vmov v7  }
0x13e: {  	v7 =	vld [tilespmem:s2+$0xFFFFFF80];
	[tilespmem:s11+$0xFFFFFFE0] =	vst v9  }
0x13f: {  	v8 =	vld [tilespmem:s2+$0xFFFFFF90]  }
0x140: {  	v9 =	vld [tilespmem:s2+$0xFFFFFFA0];
	v11 =	vmul.f32 v13, v14  }
0x141: {  	v5 =	vmul.f32 v5, v10;
	v10 =	vld [tilespmem:s10+$0x50]  }
0x142: {  	[tilespmem:s2+$0x0] =	vst v11;
	v11 =	vld [tilespmem:s2+$0x10]  }
0x143: {  	v6 =	vmul.f32 v6, v7;
	v7 =	vld [tilespmem:s8+$0x10];
	[tilespmem:s10+$0x40] =	vst v5  }
0x144: {  	v12 =	vld [tilespmem:s14+$0x50]  }
0x145: {  	[tilespmem:s2+$0xFFFFFF80] =	vst v6;
	v5 =	vld [tilespmem:s2+$0xFFFFFFB0]  }
0x146: {  	v6 =	vld [tilespmem:s8+$0xFFFFFF90]  }
0x147: {  	v13 =	vld [tilespmem:s14+$0xFFFFFFC0]  }
0x148: {  	v14 =	vld [tilespmem:s2+$0xFFFFFFC0];
	v7 =	vmul.f32 v7, v11  }
0x149: {  	v10 =	vmul.f32 v12, v10;
	v11 =	vld [tilespmem:s10+$0x60]  }
0x14a: {  	[tilespmem:s2+$0x10] =	vst v7;
	v7 =	vld [tilespmem:s2+$0x20]  }
0x14b: {  	v6 =	vmul.f32 v6, v8;
	v8 =	vld [tilespmem:s8+$0x20];
	[tilespmem:s10+$0x50] =	vst v10  }
0x14c: {  	v10 =	vmul.f32 v13, v4;
	v12 =	vld [tilespmem:s14+$0x60]  }
0x14d: {  	[tilespmem:s2+$0xFFFFFF90] =	vst v6;
	v13 =	vld [tilespmem:s2+$0xFFFFFFD0];
	v4 =	vmov v14  }
0x14e: {  	v14 =	vld [tilespmem:s8+$0xFFFFFFA0];
	[tilespmem:s10+$0xFFFFFFC0] =	vst v10  }
0x14f: {  	v10 =	vld [tilespmem:s14+$0xFFFFFFD0]  }
0x150: {  	v6 =	vld [tilespmem:s2+$0xFFFFFFE0];
	v7 =	vmul.f32 v8, v7  }
0x151: {  	v8 =	vmul.f32 v12, v11;
	v11 =	vld [tilespmem:s10+$0x70]  }
0x152: {  	[tilespmem:s2+$0x20] =	vst v7;
	v15 =	vld [tilespmem:s2+$0x30]  }
0x153: {  	v7 =	vmul.f32 v14, v9;
	v14 =	vld [tilespmem:s8+$0x30];
	[tilespmem:s10+$0x60] =	vst v8  }
0x154: {  	v9 =	vmul.f32 v10, v3;
	v16 =	vld [tilespmem:s14+$0x70];
	v3 =	vmov v13  }
.Ltmp1:
0x155: {  	[tilespmem:s2+$0xFFFFFFA0] =	vst v7;
	v8 =	vld [tilespmem:s18+$0xFFFFFFF0];
	s18 =	smov.u32 s14;
	s14 =	smov.u32 s8;
	(pc) =	sbr.rel @p0 .LBB2_5-.Ltmp1, $4  }
0x156: {  	v12 =	vld [tilespmem:s8+$0xFFFFFFB0];
	[tilespmem:s10+$0xFFFFFFD0] =	vst v9  }
0x157: {  	v9 =	vld [tilespmem:s18+$0xFFFFFFE0]  }
0x158: {  	v7 =	vld [tilespmem:s2+$0xFFFFFFF0];
	v13 =	vmul.f32 v14, v15  }
0x159: {  	s2 =	sadd.s32 $0x100, s2;
	v10 =	vld [tilespmem:s16+$0x40];
	v11 =	vmul.f32 v16, v11  }
0x15a: {  	_ = 	snop  }
0x15b: {  	v5 =	vmul.f32 v12, v5  }
0x15c: {  	[tilespmem:s16+$0x30] =	vst v13  }
0x15d: {  	v54 =	vld [tilespmem:s14+$0x40];
	[tilespmem:s16+$0xFFFFFFB0] =	vst v5  }
0x15e: {  	v5 =	vld [tilespmem:s14+$0xFFFFFFC0];
	_ =	sdelay $0x3  }
0x15f: {  	v10 =	vmul.f32 v54, v10  }
0x160: {  	v4 =	vmul.f32 v5, v4  }
0x161: {  	v55 =	vld [tilespmem:s16+$0x50];
	[tilespmem:s16+$0x40] =	vst v10  }
0x162: {  	v56 =	vld [tilespmem:s14+$0x50];
	[tilespmem:s16+$0xFFFFFFC0] =	vst v4  }
0x163: {  	v4 =	vld [tilespmem:s14+$0xFFFFFFD0];
	_ =	sdelay $0x3  }
0x164: {  	v5 =	vmul.f32 v56, v55  }
0x165: {  	v3 =	vmul.f32 v4, v3  }
0x166: {  	v57 =	vld [tilespmem:s16+$0x60];
	[tilespmem:s16+$0x50] =	vst v5  }
0x167: {  	v58 =	vld [tilespmem:s14+$0x60];
	[tilespmem:s16+$0xFFFFFFD0] =	vst v3  }
0x168: {  	v3 =	vld [tilespmem:s14+$0xFFFFFFE0];
	_ =	sdelay $0x2  }
0x169: {  	v1 =	vmul.f32 v9, v1  }
0x16a: {  	v4 =	vmul.f32 v58, v57  }
0x16b: {  	v59 =	vld [tilespmem:s16+$0x70];
	[tilespmem:s10+$0xFFFFFFE0] =	vst v1;
	v3 =	vmul.f32 v3, v6  }
0x16c: {  	v61 =	vld [tilespmem:s18+$0xFFFFFFF0];
	[tilespmem:s16+$0x60] =	vst v4  }
0x16d: {  	v60 =	vld [tilespmem:s14+$0x70];
	[tilespmem:s16+$0xFFFFFFE0] =	vst v3  }
0x16e: {  	v3 =	vld [tilespmem:s14+$0xFFFFFFF0];
	_ =	sdelay $0x1  }
0x16f: {  	v0 =	vmul.f32 v8, v0  }
0x170: {  	[tilespmem:s10+$0x70] =	vst v11;
	v62 =	vmul.f32 v61, v2  }
0x171: {  	[tilespmem:s11+$0xFFFFFFF0] =	vst v0;
	v1 =	vmul.f32 v60, v59  }
0x172: {  	s17 =	sadd.s32 $0x1, s17;
	[tilespmem:s10+$0xFFFFFFF0] =	vst v62;
	v63 =	vmul.f32 v3, v7  }
0x173: {  	p0 =	sne.s32 s17, $0x27;
	[tilespmem:s16+$0x70] =	vst v1  }
.Ltmp2:
0x174: {  	[tilespmem:s16+$0xFFFFFFF0] =	vst v63;
	(pc) =	sbr.rel @p0 .LBB2_2-.Ltmp2, $4  }
0x175: {  	[spmem:s24] =	stream.indirect.scatter.add.f32 [tilespmem:s29], [sflag:$0x8], $0x80, s0, s23, $0xb8;
	[tilespmem:$0x1FE00] =	vst v63  }
0x176: {  	_ =	swait.ge [sflag:s22], $0x4000  }
0x177: {  	[sflag:s22] =	ssyncset.done $0x0  }
0x178: {  	[sflag:s22] =	ssyncadd.s32 $0xFFFFC000  }
0x179: {  	s2 =	rddreg [dreg:$0xb]  }
0x17a: {  	[tilespmem:s26], [sflag:$0x7] =	stream.linear.gather [hbm4b:s2+s3], $0x4000, $0x38;
	[tilespmem:$0x1FE00] =	vst v63  }
0x17b: {  	_ =	swait.ge [sflag:s28], $0x80  }
0x17c: {  	[sflag:s28] =	ssyncset.done $0x0  }
0x17d: {  	[sflag:s28] =	ssyncadd.s32 $0xFFFFFF80  }
0x17e: {  	[tilespmem:s29], [sflag:$0x2] =	stream.indirect.gather [hbm4b:s4+s23], $0x80, s23, s23, $0xb8;
	[tilespmem:$0x1FE00] =	vst v63  }
0x17f: {  	_ =	swait.ge [sflag:s30], $0x4000  }
0x180: {  	[sflag:s30] =	ssyncset.done $0x0  }
0x181: {  	[sflag:s30] =	ssyncadd.s32 $0xFFFFC000  }
0x182: {  	_ =	swait.ge [sflag:s31], $0x80  }
0x183: {  	[sflag:s31] =	ssyncset.done $0x0  }
0x184: {  	s21 =	rddreg [dreg:$0xc];
	[sflag:s31] =	ssyncadd.s32 $0xFFFFFF80  }
0x185: {  	[tilespmem:s0], [sflag:$0x6] =	stream.linear.gather [hbm4b:s21+s3], $0x80, $0x38;
	[tilespmem:$0x1FE00] =	vst v63  }
0x186: {  	_ =	swait.ge [sflag:s1], $0x4000  }
0x187: {  	[sflag:s1] =	ssyncset.done $0x0  }
0x188: {  	s11 =	simm.s32 $0x280;
	[sflag:s1] =	ssyncadd.s32 $0xFFFFC000  }
0x189: {  	s14 =	simm.s32 $0x8280;
	v0 =	vld [tilespmem:s11+$0x0]  }
0x18a: {  	v1 =	vld [tilespmem:s14+$0x0];
	_ =	sdelay $0x3  }
0x18b: {  	v2 =	vld [tilespmem:s11+$0xFFFFFF80]  }
0x18c: {  	v0 =	vmul.f32 v1, v0;
	v1 =	vld [tilespmem:s14+$0xFFFFFF80];
	_ =	sdelay $0x1  }
0x18d: {  	[tilespmem:s11+$0x0] =	vst v0;
	v0 =	vld [tilespmem:s11+$0x10]  }
0x18e: {  	v3 =	vld [tilespmem:s14+$0x10];
	_ =	sdelay $0x1  }
0x18f: {  	v1 =	vmul.f32 v1, v2;
	_ =	sdelay $0x1  }
0x190: {  	v4 =	vld [tilespmem:s11+$0xFFFFFF90];
	[tilespmem:s11+$0xFFFFFF80] =	vst v1  }
0x191: {  	v0 =	vmul.f32 v3, v0;
	v1 =	vld [tilespmem:s14+$0xFFFFFF90];
	_ =	sdelay $0x1  }
0x192: {  	[tilespmem:s11+$0x10] =	vst v0;
	v0 =	vld [tilespmem:s11+$0x20]  }
0x193: {  	v3 =	vld [tilespmem:s14+$0x20]  }
0x194: {  	v5 =	vld [tilespmem:s11+$0xFFFFFFB0]  }
0x195: {  	s10 =	simm.s32 $0x380;
	v6 =	vld [tilespmem:s11+$0xFFFFFFD0];
	v1 =	vmul.f32 v1, v4  }
0x196: {  	v7 =	vld [tilespmem:s10+$0x0]  }
0x197: {  	v2 =	vld [tilespmem:s11+$0xFFFFFFA0];
	[tilespmem:s11+$0xFFFFFF90] =	vst v1  }
0x198: {  	v0 =	vmul.f32 v3, v0;
	v1 =	vld [tilespmem:s14+$0xFFFFFFA0]  }
0x199: {  	v8 =	vld [tilespmem:s11+$0xFFFFFFE0]  }
0x19a: {  	[tilespmem:s11+$0x20] =	vst v0;
	v0 =	vld [tilespmem:s11+$0x30]  }
0x19b: {  	s17 =	simm.s32 $0x8380;
	v3 =	vld [tilespmem:s14+$0x30]  }
0x19c: {  	v10 =	vld [tilespmem:s17+$0xFFFFFF80]  }
0x19d: {  	v1 =	vmul.f32 v1, v2;
	v2 =	vld [tilespmem:s17+$0x0]  }
0x19e: {  	v12 =	vld [tilespmem:s10+$0xFFFFFF90]  }
0x19f: {  	s8 =	simm.s32 $0x8480;
	v13 =	vld [tilespmem:s10+$0xFFFFFFD0]  }
0x1a0: {  	v15 =	vld [tilespmem:s8+$0xFFFFFF80];
	v0 =	vmul.f32 v3, v0  }
0x1a1: {  	[tilespmem:s11+$0xFFFFFFA0] =	vst v1;
	v1 =	vld [tilespmem:s11+$0x40]  }
0x1a2: {  	[tilespmem:s11+$0x30] =	vst v0;
	v2 =	vmul.f32 v2, v7;
	v7 =	vld [tilespmem:s10+$0xFFFFFF80]  }
0x1a3: {  	s16 =	simm.s32 $0x480;
	v9 =	vld [tilespmem:s14+$0x40]  }
0x1a4: {  	v16 =	vld [tilespmem:s16+$0xFFFFFF80]  }
0x1a5: {  	v3 =	vld [tilespmem:s14+$0xFFFFFFB0]  }
0x1a6: {  	v17 =	vld [tilespmem:s10+$0x50]  }
0x1a7: {  	[tilespmem:s10+$0x0] =	vst v2;
	v2 =	vld [tilespmem:s10+$0x10];
	v7 =	vmul.f32 v10, v7  }
0x1a8: {  	v11 =	vld [tilespmem:s17+$0x10];
	v1 =	vmul.f32 v9, v1  }
0x1a9: {  	v9 =	vld [tilespmem:s11+$0x50];
	[tilespmem:s10+$0xFFFFFF80] =	vst v7  }
0x1aa: {  	[tilespmem:s11+$0x40] =	vst v1;
	v1 =	vmul.f32 v3, v5;
	v5 =	vld [tilespmem:s17+$0xFFFFFF90]  }
0x1ab: {  	v3 =	vld [tilespmem:s14+$0x50]  }
0x1ac: {  	v60 =	vld [tilespmem:s16+$0xFFFFFFA0]  }
0x1ad: {  	v4 =	vld [tilespmem:s11+$0xFFFFFFC0];
	v2 =	vmul.f32 v11, v2;
	[tilespmem:s11+$0xFFFFFFB0] =	vst v1  }
0x1ae: {  	v1 =	vld [tilespmem:s14+$0xFFFFFFC0]  }
0x1af: {  	[tilespmem:s10+$0x10] =	vst v2;
	v2 =	vld [tilespmem:s10+$0x20]  }
0x1b0: {  	v5 =	vmul.f32 v5, v12;
	v3 =	vmul.f32 v3, v9;
	v9 =	vld [tilespmem:s17+$0x20]  }
0x1b1: {  	v18 =	vld [tilespmem:s10+$0x60];
	v15 =	vmul.f32 v15, v16  }
0x1b2: {  	v10 =	vld [tilespmem:s10+$0xFFFFFFA0];
	[tilespmem:s10+$0xFFFFFF90] =	vst v5  }
0x1b3: {  	[tilespmem:s16+$0xFFFFFF80] =	vst v15;
	v1 =	vmul.f32 v1, v4;
	v4 =	vld [tilespmem:s17+$0xFFFFFFA0]  }
0x1b4: {  	v15 =	vld [tilespmem:s8+$0xFFFFFF90]  }
0x1b5: {  	v0 =	vld [tilespmem:s11+$0xFFFFFFF0];
	[tilespmem:s11+$0xFFFFFFC0] =	vst v1;
	v1 =	vmul.f32 v9, v2  }
0x1b6: {  	v7 =	vld [tilespmem:s10+$0xFFFFFFB0]  }
0x1b7: {  	v5 =	vld [tilespmem:s10+$0x30];
	[tilespmem:s10+$0x20] =	vst v1  }
0x1b8: {  	v4 =	vmul.f32 v4, v10;
	v10 =	vld [tilespmem:s17+$0x30]  }
0x1b9: {  	v2 =	vld [tilespmem:s14+$0xFFFFFFD0]  }
0x1ba: {  	v11 =	vld [tilespmem:s11+$0x60]  }
0x1bb: {  	v12 =	vld [tilespmem:s10+$0xFFFFFFC0];
	[tilespmem:s11+$0x50] =	vst v3  }
0x1bc: {  	v3 =	vld [tilespmem:s14+$0x60]  }
0x1bd: {  	[tilespmem:s10+$0xFFFFFFA0] =	vst v4;
	v4 =	vld [tilespmem:s16+$0x0];
	v5 =	vmul.f32 v10, v5  }
0x1be: {  	v2 =	vmul.f32 v2, v6;
	v6 =	vld [tilespmem:s8+$0x0]  }
0x1bf: {  	v10 =	vld [tilespmem:s10+$0x40];
	[tilespmem:s10+$0x30] =	vst v5  }
0x1c0: {  	v5 =	vld [tilespmem:s17+$0x40]  }
0x1c1: {  	v9 =	vld [tilespmem:s11+$0x70];
	v3 =	vmul.f32 v3, v11  }
0x1c2: {  	v1 =	vld [tilespmem:s10+$0xFFFFFFE0]  }
0x1c3: {  	[tilespmem:s11+$0x60] =	vst v3;
	v3 =	vld [tilespmem:s17+$0xFFFFFFB0];
	v4 =	vmul.f32 v6, v4  }
0x1c4: {  	v6 =	vld [tilespmem:s16+$0xFFFFFF90]  }
0x1c5: {  	[tilespmem:s16+$0x0] =	vst v4;
	v4 =	vld [tilespmem:s16+$0x10];
	v5 =	vmul.f32 v5, v10  }
0x1c6: {  	v10 =	vld [tilespmem:s8+$0x10]  }
0x1c7: {  	v11 =	vld [tilespmem:s14+$0x70];
	[tilespmem:s10+$0x40] =	vst v5  }
0x1c8: {  	v3 =	vmul.f32 v3, v7;
	v7 =	vld [tilespmem:s17+$0x50]  }
0x1c9: {  	[tilespmem:s11+$0xFFFFFFD0] =	vst v2;
	v2 =	vld [tilespmem:s10+$0xFFFFFFF0]  }
0x1ca: {  	v14 =	vld [tilespmem:s14+$0xFFFFFFE0];
	[tilespmem:s10+$0xFFFFFFB0] =	vst v3;
	v6 =	vmul.f32 v15, v6  }
0x1cb: {  	v3 =	vmul.f32 v10, v4;
	v10 =	vld [tilespmem:s17+$0xFFFFFFC0]  }
0x1cc: {  	[tilespmem:s16+$0xFFFFFF90] =	vst v6;
	v6 =	vld [tilespmem:s16+$0xFFFFFFE0]  }
0x1cd: {  	v5 =	vld [tilespmem:s16+$0xFFFFFFB0];
	[tilespmem:s16+$0x10] =	vst v3;
	v3 =	vmul.f32 v7, v17  }
0x1ce: {  	v7 =	vld [tilespmem:s16+$0x20]  }
0x1cf: {  	v15 =	vld [tilespmem:s8+$0x20];
	[tilespmem:s10+$0x50] =	vst v3  }
0x1d0: {  	v10 =	vmul.f32 v10, v12;
	v12 =	vld [tilespmem:s17+$0x60]  }
0x1d1: {  	v61 =	vld [tilespmem:s8+$0xFFFFFFA0]  }
0x1d2: {  	v4 =	vld [tilespmem:s16+$0xFFFFFFC0];
	[tilespmem:s10+$0xFFFFFFC0] =	vst v10  }
0x1d3: {  	v10 =	vld [tilespmem:s17+$0xFFFFFFD0]  }
0x1d4: {  	v3 =	vld [tilespmem:s16+$0xFFFFFFD0];
	v7 =	vmul.f32 v15, v7  }
0x1d5: {  	v15 =	vld [tilespmem:s10+$0x70];
	v12 =	vmul.f32 v12, v18  }
0x1d6: {  	[tilespmem:s16+$0x20] =	vst v7;
	v7 =	vmul.f32 v14, v8;
	v14 =	vld [tilespmem:s16+$0x30]  }
0x1d7: {  	v8 =	vmul.f32 v61, v60;
	v62 =	vld [tilespmem:s8+$0x30];
	[tilespmem:s10+$0x60] =	vst v12  }
0x1d8: {  	[tilespmem:s11+$0xFFFFFFE0] =	vst v7;
	v7 =	vmul.f32 v10, v13;
	v63 =	vld [tilespmem:s17+$0x70]  }
0x1d9: {  	[tilespmem:s16+$0xFFFFFFA0] =	vst v8;
	v8 =	vld [tilespmem:s14+$0xFFFFFFF0]  }
0x1da: {  	v12 =	vld [tilespmem:s8+$0xFFFFFFB0];
	[tilespmem:s10+$0xFFFFFFD0] =	vst v7  }
0x1db: {  	v10 =	vmul.f32 v11, v9;
	v9 =	vld [tilespmem:s17+$0xFFFFFFE0]  }
0x1dc: {  	v7 =	vld [tilespmem:s16+$0xFFFFFFF0];
	v13 =	vmul.f32 v62, v14  }
0x1dd: {  	s15 =	simm.s32 $0x4;
	s2 =	simm.s32 $0x580;
	s14 =	simm.s32 $0x8480;
	[tilespmem:s11+$0x70] =	vst v10;
	v10 =	vld [tilespmem:s16+$0x40];
	v11 =	vmul.f32 v63, v15  }
.LBB2_8:
0x1de: {  	v14 =	vld [tilespmem:s2+$0x0];
	[tilespmem:s16+$0x30] =	vst v13;
	s8 =	sadd.s32 $0x100, s8;
	v8 =	vmul.f32 v8, v0;
	v0 =	vmov v2  }
0x1df: {  	v13 =	vld [tilespmem:s8+$0x0];
	v12 =	vmul.f32 v12, v5;
	[tilespmem:s10+$0x70] =	vst v11  }
0x1e0: {  	s15 =	sadd.s32 $0x2, s15;
	v5 =	vld [tilespmem:s14+$0x40];
	v9 =	vmul.f32 v9, v1;
	[tilespmem:s11+$0xFFFFFFF0] =	vst v8;
	v1 =	vmov v6;
	s11 =	smov.u32 s10;
	s10 =	smov.u32 s16  }
0x1e1: {  	p0 =	slt.u32 s15, $0x7E;
	s16 =	smov.u32 s2;
	v6 =	vld [tilespmem:s8+$0xFFFFFF80];
	[tilespmem:s10+$0xFFFFFFB0] =	vst v12;
	v2 =	vmov v7  }
0x1e2: {  	v7 =	vld [tilespmem:s2+$0xFFFFFF80];
	[tilespmem:s11+$0xFFFFFFE0] =	vst v9  }
0x1e3: {  	v8 =	vld [tilespmem:s2+$0xFFFFFF90]  }
0x1e4: {  	v9 =	vld [tilespmem:s2+$0xFFFFFFA0];
	v11 =	vmul.f32 v13, v14  }
0x1e5: {  	v5 =	vmul.f32 v5, v10;
	v10 =	vld [tilespmem:s10+$0x50]  }
0x1e6: {  	[tilespmem:s2+$0x0] =	vst v11;
	v11 =	vld [tilespmem:s2+$0x10]  }
0x1e7: {  	v6 =	vmul.f32 v6, v7;
	v7 =	vld [tilespmem:s8+$0x10];
	[tilespmem:s10+$0x40] =	vst v5  }
0x1e8: {  	v12 =	vld [tilespmem:s14+$0x50]  }
0x1e9: {  	[tilespmem:s2+$0xFFFFFF80] =	vst v6;
	v5 =	vld [tilespmem:s2+$0xFFFFFFB0]  }
0x1ea: {  	v6 =	vld [tilespmem:s8+$0xFFFFFF90]  }
0x1eb: {  	v13 =	vld [tilespmem:s14+$0xFFFFFFC0]  }
0x1ec: {  	v14 =	vld [tilespmem:s2+$0xFFFFFFC0];
	v7 =	vmul.f32 v7, v11  }
0x1ed: {  	v10 =	vmul.f32 v12, v10;
	v11 =	vld [tilespmem:s10+$0x60]  }
0x1ee: {  	[tilespmem:s2+$0x10] =	vst v7;
	v7 =	vld [tilespmem:s2+$0x20]  }
0x1ef: {  	v6 =	vmul.f32 v6, v8;
	v8 =	vld [tilespmem:s8+$0x20];
	[tilespmem:s10+$0x50] =	vst v10  }
0x1f0: {  	v10 =	vmul.f32 v13, v4;
	v12 =	vld [tilespmem:s14+$0x60]  }
0x1f1: {  	[tilespmem:s2+$0xFFFFFF90] =	vst v6;
	v13 =	vld [tilespmem:s2+$0xFFFFFFD0];
	v4 =	vmov v14  }
0x1f2: {  	v14 =	vld [tilespmem:s8+$0xFFFFFFA0];
	[tilespmem:s10+$0xFFFFFFC0] =	vst v10  }
0x1f3: {  	v10 =	vld [tilespmem:s14+$0xFFFFFFD0]  }
0x1f4: {  	v6 =	vld [tilespmem:s2+$0xFFFFFFE0];
	v7 =	vmul.f32 v8, v7  }
0x1f5: {  	v8 =	vmul.f32 v12, v11;
	v11 =	vld [tilespmem:s10+$0x70]  }
0x1f6: {  	[tilespmem:s2+$0x20] =	vst v7;
	v15 =	vld [tilespmem:s2+$0x30]  }
0x1f7: {  	v7 =	vmul.f32 v14, v9;
	v14 =	vld [tilespmem:s8+$0x30];
	[tilespmem:s10+$0x60] =	vst v8  }
0x1f8: {  	v9 =	vmul.f32 v10, v3;
	v16 =	vld [tilespmem:s14+$0x70];
	v3 =	vmov v13  }
.Ltmp3:
0x1f9: {  	[tilespmem:s2+$0xFFFFFFA0] =	vst v7;
	v8 =	vld [tilespmem:s17+$0xFFFFFFF0];
	s17 =	smov.u32 s14;
	s14 =	smov.u32 s8;
	(pc) =	sbr.rel @p0 .LBB2_8-.Ltmp3, $4  }
0x1fa: {  	v12 =	vld [tilespmem:s8+$0xFFFFFFB0];
	[tilespmem:s10+$0xFFFFFFD0] =	vst v9  }
0x1fb: {  	v9 =	vld [tilespmem:s17+$0xFFFFFFE0]  }
0x1fc: {  	v7 =	vld [tilespmem:s2+$0xFFFFFFF0];
	v13 =	vmul.f32 v14, v15  }
0x1fd: {  	s2 =	sadd.s32 $0x100, s2;
	v10 =	vld [tilespmem:s16+$0x40];
	v11 =	vmul.f32 v16, v11  }
0x1fe: {  	_ = 	snop  }
0x1ff: {  	[tilespmem:s16+$0x30] =	vst v13;
	v5 =	vmul.f32 v12, v5  }
0x200: {  	v12 =	vld [tilespmem:s14+$0x40]  }
0x201: {  	[tilespmem:s16+$0xFFFFFFB0] =	vst v5  }
0x202: {  	v5 =	vld [tilespmem:s14+$0xFFFFFFC0];
	_ =	sdelay $0x2  }
0x203: {  	v10 =	vmul.f32 v12, v10;
	_ =	sdelay $0x1  }
0x204: {  	v12 =	vld [tilespmem:s16+$0x50];
	[tilespmem:s16+$0x40] =	vst v10;
	v4 =	vmul.f32 v5, v4  }
0x205: {  	v5 =	vld [tilespmem:s14+$0x50]  }
0x206: {  	[tilespmem:s16+$0xFFFFFFC0] =	vst v4  }
0x207: {  	v4 =	vld [tilespmem:s14+$0xFFFFFFD0];
	_ =	sdelay $0x2  }
0x208: {  	v5 =	vmul.f32 v5, v12;
	_ =	sdelay $0x1  }
0x209: {  	v10 =	vld [tilespmem:s16+$0x60];
	[tilespmem:s16+$0x50] =	vst v5;
	v3 =	vmul.f32 v4, v3  }
0x20a: {  	v4 =	vld [tilespmem:s14+$0x60]  }
0x20b: {  	[tilespmem:s16+$0xFFFFFFD0] =	vst v3  }
0x20c: {  	v3 =	vld [tilespmem:s14+$0xFFFFFFE0];
	_ =	sdelay $0x2  }
0x20d: {  	v4 =	vmul.f32 v4, v10  }
0x20e: {  	v1 =	vmul.f32 v9, v1  }
0x20f: {  	v5 =	vld [tilespmem:s16+$0x70];
	[tilespmem:s16+$0x60] =	vst v4;
	v3 =	vmul.f32 v3, v6  }
0x210: {  	[tilespmem:s10+$0xFFFFFFE0] =	vst v1;
	v1 =	vld [tilespmem:s14+$0x70]  }
0x211: {  	v4 =	vld [tilespmem:s17+$0xFFFFFFF0];
	[tilespmem:s16+$0xFFFFFFE0] =	vst v3  }
0x212: {  	v3 =	vld [tilespmem:s14+$0xFFFFFFF0];
	_ =	sdelay $0x1  }
0x213: {  	v0 =	vmul.f32 v8, v0  }
0x214: {  	[tilespmem:s10+$0x70] =	vst v11;
	v1 =	vmul.f32 v1, v5  }
0x215: {  	[tilespmem:s11+$0xFFFFFFF0] =	vst v0;
	v0 =	vmul.f32 v4, v2  }
0x216: {  	[tilespmem:s16+$0x70] =	vst v1;
	v1 =	vmul.f32 v3, v7  }
0x217: {  	[tilespmem:s10+$0xFFFFFFF0] =	vst v0  }
0x218: {  	[tilespmem:s16+$0xFFFFFFF0] =	vst v1  }
0x219: {  	[spmem:s24] =	stream.indirect.scatter.add.f32 [tilespmem:s20], [sflag:$0x8], $0x80, s25, s23, $0xb8;
	[tilespmem:$0x1FE00] =	vst v63  }
0x21a: {  	_ =	swait.ge [sflag:s22], $0x4000  }
0x21b: {  	[sflag:s22] =	ssyncset.done $0x0  }
0x21c: {  	s2 =	rddreg [dreg:$0xd];
	[sflag:s22] =	ssyncadd.s32 $0xFFFFC000  }
0x21d: {  	[tilespmem:s26], [sflag:$0x7] =	stream.linear.gather [hbm4b:s2+s3], $0x4000, $0x38;
	[tilespmem:$0x1FE00] =	vst v63  }
0x21e: {  	_ =	swait.ge [sflag:s12], $0x4000  }
0x21f: {  	[sflag:s12] =	ssyncset.done $0x0  }
0x220: {  	[sflag:s12] =	ssyncadd.s32 $0xFFFFC000  }
0x221: {  	_ =	swait.ge [sflag:s13], $0x80  }
0x222: {  	[sflag:s13] =	ssyncset.done $0x0  }
0x223: {  	[sflag:s13] =	ssyncadd.s32 $0xFFFFFF80  }
0x224: {  	_ =	swait.ge [sflag:s1], $0x4000  }
0x225: {  	[sflag:s1] =	ssyncset.done $0x0  }
0x226: {  	s11 =	simm.s32 $0x4280;
	[sflag:s1] =	ssyncadd.s32 $0xFFFFC000  }
0x227: {  	s21 =	simm.s32 $0x8280;
	v0 =	vld [tilespmem:s11+$0x0]  }
0x228: {  	v1 =	vld [tilespmem:s21+$0x0];
	_ =	sdelay $0x3  }
0x229: {  	v2 =	vld [tilespmem:s11+$0xFFFFFF80]  }
0x22a: {  	v0 =	vmul.f32 v1, v0;
	v1 =	vld [tilespmem:s21+$0xFFFFFF80];
	_ =	sdelay $0x1  }
0x22b: {  	[tilespmem:s11+$0x0] =	vst v0;
	v0 =	vld [tilespmem:s11+$0x10]  }
0x22c: {  	v3 =	vld [tilespmem:s21+$0x10];
	_ =	sdelay $0x1  }
0x22d: {  	v1 =	vmul.f32 v1, v2;
	_ =	sdelay $0x1  }
0x22e: {  	v4 =	vld [tilespmem:s11+$0xFFFFFF90];
	[tilespmem:s11+$0xFFFFFF80] =	vst v1  }
0x22f: {  	v0 =	vmul.f32 v3, v0;
	v1 =	vld [tilespmem:s21+$0xFFFFFF90];
	_ =	sdelay $0x1  }
0x230: {  	[tilespmem:s11+$0x10] =	vst v0;
	v0 =	vld [tilespmem:s11+$0x20]  }
0x231: {  	v3 =	vld [tilespmem:s21+$0x20]  }
0x232: {  	v5 =	vld [tilespmem:s11+$0xFFFFFFB0]  }
0x233: {  	s10 =	simm.s32 $0x4380;
	v6 =	vld [tilespmem:s11+$0xFFFFFFD0];
	v1 =	vmul.f32 v1, v4  }
0x234: {  	v7 =	vld [tilespmem:s10+$0x0]  }
0x235: {  	v2 =	vld [tilespmem:s11+$0xFFFFFFA0];
	[tilespmem:s11+$0xFFFFFF90] =	vst v1  }
0x236: {  	v0 =	vmul.f32 v3, v0;
	v1 =	vld [tilespmem:s21+$0xFFFFFFA0]  }
0x237: {  	v8 =	vld [tilespmem:s11+$0xFFFFFFE0]  }
0x238: {  	[tilespmem:s11+$0x20] =	vst v0;
	v0 =	vld [tilespmem:s11+$0x30]  }
0x239: {  	s17 =	simm.s32 $0x8380;
	v3 =	vld [tilespmem:s21+$0x30]  }
0x23a: {  	v10 =	vld [tilespmem:s17+$0xFFFFFF80]  }
0x23b: {  	v1 =	vmul.f32 v1, v2;
	v2 =	vld [tilespmem:s17+$0x0]  }
0x23c: {  	v12 =	vld [tilespmem:s10+$0xFFFFFF90]  }
0x23d: {  	s8 =	simm.s32 $0x8480;
	v13 =	vld [tilespmem:s10+$0xFFFFFFD0]  }
0x23e: {  	v15 =	vld [tilespmem:s8+$0xFFFFFF80];
	v0 =	vmul.f32 v3, v0  }
0x23f: {  	[tilespmem:s11+$0xFFFFFFA0] =	vst v1;
	v1 =	vld [tilespmem:s11+$0x40]  }
0x240: {  	[tilespmem:s11+$0x30] =	vst v0;
	v2 =	vmul.f32 v2, v7;
	v7 =	vld [tilespmem:s10+$0xFFFFFF80]  }
0x241: {  	s16 =	simm.s32 $0x4480;
	v9 =	vld [tilespmem:s21+$0x40]  }
0x242: {  	v16 =	vld [tilespmem:s16+$0xFFFFFF80]  }
0x243: {  	v3 =	vld [tilespmem:s21+$0xFFFFFFB0]  }
0x244: {  	v17 =	vld [tilespmem:s10+$0x50]  }
0x245: {  	[tilespmem:s10+$0x0] =	vst v2;
	v2 =	vld [tilespmem:s10+$0x10];
	v7 =	vmul.f32 v10, v7  }
0x246: {  	v11 =	vld [tilespmem:s17+$0x10];
	v1 =	vmul.f32 v9, v1  }
0x247: {  	v9 =	vld [tilespmem:s11+$0x50];
	[tilespmem:s10+$0xFFFFFF80] =	vst v7  }
0x248: {  	[tilespmem:s11+$0x40] =	vst v1;
	v1 =	vmul.f32 v3, v5;
	v5 =	vld [tilespmem:s17+$0xFFFFFF90]  }
0x249: {  	v3 =	vld [tilespmem:s21+$0x50]  }
0x24a: {  	v60 =	vld [tilespmem:s16+$0xFFFFFFA0]  }
0x24b: {  	v4 =	vld [tilespmem:s11+$0xFFFFFFC0];
	v2 =	vmul.f32 v11, v2;
	[tilespmem:s11+$0xFFFFFFB0] =	vst v1  }
0x24c: {  	v1 =	vld [tilespmem:s21+$0xFFFFFFC0]  }
0x24d: {  	[tilespmem:s10+$0x10] =	vst v2;
	v2 =	vld [tilespmem:s10+$0x20]  }
0x24e: {  	v5 =	vmul.f32 v5, v12;
	v3 =	vmul.f32 v3, v9;
	v9 =	vld [tilespmem:s17+$0x20]  }
0x24f: {  	v18 =	vld [tilespmem:s10+$0x60];
	v15 =	vmul.f32 v15, v16  }
0x250: {  	v10 =	vld [tilespmem:s10+$0xFFFFFFA0];
	[tilespmem:s10+$0xFFFFFF90] =	vst v5  }
0x251: {  	[tilespmem:s16+$0xFFFFFF80] =	vst v15;
	v1 =	vmul.f32 v1, v4;
	v4 =	vld [tilespmem:s17+$0xFFFFFFA0]  }
0x252: {  	v15 =	vld [tilespmem:s8+$0xFFFFFF90]  }
0x253: {  	v0 =	vld [tilespmem:s11+$0xFFFFFFF0];
	[tilespmem:s11+$0xFFFFFFC0] =	vst v1;
	v1 =	vmul.f32 v9, v2  }
0x254: {  	v7 =	vld [tilespmem:s10+$0xFFFFFFB0]  }
0x255: {  	v5 =	vld [tilespmem:s10+$0x30];
	[tilespmem:s10+$0x20] =	vst v1  }
0x256: {  	v4 =	vmul.f32 v4, v10;
	v10 =	vld [tilespmem:s17+$0x30]  }
0x257: {  	v2 =	vld [tilespmem:s21+$0xFFFFFFD0]  }
0x258: {  	v11 =	vld [tilespmem:s11+$0x60]  }
0x259: {  	v12 =	vld [tilespmem:s10+$0xFFFFFFC0];
	[tilespmem:s11+$0x50] =	vst v3  }
0x25a: {  	v3 =	vld [tilespmem:s21+$0x60]  }
0x25b: {  	[tilespmem:s10+$0xFFFFFFA0] =	vst v4;
	v4 =	vld [tilespmem:s16+$0x0];
	v5 =	vmul.f32 v10, v5  }
0x25c: {  	v2 =	vmul.f32 v2, v6;
	v6 =	vld [tilespmem:s8+$0x0]  }
0x25d: {  	v10 =	vld [tilespmem:s10+$0x40];
	[tilespmem:s10+$0x30] =	vst v5  }
0x25e: {  	v5 =	vld [tilespmem:s17+$0x40]  }
0x25f: {  	v9 =	vld [tilespmem:s11+$0x70];
	v3 =	vmul.f32 v3, v11  }
0x260: {  	v1 =	vld [tilespmem:s10+$0xFFFFFFE0]  }
0x261: {  	[tilespmem:s11+$0x60] =	vst v3;
	v3 =	vld [tilespmem:s17+$0xFFFFFFB0];
	v4 =	vmul.f32 v6, v4  }
0x262: {  	v6 =	vld [tilespmem:s16+$0xFFFFFF90]  }
0x263: {  	[tilespmem:s16+$0x0] =	vst v4;
	v4 =	vld [tilespmem:s16+$0x10];
	v5 =	vmul.f32 v5, v10  }
0x264: {  	v10 =	vld [tilespmem:s8+$0x10]  }
0x265: {  	v11 =	vld [tilespmem:s21+$0x70];
	[tilespmem:s10+$0x40] =	vst v5  }
0x266: {  	v3 =	vmul.f32 v3, v7;
	v7 =	vld [tilespmem:s17+$0x50]  }
0x267: {  	[tilespmem:s11+$0xFFFFFFD0] =	vst v2;
	v2 =	vld [tilespmem:s10+$0xFFFFFFF0]  }
0x268: {  	v14 =	vld [tilespmem:s21+$0xFFFFFFE0];
	[tilespmem:s10+$0xFFFFFFB0] =	vst v3;
	v6 =	vmul.f32 v15, v6  }
0x269: {  	v3 =	vmul.f32 v10, v4;
	v10 =	vld [tilespmem:s17+$0xFFFFFFC0]  }
0x26a: {  	[tilespmem:s16+$0xFFFFFF90] =	vst v6;
	v6 =	vld [tilespmem:s16+$0xFFFFFFE0]  }
0x26b: {  	v5 =	vld [tilespmem:s16+$0xFFFFFFB0];
	[tilespmem:s16+$0x10] =	vst v3;
	v3 =	vmul.f32 v7, v17  }
0x26c: {  	v7 =	vld [tilespmem:s16+$0x20]  }
0x26d: {  	v15 =	vld [tilespmem:s8+$0x20];
	[tilespmem:s10+$0x50] =	vst v3  }
0x26e: {  	v10 =	vmul.f32 v10, v12;
	v12 =	vld [tilespmem:s17+$0x60]  }
0x26f: {  	v61 =	vld [tilespmem:s8+$0xFFFFFFA0]  }
0x270: {  	v4 =	vld [tilespmem:s16+$0xFFFFFFC0];
	[tilespmem:s10+$0xFFFFFFC0] =	vst v10  }
0x271: {  	v10 =	vld [tilespmem:s17+$0xFFFFFFD0]  }
0x272: {  	v3 =	vld [tilespmem:s16+$0xFFFFFFD0];
	v7 =	vmul.f32 v15, v7  }
0x273: {  	v15 =	vld [tilespmem:s10+$0x70];
	v12 =	vmul.f32 v12, v18  }
0x274: {  	[tilespmem:s16+$0x20] =	vst v7;
	v7 =	vmul.f32 v14, v8;
	v14 =	vld [tilespmem:s16+$0x30]  }
0x275: {  	v8 =	vmul.f32 v61, v60;
	v62 =	vld [tilespmem:s8+$0x30];
	[tilespmem:s10+$0x60] =	vst v12  }
0x276: {  	[tilespmem:s11+$0xFFFFFFE0] =	vst v7;
	v7 =	vmul.f32 v10, v13;
	v63 =	vld [tilespmem:s17+$0x70]  }
0x277: {  	[tilespmem:s16+$0xFFFFFFA0] =	vst v8;
	v8 =	vld [tilespmem:s21+$0xFFFFFFF0]  }
0x278: {  	v12 =	vld [tilespmem:s8+$0xFFFFFFB0];
	[tilespmem:s10+$0xFFFFFFD0] =	vst v7  }
0x279: {  	v10 =	vmul.f32 v11, v9;
	v9 =	vld [tilespmem:s17+$0xFFFFFFE0]  }
0x27a: {  	v7 =	vld [tilespmem:s16+$0xFFFFFFF0];
	v13 =	vmul.f32 v62, v14  }
0x27b: {  	s15 =	simm.s32 $0x4;
	s14 =	simm.s32 $0x8480;
	s2 =	simm.s32 $0x4580;
	[tilespmem:s11+$0x70] =	vst v10;
	v10 =	vld [tilespmem:s16+$0x40];
	v11 =	vmul.f32 v63, v15  }
.LBB2_10:
0x27c: {  	v14 =	vld [tilespmem:s2+$0x0];
	[tilespmem:s16+$0x30] =	vst v13;
	s8 =	sadd.s32 $0x100, s8;
	v8 =	vmul.f32 v8, v0;
	v0 =	vmov v2  }
0x27d: {  	v13 =	vld [tilespmem:s8+$0x0];
	v12 =	vmul.f32 v12, v5;
	[tilespmem:s10+$0x70] =	vst v11  }
0x27e: {  	s15 =	sadd.s32 $0x2, s15;
	v5 =	vld [tilespmem:s14+$0x40];
	v9 =	vmul.f32 v9, v1;
	[tilespmem:s11+$0xFFFFFFF0] =	vst v8;
	v1 =	vmov v6;
	s11 =	smov.u32 s10;
	s10 =	smov.u32 s16  }
0x27f: {  	p0 =	slt.u32 s15, $0x7E;
	s16 =	smov.u32 s2;
	v6 =	vld [tilespmem:s8+$0xFFFFFF80];
	[tilespmem:s10+$0xFFFFFFB0] =	vst v12;
	v2 =	vmov v7  }
0x280: {  	v7 =	vld [tilespmem:s2+$0xFFFFFF80];
	[tilespmem:s11+$0xFFFFFFE0] =	vst v9  }
0x281: {  	v8 =	vld [tilespmem:s2+$0xFFFFFF90]  }
0x282: {  	v9 =	vld [tilespmem:s2+$0xFFFFFFA0];
	v11 =	vmul.f32 v13, v14  }
0x283: {  	v5 =	vmul.f32 v5, v10;
	v10 =	vld [tilespmem:s10+$0x50]  }
0x284: {  	[tilespmem:s2+$0x0] =	vst v11;
	v11 =	vld [tilespmem:s2+$0x10]  }
0x285: {  	v6 =	vmul.f32 v6, v7;
	v7 =	vld [tilespmem:s8+$0x10];
	[tilespmem:s10+$0x40] =	vst v5  }
0x286: {  	v12 =	vld [tilespmem:s14+$0x50]  }
0x287: {  	[tilespmem:s2+$0xFFFFFF80] =	vst v6;
	v5 =	vld [tilespmem:s2+$0xFFFFFFB0]  }
0x288: {  	v6 =	vld [tilespmem:s8+$0xFFFFFF90]  }
0x289: {  	v13 =	vld [tilespmem:s14+$0xFFFFFFC0]  }
0x28a: {  	v14 =	vld [tilespmem:s2+$0xFFFFFFC0];
	v7 =	vmul.f32 v7, v11  }
0x28b: {  	v10 =	vmul.f32 v12, v10;
	v11 =	vld [tilespmem:s10+$0x60]  }
0x28c: {  	[tilespmem:s2+$0x10] =	vst v7;
	v7 =	vld [tilespmem:s2+$0x20]  }
0x28d: {  	v6 =	vmul.f32 v6, v8;
	v8 =	vld [tilespmem:s8+$0x20];
	[tilespmem:s10+$0x50] =	vst v10  }
0x28e: {  	v10 =	vmul.f32 v13, v4;
	v12 =	vld [tilespmem:s14+$0x60]  }
0x28f: {  	[tilespmem:s2+$0xFFFFFF90] =	vst v6;
	v13 =	vld [tilespmem:s2+$0xFFFFFFD0];
	v4 =	vmov v14  }
0x290: {  	v14 =	vld [tilespmem:s8+$0xFFFFFFA0];
	[tilespmem:s10+$0xFFFFFFC0] =	vst v10  }
0x291: {  	v10 =	vld [tilespmem:s14+$0xFFFFFFD0]  }
0x292: {  	v6 =	vld [tilespmem:s2+$0xFFFFFFE0];
	v7 =	vmul.f32 v8, v7  }
0x293: {  	v8 =	vmul.f32 v12, v11;
	v11 =	vld [tilespmem:s10+$0x70]  }
0x294: {  	[tilespmem:s2+$0x20] =	vst v7;
	v15 =	vld [tilespmem:s2+$0x30]  }
0x295: {  	v7 =	vmul.f32 v14, v9;
	v14 =	vld [tilespmem:s8+$0x30];
	[tilespmem:s10+$0x60] =	vst v8  }
0x296: {  	v9 =	vmul.f32 v10, v3;
	v16 =	vld [tilespmem:s14+$0x70];
	v3 =	vmov v13  }
.Ltmp4:
0x297: {  	[tilespmem:s2+$0xFFFFFFA0] =	vst v7;
	v8 =	vld [tilespmem:s17+$0xFFFFFFF0];
	s17 =	smov.u32 s14;
	s14 =	smov.u32 s8;
	(pc) =	sbr.rel @p0 .LBB2_10-.Ltmp4, $4  }
0x298: {  	v12 =	vld [tilespmem:s8+$0xFFFFFFB0];
	[tilespmem:s10+$0xFFFFFFD0] =	vst v9  }
0x299: {  	v9 =	vld [tilespmem:s17+$0xFFFFFFE0]  }
0x29a: {  	v7 =	vld [tilespmem:s2+$0xFFFFFFF0];
	v13 =	vmul.f32 v14, v15  }
0x29b: {  	s2 =	sadd.s32 $0x100, s2;
	v10 =	vld [tilespmem:s16+$0x40];
	v11 =	vmul.f32 v16, v11  }
0x29c: {  	_ = 	snop  }
0x29d: {  	v5 =	vmul.f32 v12, v5  }
0x29e: {  	[tilespmem:s16+$0x30] =	vst v13  }
0x29f: {  	v54 =	vld [tilespmem:s14+$0x40];
	[tilespmem:s16+$0xFFFFFFB0] =	vst v5  }
0x2a0: {  	v5 =	vld [tilespmem:s14+$0xFFFFFFC0];
	_ =	sdelay $0x3  }
0x2a1: {  	v10 =	vmul.f32 v54, v10  }
0x2a2: {  	v4 =	vmul.f32 v5, v4  }
0x2a3: {  	v55 =	vld [tilespmem:s16+$0x50];
	[tilespmem:s16+$0x40] =	vst v10  }
0x2a4: {  	v56 =	vld [tilespmem:s14+$0x50];
	[tilespmem:s16+$0xFFFFFFC0] =	vst v4  }
0x2a5: {  	v4 =	vld [tilespmem:s14+$0xFFFFFFD0];
	_ =	sdelay $0x3  }
0x2a6: {  	v5 =	vmul.f32 v56, v55  }
0x2a7: {  	v3 =	vmul.f32 v4, v3  }
0x2a8: {  	v57 =	vld [tilespmem:s16+$0x60];
	[tilespmem:s16+$0x50] =	vst v5  }
0x2a9: {  	v58 =	vld [tilespmem:s14+$0x60];
	[tilespmem:s16+$0xFFFFFFD0] =	vst v3  }
0x2aa: {  	v3 =	vld [tilespmem:s14+$0xFFFFFFE0];
	_ =	sdelay $0x2  }
0x2ab: {  	v1 =	vmul.f32 v9, v1  }
0x2ac: {  	v4 =	vmul.f32 v58, v57  }
0x2ad: {  	v59 =	vld [tilespmem:s16+$0x70];
	[tilespmem:s10+$0xFFFFFFE0] =	vst v1;
	v3 =	vmul.f32 v3, v6  }
0x2ae: {  	v61 =	vld [tilespmem:s17+$0xFFFFFFF0];
	[tilespmem:s16+$0x60] =	vst v4  }
0x2af: {  	v60 =	vld [tilespmem:s14+$0x70];
	[tilespmem:s16+$0xFFFFFFE0] =	vst v3  }
0x2b0: {  	v3 =	vld [tilespmem:s14+$0xFFFFFFF0];
	_ =	sdelay $0x1  }
0x2b1: {  	v0 =	vmul.f32 v8, v0  }
0x2b2: {  	[tilespmem:s10+$0x70] =	vst v11;
	v62 =	vmul.f32 v61, v2  }
0x2b3: {  	[tilespmem:s11+$0xFFFFFFF0] =	vst v0;
	v1 =	vmul.f32 v60, v59  }
0x2b4: {  	[tilespmem:s10+$0xFFFFFFF0] =	vst v62;
	v63 =	vmul.f32 v3, v7  }
0x2b5: {  	[tilespmem:s16+$0x70] =	vst v1  }
0x2b6: {  	[tilespmem:s16+$0xFFFFFFF0] =	vst v63  }
0x2b7: {  	[spmem:s24] =	stream.indirect.scatter.add.f32 [tilespmem:s29], [sflag:$0x8], $0x80, s0, s23, $0xb8;
	[tilespmem:$0x1FE00] =	vst v63  }
0x2b8: {  	_ =	swait.ge [sflag:s22], $0x4000  }
0x2b9: {  	[sflag:s22] =	ssyncset.done $0x0  }
0x2ba: {  	[sflag:s22] =	ssyncadd.s32 $0xFFFFC000  }
0x2bb: {  	[bflag:$0x0] =	sbarrier.arrive $0xFFFF  }
0x2bc: {  	s14 =	rddreg [dreg:$0x5]  }
0x2bd: {  	s2 =	rddreg [dreg:$0xe]  }
0x2be: {  	s8 =	rddreg [dreg:$0x10]  }
0x2bf: {  	[hbm:s2], [sflag:s14] =	dma.local [spmem:s8], $0x2780  }
0x2c0: {  	_ =	swait.ge [sflag:s22], $0x2780  }
0x2c1: {  	s19 =	rddreg [dreg:$0x11]  }
0x2c2: {  	s21 =	rddreg [dreg:$0xf];
	s10 =	sadd.s32 $0x1, s19  }
0x2c3: {  	p0 =	sne.s32 s10, s21  }
.Ltmp5:
0x2c4: {  	_ = 	snop;
	(pc) =	sbr.rel @p0 .LBB2_1-.Ltmp5, $3  }
0x2c5: {  	_ =	sdelay $0x1  }
0x2c6: {  	[sflag:s22] =	ssyncset.done $0x0  }
0x2c7: {  	[sflag:s22] =	ssyncadd.s32 $0xFFFFD880  }
0x2c8: {  	_ =	sfence.sel $0x180000  }
0x2c9: {  	[bflag:$0x0] =	sbarrier.arrive $0xFFFF  }
0x2ca: {  	_ =	strace $0x9000004D  }
0x2cb: {  	s0 =	stileid.u32;
	[bflag:$0x2] =	sbarrier.arrive $0xFFFF  }
0x2cc: {  	p0 =	sne.s32 s0, $0x0;
	s0 =	rddreg [dreg:$0x2]  }
0x2cd: {  	s0 =	sadd.s32 @!p0 $0x100000, s0  }
0x2ce: {  	[sflag:s0] =	ssyncadd.tile.s32 @!p0 $0x1;
	_ =	shalt  }
.Lfunc_end2:
_tile_overlayer_lowered:
.L_overlay_start_2:
0x2cf: {  	(tag) =	ssettag $0x2  }
0x2d0: {  	s0 =	rddreg [dreg:$0x0];
	s2 =	stileid.u32  }
0x2d1: {  	s1 =	rddreg [dreg:$0x1];
	p0 =	sne.s32 s2, $0x0  }
0x2d2: {  	s3 =	rddreg [dreg:$0x2];
	[bflag:$0x3] =	sbarrier.arrive $0xFFFF;
	s2 =	simm.s32 @!p0 $0x1C08  }
0x2d3: {  	[timem:s3], [sflag:s2] =	dma.local @!p0 [hbm:s0], s1  }
0x2d4: {  	s0 =	simm.s32 @!p0 $0x8  }
0x2d5: {  	_ =	swait.ge @!p0 [sflag:s0], s1  }
0x2d6: {  	s1 =	ssub.s32 @!p0 $0x0, s1;
	[sflag:s0] =	ssyncset.done @!p0 $0x0  }
0x2d7: {  	[sflag:s0] =	ssyncadd.s32 @!p0 s1  }
0x2d8: {  	[bflag:$0x3] =	sbarrier.arrive $0xFFFF  }
0x2d9: {  	_ =	shalt  }

</sc_bundles>
